<compile_context>
chip_gen: v7x
topology: tpu7x:2x2x1
jax: 0.10.2.dev20260603
libtpu: 0.0.44.dev20260713+nightly
codegen_flags: <defaults>
</compile_context>

<pallas_src>
import functools

import jax
import jax.numpy as jnp
from jax import lax
from jax.experimental import pallas as pl
from jax.experimental.pallas import tpu as pltpu
from jax.experimental.pallas import tpu_sc as plsc

N = 10000
E = 320000
H = 128

NSLAB = 2
ES = E // NSLAB
NC = 2
NS = 16
NW = NC * NS
EPW = ES // NW
CHUNK = 40
NCHUNK = EPW // CHUNK
NSLOT = 4
RPTA = 632
RPTT = N - (NS - 1) * RPTA


@functools.cache
def _sc_kernels():
    mesh = plsc.VectorSubcoreMesh(core_axis_name="c", subcore_axis_name="s",
                                  num_cores=NC, num_subcores=NS)

    def _make_gather(slab):
        @functools.partial(
            pl.kernel,
            out_type=[jax.ShapeDtypeStruct((ES, H), jnp.float32),
                      jax.ShapeDtypeStruct((ES, H), jnp.float32)],
            mesh=mesh,
            scratch_types=[
                pltpu.VMEM((EPW,), jnp.int32),
                pltpu.VMEM((EPW,), jnp.int32),
                [pltpu.VMEM((CHUNK, H), jnp.float32)] * NSLOT,
                [pltpu.VMEM((CHUNK, H), jnp.float32)] * NSLOT,
                [pltpu.SemaphoreType.DMA] * NSLOT,
                [pltpu.SemaphoreType.DMA] * NSLOT,
            ],
        )
        def _sc_gather(p_hbm, q_hbm, src_hbm, dst_hbm, ps_hbm, qd_hbm,
                       idx_s, idx_d, bufs_p, bufs_q, sems_g, sems_w):
            c = lax.axis_index("c")
            s = lax.axis_index("s")
            lbase = (s * NC + c) * EPW
            ebase = slab * ES + lbase

            pltpu.sync_copy(src_hbm.at[pl.ds(ebase, EPW)], idx_s)
            pltpu.sync_copy(dst_hbm.at[pl.ds(ebase, EPW)], idx_d)

            def start_g(i, b):
                pltpu.async_copy(p_hbm.at[idx_s.at[pl.ds(i * CHUNK, CHUNK)]],
                                 bufs_p[b], sems_g[b])
                pltpu.async_copy(q_hbm.at[idx_d.at[pl.ds(i * CHUNK, CHUNK)]],
                                 bufs_q[b], sems_g[b])

            def wait_g(b):
                pltpu.make_async_copy(p_hbm.at[pl.ds(0, CHUNK)], bufs_p[b],
                                      sems_g[b]).wait()
                pltpu.make_async_copy(q_hbm.at[pl.ds(0, CHUNK)], bufs_q[b],
                                      sems_g[b]).wait()

            def start_w(i, b):
                off = lbase + i * CHUNK
                pltpu.async_copy(bufs_p[b], ps_hbm.at[pl.ds(off, CHUNK)],
                                 sems_w[b])
                pltpu.async_copy(bufs_q[b], qd_hbm.at[pl.ds(off, CHUNK)],
                                 sems_w[b])

            def wait_w(b):
                pltpu.make_async_copy(bufs_p[b], ps_hbm.at[pl.ds(0, CHUNK)],
                                      sems_w[b]).wait()
                pltpu.make_async_copy(bufs_q[b], qd_hbm.at[pl.ds(0, CHUNK)],
                                      sems_w[b]).wait()

            for b in range(NSLOT):
                start_g(b, b)

            def body(j, carry):
                i0 = j * NSLOT
                for b in range(NSLOT):
                    wait_g(b)
                    start_w(i0 + b, b)
                for b in range(NSLOT):
                    wait_w(b)
                    start_g(jnp.minimum(i0 + b + NSLOT, NCHUNK - 1), b)
                return carry

            lax.fori_loop(0, (NCHUNK - 1) // NSLOT, body, 0)
            for b in range(NSLOT):
                wait_g(b)
            start_w(NCHUNK - 1, 0)
            wait_w(0)

        return _sc_gather

    def _make_scatter(slab):
        @functools.partial(
            pl.kernel,
            out_type=jax.ShapeDtypeStruct((NC, N, H), jnp.float32),
            mesh=mesh,
            scratch_types=[
                [pltpu.VMEM((CHUNK,), jnp.int32)] * NSLOT,
                [pltpu.VMEM((CHUNK, H), jnp.float32)] * NSLOT,
                pltpu.VMEM((8, H), jnp.float32),
                pltpu.VMEM_SHARED((N, H), jnp.float32),
                [pltpu.SemaphoreType.DMA] * NSLOT,
                [pltpu.SemaphoreType.DMA] * NSLOT,
            ],
        )
        def _sc_scatter(mw_hbm, dst_hbm, z_hbm, out_hbm, idxs, bufs, zbuf,
                        acc, sems_l, sems_a):
            c = lax.axis_index("c")
            s = lax.axis_index("s")
            lbase = (s * NC + c) * EPW
            ebase = slab * ES + lbase
            last = s == NS - 1

            pltpu.sync_copy(z_hbm, zbuf)
            nz = jnp.where(last, RPTT // 8, RPTA // 8)

            def zstep(k, carry):
                pltpu.sync_copy(zbuf, acc.at[pl.ds(s * RPTA + k * 8, 8)])
                return carry

            lax.fori_loop(0, nz, zstep, 0)
            plsc.subcore_barrier()

            def start_l(i, b):
                pltpu.async_copy(dst_hbm.at[pl.ds(ebase + i * CHUNK, CHUNK)],
                                 idxs[b], sems_l[b])
                pltpu.async_copy(mw_hbm.at[pl.ds(lbase + i * CHUNK, CHUNK)],
                                 bufs[b], sems_l[b])

            def wait_l(b):
                pltpu.make_async_copy(dst_hbm.at[pl.ds(0, CHUNK)], idxs[b],
                                      sems_l[b]).wait()
                pltpu.make_async_copy(mw_hbm.at[pl.ds(0, CHUNK)], bufs[b],
                                      sems_l[b]).wait()

            def start_a(b):
                pltpu.async_copy(bufs[b], acc.at[idxs[b]], sems_a[b],
                                 add=True)

            def wait_a(b):
                pltpu.make_async_copy(mw_hbm.at[pl.ds(0, CHUNK)], bufs[b],
                                      sems_a[b]).wait()

            for b in range(NSLOT):
                start_l(b, b)

            def body(j, carry):
                i0 = j * NSLOT
                for b in range(NSLOT):
                    wait_l(b)
                    start_a(b)
                for b in range(NSLOT):
                    wait_a(b)
                    start_l(jnp.minimum(i0 + b + NSLOT, NCHUNK - 1), b)
                return carry

            lax.fori_loop(0, (NCHUNK - 1) // NSLOT, body, 0)
            for b in range(NSLOT):
                wait_l(b)
            start_a(0)
            wait_a(0)
            plsc.subcore_barrier()

            @pl.when(jnp.logical_not(last))
            def _():
                pltpu.sync_copy(acc.at[pl.ds(s * RPTA, RPTA)],
                                out_hbm.at[c, pl.ds(s * RPTA, RPTA)])

            @pl.when(last)
            def _():
                pltpu.sync_copy(acc.at[pl.ds(s * RPTA, RPTT)],
                                out_hbm.at[c, pl.ds(s * RPTA, RPTT)])

        return _sc_scatter

    return ([_make_gather(k) for k in range(NSLAB)],
            [_make_scatter(k) for k in range(NSLAB)])


def _pq_body(x_ref, w1a_ref, w1b_ref, b1_ref, p_ref, q_ref):
    xv = x_ref[...]
    p_ref[...] = (jnp.dot(xv, w1a_ref[...], preferred_element_type=jnp.float32)
                  + b1_ref[...])
    q_ref[...] = jnp.dot(xv, w1b_ref[...], preferred_element_type=jnp.float32)


_pq_call = pl.pallas_call(
    _pq_body,
    out_shape=[
        jax.ShapeDtypeStruct((N, H), jnp.float32),
        jax.ShapeDtypeStruct((N, H), jnp.float32),
    ],
)


BE = 3200
GS = ES // BE


def _edge_math(ps_ref, qd_ref, ea_ref, w1c_ref, w2_ref, b2_ref, wsr_ref,
               bs_ref, dnew_ref, mw_ref):
    ea = ea_ref[...]
    h1 = jnp.maximum(
        ps_ref[...] + qd_ref[...]
        + jnp.dot(ea, w1c_ref[...], preferred_element_type=jnp.float32), 0.0)
    m = jnp.dot(h1, w2_ref[...], preferred_element_type=jnp.float32) + b2_ref[...]
    msg = m / (1.0 + jnp.exp(-m))
    dnew_ref[...] = ea + msg
    gl = jnp.sum(msg * wsr_ref[...], axis=1, keepdims=True) + bs_ref[...]
    ew = 1.0 / (1.0 + jnp.exp(-gl))
    mw_ref[...] = msg * ew


def _make_edge_call(slab):
    def body0(ps_ref, qd_ref, ea_ref, w1c_ref, w2_ref, b2_ref, wsr_ref,
              bs_ref, dnew_ref, mw_ref):
        _edge_math(ps_ref, qd_ref, ea_ref, w1c_ref, w2_ref, b2_ref, wsr_ref,
                   bs_ref, dnew_ref, mw_ref)

    def body1(ps_ref, qd_ref, ea_ref, w1c_ref, w2_ref, b2_ref, wsr_ref,
              bs_ref, prev_ref, dnew_ref, mw_ref):
        _edge_math(ps_ref, qd_ref, ea_ref, w1c_ref, w2_ref, b2_ref, wsr_ref,
                   bs_ref, dnew_ref, mw_ref)

    in_specs = [
        pl.BlockSpec((BE, H), lambda i: (i, 0)),
        pl.BlockSpec((BE, H), lambda i: (i, 0)),
        pl.BlockSpec((BE, H), lambda i, k=slab: (i + k * GS, 0)),
        pl.BlockSpec((H, H), lambda i: (0, 0)),
        pl.BlockSpec((H, H), lambda i: (0, 0)),
        pl.BlockSpec((1, H), lambda i: (0, 0)),
        pl.BlockSpec((1, H), lambda i: (0, 0)),
        pl.BlockSpec((1, 1), lambda i: (0, 0)),
    ]
    kwargs = {}
    if slab == 1:
        in_specs = in_specs + [pl.BlockSpec((8, H), lambda i: (0, 0))]
        kwargs["input_output_aliases"] = {8: 0}
    return pl.pallas_call(
        body1 if slab == 1 else body0,
        grid=(GS,),
        in_specs=in_specs,
        out_specs=[
            pl.BlockSpec((BE, H), lambda i, k=slab: (i + k * GS, 0)),
            pl.BlockSpec((BE, H), lambda i: (i, 0)),
        ],
        out_shape=[
            jax.ShapeDtypeStruct((E, H), jnp.float32),
            jax.ShapeDtypeStruct((ES, H), jnp.float32),
        ],
        **kwargs,
    )


_edge_calls = [_make_edge_call(k) for k in range(NSLAB)]


def _update_body(p0_ref, p1_ref, x_ref, u1_ref, c1_ref, g_ref, b_ref,
                 u2_ref, c2_ref, out_ref):
    xv = x_ref[...]
    u_in = p0_ref[0] + p0_ref[1] + p1_ref[0] + p1_ref[1] + xv
    u1 = jnp.maximum(
        jnp.dot(u_in, u1_ref[...], preferred_element_type=jnp.float32)
        + c1_ref[...], 0.0)
    mean = jnp.mean(u1, axis=0, keepdims=True)
    var = jnp.mean((u1 - mean) ** 2, axis=0, keepdims=True)
    u1n = (u1 - mean) / jnp.sqrt(var + 1e-5) * g_ref[...] + b_ref[...]
    out_ref[...] = (jnp.dot(u1n, u2_ref[...], preferred_element_type=jnp.float32)
                    + c2_ref[...] + xv)


_update_call = pl.pallas_call(
    _update_body,
    out_shape=jax.ShapeDtypeStruct((N, H), jnp.float32),
)


def kernel(x, edge_index, edge_attr, W1, b1, W2, b2, Ws, bs,
           U1, c1, gamma, beta, U2, c2):
    src = edge_index[0]
    dst = edge_index[1]
    w1a, w1b, w1c = W1[:H], W1[H:2 * H], W1[2 * H:]

    gathers, scatters = _sc_kernels()
    p, q = _pq_call(x, w1a, w1b, b1.reshape(1, H))
    b2r, wsr, bsr = b2.reshape(1, H), Ws.reshape(1, H), bs.reshape(1, 1)
    zeros = jnp.zeros((8, H), jnp.float32)

    ps0, qd0 = gathers[0](p, q, src, dst)
    ps1, qd1 = gathers[1](p, q, src, dst)
    dnew0, mw0 = _edge_calls[0](ps0, qd0, edge_attr, w1c, W2, b2r, wsr, bsr)
    part0 = scatters[0](mw0, dst, zeros)
    dnew, mw1 = _edge_calls[1](ps1, qd1, edge_attr, w1c, W2, b2r, wsr, bsr,
                               dnew0)
    part1 = scatters[1](mw1, dst, zeros)
    feat = _update_call(part0, part1, x, U1, c1.reshape(1, H),
                        gamma.reshape(1, H), beta.reshape(1, H), U2,
                        c2.reshape(1, H))
    return feat, dnew

# --- scband reference (transcript-rebuilt; emitter-appended) ---
"""Pipeline reference for scband-net3-dlayer-30039001268914 (READ-ONLY COPY).

The authoritative reference and input builder live on the scoring server;
editing this copy changes nothing except your own understanding.
"""

import jax, jax.numpy as jnp
import numpy as np

N = 10000
E = 320000
H = 128


def _dense_init(key, shape):
    fan_in = shape[0]
    return jax.random.normal(key, shape, dtype=jnp.float32) / np.sqrt(fan_in)


def setup_inputs(seed: int = 0):
    key = jax.random.key(seed)
    ks = jax.random.split(key, 16)
    x = jax.random.normal(ks[0], (N, H), dtype=jnp.float32)
    edge_index = jax.random.randint(ks[1], (2, E), 0, N, dtype=jnp.int32)
    edge_attr = jax.random.normal(ks[2], (E, H), dtype=jnp.float32)
    return {
        "x": x,
        "edge_index": edge_index,
        "edge_attr": edge_attr,
        # message_network: MLP(3H -> H -> H) followed by SiLU
        "W1": _dense_init(ks[3], (3 * H, H)),
        "b1": jnp.zeros((H,), jnp.float32),
        "W2": _dense_init(ks[4], (H, H)),
        "b2": jnp.zeros((H,), jnp.float32),
        # soft_edge_network: Linear(H -> 1)
        "Ws": _dense_init(ks[5], (H, 1)),
        "bs": jnp.zeros((1,), jnp.float32),
        # update_network: MLP(H -> H(+BN) -> H), batch_norm=True
        "U1": _dense_init(ks[6], (H, H)),
        "c1": jnp.zeros((H,), jnp.float32),
        "gamma": jnp.ones((H,), jnp.float32),
        "beta": jnp.zeros((H,), jnp.float32),
        "U2": _dense_init(ks[7], (H, H)),
        "c2": jnp.zeros((H,), jnp.float32),
    }


def reference(x, edge_index, edge_attr, W1, b1, W2, b2, Ws, bs,
              U1, c1, gamma, beta, U2, c2):
    src = edge_index[0]
    dst = edge_index[1]
    # message_function: cat([src feat, dst feat, d]) -> MLP -> SiLU
    mi = jnp.concatenate([x[src], x[dst], edge_attr], axis=-1)
    h1 = jax.nn.relu(mi @ W1 + b1)
    msg = jax.nn.silu(h1 @ W2 + b2)
    # edges.data['d'] += message
    d_new = edge_attr + msg
    # edge gating
    ew = jax.nn.sigmoid(msg @ Ws + bs)
    # reduce 'sum' over incoming edges at dst
    m_sum = jax.ops.segment_sum(msg * ew, dst, num_segments=N)
    # update_function: MLP(m_sum + feat) with batch norm (training-mode batch stats)
    u_in = m_sum + x
    u1 = jax.nn.relu(u_in @ U1 + c1)
    mean = jnp.mean(u1, axis=0)
    var = jnp.var(u1, axis=0)
    u1n = (u1 - mean) / jnp.sqrt(var + 1e-5) * gamma + beta
    h_new = u1n @ U2 + c2
    feat_out = h_new + x
    return feat_out, d_new

if __name__ == "__main__":
    import jax
    _d = setup_inputs()
    print(jax.jit(kernel)(*tuple(_d.values())))

</pallas_src>

<mosaic_0001>
#map = affine_map<(d0, d1) -> (0, 0)>
#map1 = affine_map<(d0, d1) -> (0)>
#map2 = affine_map<(d0, d1) -> (0, 0, 0)>
module attributes {stable_mosaic.version = 14 : i64} {
  func.func @_sc_scatter(%arg0: i32, %arg1: i32, %arg2: memref<160000x128xf32, #tpu.memory_space<hbm>>, %arg3: memref<320000xi32, #tpu.memory_space<hbm>>, %arg4: memref<8x128xf32, #tpu.memory_space<hbm>>, %arg5: memref<2x10000x128xf32, #tpu.memory_space<hbm>>, %arg6: memref<40xi32, #tpu.memory_space<vmem>>, %arg7: memref<40xi32, #tpu.memory_space<vmem>>, %arg8: memref<40xi32, #tpu.memory_space<vmem>>, %arg9: memref<40xi32, #tpu.memory_space<vmem>>, %arg10: memref<40x128xf32, #tpu.memory_space<vmem>>, %arg11: memref<40x128xf32, #tpu.memory_space<vmem>>, %arg12: memref<40x128xf32, #tpu.memory_space<vmem>>, %arg13: memref<40x128xf32, #tpu.memory_space<vmem>>, %arg14: memref<8x128xf32, #tpu.memory_space<vmem>>, %arg15: memref<10000x128xf32, #tpu.memory_space<vmem_shared>>, %arg16: memref<!tpu.dma_semaphore, #tpu.memory_space<semaphore_mem>>, %arg17: memref<!tpu.dma_semaphore, #tpu.memory_space<semaphore_mem>>, %arg18: memref<!tpu.dma_semaphore, #tpu.memory_space<semaphore_mem>>, %arg19: memref<!tpu.dma_semaphore, #tpu.memory_space<semaphore_mem>>, %arg20: memref<!tpu.dma_semaphore, #tpu.memory_space<semaphore_mem>>, %arg21: memref<!tpu.dma_semaphore, #tpu.memory_space<semaphore_mem>>, %arg22: memref<!tpu.dma_semaphore, #tpu.memory_space<semaphore_mem>>, %arg23: memref<!tpu.dma_semaphore, #tpu.memory_space<semaphore_mem>>) attributes {dimension_semantics = [#tpu.dimension_semantics<core_parallel>, #tpu.dimension_semantics<subcore_parallel>], iteration_bounds = array<i64: 2, 16>, scalar_prefetch = 0 : i64, scratch_operands = 18 : i64, tpu.core_type = #tpu.core_type<sc_vector_subcore>, window_params = [{transform_indices = #map}, {transform_indices = #map1}, {transform_indices = #map}, {transform_indices = #map2}]} {
    %mul3A = arith.constant 2 : i32
    %mul3A_0 = arith.muli %arg1, %mul3A : i32
    %add3A = arith.addi %mul3A_0, %arg0 : i32
    %mul3A_1 = arith.constant 5000 : i32
    %mul3A_2 = arith.muli %add3A, %mul3A_1 : i32
    %add3A_3 = arith.constant 160000 : i32
    %add3A_4 = arith.addi %add3A_3, %mul3A_2 : i32
    %eq3A = arith.constant 15 : i32
    %eq3A_5 = arith.cmpi eq, %arg1, %eq3A : i32
    "tpu.region"() ({
      %run_scoped3A = tpu.sem_alloc : memref<!tpu.dma_semaphore, #tpu.memory_space<semaphore_mem>>
      tpu.enqueue_dma source(%arg4 : memref<8x128xf32, #tpu.memory_space<hbm>>) target(%arg14 : memref<8x128xf32, #tpu.memory_space<vmem>>) target_semaphore(%run_scoped3A : memref<!tpu.dma_semaphore, #tpu.memory_space<semaphore_mem>>)
      tpu.wait_dma2 semaphore(%run_scoped3A : memref<!tpu.dma_semaphore, #tpu.memory_space<semaphore_mem>>) src(%arg4 : memref<8x128xf32, #tpu.memory_space<hbm>>) dst(%arg14 : memref<8x128xf32, #tpu.memory_space<vmem>>)
      tpu.yield
    }) : () -> ()
    %jit3A = arith.constant 65 : i32
    %jit3A_6 = arith.constant 79 : i32
    %select_n3A = arith.select %eq3A_5, %jit3A, %jit3A_6 : i32
    %while3A = arith.constant 0 : i32
    %while3A_7 = arith.constant 0 : i32
    %while3A_8 = arith.subi %select_n3A, %while3A_7 : i32
    %while3A_9 = arith.addi %while3A_7, %while3A_8 : i32
    %while3A_10 = arith.constant 1 : i32
    %while3A_11 = arith.divsi %while3A_8, %while3A_10 : i32
    %while3A_12 = arith.muli %while3A_11, %while3A_10 : i32
    %while3A_13 = arith.addi %while3A_7, %while3A_12 : i32
    %while3A_14 = arith.constant 1 : i32
    scf.for %while3A_114 = %while3A_7 to %while3A_13 step %while3A_14  : i32 {
      %mul3A_115 = arith.constant 632 : i32
      %mul3A_116 = arith.muli %arg1, %mul3A_115 : i32
      %mul3A_117 = arith.constant 8 : i32
      %mul3A_118 = arith.muli %while3A_114, %mul3A_117 : i32
      %add3A_119 = arith.addi %mul3A_116, %mul3A_118 : i32
      "tpu.region"() ({
        %run_scoped3A = tpu.sem_alloc : memref<!tpu.dma_semaphore, #tpu.memory_space<semaphore_mem>>
        %dma_start3A_120 = arith.constant 0 : i32
        %dma_start3A_121 = tpu.memref_slice %arg15[%add3A_119, %dma_start3A_120] : memref<10000x128xf32, #tpu.memory_space<vmem_shared>> -> memref<8x128xf32, #tpu.memory_space<vmem_shared>>
        %dma_start3A_122 = arith.constant 0 : i32
        %dma_start3A_123 = tpu.memref_slice %arg15[%add3A_119, %dma_start3A_122] : memref<10000x128xf32, #tpu.memory_space<vmem_shared>> -> memref<8x128xf32, #tpu.memory_space<vmem_shared>>
        tpu.enqueue_dma source(%arg14 : memref<8x128xf32, #tpu.memory_space<vmem>>) target(%dma_start3A_123 : memref<8x128xf32, #tpu.memory_space<vmem_shared>>) target_semaphore(%run_scoped3A : memref<!tpu.dma_semaphore, #tpu.memory_space<semaphore_mem>>)
        %dma_wait3A_124 = arith.constant 0 : i32
        %dma_wait3A_125 = tpu.memref_slice %arg15[%add3A_119, %dma_wait3A_124] : memref<10000x128xf32, #tpu.memory_space<vmem_shared>> -> memref<8x128xf32, #tpu.memory_space<vmem_shared>>
        %dma_wait3A_126 = arith.constant 0 : i32
        %dma_wait3A_127 = tpu.memref_slice %arg15[%add3A_119, %dma_wait3A_126] : memref<10000x128xf32, #tpu.memory_space<vmem_shared>> -> memref<8x128xf32, #tpu.memory_space<vmem_shared>>
        tpu.wait_dma2 semaphore(%run_scoped3A : memref<!tpu.dma_semaphore, #tpu.memory_space<semaphore_mem>>) src(%arg14 : memref<8x128xf32, #tpu.memory_space<vmem>>) dst(%dma_wait3A_127 : memref<8x128xf32, #tpu.memory_space<vmem_shared>>)
        tpu.yield
      }) : () -> ()
    }
    %while3A_15 = arith.constant 1 : i32
    scf.for %while3A_114 = %while3A_13 to %while3A_9 step %while3A_15  : i32 {
      %mul3A_115 = arith.constant 632 : i32
      %mul3A_116 = arith.muli %arg1, %mul3A_115 : i32
      %mul3A_117 = arith.constant 8 : i32
      %mul3A_118 = arith.muli %while3A_114, %mul3A_117 : i32
      %add3A_119 = arith.addi %mul3A_116, %mul3A_118 : i32
      "tpu.region"() ({
        %run_scoped3A = tpu.sem_alloc : memref<!tpu.dma_semaphore, #tpu.memory_space<semaphore_mem>>
        %dma_start3A_120 = arith.constant 0 : i32
        %dma_start3A_121 = tpu.memref_slice %arg15[%add3A_119, %dma_start3A_120] : memref<10000x128xf32, #tpu.memory_space<vmem_shared>> -> memref<8x128xf32, #tpu.memory_space<vmem_shared>>
        %dma_start3A_122 = arith.constant 0 : i32
        %dma_start3A_123 = tpu.memref_slice %arg15[%add3A_119, %dma_start3A_122] : memref<10000x128xf32, #tpu.memory_space<vmem_shared>> -> memref<8x128xf32, #tpu.memory_space<vmem_shared>>
        tpu.enqueue_dma source(%arg14 : memref<8x128xf32, #tpu.memory_space<vmem>>) target(%dma_start3A_123 : memref<8x128xf32, #tpu.memory_space<vmem_shared>>) target_semaphore(%run_scoped3A : memref<!tpu.dma_semaphore, #tpu.memory_space<semaphore_mem>>)
        %dma_wait3A_124 = arith.constant 0 : i32
        %dma_wait3A_125 = tpu.memref_slice %arg15[%add3A_119, %dma_wait3A_124] : memref<10000x128xf32, #tpu.memory_space<vmem_shared>> -> memref<8x128xf32, #tpu.memory_space<vmem_shared>>
        %dma_wait3A_126 = arith.constant 0 : i32
        %dma_wait3A_127 = tpu.memref_slice %arg15[%add3A_119, %dma_wait3A_126] : memref<10000x128xf32, #tpu.memory_space<vmem_shared>> -> memref<8x128xf32, #tpu.memory_space<vmem_shared>>
        tpu.wait_dma2 semaphore(%run_scoped3A : memref<!tpu.dma_semaphore, #tpu.memory_space<semaphore_mem>>) src(%arg14 : memref<8x128xf32, #tpu.memory_space<vmem>>) dst(%dma_wait3A_127 : memref<8x128xf32, #tpu.memory_space<vmem_shared>>)
        tpu.yield
      }) : () -> ()
    }
    %barrier3A = arith.constant 0 : index
    tpu.barrier barrier_id(%barrier3A)
    %add3A_16 = arith.constant 0 : i32
    %add3A_17 = arith.addi %add3A_4, %add3A_16 : i32
    %dma_start3A = tpu.memref_slice %arg3[%add3A_17] : memref<320000xi32, #tpu.memory_space<hbm>> -> memref<40xi32, #tpu.memory_space<hbm>>
    %dma_start3A_18 = tpu.memref_slice %arg3[%add3A_17] : memref<320000xi32, #tpu.memory_space<hbm>> -> memref<40xi32, #tpu.memory_space<hbm>>
    tpu.enqueue_dma source(%dma_start3A_18 : memref<40xi32, #tpu.memory_space<hbm>>) target(%arg6 : memref<40xi32, #tpu.memory_space<vmem>>) target_semaphore(%arg16 : memref<!tpu.dma_semaphore, #tpu.memory_space<semaphore_mem>>)
    %add3A_19 = arith.constant 0 : i32
    %add3A_20 = arith.addi %mul3A_2, %add3A_19 : i32
    %dma_start3A_21 = arith.constant 0 : i32
    %dma_start3A_22 = tpu.memref_slice %arg2[%add3A_20, %dma_start3A_21] : memref<160000x128xf32, #tpu.memory_space<hbm>> -> memref<40x128xf32, #tpu.memory_space<hbm>>
    %dma_start3A_23 = arith.constant 0 : i32
    %dma_start3A_24 = tpu.memref_slice %arg2[%add3A_20, %dma_start3A_23] : memref<160000x128xf32, #tpu.memory_space<hbm>> -> memref<40x128xf32, #tpu.memory_space<hbm>>
    tpu.enqueue_dma source(%dma_start3A_24 : memref<40x128xf32, #tpu.memory_space<hbm>>) target(%arg10 : memref<40x128xf32, #tpu.memory_space<vmem>>) target_semaphore(%arg16 : memref<!tpu.dma_semaphore, #tpu.memory_space<semaphore_mem>>)
    %add3A_25 = arith.constant 40 : i32
    %add3A_26 = arith.addi %add3A_4, %add3A_25 : i32
    %dma_start3A_27 = tpu.memref_slice %arg3[%add3A_26] : memref<320000xi32, #tpu.memory_space<hbm>> -> memref<40xi32, #tpu.memory_space<hbm>>
    %dma_start3A_28 = tpu.memref_slice %arg3[%add3A_26] : memref<320000xi32, #tpu.memory_space<hbm>> -> memref<40xi32, #tpu.memory_space<hbm>>
    tpu.enqueue_dma source(%dma_start3A_28 : memref<40xi32, #tpu.memory_space<hbm>>) target(%arg7 : memref<40xi32, #tpu.memory_space<vmem>>) target_semaphore(%arg17 : memref<!tpu.dma_semaphore, #tpu.memory_space<semaphore_mem>>)
    %add3A_29 = arith.constant 40 : i32
    %add3A_30 = arith.addi %mul3A_2, %add3A_29 : i32
    %dma_start3A_31 = arith.constant 0 : i32
    %dma_start3A_32 = tpu.memref_slice %arg2[%add3A_30, %dma_start3A_31] : memref<160000x128xf32, #tpu.memory_space<hbm>> -> memref<40x128xf32, #tpu.memory_space<hbm>>
    %dma_start3A_33 = arith.constant 0 : i32
    %dma_start3A_34 = tpu.memref_slice %arg2[%add3A_30, %dma_start3A_33] : memref<160000x128xf32, #tpu.memory_space<hbm>> -> memref<40x128xf32, #tpu.memory_space<hbm>>
    tpu.enqueue_dma source(%dma_start3A_34 : memref<40x128xf32, #tpu.memory_space<hbm>>) target(%arg11 : memref<40x128xf32, #tpu.memory_space<vmem>>) target_semaphore(%arg17 : memref<!tpu.dma_semaphore, #tpu.memory_space<semaphore_mem>>)
    %add3A_35 = arith.constant 80 : i32
    %add3A_36 = arith.addi %add3A_4, %add3A_35 : i32
    %dma_start3A_37 = tpu.memref_slice %arg3[%add3A_36] : memref<320000xi32, #tpu.memory_space<hbm>> -> memref<40xi32, #tpu.memory_space<hbm>>
    %dma_start3A_38 = tpu.memref_slice %arg3[%add3A_36] : memref<320000xi32, #tpu.memory_space<hbm>> -> memref<40xi32, #tpu.memory_space<hbm>>
    tpu.enqueue_dma source(%dma_start3A_38 : memref<40xi32, #tpu.memory_space<hbm>>) target(%arg8 : memref<40xi32, #tpu.memory_space<vmem>>) target_semaphore(%arg18 : memref<!tpu.dma_semaphore, #tpu.memory_space<semaphore_mem>>)
    %add3A_39 = arith.constant 80 : i32
    %add3A_40 = arith.addi %mul3A_2, %add3A_39 : i32
    %dma_start3A_41 = arith.constant 0 : i32
    %dma_start3A_42 = tpu.memref_slice %arg2[%add3A_40, %dma_start3A_41] : memref<160000x128xf32, #tpu.memory_space<hbm>> -> memref<40x128xf32, #tpu.memory_space<hbm>>
    %dma_start3A_43 = arith.constant 0 : i32
    %dma_start3A_44 = tpu.memref_slice %arg2[%add3A_40, %dma_start3A_43] : memref<160000x128xf32, #tpu.memory_space<hbm>> -> memref<40x128xf32, #tpu.memory_space<hbm>>
    tpu.enqueue_dma source(%dma_start3A_44 : memref<40x128xf32, #tpu.memory_space<hbm>>) target(%arg12 : memref<40x128xf32, #tpu.memory_space<vmem>>) target_semaphore(%arg18 : memref<!tpu.dma_semaphore, #tpu.memory_space<semaphore_mem>>)
    %add3A_45 = arith.constant 120 : i32
    %add3A_46 = arith.addi %add3A_4, %add3A_45 : i32
    %dma_start3A_47 = tpu.memref_slice %arg3[%add3A_46] : memref<320000xi32, #tpu.memory_space<hbm>> -> memref<40xi32, #tpu.memory_space<hbm>>
    %dma_start3A_48 = tpu.memref_slice %arg3[%add3A_46] : memref<320000xi32, #tpu.memory_space<hbm>> -> memref<40xi32, #tpu.memory_space<hbm>>
    tpu.enqueue_dma source(%dma_start3A_48 : memref<40xi32, #tpu.memory_space<hbm>>) target(%arg9 : memref<40xi32, #tpu.memory_space<vmem>>) target_semaphore(%arg19 : memref<!tpu.dma_semaphore, #tpu.memory_space<semaphore_mem>>)
    %add3A_49 = arith.constant 120 : i32
    %add3A_50 = arith.addi %mul3A_2, %add3A_49 : i32
    %dma_start3A_51 = arith.constant 0 : i32
    %dma_start3A_52 = tpu.memref_slice %arg2[%add3A_50, %dma_start3A_51] : memref<160000x128xf32, #tpu.memory_space<hbm>> -> memref<40x128xf32, #tpu.memory_space<hbm>>
    %dma_start3A_53 = arith.constant 0 : i32
    %dma_start3A_54 = tpu.memref_slice %arg2[%add3A_50, %dma_start3A_53] : memref<160000x128xf32, #tpu.memory_space<hbm>> -> memref<40x128xf32, #tpu.memory_space<hbm>>
    tpu.enqueue_dma source(%dma_start3A_54 : memref<40x128xf32, #tpu.memory_space<hbm>>) target(%arg13 : memref<40x128xf32, #tpu.memory_space<vmem>>) target_semaphore(%arg19 : memref<!tpu.dma_semaphore, #tpu.memory_space<semaphore_mem>>)
    %scan3A = arith.constant 0 : i32
    %scan3A_55 = arith.constant 0 : i32
    %scan3A_56 = arith.constant 31 : i32
    %scan3A_57 = arith.addi %scan3A_55, %scan3A_56 : i32
    %scan3A_58 = arith.constant 1 : i32
    scf.for %scan3A_114 = %scan3A_55 to %scan3A_57 step %scan3A_58  : i32 {
      %mul3A_115 = arith.constant 4 : i32
      %mul3A_116 = arith.muli %scan3A_114, %mul3A_115 : i32
      %dma_wait3A_117 = arith.constant 0 : i32
      %dma_wait3A_118 = tpu.memref_slice %arg3[%dma_wait3A_117] : memref<320000xi32, #tpu.memory_space<hbm>> -> memref<40xi32, #tpu.memory_space<hbm>>
      %dma_wait3A_119 = arith.constant 0 : i32
      %dma_wait3A_120 = tpu.memref_slice %arg3[%dma_wait3A_119] : memref<320000xi32, #tpu.memory_space<hbm>> -> memref<40xi32, #tpu.memory_space<hbm>>
      tpu.wait_dma2 semaphore(%arg16 : memref<!tpu.dma_semaphore, #tpu.memory_space<semaphore_mem>>) src(%dma_wait3A_120 : memref<40xi32, #tpu.memory_space<hbm>>) dst(%arg6 : memref<40xi32, #tpu.memory_space<vmem>>)
      %dma_wait3A_121 = arith.constant 0 : i32
      %dma_wait3A_122 = arith.constant 0 : i32
      %dma_wait3A_123 = tpu.memref_slice %arg2[%dma_wait3A_121, %dma_wait3A_122] : memref<160000x128xf32, #tpu.memory_space<hbm>> -> memref<40x128xf32, #tpu.memory_space<hbm>>
      %dma_wait3A_124 = arith.constant 0 : i32
      %dma_wait3A_125 = arith.constant 0 : i32
      %dma_wait3A_126 = tpu.memref_slice %arg2[%dma_wait3A_124, %dma_wait3A_125] : memref<160000x128xf32, #tpu.memory_space<hbm>> -> memref<40x128xf32, #tpu.memory_space<hbm>>
      tpu.wait_dma2 semaphore(%arg16 : memref<!tpu.dma_semaphore, #tpu.memory_space<semaphore_mem>>) src(%dma_wait3A_126 : memref<40x128xf32, #tpu.memory_space<hbm>>) dst(%arg10 : memref<40x128xf32, #tpu.memory_space<vmem>>)
      %dma_start3A_127 = arith.constant 0 : i32
      %dma_start3A_128 = arith.constant 0 : i32
      %dma_start3A_129 = tpu.memref_slice %arg15[%dma_start3A_127, %dma_start3A_128] : memref<10000x128xf32, #tpu.memory_space<vmem_shared>> -> memref<10000x128xf32, #tpu.memory_space<vmem_shared>>
      tpu.enqueue_indirect_dma source(%arg10 : memref<40x128xf32, #tpu.memory_space<vmem>>) target(%dma_start3A_129 : memref<10000x128xf32, #tpu.memory_space<vmem_shared>>) offsets(%arg6 : memref<40xi32, #tpu.memory_space<vmem>>) semaphore(%arg20 : memref<!tpu.dma_semaphore, #tpu.memory_space<semaphore_mem>>) {add = true}
      %dma_wait3A_130 = arith.constant 0 : i32
      %dma_wait3A_131 = tpu.memref_slice %arg3[%dma_wait3A_130] : memref<320000xi32, #tpu.memory_space<hbm>> -> memref<40xi32, #tpu.memory_space<hbm>>
      %dma_wait3A_132 = arith.constant 0 : i32
      %dma_wait3A_133 = tpu.memref_slice %arg3[%dma_wait3A_132] : memref<320000xi32, #tpu.memory_space<hbm>> -> memref<40xi32, #tpu.memory_space<hbm>>
      tpu.wait_dma2 semaphore(%arg17 : memref<!tpu.dma_semaphore, #tpu.memory_space<semaphore_mem>>) src(%dma_wait3A_133 : memref<40xi32, #tpu.memory_space<hbm>>) dst(%arg7 : memref<40xi32, #tpu.memory_space<vmem>>)
      %dma_wait3A_134 = arith.constant 0 : i32
      %dma_wait3A_135 = arith.constant 0 : i32
      %dma_wait3A_136 = tpu.memref_slice %arg2[%dma_wait3A_134, %dma_wait3A_135] : memref<160000x128xf32, #tpu.memory_space<hbm>> -> memref<40x128xf32, #tpu.memory_space<hbm>>
      %dma_wait3A_137 = arith.constant 0 : i32
      %dma_wait3A_138 = arith.constant 0 : i32
      %dma_wait3A_139 = tpu.memref_slice %arg2[%dma_wait3A_137, %dma_wait3A_138] : memref<160000x128xf32, #tpu.memory_space<hbm>> -> memref<40x128xf32, #tpu.memory_space<hbm>>
      tpu.wait_dma2 semaphore(%arg17 : memref<!tpu.dma_semaphore, #tpu.memory_space<semaphore_mem>>) src(%dma_wait3A_139 : memref<40x128xf32, #tpu.memory_space<hbm>>) dst(%arg11 : memref<40x128xf32, #tpu.memory_space<vmem>>)
      %dma_start3A_140 = arith.constant 0 : i32
      %dma_start3A_141 = arith.constant 0 : i32
      %dma_start3A_142 = tpu.memref_slice %arg15[%dma_start3A_140, %dma_start3A_141] : memref<10000x128xf32, #tpu.memory_space<vmem_shared>> -> memref<10000x128xf32, #tpu.memory_space<vmem_shared>>
      tpu.enqueue_indirect_dma source(%arg11 : memref<40x128xf32, #tpu.memory_space<vmem>>) target(%dma_start3A_142 : memref<10000x128xf32, #tpu.memory_space<vmem_shared>>) offsets(%arg7 : memref<40xi32, #tpu.memory_space<vmem>>) semaphore(%arg21 : memref<!tpu.dma_semaphore, #tpu.memory_space<semaphore_mem>>) {add = true}
      %dma_wait3A_143 = arith.constant 0 : i32
      %dma_wait3A_144 = tpu.memref_slice %arg3[%dma_wait3A_143] : memref<320000xi32, #tpu.memory_space<hbm>> -> memref<40xi32, #tpu.memory_space<hbm>>
      %dma_wait3A_145 = arith.constant 0 : i32
      %dma_wait3A_146 = tpu.memref_slice %arg3[%dma_wait3A_145] : memref<320000xi32, #tpu.memory_space<hbm>> -> memref<40xi32, #tpu.memory_space<hbm>>
      tpu.wait_dma2 semaphore(%arg18 : memref<!tpu.dma_semaphore, #tpu.memory_space<semaphore_mem>>) src(%dma_wait3A_146 : memref<40xi32, #tpu.memory_space<hbm>>) dst(%arg8 : memref<40xi32, #tpu.memory_space<vmem>>)
      %dma_wait3A_147 = arith.constant 0 : i32
      %dma_wait3A_148 = arith.constant 0 : i32
      %dma_wait3A_149 = tpu.memref_slice %arg2[%dma_wait3A_147, %dma_wait3A_148] : memref<160000x128xf32, #tpu.memory_space<hbm>> -> memref<40x128xf32, #tpu.memory_space<hbm>>
      %dma_wait3A_150 = arith.constant 0 : i32
      %dma_wait3A_151 = arith.constant 0 : i32
      %dma_wait3A_152 = tpu.memref_slice %arg2[%dma_wait3A_150, %dma_wait3A_151] : memref<160000x128xf32, #tpu.memory_space<hbm>> -> memref<40x128xf32, #tpu.memory_space<hbm>>
      tpu.wait_dma2 semaphore(%arg18 : memref<!tpu.dma_semaphore, #tpu.memory_space<semaphore_mem>>) src(%dma_wait3A_152 : memref<40x128xf32, #tpu.memory_space<hbm>>) dst(%arg12 : memref<40x128xf32, #tpu.memory_space<vmem>>)
      %dma_start3A_153 = arith.constant 0 : i32
      %dma_start3A_154 = arith.constant 0 : i32
      %dma_start3A_155 = tpu.memref_slice %arg15[%dma_start3A_153, %dma_start3A_154] : memref<10000x128xf32, #tpu.memory_space<vmem_shared>> -> memref<10000x128xf32, #tpu.memory_space<vmem_shared>>
      tpu.enqueue_indirect_dma source(%arg12 : memref<40x128xf32, #tpu.memory_space<vmem>>) target(%dma_start3A_155 : memref<10000x128xf32, #tpu.memory_space<vmem_shared>>) offsets(%arg8 : memref<40xi32, #tpu.memory_space<vmem>>) semaphore(%arg22 : memref<!tpu.dma_semaphore, #tpu.memory_space<semaphore_mem>>) {add = true}
      %dma_wait3A_156 = arith.constant 0 : i32
      %dma_wait3A_157 = tpu.memref_slice %arg3[%dma_wait3A_156] : memref<320000xi32, #tpu.memory_space<hbm>> -> memref<40xi32, #tpu.memory_space<hbm>>
      %dma_wait3A_158 = arith.constant 0 : i32
      %dma_wait3A_159 = tpu.memref_slice %arg3[%dma_wait3A_158] : memref<320000xi32, #tpu.memory_space<hbm>> -> memref<40xi32, #tpu.memory_space<hbm>>
      tpu.wait_dma2 semaphore(%arg19 : memref<!tpu.dma_semaphore, #tpu.memory_space<semaphore_mem>>) src(%dma_wait3A_159 : memref<40xi32, #tpu.memory_space<hbm>>) dst(%arg9 : memref<40xi32, #tpu.memory_space<vmem>>)
      %dma_wait3A_160 = arith.constant 0 : i32
      %dma_wait3A_161 = arith.constant 0 : i32
      %dma_wait3A_162 = tpu.memref_slice %arg2[%dma_wait3A_160, %dma_wait3A_161] : memref<160000x128xf32, #tpu.memory_space<hbm>> -> memref<40x128xf32, #tpu.memory_space<hbm>>
      %dma_wait3A_163 = arith.constant 0 : i32
      %dma_wait3A_164 = arith.constant 0 : i32
      %dma_wait3A_165 = tpu.memref_slice %arg2[%dma_wait3A_163, %dma_wait3A_164] : memref<160000x128xf32, #tpu.memory_space<hbm>> -> memref<40x128xf32, #tpu.memory_space<hbm>>
      tpu.wait_dma2 semaphore(%arg19 : memref<!tpu.dma_semaphore, #tpu.memory_space<semaphore_mem>>) src(%dma_wait3A_165 : memref<40x128xf32, #tpu.memory_space<hbm>>) dst(%arg13 : memref<40x128xf32, #tpu.memory_space<vmem>>)
      %dma_start3A_166 = arith.constant 0 : i32
      %dma_start3A_167 = arith.constant 0 : i32
      %dma_start3A_168 = tpu.memref_slice %arg15[%dma_start3A_166, %dma_start3A_167] : memref<10000x128xf32, #tpu.memory_space<vmem_shared>> -> memref<10000x128xf32, #tpu.memory_space<vmem_shared>>
      tpu.enqueue_indirect_dma source(%arg13 : memref<40x128xf32, #tpu.memory_space<vmem>>) target(%dma_start3A_168 : memref<10000x128xf32, #tpu.memory_space<vmem_shared>>) offsets(%arg9 : memref<40xi32, #tpu.memory_space<vmem>>) semaphore(%arg23 : memref<!tpu.dma_semaphore, #tpu.memory_space<semaphore_mem>>) {add = true}
      %dma_wait3A_169 = arith.constant 0 : i32
      %dma_wait3A_170 = arith.constant 0 : i32
      %dma_wait3A_171 = tpu.memref_slice %arg2[%dma_wait3A_169, %dma_wait3A_170] : memref<160000x128xf32, #tpu.memory_space<hbm>> -> memref<40x128xf32, #tpu.memory_space<hbm>>
      %dma_wait3A_172 = arith.constant 0 : i32
      %dma_wait3A_173 = arith.constant 0 : i32
      %dma_wait3A_174 = tpu.memref_slice %arg2[%dma_wait3A_172, %dma_wait3A_173] : memref<160000x128xf32, #tpu.memory_space<hbm>> -> memref<40x128xf32, #tpu.memory_space<hbm>>
      tpu.wait_dma2 semaphore(%arg20 : memref<!tpu.dma_semaphore, #tpu.memory_space<semaphore_mem>>) src(%dma_wait3A_174 : memref<40x128xf32, #tpu.memory_space<hbm>>) dst(%arg10 : memref<40x128xf32, #tpu.memory_space<vmem>>)
      %add3A_175 = arith.constant 0 : i32
      %add3A_176 = arith.addi %mul3A_116, %add3A_175 : i32
      %add3A_177 = arith.constant 4 : i32
      %add3A_178 = arith.addi %add3A_176, %add3A_177 : i32
      %min3A = arith.constant 124 : i32
      %min3A_179 = arith.minsi %add3A_178, %min3A : i32
      %mul3A_180 = arith.constant 40 : i32
      %mul3A_181 = arith.muli %min3A_179, %mul3A_180 : i32
      %add3A_182 = arith.addi %add3A_4, %mul3A_181 : i32
      %dma_start3A_183 = tpu.memref_slice %arg3[%add3A_182] : memref<320000xi32, #tpu.memory_space<hbm>> -> memref<40xi32, #tpu.memory_space<hbm>>
      %dma_start3A_184 = tpu.memref_slice %arg3[%add3A_182] : memref<320000xi32, #tpu.memory_space<hbm>> -> memref<40xi32, #tpu.memory_space<hbm>>
      tpu.enqueue_dma source(%dma_start3A_184 : memref<40xi32, #tpu.memory_space<hbm>>) target(%arg6 : memref<40xi32, #tpu.memory_space<vmem>>) target_semaphore(%arg16 : memref<!tpu.dma_semaphore, #tpu.memory_space<semaphore_mem>>)
      %mul3A_185 = arith.constant 40 : i32
      %mul3A_186 = arith.muli %min3A_179, %mul3A_185 : i32
      %add3A_187 = arith.addi %mul3A_2, %mul3A_186 : i32
      %dma_start3A_188 = arith.constant 0 : i32
      %dma_start3A_189 = tpu.memref_slice %arg2[%add3A_187, %dma_start3A_188] : memref<160000x128xf32, #tpu.memory_space<hbm>> -> memref<40x128xf32, #tpu.memory_space<hbm>>
      %dma_start3A_190 = arith.constant 0 : i32
      %dma_start3A_191 = tpu.memref_slice %arg2[%add3A_187, %dma_start3A_190] : memref<160000x128xf32, #tpu.memory_space<hbm>> -> memref<40x128xf32, #tpu.memory_space<hbm>>
      tpu.enqueue_dma source(%dma_start3A_191 : memref<40x128xf32, #tpu.memory_space<hbm>>) target(%arg10 : memref<40x128xf32, #tpu.memory_space<vmem>>) target_semaphore(%arg16 : memref<!tpu.dma_semaphore, #tpu.memory_space<semaphore_mem>>)
      %dma_wait3A_192 = arith.constant 0 : i32
      %dma_wait3A_193 = arith.constant 0 : i32
      %dma_wait3A_194 = tpu.memref_slice %arg2[%dma_wait3A_192, %dma_wait3A_193] : memref<160000x128xf32, #tpu.memory_space<hbm>> -> memref<40x128xf32, #tpu.memory_space<hbm>>
      %dma_wait3A_195 = arith.constant 0 : i32
      %dma_wait3A_196 = arith.constant 0 : i32
      %dma_wait3A_197 = tpu.memref_slice %arg2[%dma_wait3A_195, %dma_wait3A_196] : memref<160000x128xf32, #tpu.memory_space<hbm>> -> memref<40x128xf32, #tpu.memory_space<hbm>>
      tpu.wait_dma2 semaphore(%arg21 : memref<!tpu.dma_semaphore, #tpu.memory_space<semaphore_mem>>) src(%dma_wait3A_197 : memref<40x128xf32, #tpu.memory_space<hbm>>) dst(%arg11 : memref<40x128xf32, #tpu.memory_space<vmem>>)
      %add3A_198 = arith.constant 1 : i32
      %add3A_199 = arith.addi %mul3A_116, %add3A_198 : i32
      %add3A_200 = arith.constant 4 : i32
      %add3A_201 = arith.addi %add3A_199, %add3A_200 : i32
      %min3A_202 = arith.constant 124 : i32
      %min3A_203 = arith.minsi %add3A_201, %min3A_202 : i32
      %mul3A_204 = arith.constant 40 : i32
      %mul3A_205 = arith.muli %min3A_203, %mul3A_204 : i32
      %add3A_206 = arith.addi %add3A_4, %mul3A_205 : i32
      %dma_start3A_207 = tpu.memref_slice %arg3[%add3A_206] : memref<320000xi32, #tpu.memory_space<hbm>> -> memref<40xi32, #tpu.memory_space<hbm>>
      %dma_start3A_208 = tpu.memref_slice %arg3[%add3A_206] : memref<320000xi32, #tpu.memory_space<hbm>> -> memref<40xi32, #tpu.memory_space<hbm>>
      tpu.enqueue_dma source(%dma_start3A_208 : memref<40xi32, #tpu.memory_space<hbm>>) target(%arg7 : memref<40xi32, #tpu.memory_space<vmem>>) target_semaphore(%arg17 : memref<!tpu.dma_semaphore, #tpu.memory_space<semaphore_mem>>)
      %mul3A_209 = arith.constant 40 : i32
      %mul3A_210 = arith.muli %min3A_203, %mul3A_209 : i32
      %add3A_211 = arith.addi %mul3A_2, %mul3A_210 : i32
      %dma_start3A_212 = arith.constant 0 : i32
      %dma_start3A_213 = tpu.memref_slice %arg2[%add3A_211, %dma_start3A_212] : memref<160000x128xf32, #tpu.memory_space<hbm>> -> memref<40x128xf32, #tpu.memory_space<hbm>>
      %dma_start3A_214 = arith.constant 0 : i32
      %dma_start3A_215 = tpu.memref_slice %arg2[%add3A_211, %dma_start3A_214] : memref<160000x128xf32, #tpu.memory_space<hbm>> -> memref<40x128xf32, #tpu.memory_space<hbm>>
      tpu.enqueue_dma source(%dma_start3A_215 : memref<40x128xf32, #tpu.memory_space<hbm>>) target(%arg11 : memref<40x128xf32, #tpu.memory_space<vmem>>) target_semaphore(%arg17 : memref<!tpu.dma_semaphore, #tpu.memory_space<semaphore_mem>>)
      %dma_wait3A_216 = arith.constant 0 : i32
      %dma_wait3A_217 = arith.constant 0 : i32
      %dma_wait3A_218 = tpu.memref_slice %arg2[%dma_wait3A_216, %dma_wait3A_217] : memref<160000x128xf32, #tpu.memory_space<hbm>> -> memref<40x128xf32, #tpu.memory_space<hbm>>
      %dma_wait3A_219 = arith.constant 0 : i32
      %dma_wait3A_220 = arith.constant 0 : i32
      %dma_wait3A_221 = tpu.memref_slice %arg2[%dma_wait3A_219, %dma_wait3A_220] : memref<160000x128xf32, #tpu.memory_space<hbm>> -> memref<40x128xf32, #tpu.memory_space<hbm>>
      tpu.wait_dma2 semaphore(%arg22 : memref<!tpu.dma_semaphore, #tpu.memory_space<semaphore_mem>>) src(%dma_wait3A_221 : memref<40x128xf32, #tpu.memory_space<hbm>>) dst(%arg12 : memref<40x128xf32, #tpu.memory_space<vmem>>)
      %add3A_222 = arith.constant 2 : i32
      %add3A_223 = arith.addi %mul3A_116, %add3A_222 : i32
      %add3A_224 = arith.constant 4 : i32
      %add3A_225 = arith.addi %add3A_223, %add3A_224 : i32
      %min3A_226 = arith.constant 124 : i32
      %min3A_227 = arith.minsi %add3A_225, %min3A_226 : i32
      %mul3A_228 = arith.constant 40 : i32
      %mul3A_229 = arith.muli %min3A_227, %mul3A_228 : i32
      %add3A_230 = arith.addi %add3A_4, %mul3A_229 : i32
      %dma_start3A_231 = tpu.memref_slice %arg3[%add3A_230] : memref<320000xi32, #tpu.memory_space<hbm>> -> memref<40xi32, #tpu.memory_space<hbm>>
      %dma_start3A_232 = tpu.memref_slice %arg3[%add3A_230] : memref<320000xi32, #tpu.memory_space<hbm>> -> memref<40xi32, #tpu.memory_space<hbm>>
      tpu.enqueue_dma source(%dma_start3A_232 : memref<40xi32, #tpu.memory_space<hbm>>) target(%arg8 : memref<40xi32, #tpu.memory_space<vmem>>) target_semaphore(%arg18 : memref<!tpu.dma_semaphore, #tpu.memory_space<semaphore_mem>>)
      %mul3A_233 = arith.constant 40 : i32
      %mul3A_234 = arith.muli %min3A_227, %mul3A_233 : i32
      %add3A_235 = arith.addi %mul3A_2, %mul3A_234 : i32
      %dma_start3A_236 = arith.constant 0 : i32
      %dma_start3A_237 = tpu.memref_slice %arg2[%add3A_235, %dma_start3A_236] : memref<160000x128xf32, #tpu.memory_space<hbm>> -> memref<40x128xf32, #tpu.memory_space<hbm>>
      %dma_start3A_238 = arith.constant 0 : i32
      %dma_start3A_239 = tpu.memref_slice %arg2[%add3A_235, %dma_start3A_238] : memref<160000x128xf32, #tpu.memory_space<hbm>> -> memref<40x128xf32, #tpu.memory_space<hbm>>
      tpu.enqueue_dma source(%dma_start3A_239 : memref<40x128xf32, #tpu.memory_space<hbm>>) target(%arg12 : memref<40x128xf32, #tpu.memory_space<vmem>>) target_semaphore(%arg18 : memref<!tpu.dma_semaphore, #tpu.memory_space<semaphore_mem>>)
      %dma_wait3A_240 = arith.constant 0 : i32
      %dma_wait3A_241 = arith.constant 0 : i32
      %dma_wait3A_242 = tpu.memref_slice %arg2[%dma_wait3A_240, %dma_wait3A_241] : memref<160000x128xf32, #tpu.memory_space<hbm>> -> memref<40x128xf32, #tpu.memory_space<hbm>>
      %dma_wait3A_243 = arith.constant 0 : i32
      %dma_wait3A_244 = arith.constant 0 : i32
      %dma_wait3A_245 = tpu.memref_slice %arg2[%dma_wait3A_243, %dma_wait3A_244] : memref<160000x128xf32, #tpu.memory_space<hbm>> -> memref<40x128xf32, #tpu.memory_space<hbm>>
      tpu.wait_dma2 semaphore(%arg23 : memref<!tpu.dma_semaphore, #tpu.memory_space<semaphore_mem>>) src(%dma_wait3A_245 : memref<40x128xf32, #tpu.memory_space<hbm>>) dst(%arg13 : memref<40x128xf32, #tpu.memory_space<vmem>>)
      %add3A_246 = arith.constant 3 : i32
      %add3A_247 = arith.addi %mul3A_116, %add3A_246 : i32
      %add3A_248 = arith.constant 4 : i32
      %add3A_249 = arith.addi %add3A_247, %add3A_248 : i32
      %min3A_250 = arith.constant 124 : i32
      %min3A_251 = arith.minsi %add3A_249, %min3A_250 : i32
      %mul3A_252 = arith.constant 40 : i32
      %mul3A_253 = arith.muli %min3A_251, %mul3A_252 : i32
      %add3A_254 = arith.addi %add3A_4, %mul3A_253 : i32
      %dma_start3A_255 = tpu.memref_slice %arg3[%add3A_254] : memref<320000xi32, #tpu.memory_space<hbm>> -> memref<40xi32, #tpu.memory_space<hbm>>
      %dma_start3A_256 = tpu.memref_slice %arg3[%add3A_254] : memref<320000xi32, #tpu.memory_space<hbm>> -> memref<40xi32, #tpu.memory_space<hbm>>
      tpu.enqueue_dma source(%dma_start3A_256 : memref<40xi32, #tpu.memory_space<hbm>>) target(%arg9 : memref<40xi32, #tpu.memory_space<vmem>>) target_semaphore(%arg19 : memref<!tpu.dma_semaphore, #tpu.memory_space<semaphore_mem>>)
      %mul3A_257 = arith.constant 40 : i32
      %mul3A_258 = arith.muli %min3A_251, %mul3A_257 : i32
      %add3A_259 = arith.addi %mul3A_2, %mul3A_258 : i32
      %dma_start3A_260 = arith.constant 0 : i32
      %dma_start3A_261 = tpu.memref_slice %arg2[%add3A_259, %dma_start3A_260] : memref<160000x128xf32, #tpu.memory_space<hbm>> -> memref<40x128xf32, #tpu.memory_space<hbm>>
      %dma_start3A_262 = arith.constant 0 : i32
      %dma_start3A_263 = tpu.memref_slice %arg2[%add3A_259, %dma_start3A_262] : memref<160000x128xf32, #tpu.memory_space<hbm>> -> memref<40x128xf32, #tpu.memory_space<hbm>>
      tpu.enqueue_dma source(%dma_start3A_263 : memref<40x128xf32, #tpu.memory_space<hbm>>) target(%arg13 : memref<40x128xf32, #tpu.memory_space<vmem>>) target_semaphore(%arg19 : memref<!tpu.dma_semaphore, #tpu.memory_space<semaphore_mem>>)
    }
    %scan3A_59 = arith.constant 31 : i32
    %dma_wait3A = arith.constant 0 : i32
    %dma_wait3A_60 = tpu.memref_slice %arg3[%dma_wait3A] : memref<320000xi32, #tpu.memory_space<hbm>> -> memref<40xi32, #tpu.memory_space<hbm>>
    %dma_wait3A_61 = arith.constant 0 : i32
    %dma_wait3A_62 = tpu.memref_slice %arg3[%dma_wait3A_61] : memref<320000xi32, #tpu.memory_space<hbm>> -> memref<40xi32, #tpu.memory_space<hbm>>
    tpu.wait_dma2 semaphore(%arg16 : memref<!tpu.dma_semaphore, #tpu.memory_space<semaphore_mem>>) src(%dma_wait3A_62 : memref<40xi32, #tpu.memory_space<hbm>>) dst(%arg6 : memref<40xi32, #tpu.memory_space<vmem>>)
    %dma_wait3A_63 = arith.constant 0 : i32
    %dma_wait3A_64 = arith.constant 0 : i32
    %dma_wait3A_65 = tpu.memref_slice %arg2[%dma_wait3A_63, %dma_wait3A_64] : memref<160000x128xf32, #tpu.memory_space<hbm>> -> memref<40x128xf32, #tpu.memory_space<hbm>>
    %dma_wait3A_66 = arith.constant 0 : i32
    %dma_wait3A_67 = arith.constant 0 : i32
    %dma_wait3A_68 = tpu.memref_slice %arg2[%dma_wait3A_66, %dma_wait3A_67] : memref<160000x128xf32, #tpu.memory_space<hbm>> -> memref<40x128xf32, #tpu.memory_space<hbm>>
    tpu.wait_dma2 semaphore(%arg16 : memref<!tpu.dma_semaphore, #tpu.memory_space<semaphore_mem>>) src(%dma_wait3A_68 : memref<40x128xf32, #tpu.memory_space<hbm>>) dst(%arg10 : memref<40x128xf32, #tpu.memory_space<vmem>>)
    %dma_wait3A_69 = arith.constant 0 : i32
    %dma_wait3A_70 = tpu.memref_slice %arg3[%dma_wait3A_69] : memref<320000xi32, #tpu.memory_space<hbm>> -> memref<40xi32, #tpu.memory_space<hbm>>
    %dma_wait3A_71 = arith.constant 0 : i32
    %dma_wait3A_72 = tpu.memref_slice %arg3[%dma_wait3A_71] : memref<320000xi32, #tpu.memory_space<hbm>> -> memref<40xi32, #tpu.memory_space<hbm>>
    tpu.wait_dma2 semaphore(%arg17 : memref<!tpu.dma_semaphore, #tpu.memory_space<semaphore_mem>>) src(%dma_wait3A_72 : memref<40xi32, #tpu.memory_space<hbm>>) dst(%arg7 : memref<40xi32, #tpu.memory_space<vmem>>)
    %dma_wait3A_73 = arith.constant 0 : i32
    %dma_wait3A_74 = arith.constant 0 : i32
    %dma_wait3A_75 = tpu.memref_slice %arg2[%dma_wait3A_73, %dma_wait3A_74] : memref<160000x128xf32, #tpu.memory_space<hbm>> -> memref<40x128xf32, #tpu.memory_space<hbm>>
    %dma_wait3A_76 = arith.constant 0 : i32
    %dma_wait3A_77 = arith.constant 0 : i32
    %dma_wait3A_78 = tpu.memref_slice %arg2[%dma_wait3A_76, %dma_wait3A_77] : memref<160000x128xf32, #tpu.memory_space<hbm>> -> memref<40x128xf32, #tpu.memory_space<hbm>>
    tpu.wait_dma2 semaphore(%arg17 : memref<!tpu.dma_semaphore, #tpu.memory_space<semaphore_mem>>) src(%dma_wait3A_78 : memref<40x128xf32, #tpu.memory_space<hbm>>) dst(%arg11 : memref<40x128xf32, #tpu.memory_space<vmem>>)
    %dma_wait3A_79 = arith.constant 0 : i32
    %dma_wait3A_80 = tpu.memref_slice %arg3[%dma_wait3A_79] : memref<320000xi32, #tpu.memory_space<hbm>> -> memref<40xi32, #tpu.memory_space<hbm>>
    %dma_wait3A_81 = arith.constant 0 : i32
    %dma_wait3A_82 = tpu.memref_slice %arg3[%dma_wait3A_81] : memref<320000xi32, #tpu.memory_space<hbm>> -> memref<40xi32, #tpu.memory_space<hbm>>
    tpu.wait_dma2 semaphore(%arg18 : memref<!tpu.dma_semaphore, #tpu.memory_space<semaphore_mem>>) src(%dma_wait3A_82 : memref<40xi32, #tpu.memory_space<hbm>>) dst(%arg8 : memref<40xi32, #tpu.memory_space<vmem>>)
    %dma_wait3A_83 = arith.constant 0 : i32
    %dma_wait3A_84 = arith.constant 0 : i32
    %dma_wait3A_85 = tpu.memref_slice %arg2[%dma_wait3A_83, %dma_wait3A_84] : memref<160000x128xf32, #tpu.memory_space<hbm>> -> memref<40x128xf32, #tpu.memory_space<hbm>>
    %dma_wait3A_86 = arith.constant 0 : i32
    %dma_wait3A_87 = arith.constant 0 : i32
    %dma_wait3A_88 = tpu.memref_slice %arg2[%dma_wait3A_86, %dma_wait3A_87] : memref<160000x128xf32, #tpu.memory_space<hbm>> -> memref<40x128xf32, #tpu.memory_space<hbm>>
    tpu.wait_dma2 semaphore(%arg18 : memref<!tpu.dma_semaphore, #tpu.memory_space<semaphore_mem>>) src(%dma_wait3A_88 : memref<40x128xf32, #tpu.memory_space<hbm>>) dst(%arg12 : memref<40x128xf32, #tpu.memory_space<vmem>>)
    %dma_wait3A_89 = arith.constant 0 : i32
    %dma_wait3A_90 = tpu.memref_slice %arg3[%dma_wait3A_89] : memref<320000xi32, #tpu.memory_space<hbm>> -> memref<40xi32, #tpu.memory_space<hbm>>
    %dma_wait3A_91 = arith.constant 0 : i32
    %dma_wait3A_92 = tpu.memref_slice %arg3[%dma_wait3A_91] : memref<320000xi32, #tpu.memory_space<hbm>> -> memref<40xi32, #tpu.memory_space<hbm>>
    tpu.wait_dma2 semaphore(%arg19 : memref<!tpu.dma_semaphore, #tpu.memory_space<semaphore_mem>>) src(%dma_wait3A_92 : memref<40xi32, #tpu.memory_space<hbm>>) dst(%arg9 : memref<40xi32, #tpu.memory_space<vmem>>)
    %dma_wait3A_93 = arith.constant 0 : i32
    %dma_wait3A_94 = arith.constant 0 : i32
    %dma_wait3A_95 = tpu.memref_slice %arg2[%dma_wait3A_93, %dma_wait3A_94] : memref<160000x128xf32, #tpu.memory_space<hbm>> -> memref<40x128xf32, #tpu.memory_space<hbm>>
    %dma_wait3A_96 = arith.constant 0 : i32
    %dma_wait3A_97 = arith.constant 0 : i32
    %dma_wait3A_98 = tpu.memref_slice %arg2[%dma_wait3A_96, %dma_wait3A_97] : memref<160000x128xf32, #tpu.memory_space<hbm>> -> memref<40x128xf32, #tpu.memory_space<hbm>>
    tpu.wait_dma2 semaphore(%arg19 : memref<!tpu.dma_semaphore, #tpu.memory_space<semaphore_mem>>) src(%dma_wait3A_98 : memref<40x128xf32, #tpu.memory_space<hbm>>) dst(%arg13 : memref<40x128xf32, #tpu.memory_space<vmem>>)
    %dma_start3A_99 = arith.constant 0 : i32
    %dma_start3A_100 = arith.constant 0 : i32
    %dma_start3A_101 = tpu.memref_slice %arg15[%dma_start3A_99, %dma_start3A_100] : memref<10000x128xf32, #tpu.memory_space<vmem_shared>> -> memref<10000x128xf32, #tpu.memory_space<vmem_shared>>
    tpu.enqueue_indirect_dma source(%arg10 : memref<40x128xf32, #tpu.memory_space<vmem>>) target(%dma_start3A_101 : memref<10000x128xf32, #tpu.memory_space<vmem_shared>>) offsets(%arg6 : memref<40xi32, #tpu.memory_space<vmem>>) semaphore(%arg20 : memref<!tpu.dma_semaphore, #tpu.memory_space<semaphore_mem>>) {add = true}
    %dma_wait3A_102 = arith.constant 0 : i32
    %dma_wait3A_103 = arith.constant 0 : i32
    %dma_wait3A_104 = tpu.memref_slice %arg2[%dma_wait3A_102, %dma_wait3A_103] : memref<160000x128xf32, #tpu.memory_space<hbm>> -> memref<40x128xf32, #tpu.memory_space<hbm>>
    %dma_wait3A_105 = arith.constant 0 : i32
    %dma_wait3A_106 = arith.constant 0 : i32
    %dma_wait3A_107 = tpu.memref_slice %arg2[%dma_wait3A_105, %dma_wait3A_106] : memref<160000x128xf32, #tpu.memory_space<hbm>> -> memref<40x128xf32, #tpu.memory_space<hbm>>
    tpu.wait_dma2 semaphore(%arg20 : memref<!tpu.dma_semaphore, #tpu.memory_space<semaphore_mem>>) src(%dma_wait3A_107 : memref<40x128xf32, #tpu.memory_space<hbm>>) dst(%arg10 : memref<40x128xf32, #tpu.memory_space<vmem>>)
    %barrier3A_108 = arith.constant 0 : index
    tpu.barrier barrier_id(%barrier3A_108)
    %not3A = arith.constant true
    %not3A_109 = arith.xori %eq3A_5, %not3A : i1
    %convert_element_type3A = arith.extui %not3A_109 : i1 to i32
    %cond3A = arith.constant 0 : i32
    %cond3A_110 = arith.cmpi ne, %convert_element_type3A, %cond3A : i32
    scf.if %cond3A_110 {
      %mul3A_114 = arith.constant 632 : i32
      %mul3A_115 = arith.muli %arg1, %mul3A_114 : i32
      %mul3A_116 = arith.constant 632 : i32
      %mul3A_117 = arith.muli %arg1, %mul3A_116 : i32
      "tpu.region"() ({
        %run_scoped3A = tpu.sem_alloc : memref<!tpu.dma_semaphore, #tpu.memory_space<semaphore_mem>>
        %dma_start3A_118 = arith.constant 0 : i32
        %dma_start3A_119 = tpu.memref_slice %arg5[%arg0, %mul3A_117, %dma_start3A_118] : memref<2x10000x128xf32, #tpu.memory_space<hbm>> -> memref<1x632x128xf32, #tpu.memory_space<hbm>>
        %dma_start3A_120 = tpu.memref_squeeze %dma_start3A_119 : memref<1x632x128xf32, #tpu.memory_space<hbm>> -> memref<632x128xf32, #tpu.memory_space<hbm>>
        %dma_start3A_121 = arith.constant 0 : i32
        %dma_start3A_122 = tpu.memref_slice %arg15[%mul3A_115, %dma_start3A_121] : memref<10000x128xf32, #tpu.memory_space<vmem_shared>> -> memref<632x128xf32, #tpu.memory_space<vmem_shared>>
        tpu.enqueue_dma source(%dma_start3A_122 : memref<632x128xf32, #tpu.memory_space<vmem_shared>>) target(%dma_start3A_120 : memref<632x128xf32, #tpu.memory_space<hbm>>) target_semaphore(%run_scoped3A : memref<!tpu.dma_semaphore, #tpu.memory_space<semaphore_mem>>)
        %dma_wait3A_123 = arith.constant 0 : i32
        %dma_wait3A_124 = tpu.memref_slice %arg5[%arg0, %mul3A_117, %dma_wait3A_123] : memref<2x10000x128xf32, #tpu.memory_space<hbm>> -> memref<1x632x128xf32, #tpu.memory_space<hbm>>
        %dma_wait3A_125 = tpu.memref_squeeze %dma_wait3A_124 : memref<1x632x128xf32, #tpu.memory_space<hbm>> -> memref<632x128xf32, #tpu.memory_space<hbm>>
        %dma_wait3A_126 = arith.constant 0 : i32
        %dma_wait3A_127 = tpu.memref_slice %arg15[%mul3A_115, %dma_wait3A_126] : memref<10000x128xf32, #tpu.memory_space<vmem_shared>> -> memref<632x128xf32, #tpu.memory_space<vmem_shared>>
        tpu.wait_dma2 semaphore(%run_scoped3A : memref<!tpu.dma_semaphore, #tpu.memory_space<semaphore_mem>>) src(%dma_wait3A_127 : memref<632x128xf32, #tpu.memory_space<vmem_shared>>) dst(%dma_wait3A_125 : memref<632x128xf32, #tpu.memory_space<hbm>>)
        tpu.yield
      }) : () -> ()
    } else {
    }
    %convert_element_type3A_111 = arith.extui %eq3A_5 : i1 to i32
    %cond3A_112 = arith.constant 0 : i32
    %cond3A_113 = arith.cmpi ne, %convert_element_type3A_111, %cond3A_112 : i32
    scf.if %cond3A_113 {
      %mul3A_114 = arith.constant 632 : i32
      %mul3A_115 = arith.muli %arg1, %mul3A_114 : i32
      %mul3A_116 = arith.constant 632 : i32
      %mul3A_117 = arith.muli %arg1, %mul3A_116 : i32
      "tpu.region"() ({
        %run_scoped3A = tpu.sem_alloc : memref<!tpu.dma_semaphore, #tpu.memory_space<semaphore_mem>>
        %dma_start3A_118 = arith.constant 0 : i32
        %dma_start3A_119 = tpu.memref_slice %arg5[%arg0, %mul3A_117, %dma_start3A_118] : memref<2x10000x128xf32, #tpu.memory_space<hbm>> -> memref<1x520x128xf32, #tpu.memory_space<hbm>>
        %dma_start3A_120 = tpu.memref_squeeze %dma_start3A_119 : memref<1x520x128xf32, #tpu.memory_space<hbm>> -> memref<520x128xf32, #tpu.memory_space<hbm>>
        %dma_start3A_121 = arith.constant 0 : i32
        %dma_start3A_122 = tpu.memref_slice %arg15[%mul3A_115, %dma_start3A_121] : memref<10000x128xf32, #tpu.memory_space<vmem_shared>> -> memref<520x128xf32, #tpu.memory_space<vmem_shared>>
        tpu.enqueue_dma source(%dma_start3A_122 : memref<520x128xf32, #tpu.memory_space<vmem_shared>>) target(%dma_start3A_120 : memref<520x128xf32, #tpu.memory_space<hbm>>) target_semaphore(%run_scoped3A : memref<!tpu.dma_semaphore, #tpu.memory_space<semaphore_mem>>)
        %dma_wait3A_123 = arith.constant 0 : i32
        %dma_wait3A_124 = tpu.memref_slice %arg5[%arg0, %mul3A_117, %dma_wait3A_123] : memref<2x10000x128xf32, #tpu.memory_space<hbm>> -> memref<1x520x128xf32, #tpu.memory_space<hbm>>
        %dma_wait3A_125 = tpu.memref_squeeze %dma_wait3A_124 : memref<1x520x128xf32, #tpu.memory_space<hbm>> -> memref<520x128xf32, #tpu.memory_space<hbm>>
        %dma_wait3A_126 = arith.constant 0 : i32
        %dma_wait3A_127 = tpu.memref_slice %arg15[%mul3A_115, %dma_wait3A_126] : memref<10000x128xf32, #tpu.memory_space<vmem_shared>> -> memref<520x128xf32, #tpu.memory_space<vmem_shared>>
        tpu.wait_dma2 semaphore(%run_scoped3A : memref<!tpu.dma_semaphore, #tpu.memory_space<semaphore_mem>>) src(%dma_wait3A_127 : memref<520x128xf32, #tpu.memory_space<vmem_shared>>) dst(%dma_wait3A_125 : memref<520x128xf32, #tpu.memory_space<hbm>>)
        tpu.yield
      }) : () -> ()
    } else {
    }
    return
  }
}

#map = affine_map<(d0, d1) -> (0, 0)>
#map1 = affine_map<(d0, d1) -> (0)>
module attributes {stable_mosaic.version = 14 : i64} {
  func.func @_sc_gather(%arg0: i32, %arg1: i32, %arg2: memref<10000x128xf32, #tpu.memory_space<hbm>>, %arg3: memref<10000x128xf32, #tpu.memory_space<hbm>>, %arg4: memref<320000xi32, #tpu.memory_space<hbm>>, %arg5: memref<320000xi32, #tpu.memory_space<hbm>>, %arg6: memref<160000x128xf32, #tpu.memory_space<hbm>>, %arg7: memref<160000x128xf32, #tpu.memory_space<hbm>>, %arg8: memref<5000xi32, #tpu.memory_space<vmem>>, %arg9: memref<5000xi32, #tpu.memory_space<vmem>>, %arg10: memref<40x128xf32, #tpu.memory_space<vmem>>, %arg11: memref<40x128xf32, #tpu.memory_space<vmem>>, %arg12: memref<40x128xf32, #tpu.memory_space<vmem>>, %arg13: memref<40x128xf32, #tpu.memory_space<vmem>>, %arg14: memref<40x128xf32, #tpu.memory_space<vmem>>, %arg15: memref<40x128xf32, #tpu.memory_space<vmem>>, %arg16: memref<40x128xf32, #tpu.memory_space<vmem>>, %arg17: memref<40x128xf32, #tpu.memory_space<vmem>>, %arg18: memref<!tpu.dma_semaphore, #tpu.memory_space<semaphore_mem>>, %arg19: memref<!tpu.dma_semaphore, #tpu.memory_space<semaphore_mem>>, %arg20: memref<!tpu.dma_semaphore, #tpu.memory_space<semaphore_mem>>, %arg21: memref<!tpu.dma_semaphore, #tpu.memory_space<semaphore_mem>>, %arg22: memref<!tpu.dma_semaphore, #tpu.memory_space<semaphore_mem>>, %arg23: memref<!tpu.dma_semaphore, #tpu.memory_space<semaphore_mem>>, %arg24: memref<!tpu.dma_semaphore, #tpu.memory_space<semaphore_mem>>, %arg25: memref<!tpu.dma_semaphore, #tpu.memory_space<semaphore_mem>>) attributes {dimension_semantics = [#tpu.dimension_semantics<core_parallel>, #tpu.dimension_semantics<subcore_parallel>], iteration_bounds = array<i64: 2, 16>, scalar_prefetch = 0 : i64, scratch_operands = 18 : i64, tpu.core_type = #tpu.core_type<sc_vector_subcore>, window_params = [{transform_indices = #map}, {transform_indices = #map}, {transform_indices = #map1}, {transform_indices = #map1}, {transform_indices = #map}, {transform_indices = #map}]} {
    %mul3A = arith.constant 2 : i32
    %mul3A_0 = arith.muli %arg1, %mul3A : i32
    %add3A = arith.addi %mul3A_0, %arg0 : i32
    %mul3A_1 = arith.constant 5000 : i32
    %mul3A_2 = arith.muli %add3A, %mul3A_1 : i32
    %add3A_3 = arith.constant 0 : i32
    %add3A_4 = arith.addi %add3A_3, %mul3A_2 : i32
    "tpu.region"() ({
      %run_scoped3A = tpu.sem_alloc : memref<!tpu.dma_semaphore, #tpu.memory_space<semaphore_mem>>
      %dma_start3A_118 = tpu.memref_slice %arg4[%add3A_4] : memref<320000xi32, #tpu.memory_space<hbm>> -> memref<5000xi32, #tpu.memory_space<hbm>>
      %dma_start3A_119 = tpu.memref_slice %arg4[%add3A_4] : memref<320000xi32, #tpu.memory_space<hbm>> -> memref<5000xi32, #tpu.memory_space<hbm>>
      tpu.enqueue_dma source(%dma_start3A_119 : memref<5000xi32, #tpu.memory_space<hbm>>) target(%arg8 : memref<5000xi32, #tpu.memory_space<vmem>>) target_semaphore(%run_scoped3A : memref<!tpu.dma_semaphore, #tpu.memory_space<semaphore_mem>>)
      %dma_wait3A_120 = tpu.memref_slice %arg4[%add3A_4] : memref<320000xi32, #tpu.memory_space<hbm>> -> memref<5000xi32, #tpu.memory_space<hbm>>
      %dma_wait3A_121 = tpu.memref_slice %arg4[%add3A_4] : memref<320000xi32, #tpu.memory_space<hbm>> -> memref<5000xi32, #tpu.memory_space<hbm>>
      tpu.wait_dma2 semaphore(%run_scoped3A : memref<!tpu.dma_semaphore, #tpu.memory_space<semaphore_mem>>) src(%dma_wait3A_121 : memref<5000xi32, #tpu.memory_space<hbm>>) dst(%arg8 : memref<5000xi32, #tpu.memory_space<vmem>>)
      tpu.yield
    }) : () -> ()
    "tpu.region"() ({
      %run_scoped3A = tpu.sem_alloc : memref<!tpu.dma_semaphore, #tpu.memory_space<semaphore_mem>>
      %dma_start3A_118 = tpu.memref_slice %arg5[%add3A_4] : memref<320000xi32, #tpu.memory_space<hbm>> -> memref<5000xi32, #tpu.memory_space<hbm>>
      %dma_start3A_119 = tpu.memref_slice %arg5[%add3A_4] : memref<320000xi32, #tpu.memory_space<hbm>> -> memref<5000xi32, #tpu.memory_space<hbm>>
      tpu.enqueue_dma source(%dma_start3A_119 : memref<5000xi32, #tpu.memory_space<hbm>>) target(%arg9 : memref<5000xi32, #tpu.memory_space<vmem>>) target_semaphore(%run_scoped3A : memref<!tpu.dma_semaphore, #tpu.memory_space<semaphore_mem>>)
      %dma_wait3A_120 = tpu.memref_slice %arg5[%add3A_4] : memref<320000xi32, #tpu.memory_space<hbm>> -> memref<5000xi32, #tpu.memory_space<hbm>>
      %dma_wait3A_121 = tpu.memref_slice %arg5[%add3A_4] : memref<320000xi32, #tpu.memory_space<hbm>> -> memref<5000xi32, #tpu.memory_space<hbm>>
      tpu.wait_dma2 semaphore(%run_scoped3A : memref<!tpu.dma_semaphore, #tpu.memory_space<semaphore_mem>>) src(%dma_wait3A_121 : memref<5000xi32, #tpu.memory_space<hbm>>) dst(%arg9 : memref<5000xi32, #tpu.memory_space<vmem>>)
      tpu.yield
    }) : () -> ()
    %dma_start3A = arith.constant 0 : i32
    %dma_start3A_5 = tpu.memref_slice %arg8[%dma_start3A] : memref<5000xi32, #tpu.memory_space<vmem>> -> memref<40xi32, #tpu.memory_space<vmem>>
    %dma_start3A_6 = arith.constant 0 : i32
    %dma_start3A_7 = arith.constant 0 : i32
    %dma_start3A_8 = tpu.memref_slice %arg2[%dma_start3A_6, %dma_start3A_7] : memref<10000x128xf32, #tpu.memory_space<hbm>> -> memref<10000x128xf32, #tpu.memory_space<hbm>>
    tpu.enqueue_indirect_dma source(%dma_start3A_8 : memref<10000x128xf32, #tpu.memory_space<hbm>>) target(%arg10 : memref<40x128xf32, #tpu.memory_space<vmem>>) offsets(%dma_start3A_5 : memref<40xi32, #tpu.memory_space<vmem>>) semaphore(%arg18 : memref<!tpu.dma_semaphore, #tpu.memory_space<semaphore_mem>>)
    %dma_start3A_9 = arith.constant 0 : i32
    %dma_start3A_10 = tpu.memref_slice %arg9[%dma_start3A_9] : memref<5000xi32, #tpu.memory_space<vmem>> -> memref<40xi32, #tpu.memory_space<vmem>>
    %dma_start3A_11 = arith.constant 0 : i32
    %dma_start3A_12 = arith.constant 0 : i32
    %dma_start3A_13 = tpu.memref_slice %arg3[%dma_start3A_11, %dma_start3A_12] : memref<10000x128xf32, #tpu.memory_space<hbm>> -> memref<10000x128xf32, #tpu.memory_space<hbm>>
    tpu.enqueue_indirect_dma source(%dma_start3A_13 : memref<10000x128xf32, #tpu.memory_space<hbm>>) target(%arg14 : memref<40x128xf32, #tpu.memory_space<vmem>>) offsets(%dma_start3A_10 : memref<40xi32, #tpu.memory_space<vmem>>) semaphore(%arg18 : memref<!tpu.dma_semaphore, #tpu.memory_space<semaphore_mem>>)
    %dma_start3A_14 = arith.constant 40 : i32
    %dma_start3A_15 = tpu.memref_slice %arg8[%dma_start3A_14] : memref<5000xi32, #tpu.memory_space<vmem>> -> memref<40xi32, #tpu.memory_space<vmem>>
    %dma_start3A_16 = arith.constant 0 : i32
    %dma_start3A_17 = arith.constant 0 : i32
    %dma_start3A_18 = tpu.memref_slice %arg2[%dma_start3A_16, %dma_start3A_17] : memref<10000x128xf32, #tpu.memory_space<hbm>> -> memref<10000x128xf32, #tpu.memory_space<hbm>>
    tpu.enqueue_indirect_dma source(%dma_start3A_18 : memref<10000x128xf32, #tpu.memory_space<hbm>>) target(%arg11 : memref<40x128xf32, #tpu.memory_space<vmem>>) offsets(%dma_start3A_15 : memref<40xi32, #tpu.memory_space<vmem>>) semaphore(%arg19 : memref<!tpu.dma_semaphore, #tpu.memory_space<semaphore_mem>>)
    %dma_start3A_19 = arith.constant 40 : i32
    %dma_start3A_20 = tpu.memref_slice %arg9[%dma_start3A_19] : memref<5000xi32, #tpu.memory_space<vmem>> -> memref<40xi32, #tpu.memory_space<vmem>>
    %dma_start3A_21 = arith.constant 0 : i32
    %dma_start3A_22 = arith.constant 0 : i32
    %dma_start3A_23 = tpu.memref_slice %arg3[%dma_start3A_21, %dma_start3A_22] : memref<10000x128xf32, #tpu.memory_space<hbm>> -> memref<10000x128xf32, #tpu.memory_space<hbm>>
    tpu.enqueue_indirect_dma source(%dma_start3A_23 : memref<10000x128xf32, #tpu.memory_space<hbm>>) target(%arg15 : memref<40x128xf32, #tpu.memory_space<vmem>>) offsets(%dma_start3A_20 : memref<40xi32, #tpu.memory_space<vmem>>) semaphore(%arg19 : memref<!tpu.dma_semaphore, #tpu.memory_space<semaphore_mem>>)
    %dma_start3A_24 = arith.constant 80 : i32
    %dma_start3A_25 = tpu.memref_slice %arg8[%dma_start3A_24] : memref<5000xi32, #tpu.memory_space<vmem>> -> memref<40xi32, #tpu.memory_space<vmem>>
    %dma_start3A_26 = arith.constant 0 : i32
    %dma_start3A_27 = arith.constant 0 : i32
    %dma_start3A_28 = tpu.memref_slice %arg2[%dma_start3A_26, %dma_start3A_27] : memref<10000x128xf32, #tpu.memory_space<hbm>> -> memref<10000x128xf32, #tpu.memory_space<hbm>>
    tpu.enqueue_indirect_dma source(%dma_start3A_28 : memref<10000x128xf32, #tpu.memory_space<hbm>>) target(%arg12 : memref<40x128xf32, #tpu.memory_space<vmem>>) offsets(%dma_start3A_25 : memref<40xi32, #tpu.memory_space<vmem>>) semaphore(%arg20 : memref<!tpu.dma_semaphore, #tpu.memory_space<semaphore_mem>>)
    %dma_start3A_29 = arith.constant 80 : i32
    %dma_start3A_30 = tpu.memref_slice %arg9[%dma_start3A_29] : memref<5000xi32, #tpu.memory_space<vmem>> -> memref<40xi32, #tpu.memory_space<vmem>>
    %dma_start3A_31 = arith.constant 0 : i32
    %dma_start3A_32 = arith.constant 0 : i32
    %dma_start3A_33 = tpu.memref_slice %arg3[%dma_start3A_31, %dma_start3A_32] : memref<10000x128xf32, #tpu.memory_space<hbm>> -> memref<10000x128xf32, #tpu.memory_space<hbm>>
    tpu.enqueue_indirect_dma source(%dma_start3A_33 : memref<10000x128xf32, #tpu.memory_space<hbm>>) target(%arg16 : memref<40x128xf32, #tpu.memory_space<vmem>>) offsets(%dma_start3A_30 : memref<40xi32, #tpu.memory_space<vmem>>) semaphore(%arg20 : memref<!tpu.dma_semaphore, #tpu.memory_space<semaphore_mem>>)
    %dma_start3A_34 = arith.constant 120 : i32
    %dma_start3A_35 = tpu.memref_slice %arg8[%dma_start3A_34] : memref<5000xi32, #tpu.memory_space<vmem>> -> memref<40xi32, #tpu.memory_space<vmem>>
    %dma_start3A_36 = arith.constant 0 : i32
    %dma_start3A_37 = arith.constant 0 : i32
    %dma_start3A_38 = tpu.memref_slice %arg2[%dma_start3A_36, %dma_start3A_37] : memref<10000x128xf32, #tpu.memory_space<hbm>> -> memref<10000x128xf32, #tpu.memory_space<hbm>>
    tpu.enqueue_indirect_dma source(%dma_start3A_38 : memref<10000x128xf32, #tpu.memory_space<hbm>>) target(%arg13 : memref<40x128xf32, #tpu.memory_space<vmem>>) offsets(%dma_start3A_35 : memref<40xi32, #tpu.memory_space<vmem>>) semaphore(%arg21 : memref<!tpu.dma_semaphore, #tpu.memory_space<semaphore_mem>>)
    %dma_start3A_39 = arith.constant 120 : i32
    %dma_start3A_40 = tpu.memref_slice %arg9[%dma_start3A_39] : memref<5000xi32, #tpu.memory_space<vmem>> -> memref<40xi32, #tpu.memory_space<vmem>>
    %dma_start3A_41 = arith.constant 0 : i32
    %dma_start3A_42 = arith.constant 0 : i32
    %dma_start3A_43 = tpu.memref_slice %arg3[%dma_start3A_41, %dma_start3A_42] : memref<10000x128xf32, #tpu.memory_space<hbm>> -> memref<10000x128xf32, #tpu.memory_space<hbm>>
    tpu.enqueue_indirect_dma source(%dma_start3A_43 : memref<10000x128xf32, #tpu.memory_space<hbm>>) target(%arg17 : memref<40x128xf32, #tpu.memory_space<vmem>>) offsets(%dma_start3A_40 : memref<40xi32, #tpu.memory_space<vmem>>) semaphore(%arg21 : memref<!tpu.dma_semaphore, #tpu.memory_space<semaphore_mem>>)
    %scan3A = arith.constant 0 : i32
    %scan3A_44 = arith.constant 0 : i32
    %scan3A_45 = arith.constant 31 : i32
    %scan3A_46 = arith.addi %scan3A_44, %scan3A_45 : i32
    %scan3A_47 = arith.constant 1 : i32
    scf.for %scan3A_118 = %scan3A_44 to %scan3A_46 step %scan3A_47  : i32 {
      %mul3A_119 = arith.constant 4 : i32
      %mul3A_120 = arith.muli %scan3A_118, %mul3A_119 : i32
      %dma_wait3A_121 = arith.constant 0 : i32
      %dma_wait3A_122 = arith.constant 0 : i32
      %dma_wait3A_123 = tpu.memref_slice %arg2[%dma_wait3A_121, %dma_wait3A_122] : memref<10000x128xf32, #tpu.memory_space<hbm>> -> memref<40x128xf32, #tpu.memory_space<hbm>>
      %dma_wait3A_124 = arith.constant 0 : i32
      %dma_wait3A_125 = arith.constant 0 : i32
      %dma_wait3A_126 = tpu.memref_slice %arg2[%dma_wait3A_124, %dma_wait3A_125] : memref<10000x128xf32, #tpu.memory_space<hbm>> -> memref<40x128xf32, #tpu.memory_space<hbm>>
      tpu.wait_dma2 semaphore(%arg18 : memref<!tpu.dma_semaphore, #tpu.memory_space<semaphore_mem>>) src(%dma_wait3A_126 : memref<40x128xf32, #tpu.memory_space<hbm>>) dst(%arg10 : memref<40x128xf32, #tpu.memory_space<vmem>>)
      %dma_wait3A_127 = arith.constant 0 : i32
      %dma_wait3A_128 = arith.constant 0 : i32
      %dma_wait3A_129 = tpu.memref_slice %arg3[%dma_wait3A_127, %dma_wait3A_128] : memref<10000x128xf32, #tpu.memory_space<hbm>> -> memref<40x128xf32, #tpu.memory_space<hbm>>
      %dma_wait3A_130 = arith.constant 0 : i32
      %dma_wait3A_131 = arith.constant 0 : i32
      %dma_wait3A_132 = tpu.memref_slice %arg3[%dma_wait3A_130, %dma_wait3A_131] : memref<10000x128xf32, #tpu.memory_space<hbm>> -> memref<40x128xf32, #tpu.memory_space<hbm>>
      tpu.wait_dma2 semaphore(%arg18 : memref<!tpu.dma_semaphore, #tpu.memory_space<semaphore_mem>>) src(%dma_wait3A_132 : memref<40x128xf32, #tpu.memory_space<hbm>>) dst(%arg14 : memref<40x128xf32, #tpu.memory_space<vmem>>)
      %add3A_133 = arith.constant 0 : i32
      %add3A_134 = arith.addi %mul3A_120, %add3A_133 : i32
      %mul3A_135 = arith.constant 40 : i32
      %mul3A_136 = arith.muli %add3A_134, %mul3A_135 : i32
      %add3A_137 = arith.addi %mul3A_2, %mul3A_136 : i32
      %dma_start3A_138 = arith.constant 0 : i32
      %dma_start3A_139 = tpu.memref_slice %arg6[%add3A_137, %dma_start3A_138] : memref<160000x128xf32, #tpu.memory_space<hbm>> -> memref<40x128xf32, #tpu.memory_space<hbm>>
      %dma_start3A_140 = arith.constant 0 : i32
      %dma_start3A_141 = tpu.memref_slice %arg6[%add3A_137, %dma_start3A_140] : memref<160000x128xf32, #tpu.memory_space<hbm>> -> memref<40x128xf32, #tpu.memory_space<hbm>>
      tpu.enqueue_dma source(%arg10 : memref<40x128xf32, #tpu.memory_space<vmem>>) target(%dma_start3A_141 : memref<40x128xf32, #tpu.memory_space<hbm>>) target_semaphore(%arg22 : memref<!tpu.dma_semaphore, #tpu.memory_space<semaphore_mem>>)
      %dma_start3A_142 = arith.constant 0 : i32
      %dma_start3A_143 = tpu.memref_slice %arg7[%add3A_137, %dma_start3A_142] : memref<160000x128xf32, #tpu.memory_space<hbm>> -> memref<40x128xf32, #tpu.memory_space<hbm>>
      %dma_start3A_144 = arith.constant 0 : i32
      %dma_start3A_145 = tpu.memref_slice %arg7[%add3A_137, %dma_start3A_144] : memref<160000x128xf32, #tpu.memory_space<hbm>> -> memref<40x128xf32, #tpu.memory_space<hbm>>
      tpu.enqueue_dma source(%arg14 : memref<40x128xf32, #tpu.memory_space<vmem>>) target(%dma_start3A_145 : memref<40x128xf32, #tpu.memory_space<hbm>>) target_semaphore(%arg22 : memref<!tpu.dma_semaphore, #tpu.memory_space<semaphore_mem>>)
      %dma_wait3A_146 = arith.constant 0 : i32
      %dma_wait3A_147 = arith.constant 0 : i32
      %dma_wait3A_148 = tpu.memref_slice %arg2[%dma_wait3A_146, %dma_wait3A_147] : memref<10000x128xf32, #tpu.memory_space<hbm>> -> memref<40x128xf32, #tpu.memory_space<hbm>>
      %dma_wait3A_149 = arith.constant 0 : i32
      %dma_wait3A_150 = arith.constant 0 : i32
      %dma_wait3A_151 = tpu.memref_slice %arg2[%dma_wait3A_149, %dma_wait3A_150] : memref<10000x128xf32, #tpu.memory_space<hbm>> -> memref<40x128xf32, #tpu.memory_space<hbm>>
      tpu.wait_dma2 semaphore(%arg19 : memref<!tpu.dma_semaphore, #tpu.memory_space<semaphore_mem>>) src(%dma_wait3A_151 : memref<40x128xf32, #tpu.memory_space<hbm>>) dst(%arg11 : memref<40x128xf32, #tpu.memory_space<vmem>>)
      %dma_wait3A_152 = arith.constant 0 : i32
      %dma_wait3A_153 = arith.constant 0 : i32
      %dma_wait3A_154 = tpu.memref_slice %arg3[%dma_wait3A_152, %dma_wait3A_153] : memref<10000x128xf32, #tpu.memory_space<hbm>> -> memref<40x128xf32, #tpu.memory_space<hbm>>
      %dma_wait3A_155 = arith.constant 0 : i32
      %dma_wait3A_156 = arith.constant 0 : i32
      %dma_wait3A_157 = tpu.memref_slice %arg3[%dma_wait3A_155, %dma_wait3A_156] : memref<10000x128xf32, #tpu.memory_space<hbm>> -> memref<40x128xf32, #tpu.memory_space<hbm>>
      tpu.wait_dma2 semaphore(%arg19 : memref<!tpu.dma_semaphore, #tpu.memory_space<semaphore_mem>>) src(%dma_wait3A_157 : memref<40x128xf32, #tpu.memory_space<hbm>>) dst(%arg15 : memref<40x128xf32, #tpu.memory_space<vmem>>)
      %add3A_158 = arith.constant 1 : i32
      %add3A_159 = arith.addi %mul3A_120, %add3A_158 : i32
      %mul3A_160 = arith.constant 40 : i32
      %mul3A_161 = arith.muli %add3A_159, %mul3A_160 : i32
      %add3A_162 = arith.addi %mul3A_2, %mul3A_161 : i32
      %dma_start3A_163 = arith.constant 0 : i32
      %dma_start3A_164 = tpu.memref_slice %arg6[%add3A_162, %dma_start3A_163] : memref<160000x128xf32, #tpu.memory_space<hbm>> -> memref<40x128xf32, #tpu.memory_space<hbm>>
      %dma_start3A_165 = arith.constant 0 : i32
      %dma_start3A_166 = tpu.memref_slice %arg6[%add3A_162, %dma_start3A_165] : memref<160000x128xf32, #tpu.memory_space<hbm>> -> memref<40x128xf32, #tpu.memory_space<hbm>>
      tpu.enqueue_dma source(%arg11 : memref<40x128xf32, #tpu.memory_space<vmem>>) target(%dma_start3A_166 : memref<40x128xf32, #tpu.memory_space<hbm>>) target_semaphore(%arg23 : memref<!tpu.dma_semaphore, #tpu.memory_space<semaphore_mem>>)
      %dma_start3A_167 = arith.constant 0 : i32
      %dma_start3A_168 = tpu.memref_slice %arg7[%add3A_162, %dma_start3A_167] : memref<160000x128xf32, #tpu.memory_space<hbm>> -> memref<40x128xf32, #tpu.memory_space<hbm>>
      %dma_start3A_169 = arith.constant 0 : i32
      %dma_start3A_170 = tpu.memref_slice %arg7[%add3A_162, %dma_start3A_169] : memref<160000x128xf32, #tpu.memory_space<hbm>> -> memref<40x128xf32, #tpu.memory_space<hbm>>
      tpu.enqueue_dma source(%arg15 : memref<40x128xf32, #tpu.memory_space<vmem>>) target(%dma_start3A_170 : memref<40x128xf32, #tpu.memory_space<hbm>>) target_semaphore(%arg23 : memref<!tpu.dma_semaphore, #tpu.memory_space<semaphore_mem>>)
      %dma_wait3A_171 = arith.constant 0 : i32
      %dma_wait3A_172 = arith.constant 0 : i32
      %dma_wait3A_173 = tpu.memref_slice %arg2[%dma_wait3A_171, %dma_wait3A_172] : memref<10000x128xf32, #tpu.memory_space<hbm>> -> memref<40x128xf32, #tpu.memory_space<hbm>>
      %dma_wait3A_174 = arith.constant 0 : i32
      %dma_wait3A_175 = arith.constant 0 : i32
      %dma_wait3A_176 = tpu.memref_slice %arg2[%dma_wait3A_174, %dma_wait3A_175] : memref<10000x128xf32, #tpu.memory_space<hbm>> -> memref<40x128xf32, #tpu.memory_space<hbm>>
      tpu.wait_dma2 semaphore(%arg20 : memref<!tpu.dma_semaphore, #tpu.memory_space<semaphore_mem>>) src(%dma_wait3A_176 : memref<40x128xf32, #tpu.memory_space<hbm>>) dst(%arg12 : memref<40x128xf32, #tpu.memory_space<vmem>>)
      %dma_wait3A_177 = arith.constant 0 : i32
      %dma_wait3A_178 = arith.constant 0 : i32
      %dma_wait3A_179 = tpu.memref_slice %arg3[%dma_wait3A_177, %dma_wait3A_178] : memref<10000x128xf32, #tpu.memory_space<hbm>> -> memref<40x128xf32, #tpu.memory_space<hbm>>
      %dma_wait3A_180 = arith.constant 0 : i32
      %dma_wait3A_181 = arith.constant 0 : i32
      %dma_wait3A_182 = tpu.memref_slice %arg3[%dma_wait3A_180, %dma_wait3A_181] : memref<10000x128xf32, #tpu.memory_space<hbm>> -> memref<40x128xf32, #tpu.memory_space<hbm>>
      tpu.wait_dma2 semaphore(%arg20 : memref<!tpu.dma_semaphore, #tpu.memory_space<semaphore_mem>>) src(%dma_wait3A_182 : memref<40x128xf32, #tpu.memory_space<hbm>>) dst(%arg16 : memref<40x128xf32, #tpu.memory_space<vmem>>)
      %add3A_183 = arith.constant 2 : i32
      %add3A_184 = arith.addi %mul3A_120, %add3A_183 : i32
      %mul3A_185 = arith.constant 40 : i32
      %mul3A_186 = arith.muli %add3A_184, %mul3A_185 : i32
      %add3A_187 = arith.addi %mul3A_2, %mul3A_186 : i32
      %dma_start3A_188 = arith.constant 0 : i32
      %dma_start3A_189 = tpu.memref_slice %arg6[%add3A_187, %dma_start3A_188] : memref<160000x128xf32, #tpu.memory_space<hbm>> -> memref<40x128xf32, #tpu.memory_space<hbm>>
      %dma_start3A_190 = arith.constant 0 : i32
      %dma_start3A_191 = tpu.memref_slice %arg6[%add3A_187, %dma_start3A_190] : memref<160000x128xf32, #tpu.memory_space<hbm>> -> memref<40x128xf32, #tpu.memory_space<hbm>>
      tpu.enqueue_dma source(%arg12 : memref<40x128xf32, #tpu.memory_space<vmem>>) target(%dma_start3A_191 : memref<40x128xf32, #tpu.memory_space<hbm>>) target_semaphore(%arg24 : memref<!tpu.dma_semaphore, #tpu.memory_space<semaphore_mem>>)
      %dma_start3A_192 = arith.constant 0 : i32
      %dma_start3A_193 = tpu.memref_slice %arg7[%add3A_187, %dma_start3A_192] : memref<160000x128xf32, #tpu.memory_space<hbm>> -> memref<40x128xf32, #tpu.memory_space<hbm>>
      %dma_start3A_194 = arith.constant 0 : i32
      %dma_start3A_195 = tpu.memref_slice %arg7[%add3A_187, %dma_start3A_194] : memref<160000x128xf32, #tpu.memory_space<hbm>> -> memref<40x128xf32, #tpu.memory_space<hbm>>
      tpu.enqueue_dma source(%arg16 : memref<40x128xf32, #tpu.memory_space<vmem>>) target(%dma_start3A_195 : memref<40x128xf32, #tpu.memory_space<hbm>>) target_semaphore(%arg24 : memref<!tpu.dma_semaphore, #tpu.memory_space<semaphore_mem>>)
      %dma_wait3A_196 = arith.constant 0 : i32
      %dma_wait3A_197 = arith.constant 0 : i32
      %dma_wait3A_198 = tpu.memref_slice %arg2[%dma_wait3A_196, %dma_wait3A_197] : memref<10000x128xf32, #tpu.memory_space<hbm>> -> memref<40x128xf32, #tpu.memory_space<hbm>>
      %dma_wait3A_199 = arith.constant 0 : i32
      %dma_wait3A_200 = arith.constant 0 : i32
      %dma_wait3A_201 = tpu.memref_slice %arg2[%dma_wait3A_199, %dma_wait3A_200] : memref<10000x128xf32, #tpu.memory_space<hbm>> -> memref<40x128xf32, #tpu.memory_space<hbm>>
      tpu.wait_dma2 semaphore(%arg21 : memref<!tpu.dma_semaphore, #tpu.memory_space<semaphore_mem>>) src(%dma_wait3A_201 : memref<40x128xf32, #tpu.memory_space<hbm>>) dst(%arg13 : memref<40x128xf32, #tpu.memory_space<vmem>>)
      %dma_wait3A_202 = arith.constant 0 : i32
      %dma_wait3A_203 = arith.constant 0 : i32
      %dma_wait3A_204 = tpu.memref_slice %arg3[%dma_wait3A_202, %dma_wait3A_203] : memref<10000x128xf32, #tpu.memory_space<hbm>> -> memref<40x128xf32, #tpu.memory_space<hbm>>
      %dma_wait3A_205 = arith.constant 0 : i32
      %dma_wait3A_206 = arith.constant 0 : i32
      %dma_wait3A_207 = tpu.memref_slice %arg3[%dma_wait3A_205, %dma_wait3A_206] : memref<10000x128xf32, #tpu.memory_space<hbm>> -> memref<40x128xf32, #tpu.memory_space<hbm>>
      tpu.wait_dma2 semaphore(%arg21 : memref<!tpu.dma_semaphore, #tpu.memory_space<semaphore_mem>>) src(%dma_wait3A_207 : memref<40x128xf32, #tpu.memory_space<hbm>>) dst(%arg17 : memref<40x128xf32, #tpu.memory_space<vmem>>)
      %add3A_208 = arith.constant 3 : i32
      %add3A_209 = arith.addi %mul3A_120, %add3A_208 : i32
      %mul3A_210 = arith.constant 40 : i32
      %mul3A_211 = arith.muli %add3A_209, %mul3A_210 : i32
      %add3A_212 = arith.addi %mul3A_2, %mul3A_211 : i32
      %dma_start3A_213 = arith.constant 0 : i32
      %dma_start3A_214 = tpu.memref_slice %arg6[%add3A_212, %dma_start3A_213] : memref<160000x128xf32, #tpu.memory_space<hbm>> -> memref<40x128xf32, #tpu.memory_space<hbm>>
      %dma_start3A_215 = arith.constant 0 : i32
      %dma_start3A_216 = tpu.memref_slice %arg6[%add3A_212, %dma_start3A_215] : memref<160000x128xf32, #tpu.memory_space<hbm>> -> memref<40x128xf32, #tpu.memory_space<hbm>>
      tpu.enqueue_dma source(%arg13 : memref<40x128xf32, #tpu.memory_space<vmem>>) target(%dma_start3A_216 : memref<40x128xf32, #tpu.memory_space<hbm>>) target_semaphore(%arg25 : memref<!tpu.dma_semaphore, #tpu.memory_space<semaphore_mem>>)
      %dma_start3A_217 = arith.constant 0 : i32
      %dma_start3A_218 = tpu.memref_slice %arg7[%add3A_212, %dma_start3A_217] : memref<160000x128xf32, #tpu.memory_space<hbm>> -> memref<40x128xf32, #tpu.memory_space<hbm>>
      %dma_start3A_219 = arith.constant 0 : i32
      %dma_start3A_220 = tpu.memref_slice %arg7[%add3A_212, %dma_start3A_219] : memref<160000x128xf32, #tpu.memory_space<hbm>> -> memref<40x128xf32, #tpu.memory_space<hbm>>
      tpu.enqueue_dma source(%arg17 : memref<40x128xf32, #tpu.memory_space<vmem>>) target(%dma_start3A_220 : memref<40x128xf32, #tpu.memory_space<hbm>>) target_semaphore(%arg25 : memref<!tpu.dma_semaphore, #tpu.memory_space<semaphore_mem>>)
      %dma_wait3A_221 = arith.constant 0 : i32
      %dma_wait3A_222 = arith.constant 0 : i32
      %dma_wait3A_223 = tpu.memref_slice %arg6[%dma_wait3A_221, %dma_wait3A_222] : memref<160000x128xf32, #tpu.memory_space<hbm>> -> memref<40x128xf32, #tpu.memory_space<hbm>>
      %dma_wait3A_224 = arith.constant 0 : i32
      %dma_wait3A_225 = arith.constant 0 : i32
      %dma_wait3A_226 = tpu.memref_slice %arg6[%dma_wait3A_224, %dma_wait3A_225] : memref<160000x128xf32, #tpu.memory_space<hbm>> -> memref<40x128xf32, #tpu.memory_space<hbm>>
      tpu.wait_dma2 semaphore(%arg22 : memref<!tpu.dma_semaphore, #tpu.memory_space<semaphore_mem>>) src(%arg10 : memref<40x128xf32, #tpu.memory_space<vmem>>) dst(%dma_wait3A_226 : memref<40x128xf32, #tpu.memory_space<hbm>>)
      %dma_wait3A_227 = arith.constant 0 : i32
      %dma_wait3A_228 = arith.constant 0 : i32
      %dma_wait3A_229 = tpu.memref_slice %arg7[%dma_wait3A_227, %dma_wait3A_228] : memref<160000x128xf32, #tpu.memory_space<hbm>> -> memref<40x128xf32, #tpu.memory_space<hbm>>
      %dma_wait3A_230 = arith.constant 0 : i32
      %dma_wait3A_231 = arith.constant 0 : i32
      %dma_wait3A_232 = tpu.memref_slice %arg7[%dma_wait3A_230, %dma_wait3A_231] : memref<160000x128xf32, #tpu.memory_space<hbm>> -> memref<40x128xf32, #tpu.memory_space<hbm>>
      tpu.wait_dma2 semaphore(%arg22 : memref<!tpu.dma_semaphore, #tpu.memory_space<semaphore_mem>>) src(%arg14 : memref<40x128xf32, #tpu.memory_space<vmem>>) dst(%dma_wait3A_232 : memref<40x128xf32, #tpu.memory_space<hbm>>)
      %add3A_233 = arith.constant 0 : i32
      %add3A_234 = arith.addi %mul3A_120, %add3A_233 : i32
      %add3A_235 = arith.constant 4 : i32
      %add3A_236 = arith.addi %add3A_234, %add3A_235 : i32
      %min3A = arith.constant 124 : i32
      %min3A_237 = arith.minsi %add3A_236, %min3A : i32
      %mul3A_238 = arith.constant 40 : i32
      %mul3A_239 = arith.muli %min3A_237, %mul3A_238 : i32
      %dma_start3A_240 = tpu.memref_slice %arg8[%mul3A_239] : memref<5000xi32, #tpu.memory_space<vmem>> -> memref<40xi32, #tpu.memory_space<vmem>>
      %dma_start3A_241 = arith.constant 0 : i32
      %dma_start3A_242 = arith.constant 0 : i32
      %dma_start3A_243 = tpu.memref_slice %arg2[%dma_start3A_241, %dma_start3A_242] : memref<10000x128xf32, #tpu.memory_space<hbm>> -> memref<10000x128xf32, #tpu.memory_space<hbm>>
      tpu.enqueue_indirect_dma source(%dma_start3A_243 : memref<10000x128xf32, #tpu.memory_space<hbm>>) target(%arg10 : memref<40x128xf32, #tpu.memory_space<vmem>>) offsets(%dma_start3A_240 : memref<40xi32, #tpu.memory_space<vmem>>) semaphore(%arg18 : memref<!tpu.dma_semaphore, #tpu.memory_space<semaphore_mem>>)
      %mul3A_244 = arith.constant 40 : i32
      %mul3A_245 = arith.muli %min3A_237, %mul3A_244 : i32
      %dma_start3A_246 = tpu.memref_slice %arg9[%mul3A_245] : memref<5000xi32, #tpu.memory_space<vmem>> -> memref<40xi32, #tpu.memory_space<vmem>>
      %dma_start3A_247 = arith.constant 0 : i32
      %dma_start3A_248 = arith.constant 0 : i32
      %dma_start3A_249 = tpu.memref_slice %arg3[%dma_start3A_247, %dma_start3A_248] : memref<10000x128xf32, #tpu.memory_space<hbm>> -> memref<10000x128xf32, #tpu.memory_space<hbm>>
      tpu.enqueue_indirect_dma source(%dma_start3A_249 : memref<10000x128xf32, #tpu.memory_space<hbm>>) target(%arg14 : memref<40x128xf32, #tpu.memory_space<vmem>>) offsets(%dma_start3A_246 : memref<40xi32, #tpu.memory_space<vmem>>) semaphore(%arg18 : memref<!tpu.dma_semaphore, #tpu.memory_space<semaphore_mem>>)
      %dma_wait3A_250 = arith.constant 0 : i32
      %dma_wait3A_251 = arith.constant 0 : i32
      %dma_wait3A_252 = tpu.memref_slice %arg6[%dma_wait3A_250, %dma_wait3A_251] : memref<160000x128xf32, #tpu.memory_space<hbm>> -> memref<40x128xf32, #tpu.memory_space<hbm>>
      %dma_wait3A_253 = arith.constant 0 : i32
      %dma_wait3A_254 = arith.constant 0 : i32
      %dma_wait3A_255 = tpu.memref_slice %arg6[%dma_wait3A_253, %dma_wait3A_254] : memref<160000x128xf32, #tpu.memory_space<hbm>> -> memref<40x128xf32, #tpu.memory_space<hbm>>
      tpu.wait_dma2 semaphore(%arg23 : memref<!tpu.dma_semaphore, #tpu.memory_space<semaphore_mem>>) src(%arg11 : memref<40x128xf32, #tpu.memory_space<vmem>>) dst(%dma_wait3A_255 : memref<40x128xf32, #tpu.memory_space<hbm>>)
      %dma_wait3A_256 = arith.constant 0 : i32
      %dma_wait3A_257 = arith.constant 0 : i32
      %dma_wait3A_258 = tpu.memref_slice %arg7[%dma_wait3A_256, %dma_wait3A_257] : memref<160000x128xf32, #tpu.memory_space<hbm>> -> memref<40x128xf32, #tpu.memory_space<hbm>>
      %dma_wait3A_259 = arith.constant 0 : i32
      %dma_wait3A_260 = arith.constant 0 : i32
      %dma_wait3A_261 = tpu.memref_slice %arg7[%dma_wait3A_259, %dma_wait3A_260] : memref<160000x128xf32, #tpu.memory_space<hbm>> -> memref<40x128xf32, #tpu.memory_space<hbm>>
      tpu.wait_dma2 semaphore(%arg23 : memref<!tpu.dma_semaphore, #tpu.memory_space<semaphore_mem>>) src(%arg15 : memref<40x128xf32, #tpu.memory_space<vmem>>) dst(%dma_wait3A_261 : memref<40x128xf32, #tpu.memory_space<hbm>>)
      %add3A_262 = arith.constant 1 : i32
      %add3A_263 = arith.addi %mul3A_120, %add3A_262 : i32
      %add3A_264 = arith.constant 4 : i32
      %add3A_265 = arith.addi %add3A_263, %add3A_264 : i32
      %min3A_266 = arith.constant 124 : i32
      %min3A_267 = arith.minsi %add3A_265, %min3A_266 : i32
      %mul3A_268 = arith.constant 40 : i32
      %mul3A_269 = arith.muli %min3A_267, %mul3A_268 : i32
      %dma_start3A_270 = tpu.memref_slice %arg8[%mul3A_269] : memref<5000xi32, #tpu.memory_space<vmem>> -> memref<40xi32, #tpu.memory_space<vmem>>
      %dma_start3A_271 = arith.constant 0 : i32
      %dma_start3A_272 = arith.constant 0 : i32
      %dma_start3A_273 = tpu.memref_slice %arg2[%dma_start3A_271, %dma_start3A_272] : memref<10000x128xf32, #tpu.memory_space<hbm>> -> memref<10000x128xf32, #tpu.memory_space<hbm>>
      tpu.enqueue_indirect_dma source(%dma_start3A_273 : memref<10000x128xf32, #tpu.memory_space<hbm>>) target(%arg11 : memref<40x128xf32, #tpu.memory_space<vmem>>) offsets(%dma_start3A_270 : memref<40xi32, #tpu.memory_space<vmem>>) semaphore(%arg19 : memref<!tpu.dma_semaphore, #tpu.memory_space<semaphore_mem>>)
      %mul3A_274 = arith.constant 40 : i32
      %mul3A_275 = arith.muli %min3A_267, %mul3A_274 : i32
      %dma_start3A_276 = tpu.memref_slice %arg9[%mul3A_275] : memref<5000xi32, #tpu.memory_space<vmem>> -> memref<40xi32, #tpu.memory_space<vmem>>
      %dma_start3A_277 = arith.constant 0 : i32
      %dma_start3A_278 = arith.constant 0 : i32
      %dma_start3A_279 = tpu.memref_slice %arg3[%dma_start3A_277, %dma_start3A_278] : memref<10000x128xf32, #tpu.memory_space<hbm>> -> memref<10000x128xf32, #tpu.memory_space<hbm>>
      tpu.enqueue_indirect_dma source(%dma_start3A_279 : memref<10000x128xf32, #tpu.memory_space<hbm>>) target(%arg15 : memref<40x128xf32, #tpu.memory_space<vmem>>) offsets(%dma_start3A_276 : memref<40xi32, #tpu.memory_space<vmem>>) semaphore(%arg19 : memref<!tpu.dma_semaphore, #tpu.memory_space<semaphore_mem>>)
      %dma_wait3A_280 = arith.constant 0 : i32
      %dma_wait3A_281 = arith.constant 0 : i32
      %dma_wait3A_282 = tpu.memref_slice %arg6[%dma_wait3A_280, %dma_wait3A_281] : memref<160000x128xf32, #tpu.memory_space<hbm>> -> memref<40x128xf32, #tpu.memory_space<hbm>>
      %dma_wait3A_283 = arith.constant 0 : i32
      %dma_wait3A_284 = arith.constant 0 : i32
      %dma_wait3A_285 = tpu.memref_slice %arg6[%dma_wait3A_283, %dma_wait3A_284] : memref<160000x128xf32, #tpu.memory_space<hbm>> -> memref<40x128xf32, #tpu.memory_space<hbm>>
      tpu.wait_dma2 semaphore(%arg24 : memref<!tpu.dma_semaphore, #tpu.memory_space<semaphore_mem>>) src(%arg12 : memref<40x128xf32, #tpu.memory_space<vmem>>) dst(%dma_wait3A_285 : memref<40x128xf32, #tpu.memory_space<hbm>>)
      %dma_wait3A_286 = arith.constant 0 : i32
      %dma_wait3A_287 = arith.constant 0 : i32
      %dma_wait3A_288 = tpu.memref_slice %arg7[%dma_wait3A_286, %dma_wait3A_287] : memref<160000x128xf32, #tpu.memory_space<hbm>> -> memref<40x128xf32, #tpu.memory_space<hbm>>
      %dma_wait3A_289 = arith.constant 0 : i32
      %dma_wait3A_290 = arith.constant 0 : i32
      %dma_wait3A_291 = tpu.memref_slice %arg7[%dma_wait3A_289, %dma_wait3A_290] : memref<160000x128xf32, #tpu.memory_space<hbm>> -> memref<40x128xf32, #tpu.memory_space<hbm>>
      tpu.wait_dma2 semaphore(%arg24 : memref<!tpu.dma_semaphore, #tpu.memory_space<semaphore_mem>>) src(%arg16 : memref<40x128xf32, #tpu.memory_space<vmem>>) dst(%dma_wait3A_291 : memref<40x128xf32, #tpu.memory_space<hbm>>)
      %add3A_292 = arith.constant 2 : i32
      %add3A_293 = arith.addi %mul3A_120, %add3A_292 : i32
      %add3A_294 = arith.constant 4 : i32
      %add3A_295 = arith.addi %add3A_293, %add3A_294 : i32
      %min3A_296 = arith.constant 124 : i32
      %min3A_297 = arith.minsi %add3A_295, %min3A_296 : i32
      %mul3A_298 = arith.constant 40 : i32
      %mul3A_299 = arith.muli %min3A_297, %mul3A_298 : i32
      %dma_start3A_300 = tpu.memref_slice %arg8[%mul3A_299] : memref<5000xi32, #tpu.memory_space<vmem>> -> memref<40xi32, #tpu.memory_space<vmem>>
      %dma_start3A_301 = arith.constant 0 : i32
      %dma_start3A_302 = arith.constant 0 : i32
      %dma_start3A_303 = tpu.memref_slice %arg2[%dma_start3A_301, %dma_start3A_302] : memref<10000x128xf32, #tpu.memory_space<hbm>> -> memref<10000x128xf32, #tpu.memory_space<hbm>>
      tpu.enqueue_indirect_dma source(%dma_start3A_303 : memref<10000x128xf32, #tpu.memory_space<hbm>>) target(%arg12 : memref<40x128xf32, #tpu.memory_space<vmem>>) offsets(%dma_start3A_300 : memref<40xi32, #tpu.memory_space<vmem>>) semaphore(%arg20 : memref<!tpu.dma_semaphore, #tpu.memory_space<semaphore_mem>>)
      %mul3A_304 = arith.constant 40 : i32
      %mul3A_305 = arith.muli %min3A_297, %mul3A_304 : i32
      %dma_start3A_306 = tpu.memref_slice %arg9[%mul3A_305] : memref<5000xi32, #tpu.memory_space<vmem>> -> memref<40xi32, #tpu.memory_space<vmem>>
      %dma_start3A_307 = arith.constant 0 : i32
      %dma_start3A_308 = arith.constant 0 : i32
      %dma_start3A_309 = tpu.memref_slice %arg3[%dma_start3A_307, %dma_start3A_308] : memref<10000x128xf32, #tpu.memory_space<hbm>> -> memref<10000x128xf32, #tpu.memory_space<hbm>>
      tpu.enqueue_indirect_dma source(%dma_start3A_309 : memref<10000x128xf32, #tpu.memory_space<hbm>>) target(%arg16 : memref<40x128xf32, #tpu.memory_space<vmem>>) offsets(%dma_start3A_306 : memref<40xi32, #tpu.memory_space<vmem>>) semaphore(%arg20 : memref<!tpu.dma_semaphore, #tpu.memory_space<semaphore_mem>>)
      %dma_wait3A_310 = arith.constant 0 : i32
      %dma_wait3A_311 = arith.constant 0 : i32
      %dma_wait3A_312 = tpu.memref_slice %arg6[%dma_wait3A_310, %dma_wait3A_311] : memref<160000x128xf32, #tpu.memory_space<hbm>> -> memref<40x128xf32, #tpu.memory_space<hbm>>
      %dma_wait3A_313 = arith.constant 0 : i32
      %dma_wait3A_314 = arith.constant 0 : i32
      %dma_wait3A_315 = tpu.memref_slice %arg6[%dma_wait3A_313, %dma_wait3A_314] : memref<160000x128xf32, #tpu.memory_space<hbm>> -> memref<40x128xf32, #tpu.memory_space<hbm>>
      tpu.wait_dma2 semaphore(%arg25 : memref<!tpu.dma_semaphore, #tpu.memory_space<semaphore_mem>>) src(%arg13 : memref<40x128xf32, #tpu.memory_space<vmem>>) dst(%dma_wait3A_315 : memref<40x128xf32, #tpu.memory_space<hbm>>)
      %dma_wait3A_316 = arith.constant 0 : i32
      %dma_wait3A_317 = arith.constant 0 : i32
      %dma_wait3A_318 = tpu.memref_slice %arg7[%dma_wait3A_316, %dma_wait3A_317] : memref<160000x128xf32, #tpu.memory_space<hbm>> -> memref<40x128xf32, #tpu.memory_space<hbm>>
      %dma_wait3A_319 = arith.constant 0 : i32
      %dma_wait3A_320 = arith.constant 0 : i32
      %dma_wait3A_321 = tpu.memref_slice %arg7[%dma_wait3A_319, %dma_wait3A_320] : memref<160000x128xf32, #tpu.memory_space<hbm>> -> memref<40x128xf32, #tpu.memory_space<hbm>>
      tpu.wait_dma2 semaphore(%arg25 : memref<!tpu.dma_semaphore, #tpu.memory_space<semaphore_mem>>) src(%arg17 : memref<40x128xf32, #tpu.memory_space<vmem>>) dst(%dma_wait3A_321 : memref<40x128xf32, #tpu.memory_space<hbm>>)
      %add3A_322 = arith.constant 3 : i32
      %add3A_323 = arith.addi %mul3A_120, %add3A_322 : i32
      %add3A_324 = arith.constant 4 : i32
      %add3A_325 = arith.addi %add3A_323, %add3A_324 : i32
      %min3A_326 = arith.constant 124 : i32
      %min3A_327 = arith.minsi %add3A_325, %min3A_326 : i32
      %mul3A_328 = arith.constant 40 : i32
      %mul3A_329 = arith.muli %min3A_327, %mul3A_328 : i32
      %dma_start3A_330 = tpu.memref_slice %arg8[%mul3A_329] : memref<5000xi32, #tpu.memory_space<vmem>> -> memref<40xi32, #tpu.memory_space<vmem>>
      %dma_start3A_331 = arith.constant 0 : i32
      %dma_start3A_332 = arith.constant 0 : i32
      %dma_start3A_333 = tpu.memref_slice %arg2[%dma_start3A_331, %dma_start3A_332] : memref<10000x128xf32, #tpu.memory_space<hbm>> -> memref<10000x128xf32, #tpu.memory_space<hbm>>
      tpu.enqueue_indirect_dma source(%dma_start3A_333 : memref<10000x128xf32, #tpu.memory_space<hbm>>) target(%arg13 : memref<40x128xf32, #tpu.memory_space<vmem>>) offsets(%dma_start3A_330 : memref<40xi32, #tpu.memory_space<vmem>>) semaphore(%arg21 : memref<!tpu.dma_semaphore, #tpu.memory_space<semaphore_mem>>)
      %mul3A_334 = arith.constant 40 : i32
      %mul3A_335 = arith.muli %min3A_327, %mul3A_334 : i32
      %dma_start3A_336 = tpu.memref_slice %arg9[%mul3A_335] : memref<5000xi32, #tpu.memory_space<vmem>> -> memref<40xi32, #tpu.memory_space<vmem>>
      %dma_start3A_337 = arith.constant 0 : i32
      %dma_start3A_338 = arith.constant 0 : i32
      %dma_start3A_339 = tpu.memref_slice %arg3[%dma_start3A_337, %dma_start3A_338] : memref<10000x128xf32, #tpu.memory_space<hbm>> -> memref<10000x128xf32, #tpu.memory_space<hbm>>
      tpu.enqueue_indirect_dma source(%dma_start3A_339 : memref<10000x128xf32, #tpu.memory_space<hbm>>) target(%arg17 : memref<40x128xf32, #tpu.memory_space<vmem>>) offsets(%dma_start3A_336 : memref<40xi32, #tpu.memory_space<vmem>>) semaphore(%arg21 : memref<!tpu.dma_semaphore, #tpu.memory_space<semaphore_mem>>)
    }
    %scan3A_48 = arith.constant 31 : i32
    %dma_wait3A = arith.constant 0 : i32
    %dma_wait3A_49 = arith.constant 0 : i32
    %dma_wait3A_50 = tpu.memref_slice %arg2[%dma_wait3A, %dma_wait3A_49] : memref<10000x128xf32, #tpu.memory_space<hbm>> -> memref<40x128xf32, #tpu.memory_space<hbm>>
    %dma_wait3A_51 = arith.constant 0 : i32
    %dma_wait3A_52 = arith.constant 0 : i32
    %dma_wait3A_53 = tpu.memref_slice %arg2[%dma_wait3A_51, %dma_wait3A_52] : memref<10000x128xf32, #tpu.memory_space<hbm>> -> memref<40x128xf32, #tpu.memory_space<hbm>>
    tpu.wait_dma2 semaphore(%arg18 : memref<!tpu.dma_semaphore, #tpu.memory_space<semaphore_mem>>) src(%dma_wait3A_53 : memref<40x128xf32, #tpu.memory_space<hbm>>) dst(%arg10 : memref<40x128xf32, #tpu.memory_space<vmem>>)
    %dma_wait3A_54 = arith.constant 0 : i32
    %dma_wait3A_55 = arith.constant 0 : i32
    %dma_wait3A_56 = tpu.memref_slice %arg3[%dma_wait3A_54, %dma_wait3A_55] : memref<10000x128xf32, #tpu.memory_space<hbm>> -> memref<40x128xf32, #tpu.memory_space<hbm>>
    %dma_wait3A_57 = arith.constant 0 : i32
    %dma_wait3A_58 = arith.constant 0 : i32
    %dma_wait3A_59 = tpu.memref_slice %arg3[%dma_wait3A_57, %dma_wait3A_58] : memref<10000x128xf32, #tpu.memory_space<hbm>> -> memref<40x128xf32, #tpu.memory_space<hbm>>
    tpu.wait_dma2 semaphore(%arg18 : memref<!tpu.dma_semaphore, #tpu.memory_space<semaphore_mem>>) src(%dma_wait3A_59 : memref<40x128xf32, #tpu.memory_space<hbm>>) dst(%arg14 : memref<40x128xf32, #tpu.memory_space<vmem>>)
    %dma_wait3A_60 = arith.constant 0 : i32
    %dma_wait3A_61 = arith.constant 0 : i32
    %dma_wait3A_62 = tpu.memref_slice %arg2[%dma_wait3A_60, %dma_wait3A_61] : memref<10000x128xf32, #tpu.memory_space<hbm>> -> memref<40x128xf32, #tpu.memory_space<hbm>>
    %dma_wait3A_63 = arith.constant 0 : i32
    %dma_wait3A_64 = arith.constant 0 : i32
    %dma_wait3A_65 = tpu.memref_slice %arg2[%dma_wait3A_63, %dma_wait3A_64] : memref<10000x128xf32, #tpu.memory_space<hbm>> -> memref<40x128xf32, #tpu.memory_space<hbm>>
    tpu.wait_dma2 semaphore(%arg19 : memref<!tpu.dma_semaphore, #tpu.memory_space<semaphore_mem>>) src(%dma_wait3A_65 : memref<40x128xf32, #tpu.memory_space<hbm>>) dst(%arg11 : memref<40x128xf32, #tpu.memory_space<vmem>>)
    %dma_wait3A_66 = arith.constant 0 : i32
    %dma_wait3A_67 = arith.constant 0 : i32
    %dma_wait3A_68 = tpu.memref_slice %arg3[%dma_wait3A_66, %dma_wait3A_67] : memref<10000x128xf32, #tpu.memory_space<hbm>> -> memref<40x128xf32, #tpu.memory_space<hbm>>
    %dma_wait3A_69 = arith.constant 0 : i32
    %dma_wait3A_70 = arith.constant 0 : i32
    %dma_wait3A_71 = tpu.memref_slice %arg3[%dma_wait3A_69, %dma_wait3A_70] : memref<10000x128xf32, #tpu.memory_space<hbm>> -> memref<40x128xf32, #tpu.memory_space<hbm>>
    tpu.wait_dma2 semaphore(%arg19 : memref<!tpu.dma_semaphore, #tpu.memory_space<semaphore_mem>>) src(%dma_wait3A_71 : memref<40x128xf32, #tpu.memory_space<hbm>>) dst(%arg15 : memref<40x128xf32, #tpu.memory_space<vmem>>)
    %dma_wait3A_72 = arith.constant 0 : i32
    %dma_wait3A_73 = arith.constant 0 : i32
    %dma_wait3A_74 = tpu.memref_slice %arg2[%dma_wait3A_72, %dma_wait3A_73] : memref<10000x128xf32, #tpu.memory_space<hbm>> -> memref<40x128xf32, #tpu.memory_space<hbm>>
    %dma_wait3A_75 = arith.constant 0 : i32
    %dma_wait3A_76 = arith.constant 0 : i32
    %dma_wait3A_77 = tpu.memref_slice %arg2[%dma_wait3A_75, %dma_wait3A_76] : memref<10000x128xf32, #tpu.memory_space<hbm>> -> memref<40x128xf32, #tpu.memory_space<hbm>>
    tpu.wait_dma2 semaphore(%arg20 : memref<!tpu.dma_semaphore, #tpu.memory_space<semaphore_mem>>) src(%dma_wait3A_77 : memref<40x128xf32, #tpu.memory_space<hbm>>) dst(%arg12 : memref<40x128xf32, #tpu.memory_space<vmem>>)
    %dma_wait3A_78 = arith.constant 0 : i32
    %dma_wait3A_79 = arith.constant 0 : i32
    %dma_wait3A_80 = tpu.memref_slice %arg3[%dma_wait3A_78, %dma_wait3A_79] : memref<10000x128xf32, #tpu.memory_space<hbm>> -> memref<40x128xf32, #tpu.memory_space<hbm>>
    %dma_wait3A_81 = arith.constant 0 : i32
    %dma_wait3A_82 = arith.constant 0 : i32
    %dma_wait3A_83 = tpu.memref_slice %arg3[%dma_wait3A_81, %dma_wait3A_82] : memref<10000x128xf32, #tpu.memory_space<hbm>> -> memref<40x128xf32, #tpu.memory_space<hbm>>
    tpu.wait_dma2 semaphore(%arg20 : memref<!tpu.dma_semaphore, #tpu.memory_space<semaphore_mem>>) src(%dma_wait3A_83 : memref<40x128xf32, #tpu.memory_space<hbm>>) dst(%arg16 : memref<40x128xf32, #tpu.memory_space<vmem>>)
    %dma_wait3A_84 = arith.constant 0 : i32
    %dma_wait3A_85 = arith.constant 0 : i32
    %dma_wait3A_86 = tpu.memref_slice %arg2[%dma_wait3A_84, %dma_wait3A_85] : memref<10000x128xf32, #tpu.memory_space<hbm>> -> memref<40x128xf32, #tpu.memory_space<hbm>>
    %dma_wait3A_87 = arith.constant 0 : i32
    %dma_wait3A_88 = arith.constant 0 : i32
    %dma_wait3A_89 = tpu.memref_slice %arg2[%dma_wait3A_87, %dma_wait3A_88] : memref<10000x128xf32, #tpu.memory_space<hbm>> -> memref<40x128xf32, #tpu.memory_space<hbm>>
    tpu.wait_dma2 semaphore(%arg21 : memref<!tpu.dma_semaphore, #tpu.memory_space<semaphore_mem>>) src(%dma_wait3A_89 : memref<40x128xf32, #tpu.memory_space<hbm>>) dst(%arg13 : memref<40x128xf32, #tpu.memory_space<vmem>>)
    %dma_wait3A_90 = arith.constant 0 : i32
    %dma_wait3A_91 = arith.constant 0 : i32
    %dma_wait3A_92 = tpu.memref_slice %arg3[%dma_wait3A_90, %dma_wait3A_91] : memref<10000x128xf32, #tpu.memory_space<hbm>> -> memref<40x128xf32, #tpu.memory_space<hbm>>
    %dma_wait3A_93 = arith.constant 0 : i32
    %dma_wait3A_94 = arith.constant 0 : i32
    %dma_wait3A_95 = tpu.memref_slice %arg3[%dma_wait3A_93, %dma_wait3A_94] : memref<10000x128xf32, #tpu.memory_space<hbm>> -> memref<40x128xf32, #tpu.memory_space<hbm>>
    tpu.wait_dma2 semaphore(%arg21 : memref<!tpu.dma_semaphore, #tpu.memory_space<semaphore_mem>>) src(%dma_wait3A_95 : memref<40x128xf32, #tpu.memory_space<hbm>>) dst(%arg17 : memref<40x128xf32, #tpu.memory_space<vmem>>)
    %add3A_96 = arith.constant 4960 : i32
    %add3A_97 = arith.addi %mul3A_2, %add3A_96 : i32
    %dma_start3A_98 = arith.constant 0 : i32
    %dma_start3A_99 = tpu.memref_slice %arg6[%add3A_97, %dma_start3A_98] : memref<160000x128xf32, #tpu.memory_space<hbm>> -> memref<40x128xf32, #tpu.memory_space<hbm>>
    %dma_start3A_100 = arith.constant 0 : i32
    %dma_start3A_101 = tpu.memref_slice %arg6[%add3A_97, %dma_start3A_100] : memref<160000x128xf32, #tpu.memory_space<hbm>> -> memref<40x128xf32, #tpu.memory_space<hbm>>
    tpu.enqueue_dma source(%arg10 : memref<40x128xf32, #tpu.memory_space<vmem>>) target(%dma_start3A_101 : memref<40x128xf32, #tpu.memory_space<hbm>>) target_semaphore(%arg22 : memref<!tpu.dma_semaphore, #tpu.memory_space<semaphore_mem>>)
    %dma_start3A_102 = arith.constant 0 : i32
    %dma_start3A_103 = tpu.memref_slice %arg7[%add3A_97, %dma_start3A_102] : memref<160000x128xf32, #tpu.memory_space<hbm>> -> memref<40x128xf32, #tpu.memory_space<hbm>>
    %dma_start3A_104 = arith.constant 0 : i32
    %dma_start3A_105 = tpu.memref_slice %arg7[%add3A_97, %dma_start3A_104] : memref<160000x128xf32, #tpu.memory_space<hbm>> -> memref<40x128xf32, #tpu.memory_space<hbm>>
    tpu.enqueue_dma source(%arg14 : memref<40x128xf32, #tpu.memory_space<vmem>>) target(%dma_start3A_105 : memref<40x128xf32, #tpu.memory_space<hbm>>) target_semaphore(%arg22 : memref<!tpu.dma_semaphore, #tpu.memory_space<semaphore_mem>>)
    %dma_wait3A_106 = arith.constant 0 : i32
    %dma_wait3A_107 = arith.constant 0 : i32
    %dma_wait3A_108 = tpu.memref_slice %arg6[%dma_wait3A_106, %dma_wait3A_107] : memref<160000x128xf32, #tpu.memory_space<hbm>> -> memref<40x128xf32, #tpu.memory_space<hbm>>
    %dma_wait3A_109 = arith.constant 0 : i32
    %dma_wait3A_110 = arith.constant 0 : i32
    %dma_wait3A_111 = tpu.memref_slice %arg6[%dma_wait3A_109, %dma_wait3A_110] : memref<160000x128xf32, #tpu.memory_space<hbm>> -> memref<40x128xf32, #tpu.memory_space<hbm>>
    tpu.wait_dma2 semaphore(%arg22 : memref<!tpu.dma_semaphore, #tpu.memory_space<semaphore_mem>>) src(%arg10 : memref<40x128xf32, #tpu.memory_space<vmem>>) dst(%dma_wait3A_111 : memref<40x128xf32, #tpu.memory_space<hbm>>)
    %dma_wait3A_112 = arith.constant 0 : i32
    %dma_wait3A_113 = arith.constant 0 : i32
    %dma_wait3A_114 = tpu.memref_slice %arg7[%dma_wait3A_112, %dma_wait3A_113] : memref<160000x128xf32, #tpu.memory_space<hbm>> -> memref<40x128xf32, #tpu.memory_space<hbm>>
    %dma_wait3A_115 = arith.constant 0 : i32
    %dma_wait3A_116 = arith.constant 0 : i32
    %dma_wait3A_117 = tpu.memref_slice %arg7[%dma_wait3A_115, %dma_wait3A_116] : memref<160000x128xf32, #tpu.memory_space<hbm>> -> memref<40x128xf32, #tpu.memory_space<hbm>>
    tpu.wait_dma2 semaphore(%arg22 : memref<!tpu.dma_semaphore, #tpu.memory_space<semaphore_mem>>) src(%arg14 : memref<40x128xf32, #tpu.memory_space<vmem>>) dst(%dma_wait3A_117 : memref<40x128xf32, #tpu.memory_space<hbm>>)
    return
  }
}

#map = affine_map<(d0, d1) -> (0, 0)>
#map1 = affine_map<(d0, d1) -> (0)>
#map2 = affine_map<(d0, d1) -> (0, 0, 0)>
module attributes {stable_mosaic.version = 14 : i64} {
  func.func @_sc_scatter(%arg0: i32, %arg1: i32, %arg2: memref<160000x128xf32, #tpu.memory_space<hbm>>, %arg3: memref<320000xi32, #tpu.memory_space<hbm>>, %arg4: memref<8x128xf32, #tpu.memory_space<hbm>>, %arg5: memref<2x10000x128xf32, #tpu.memory_space<hbm>>, %arg6: memref<40xi32, #tpu.memory_space<vmem>>, %arg7: memref<40xi32, #tpu.memory_space<vmem>>, %arg8: memref<40xi32, #tpu.memory_space<vmem>>, %arg9: memref<40xi32, #tpu.memory_space<vmem>>, %arg10: memref<40x128xf32, #tpu.memory_space<vmem>>, %arg11: memref<40x128xf32, #tpu.memory_space<vmem>>, %arg12: memref<40x128xf32, #tpu.memory_space<vmem>>, %arg13: memref<40x128xf32, #tpu.memory_space<vmem>>, %arg14: memref<8x128xf32, #tpu.memory_space<vmem>>, %arg15: memref<10000x128xf32, #tpu.memory_space<vmem_shared>>, %arg16: memref<!tpu.dma_semaphore, #tpu.memory_space<semaphore_mem>>, %arg17: memref<!tpu.dma_semaphore, #tpu.memory_space<semaphore_mem>>, %arg18: memref<!tpu.dma_semaphore, #tpu.memory_space<semaphore_mem>>, %arg19: memref<!tpu.dma_semaphore, #tpu.memory_space<semaphore_mem>>, %arg20: memref<!tpu.dma_semaphore, #tpu.memory_space<semaphore_mem>>, %arg21: memref<!tpu.dma_semaphore, #tpu.memory_space<semaphore_mem>>, %arg22: memref<!tpu.dma_semaphore, #tpu.memory_space<semaphore_mem>>, %arg23: memref<!tpu.dma_semaphore, #tpu.memory_space<semaphore_mem>>) attributes {dimension_semantics = [#tpu.dimension_semantics<core_parallel>, #tpu.dimension_semantics<subcore_parallel>], iteration_bounds = array<i64: 2, 16>, scalar_prefetch = 0 : i64, scratch_operands = 18 : i64, tpu.core_type = #tpu.core_type<sc_vector_subcore>, window_params = [{transform_indices = #map}, {transform_indices = #map1}, {transform_indices = #map}, {transform_indices = #map2}]} {
    %mul3A = arith.constant 2 : i32
    %mul3A_0 = arith.muli %arg1, %mul3A : i32
    %add3A = arith.addi %mul3A_0, %arg0 : i32
    %mul3A_1 = arith.constant 5000 : i32
    %mul3A_2 = arith.muli %add3A, %mul3A_1 : i32
    %add3A_3 = arith.constant 0 : i32
    %add3A_4 = arith.addi %add3A_3, %mul3A_2 : i32
    %eq3A = arith.constant 15 : i32
    %eq3A_5 = arith.cmpi eq, %arg1, %eq3A : i32
    "tpu.region"() ({
      %run_scoped3A = tpu.sem_alloc : memref<!tpu.dma_semaphore, #tpu.memory_space<semaphore_mem>>
      tpu.enqueue_dma source(%arg4 : memref<8x128xf32, #tpu.memory_space<hbm>>) target(%arg14 : memref<8x128xf32, #tpu.memory_space<vmem>>) target_semaphore(%run_scoped3A : memref<!tpu.dma_semaphore, #tpu.memory_space<semaphore_mem>>)
      tpu.wait_dma2 semaphore(%run_scoped3A : memref<!tpu.dma_semaphore, #tpu.memory_space<semaphore_mem>>) src(%arg4 : memref<8x128xf32, #tpu.memory_space<hbm>>) dst(%arg14 : memref<8x128xf32, #tpu.memory_space<vmem>>)
      tpu.yield
    }) : () -> ()
    %jit3A = arith.constant 65 : i32
    %jit3A_6 = arith.constant 79 : i32
    %select_n3A = arith.select %eq3A_5, %jit3A, %jit3A_6 : i32
    %while3A = arith.constant 0 : i32
    %while3A_7 = arith.constant 0 : i32
    %while3A_8 = arith.subi %select_n3A, %while3A_7 : i32
    %while3A_9 = arith.addi %while3A_7, %while3A_8 : i32
    %while3A_10 = arith.constant 1 : i32
    %while3A_11 = arith.divsi %while3A_8, %while3A_10 : i32
    %while3A_12 = arith.muli %while3A_11, %while3A_10 : i32
    %while3A_13 = arith.addi %while3A_7, %while3A_12 : i32
    %while3A_14 = arith.constant 1 : i32
    scf.for %while3A_114 = %while3A_7 to %while3A_13 step %while3A_14  : i32 {
      %mul3A_115 = arith.constant 632 : i32
      %mul3A_116 = arith.muli %arg1, %mul3A_115 : i32
      %mul3A_117 = arith.constant 8 : i32
      %mul3A_118 = arith.muli %while3A_114, %mul3A_117 : i32
      %add3A_119 = arith.addi %mul3A_116, %mul3A_118 : i32
      "tpu.region"() ({
        %run_scoped3A = tpu.sem_alloc : memref<!tpu.dma_semaphore, #tpu.memory_space<semaphore_mem>>
        %dma_start3A_120 = arith.constant 0 : i32
        %dma_start3A_121 = tpu.memref_slice %arg15[%add3A_119, %dma_start3A_120] : memref<10000x128xf32, #tpu.memory_space<vmem_shared>> -> memref<8x128xf32, #tpu.memory_space<vmem_shared>>
        %dma_start3A_122 = arith.constant 0 : i32
        %dma_start3A_123 = tpu.memref_slice %arg15[%add3A_119, %dma_start3A_122] : memref<10000x128xf32, #tpu.memory_space<vmem_shared>> -> memref<8x128xf32, #tpu.memory_space<vmem_shared>>
        tpu.enqueue_dma source(%arg14 : memref<8x128xf32, #tpu.memory_space<vmem>>) target(%dma_start3A_123 : memref<8x128xf32, #tpu.memory_space<vmem_shared>>) target_semaphore(%run_scoped3A : memref<!tpu.dma_semaphore, #tpu.memory_space<semaphore_mem>>)
        %dma_wait3A_124 = arith.constant 0 : i32
        %dma_wait3A_125 = tpu.memref_slice %arg15[%add3A_119, %dma_wait3A_124] : memref<10000x128xf32, #tpu.memory_space<vmem_shared>> -> memref<8x128xf32, #tpu.memory_space<vmem_shared>>
        %dma_wait3A_126 = arith.constant 0 : i32
        %dma_wait3A_127 = tpu.memref_slice %arg15[%add3A_119, %dma_wait3A_126] : memref<10000x128xf32, #tpu.memory_space<vmem_shared>> -> memref<8x128xf32, #tpu.memory_space<vmem_shared>>
        tpu.wait_dma2 semaphore(%run_scoped3A : memref<!tpu.dma_semaphore, #tpu.memory_space<semaphore_mem>>) src(%arg14 : memref<8x128xf32, #tpu.memory_space<vmem>>) dst(%dma_wait3A_127 : memref<8x128xf32, #tpu.memory_space<vmem_shared>>)
        tpu.yield
      }) : () -> ()
    }
    %while3A_15 = arith.constant 1 : i32
    scf.for %while3A_114 = %while3A_13 to %while3A_9 step %while3A_15  : i32 {
      %mul3A_115 = arith.constant 632 : i32
      %mul3A_116 = arith.muli %arg1, %mul3A_115 : i32
      %mul3A_117 = arith.constant 8 : i32
      %mul3A_118 = arith.muli %while3A_114, %mul3A_117 : i32
      %add3A_119 = arith.addi %mul3A_116, %mul3A_118 : i32
      "tpu.region"() ({
        %run_scoped3A = tpu.sem_alloc : memref<!tpu.dma_semaphore, #tpu.memory_space<semaphore_mem>>
        %dma_start3A_120 = arith.constant 0 : i32
        %dma_start3A_121 = tpu.memref_slice %arg15[%add3A_119, %dma_start3A_120] : memref<10000x128xf32, #tpu.memory_space<vmem_shared>> -> memref<8x128xf32, #tpu.memory_space<vmem_shared>>
        %dma_start3A_122 = arith.constant 0 : i32
        %dma_start3A_123 = tpu.memref_slice %arg15[%add3A_119, %dma_start3A_122] : memref<10000x128xf32, #tpu.memory_space<vmem_shared>> -> memref<8x128xf32, #tpu.memory_space<vmem_shared>>
        tpu.enqueue_dma source(%arg14 : memref<8x128xf32, #tpu.memory_space<vmem>>) target(%dma_start3A_123 : memref<8x128xf32, #tpu.memory_space<vmem_shared>>) target_semaphore(%run_scoped3A : memref<!tpu.dma_semaphore, #tpu.memory_space<semaphore_mem>>)
        %dma_wait3A_124 = arith.constant 0 : i32
        %dma_wait3A_125 = tpu.memref_slice %arg15[%add3A_119, %dma_wait3A_124] : memref<10000x128xf32, #tpu.memory_space<vmem_shared>> -> memref<8x128xf32, #tpu.memory_space<vmem_shared>>
        %dma_wait3A_126 = arith.constant 0 : i32
        %dma_wait3A_127 = tpu.memref_slice %arg15[%add3A_119, %dma_wait3A_126] : memref<10000x128xf32, #tpu.memory_space<vmem_shared>> -> memref<8x128xf32, #tpu.memory_space<vmem_shared>>
        tpu.wait_dma2 semaphore(%run_scoped3A : memref<!tpu.dma_semaphore, #tpu.memory_space<semaphore_mem>>) src(%arg14 : memref<8x128xf32, #tpu.memory_space<vmem>>) dst(%dma_wait3A_127 : memref<8x128xf32, #tpu.memory_space<vmem_shared>>)
        tpu.yield
      }) : () -> ()
    }
    %barrier3A = arith.constant 0 : index
    tpu.barrier barrier_id(%barrier3A)
    %add3A_16 = arith.constant 0 : i32
    %add3A_17 = arith.addi %add3A_4, %add3A_16 : i32
    %dma_start3A = tpu.memref_slice %arg3[%add3A_17] : memref<320000xi32, #tpu.memory_space<hbm>> -> memref<40xi32, #tpu.memory_space<hbm>>
    %dma_start3A_18 = tpu.memref_slice %arg3[%add3A_17] : memref<320000xi32, #tpu.memory_space<hbm>> -> memref<40xi32, #tpu.memory_space<hbm>>
    tpu.enqueue_dma source(%dma_start3A_18 : memref<40xi32, #tpu.memory_space<hbm>>) target(%arg6 : memref<40xi32, #tpu.memory_space<vmem>>) target_semaphore(%arg16 : memref<!tpu.dma_semaphore, #tpu.memory_space<semaphore_mem>>)
    %add3A_19 = arith.constant 0 : i32
    %add3A_20 = arith.addi %mul3A_2, %add3A_19 : i32
    %dma_start3A_21 = arith.constant 0 : i32
    %dma_start3A_22 = tpu.memref_slice %arg2[%add3A_20, %dma_start3A_21] : memref<160000x128xf32, #tpu.memory_space<hbm>> -> memref<40x128xf32, #tpu.memory_space<hbm>>
    %dma_start3A_23 = arith.constant 0 : i32
    %dma_start3A_24 = tpu.memref_slice %arg2[%add3A_20, %dma_start3A_23] : memref<160000x128xf32, #tpu.memory_space<hbm>> -> memref<40x128xf32, #tpu.memory_space<hbm>>
    tpu.enqueue_dma source(%dma_start3A_24 : memref<40x128xf32, #tpu.memory_space<hbm>>) target(%arg10 : memref<40x128xf32, #tpu.memory_space<vmem>>) target_semaphore(%arg16 : memref<!tpu.dma_semaphore, #tpu.memory_space<semaphore_mem>>)
    %add3A_25 = arith.constant 40 : i32
    %add3A_26 = arith.addi %add3A_4, %add3A_25 : i32
    %dma_start3A_27 = tpu.memref_slice %arg3[%add3A_26] : memref<320000xi32, #tpu.memory_space<hbm>> -> memref<40xi32, #tpu.memory_space<hbm>>
    %dma_start3A_28 = tpu.memref_slice %arg3[%add3A_26] : memref<320000xi32, #tpu.memory_space<hbm>> -> memref<40xi32, #tpu.memory_space<hbm>>
    tpu.enqueue_dma source(%dma_start3A_28 : memref<40xi32, #tpu.memory_space<hbm>>) target(%arg7 : memref<40xi32, #tpu.memory_space<vmem>>) target_semaphore(%arg17 : memref<!tpu.dma_semaphore, #tpu.memory_space<semaphore_mem>>)
    %add3A_29 = arith.constant 40 : i32
    %add3A_30 = arith.addi %mul3A_2, %add3A_29 : i32
    %dma_start3A_31 = arith.constant 0 : i32
    %dma_start3A_32 = tpu.memref_slice %arg2[%add3A_30, %dma_start3A_31] : memref<160000x128xf32, #tpu.memory_space<hbm>> -> memref<40x128xf32, #tpu.memory_space<hbm>>
    %dma_start3A_33 = arith.constant 0 : i32
    %dma_start3A_34 = tpu.memref_slice %arg2[%add3A_30, %dma_start3A_33] : memref<160000x128xf32, #tpu.memory_space<hbm>> -> memref<40x128xf32, #tpu.memory_space<hbm>>
    tpu.enqueue_dma source(%dma_start3A_34 : memref<40x128xf32, #tpu.memory_space<hbm>>) target(%arg11 : memref<40x128xf32, #tpu.memory_space<vmem>>) target_semaphore(%arg17 : memref<!tpu.dma_semaphore, #tpu.memory_space<semaphore_mem>>)
    %add3A_35 = arith.constant 80 : i32
    %add3A_36 = arith.addi %add3A_4, %add3A_35 : i32
    %dma_start3A_37 = tpu.memref_slice %arg3[%add3A_36] : memref<320000xi32, #tpu.memory_space<hbm>> -> memref<40xi32, #tpu.memory_space<hbm>>
    %dma_start3A_38 = tpu.memref_slice %arg3[%add3A_36] : memref<320000xi32, #tpu.memory_space<hbm>> -> memref<40xi32, #tpu.memory_space<hbm>>
    tpu.enqueue_dma source(%dma_start3A_38 : memref<40xi32, #tpu.memory_space<hbm>>) target(%arg8 : memref<40xi32, #tpu.memory_space<vmem>>) target_semaphore(%arg18 : memref<!tpu.dma_semaphore, #tpu.memory_space<semaphore_mem>>)
    %add3A_39 = arith.constant 80 : i32
    %add3A_40 = arith.addi %mul3A_2, %add3A_39 : i32
    %dma_start3A_41 = arith.constant 0 : i32
    %dma_start3A_42 = tpu.memref_slice %arg2[%add3A_40, %dma_start3A_41] : memref<160000x128xf32, #tpu.memory_space<hbm>> -> memref<40x128xf32, #tpu.memory_space<hbm>>
    %dma_start3A_43 = arith.constant 0 : i32
    %dma_start3A_44 = tpu.memref_slice %arg2[%add3A_40, %dma_start3A_43] : memref<160000x128xf32, #tpu.memory_space<hbm>> -> memref<40x128xf32, #tpu.memory_space<hbm>>
    tpu.enqueue_dma source(%dma_start3A_44 : memref<40x128xf32, #tpu.memory_space<hbm>>) target(%arg12 : memref<40x128xf32, #tpu.memory_space<vmem>>) target_semaphore(%arg18 : memref<!tpu.dma_semaphore, #tpu.memory_space<semaphore_mem>>)
    %add3A_45 = arith.constant 120 : i32
    %add3A_46 = arith.addi %add3A_4, %add3A_45 : i32
    %dma_start3A_47 = tpu.memref_slice %arg3[%add3A_46] : memref<320000xi32, #tpu.memory_space<hbm>> -> memref<40xi32, #tpu.memory_space<hbm>>
    %dma_start3A_48 = tpu.memref_slice %arg3[%add3A_46] : memref<320000xi32, #tpu.memory_space<hbm>> -> memref<40xi32, #tpu.memory_space<hbm>>
    tpu.enqueue_dma source(%dma_start3A_48 : memref<40xi32, #tpu.memory_space<hbm>>) target(%arg9 : memref<40xi32, #tpu.memory_space<vmem>>) target_semaphore(%arg19 : memref<!tpu.dma_semaphore, #tpu.memory_space<semaphore_mem>>)
    %add3A_49 = arith.constant 120 : i32
    %add3A_50 = arith.addi %mul3A_2, %add3A_49 : i32
    %dma_start3A_51 = arith.constant 0 : i32
    %dma_start3A_52 = tpu.memref_slice %arg2[%add3A_50, %dma_start3A_51] : memref<160000x128xf32, #tpu.memory_space<hbm>> -> memref<40x128xf32, #tpu.memory_space<hbm>>
    %dma_start3A_53 = arith.constant 0 : i32
    %dma_start3A_54 = tpu.memref_slice %arg2[%add3A_50, %dma_start3A_53] : memref<160000x128xf32, #tpu.memory_space<hbm>> -> memref<40x128xf32, #tpu.memory_space<hbm>>
    tpu.enqueue_dma source(%dma_start3A_54 : memref<40x128xf32, #tpu.memory_space<hbm>>) target(%arg13 : memref<40x128xf32, #tpu.memory_space<vmem>>) target_semaphore(%arg19 : memref<!tpu.dma_semaphore, #tpu.memory_space<semaphore_mem>>)
    %scan3A = arith.constant 0 : i32
    %scan3A_55 = arith.constant 0 : i32
    %scan3A_56 = arith.constant 31 : i32
    %scan3A_57 = arith.addi %scan3A_55, %scan3A_56 : i32
    %scan3A_58 = arith.constant 1 : i32
    scf.for %scan3A_114 = %scan3A_55 to %scan3A_57 step %scan3A_58  : i32 {
      %mul3A_115 = arith.constant 4 : i32
      %mul3A_116 = arith.muli %scan3A_114, %mul3A_115 : i32
      %dma_wait3A_117 = arith.constant 0 : i32
      %dma_wait3A_118 = tpu.memref_slice %arg3[%dma_wait3A_117] : memref<320000xi32, #tpu.memory_space<hbm>> -> memref<40xi32, #tpu.memory_space<hbm>>
      %dma_wait3A_119 = arith.constant 0 : i32
      %dma_wait3A_120 = tpu.memref_slice %arg3[%dma_wait3A_119] : memref<320000xi32, #tpu.memory_space<hbm>> -> memref<40xi32, #tpu.memory_space<hbm>>
      tpu.wait_dma2 semaphore(%arg16 : memref<!tpu.dma_semaphore, #tpu.memory_space<semaphore_mem>>) src(%dma_wait3A_120 : memref<40xi32, #tpu.memory_space<hbm>>) dst(%arg6 : memref<40xi32, #tpu.memory_space<vmem>>)
      %dma_wait3A_121 = arith.constant 0 : i32
      %dma_wait3A_122 = arith.constant 0 : i32
      %dma_wait3A_123 = tpu.memref_slice %arg2[%dma_wait3A_121, %dma_wait3A_122] : memref<160000x128xf32, #tpu.memory_space<hbm>> -> memref<40x128xf32, #tpu.memory_space<hbm>>
      %dma_wait3A_124 = arith.constant 0 : i32
      %dma_wait3A_125 = arith.constant 0 : i32
      %dma_wait3A_126 = tpu.memref_slice %arg2[%dma_wait3A_124, %dma_wait3A_125] : memref<160000x128xf32, #tpu.memory_space<hbm>> -> memref<40x128xf32, #tpu.memory_space<hbm>>
      tpu.wait_dma2 semaphore(%arg16 : memref<!tpu.dma_semaphore, #tpu.memory_space<semaphore_mem>>) src(%dma_wait3A_126 : memref<40x128xf32, #tpu.memory_space<hbm>>) dst(%arg10 : memref<40x128xf32, #tpu.memory_space<vmem>>)
      %dma_start3A_127 = arith.constant 0 : i32
      %dma_start3A_128 = arith.constant 0 : i32
      %dma_start3A_129 = tpu.memref_slice %arg15[%dma_start3A_127, %dma_start3A_128] : memref<10000x128xf32, #tpu.memory_space<vmem_shared>> -> memref<10000x128xf32, #tpu.memory_space<vmem_shared>>
      tpu.enqueue_indirect_dma source(%arg10 : memref<40x128xf32, #tpu.memory_space<vmem>>) target(%dma_start3A_129 : memref<10000x128xf32, #tpu.memory_space<vmem_shared>>) offsets(%arg6 : memref<40xi32, #tpu.memory_space<vmem>>) semaphore(%arg20 : memref<!tpu.dma_semaphore, #tpu.memory_space<semaphore_mem>>) {add = true}
      %dma_wait3A_130 = arith.constant 0 : i32
      %dma_wait3A_131 = tpu.memref_slice %arg3[%dma_wait3A_130] : memref<320000xi32, #tpu.memory_space<hbm>> -> memref<40xi32, #tpu.memory_space<hbm>>
      %dma_wait3A_132 = arith.constant 0 : i32
      %dma_wait3A_133 = tpu.memref_slice %arg3[%dma_wait3A_132] : memref<320000xi32, #tpu.memory_space<hbm>> -> memref<40xi32, #tpu.memory_space<hbm>>
      tpu.wait_dma2 semaphore(%arg17 : memref<!tpu.dma_semaphore, #tpu.memory_space<semaphore_mem>>) src(%dma_wait3A_133 : memref<40xi32, #tpu.memory_space<hbm>>) dst(%arg7 : memref<40xi32, #tpu.memory_space<vmem>>)
      %dma_wait3A_134 = arith.constant 0 : i32
      %dma_wait3A_135 = arith.constant 0 : i32
      %dma_wait3A_136 = tpu.memref_slice %arg2[%dma_wait3A_134, %dma_wait3A_135] : memref<160000x128xf32, #tpu.memory_space<hbm>> -> memref<40x128xf32, #tpu.memory_space<hbm>>
      %dma_wait3A_137 = arith.constant 0 : i32
      %dma_wait3A_138 = arith.constant 0 : i32
      %dma_wait3A_139 = tpu.memref_slice %arg2[%dma_wait3A_137, %dma_wait3A_138] : memref<160000x128xf32, #tpu.memory_space<hbm>> -> memref<40x128xf32, #tpu.memory_space<hbm>>
      tpu.wait_dma2 semaphore(%arg17 : memref<!tpu.dma_semaphore, #tpu.memory_space<semaphore_mem>>) src(%dma_wait3A_139 : memref<40x128xf32, #tpu.memory_space<hbm>>) dst(%arg11 : memref<40x128xf32, #tpu.memory_space<vmem>>)
      %dma_start3A_140 = arith.constant 0 : i32
      %dma_start3A_141 = arith.constant 0 : i32
      %dma_start3A_142 = tpu.memref_slice %arg15[%dma_start3A_140, %dma_start3A_141] : memref<10000x128xf32, #tpu.memory_space<vmem_shared>> -> memref<10000x128xf32, #tpu.memory_space<vmem_shared>>
      tpu.enqueue_indirect_dma source(%arg11 : memref<40x128xf32, #tpu.memory_space<vmem>>) target(%dma_start3A_142 : memref<10000x128xf32, #tpu.memory_space<vmem_shared>>) offsets(%arg7 : memref<40xi32, #tpu.memory_space<vmem>>) semaphore(%arg21 : memref<!tpu.dma_semaphore, #tpu.memory_space<semaphore_mem>>) {add = true}
      %dma_wait3A_143 = arith.constant 0 : i32
      %dma_wait3A_144 = tpu.memref_slice %arg3[%dma_wait3A_143] : memref<320000xi32, #tpu.memory_space<hbm>> -> memref<40xi32, #tpu.memory_space<hbm>>
      %dma_wait3A_145 = arith.constant 0 : i32
      %dma_wait3A_146 = tpu.memref_slice %arg3[%dma_wait3A_145] : memref<320000xi32, #tpu.memory_space<hbm>> -> memref<40xi32, #tpu.memory_space<hbm>>
      tpu.wait_dma2 semaphore(%arg18 : memref<!tpu.dma_semaphore, #tpu.memory_space<semaphore_mem>>) src(%dma_wait3A_146 : memref<40xi32, #tpu.memory_space<hbm>>) dst(%arg8 : memref<40xi32, #tpu.memory_space<vmem>>)
      %dma_wait3A_147 = arith.constant 0 : i32
      %dma_wait3A_148 = arith.constant 0 : i32
      %dma_wait3A_149 = tpu.memref_slice %arg2[%dma_wait3A_147, %dma_wait3A_148] : memref<160000x128xf32, #tpu.memory_space<hbm>> -> memref<40x128xf32, #tpu.memory_space<hbm>>
      %dma_wait3A_150 = arith.constant 0 : i32
      %dma_wait3A_151 = arith.constant 0 : i32
      %dma_wait3A_152 = tpu.memref_slice %arg2[%dma_wait3A_150, %dma_wait3A_151] : memref<160000x128xf32, #tpu.memory_space<hbm>> -> memref<40x128xf32, #tpu.memory_space<hbm>>
      tpu.wait_dma2 semaphore(%arg18 : memref<!tpu.dma_semaphore, #tpu.memory_space<semaphore_mem>>) src(%dma_wait3A_152 : memref<40x128xf32, #tpu.memory_space<hbm>>) dst(%arg12 : memref<40x128xf32, #tpu.memory_space<vmem>>)
      %dma_start3A_153 = arith.constant 0 : i32
      %dma_start3A_154 = arith.constant 0 : i32
      %dma_start3A_155 = tpu.memref_slice %arg15[%dma_start3A_153, %dma_start3A_154] : memref<10000x128xf32, #tpu.memory_space<vmem_shared>> -> memref<10000x128xf32, #tpu.memory_space<vmem_shared>>
      tpu.enqueue_indirect_dma source(%arg12 : memref<40x128xf32, #tpu.memory_space<vmem>>) target(%dma_start3A_155 : memref<10000x128xf32, #tpu.memory_space<vmem_shared>>) offsets(%arg8 : memref<40xi32, #tpu.memory_space<vmem>>) semaphore(%arg22 : memref<!tpu.dma_semaphore, #tpu.memory_space<semaphore_mem>>) {add = true}
      %dma_wait3A_156 = arith.constant 0 : i32
      %dma_wait3A_157 = tpu.memref_slice %arg3[%dma_wait3A_156] : memref<320000xi32, #tpu.memory_space<hbm>> -> memref<40xi32, #tpu.memory_space<hbm>>
      %dma_wait3A_158 = arith.constant 0 : i32
      %dma_wait3A_159 = tpu.memref_slice %arg3[%dma_wait3A_158] : memref<320000xi32, #tpu.memory_space<hbm>> -> memref<40xi32, #tpu.memory_space<hbm>>
      tpu.wait_dma2 semaphore(%arg19 : memref<!tpu.dma_semaphore, #tpu.memory_space<semaphore_mem>>) src(%dma_wait3A_159 : memref<40xi32, #tpu.memory_space<hbm>>) dst(%arg9 : memref<40xi32, #tpu.memory_space<vmem>>)
      %dma_wait3A_160 = arith.constant 0 : i32
      %dma_wait3A_161 = arith.constant 0 : i32
      %dma_wait3A_162 = tpu.memref_slice %arg2[%dma_wait3A_160, %dma_wait3A_161] : memref<160000x128xf32, #tpu.memory_space<hbm>> -> memref<40x128xf32, #tpu.memory_space<hbm>>
      %dma_wait3A_163 = arith.constant 0 : i32
      %dma_wait3A_164 = arith.constant 0 : i32
      %dma_wait3A_165 = tpu.memref_slice %arg2[%dma_wait3A_163, %dma_wait3A_164] : memref<160000x128xf32, #tpu.memory_space<hbm>> -> memref<40x128xf32, #tpu.memory_space<hbm>>
      tpu.wait_dma2 semaphore(%arg19 : memref<!tpu.dma_semaphore, #tpu.memory_space<semaphore_mem>>) src(%dma_wait3A_165 : memref<40x128xf32, #tpu.memory_space<hbm>>) dst(%arg13 : memref<40x128xf32, #tpu.memory_space<vmem>>)
      %dma_start3A_166 = arith.constant 0 : i32
      %dma_start3A_167 = arith.constant 0 : i32
      %dma_start3A_168 = tpu.memref_slice %arg15[%dma_start3A_166, %dma_start3A_167] : memref<10000x128xf32, #tpu.memory_space<vmem_shared>> -> memref<10000x128xf32, #tpu.memory_space<vmem_shared>>
      tpu.enqueue_indirect_dma source(%arg13 : memref<40x128xf32, #tpu.memory_space<vmem>>) target(%dma_start3A_168 : memref<10000x128xf32, #tpu.memory_space<vmem_shared>>) offsets(%arg9 : memref<40xi32, #tpu.memory_space<vmem>>) semaphore(%arg23 : memref<!tpu.dma_semaphore, #tpu.memory_space<semaphore_mem>>) {add = true}
      %dma_wait3A_169 = arith.constant 0 : i32
      %dma_wait3A_170 = arith.constant 0 : i32
      %dma_wait3A_171 = tpu.memref_slice %arg2[%dma_wait3A_169, %dma_wait3A_170] : memref<160000x128xf32, #tpu.memory_space<hbm>> -> memref<40x128xf32, #tpu.memory_space<hbm>>
      %dma_wait3A_172 = arith.constant 0 : i32
      %dma_wait3A_173 = arith.constant 0 : i32
      %dma_wait3A_174 = tpu.memref_slice %arg2[%dma_wait3A_172, %dma_wait3A_173] : memref<160000x128xf32, #tpu.memory_space<hbm>> -> memref<40x128xf32, #tpu.memory_space<hbm>>
      tpu.wait_dma2 semaphore(%arg20 : memref<!tpu.dma_semaphore, #tpu.memory_space<semaphore_mem>>) src(%dma_wait3A_174 : memref<40x128xf32, #tpu.memory_space<hbm>>) dst(%arg10 : memref<40x128xf32, #tpu.memory_space<vmem>>)
      %add3A_175 = arith.constant 0 : i32
      %add3A_176 = arith.addi %mul3A_116, %add3A_175 : i32
      %add3A_177 = arith.constant 4 : i32
      %add3A_178 = arith.addi %add3A_176, %add3A_177 : i32
      %min3A = arith.constant 124 : i32
      %min3A_179 = arith.minsi %add3A_178, %min3A : i32
      %mul3A_180 = arith.constant 40 : i32
      %mul3A_181 = arith.muli %min3A_179, %mul3A_180 : i32
      %add3A_182 = arith.addi %add3A_4, %mul3A_181 : i32
      %dma_start3A_183 = tpu.memref_slice %arg3[%add3A_182] : memref<320000xi32, #tpu.memory_space<hbm>> -> memref<40xi32, #tpu.memory_space<hbm>>
      %dma_start3A_184 = tpu.memref_slice %arg3[%add3A_182] : memref<320000xi32, #tpu.memory_space<hbm>> -> memref<40xi32, #tpu.memory_space<hbm>>
      tpu.enqueue_dma source(%dma_start3A_184 : memref<40xi32, #tpu.memory_space<hbm>>) target(%arg6 : memref<40xi32, #tpu.memory_space<vmem>>) target_semaphore(%arg16 : memref<!tpu.dma_semaphore, #tpu.memory_space<semaphore_mem>>)
      %mul3A_185 = arith.constant 40 : i32
      %mul3A_186 = arith.muli %min3A_179, %mul3A_185 : i32
      %add3A_187 = arith.addi %mul3A_2, %mul3A_186 : i32
      %dma_start3A_188 = arith.constant 0 : i32
      %dma_start3A_189 = tpu.memref_slice %arg2[%add3A_187, %dma_start3A_188] : memref<160000x128xf32, #tpu.memory_space<hbm>> -> memref<40x128xf32, #tpu.memory_space<hbm>>
      %dma_start3A_190 = arith.constant 0 : i32
      %dma_start3A_191 = tpu.memref_slice %arg2[%add3A_187, %dma_start3A_190] : memref<160000x128xf32, #tpu.memory_space<hbm>> -> memref<40x128xf32, #tpu.memory_space<hbm>>
      tpu.enqueue_dma source(%dma_start3A_191 : memref<40x128xf32, #tpu.memory_space<hbm>>) target(%arg10 : memref<40x128xf32, #tpu.memory_space<vmem>>) target_semaphore(%arg16 : memref<!tpu.dma_semaphore, #tpu.memory_space<semaphore_mem>>)
      %dma_wait3A_192 = arith.constant 0 : i32
      %dma_wait3A_193 = arith.constant 0 : i32
      %dma_wait3A_194 = tpu.memref_slice %arg2[%dma_wait3A_192, %dma_wait3A_193] : memref<160000x128xf32, #tpu.memory_space<hbm>> -> memref<40x128xf32, #tpu.memory_space<hbm>>
      %dma_wait3A_195 = arith.constant 0 : i32
      %dma_wait3A_196 = arith.constant 0 : i32
      %dma_wait3A_197 = tpu.memref_slice %arg2[%dma_wait3A_195, %dma_wait3A_196] : memref<160000x128xf32, #tpu.memory_space<hbm>> -> memref<40x128xf32, #tpu.memory_space<hbm>>
      tpu.wait_dma2 semaphore(%arg21 : memref<!tpu.dma_semaphore, #tpu.memory_space<semaphore_mem>>) src(%dma_wait3A_197 : memref<40x128xf32, #tpu.memory_space<hbm>>) dst(%arg11 : memref<40x128xf32, #tpu.memory_space<vmem>>)
      %add3A_198 = arith.constant 1 : i32
      %add3A_199 = arith.addi %mul3A_116, %add3A_198 : i32
      %add3A_200 = arith.constant 4 : i32
      %add3A_201 = arith.addi %add3A_199, %add3A_200 : i32
      %min3A_202 = arith.constant 124 : i32
      %min3A_203 = arith.minsi %add3A_201, %min3A_202 : i32
      %mul3A_204 = arith.constant 40 : i32
      %mul3A_205 = arith.muli %min3A_203, %mul3A_204 : i32
      %add3A_206 = arith.addi %add3A_4, %mul3A_205 : i32
      %dma_start3A_207 = tpu.memref_slice %arg3[%add3A_206] : memref<320000xi32, #tpu.memory_space<hbm>> -> memref<40xi32, #tpu.memory_space<hbm>>
      %dma_start3A_208 = tpu.memref_slice %arg3[%add3A_206] : memref<320000xi32, #tpu.memory_space<hbm>> -> memref<40xi32, #tpu.memory_space<hbm>>
      tpu.enqueue_dma source(%dma_start3A_208 : memref<40xi32, #tpu.memory_space<hbm>>) target(%arg7 : memref<40xi32, #tpu.memory_space<vmem>>) target_semaphore(%arg17 : memref<!tpu.dma_semaphore, #tpu.memory_space<semaphore_mem>>)
      %mul3A_209 = arith.constant 40 : i32
      %mul3A_210 = arith.muli %min3A_203, %mul3A_209 : i32
      %add3A_211 = arith.addi %mul3A_2, %mul3A_210 : i32
      %dma_start3A_212 = arith.constant 0 : i32
      %dma_start3A_213 = tpu.memref_slice %arg2[%add3A_211, %dma_start3A_212] : memref<160000x128xf32, #tpu.memory_space<hbm>> -> memref<40x128xf32, #tpu.memory_space<hbm>>
      %dma_start3A_214 = arith.constant 0 : i32
      %dma_start3A_215 = tpu.memref_slice %arg2[%add3A_211, %dma_start3A_214] : memref<160000x128xf32, #tpu.memory_space<hbm>> -> memref<40x128xf32, #tpu.memory_space<hbm>>
      tpu.enqueue_dma source(%dma_start3A_215 : memref<40x128xf32, #tpu.memory_space<hbm>>) target(%arg11 : memref<40x128xf32, #tpu.memory_space<vmem>>) target_semaphore(%arg17 : memref<!tpu.dma_semaphore, #tpu.memory_space<semaphore_mem>>)
      %dma_wait3A_216 = arith.constant 0 : i32
      %dma_wait3A_217 = arith.constant 0 : i32
      %dma_wait3A_218 = tpu.memref_slice %arg2[%dma_wait3A_216, %dma_wait3A_217] : memref<160000x128xf32, #tpu.memory_space<hbm>> -> memref<40x128xf32, #tpu.memory_space<hbm>>
      %dma_wait3A_219 = arith.constant 0 : i32
      %dma_wait3A_220 = arith.constant 0 : i32
      %dma_wait3A_221 = tpu.memref_slice %arg2[%dma_wait3A_219, %dma_wait3A_220] : memref<160000x128xf32, #tpu.memory_space<hbm>> -> memref<40x128xf32, #tpu.memory_space<hbm>>
      tpu.wait_dma2 semaphore(%arg22 : memref<!tpu.dma_semaphore, #tpu.memory_space<semaphore_mem>>) src(%dma_wait3A_221 : memref<40x128xf32, #tpu.memory_space<hbm>>) dst(%arg12 : memref<40x128xf32, #tpu.memory_space<vmem>>)
      %add3A_222 = arith.constant 2 : i32
      %add3A_223 = arith.addi %mul3A_116, %add3A_222 : i32
      %add3A_224 = arith.constant 4 : i32
      %add3A_225 = arith.addi %add3A_223, %add3A_224 : i32
      %min3A_226 = arith.constant 124 : i32
      %min3A_227 = arith.minsi %add3A_225, %min3A_226 : i32
      %mul3A_228 = arith.constant 40 : i32
      %mul3A_229 = arith.muli %min3A_227, %mul3A_228 : i32
      %add3A_230 = arith.addi %add3A_4, %mul3A_229 : i32
      %dma_start3A_231 = tpu.memref_slice %arg3[%add3A_230] : memref<320000xi32, #tpu.memory_space<hbm>> -> memref<40xi32, #tpu.memory_space<hbm>>
      %dma_start3A_232 = tpu.memref_slice %arg3[%add3A_230] : memref<320000xi32, #tpu.memory_space<hbm>> -> memref<40xi32, #tpu.memory_space<hbm>>
      tpu.enqueue_dma source(%dma_start3A_232 : memref<40xi32, #tpu.memory_space<hbm>>) target(%arg8 : memref<40xi32, #tpu.memory_space<vmem>>) target_semaphore(%arg18 : memref<!tpu.dma_semaphore, #tpu.memory_space<semaphore_mem>>)
      %mul3A_233 = arith.constant 40 : i32
      %mul3A_234 = arith.muli %min3A_227, %mul3A_233 : i32
      %add3A_235 = arith.addi %mul3A_2, %mul3A_234 : i32
      %dma_start3A_236 = arith.constant 0 : i32
      %dma_start3A_237 = tpu.memref_slice %arg2[%add3A_235, %dma_start3A_236] : memref<160000x128xf32, #tpu.memory_space<hbm>> -> memref<40x128xf32, #tpu.memory_space<hbm>>
      %dma_start3A_238 = arith.constant 0 : i32
      %dma_start3A_239 = tpu.memref_slice %arg2[%add3A_235, %dma_start3A_238] : memref<160000x128xf32, #tpu.memory_space<hbm>> -> memref<40x128xf32, #tpu.memory_space<hbm>>
      tpu.enqueue_dma source(%dma_start3A_239 : memref<40x128xf32, #tpu.memory_space<hbm>>) target(%arg12 : memref<40x128xf32, #tpu.memory_space<vmem>>) target_semaphore(%arg18 : memref<!tpu.dma_semaphore, #tpu.memory_space<semaphore_mem>>)
      %dma_wait3A_240 = arith.constant 0 : i32
      %dma_wait3A_241 = arith.constant 0 : i32
      %dma_wait3A_242 = tpu.memref_slice %arg2[%dma_wait3A_240, %dma_wait3A_241] : memref<160000x128xf32, #tpu.memory_space<hbm>> -> memref<40x128xf32, #tpu.memory_space<hbm>>
      %dma_wait3A_243 = arith.constant 0 : i32
      %dma_wait3A_244 = arith.constant 0 : i32
      %dma_wait3A_245 = tpu.memref_slice %arg2[%dma_wait3A_243, %dma_wait3A_244] : memref<160000x128xf32, #tpu.memory_space<hbm>> -> memref<40x128xf32, #tpu.memory_space<hbm>>
      tpu.wait_dma2 semaphore(%arg23 : memref<!tpu.dma_semaphore, #tpu.memory_space<semaphore_mem>>) src(%dma_wait3A_245 : memref<40x128xf32, #tpu.memory_space<hbm>>) dst(%arg13 : memref<40x128xf32, #tpu.memory_space<vmem>>)
      %add3A_246 = arith.constant 3 : i32
      %add3A_247 = arith.addi %mul3A_116, %add3A_246 : i32
      %add3A_248 = arith.constant 4 : i32
      %add3A_249 = arith.addi %add3A_247, %add3A_248 : i32
      %min3A_250 = arith.constant 124 : i32
      %min3A_251 = arith.minsi %add3A_249, %min3A_250 : i32
      %mul3A_252 = arith.constant 40 : i32
      %mul3A_253 = arith.muli %min3A_251, %mul3A_252 : i32
      %add3A_254 = arith.addi %add3A_4, %mul3A_253 : i32
      %dma_start3A_255 = tpu.memref_slice %arg3[%add3A_254] : memref<320000xi32, #tpu.memory_space<hbm>> -> memref<40xi32, #tpu.memory_space<hbm>>
      %dma_start3A_256 = tpu.memref_slice %arg3[%add3A_254] : memref<320000xi32, #tpu.memory_space<hbm>> -> memref<40xi32, #tpu.memory_space<hbm>>
      tpu.enqueue_dma source(%dma_start3A_256 : memref<40xi32, #tpu.memory_space<hbm>>) target(%arg9 : memref<40xi32, #tpu.memory_space<vmem>>) target_semaphore(%arg19 : memref<!tpu.dma_semaphore, #tpu.memory_space<semaphore_mem>>)
      %mul3A_257 = arith.constant 40 : i32
      %mul3A_258 = arith.muli %min3A_251, %mul3A_257 : i32
      %add3A_259 = arith.addi %mul3A_2, %mul3A_258 : i32
      %dma_start3A_260 = arith.constant 0 : i32
      %dma_start3A_261 = tpu.memref_slice %arg2[%add3A_259, %dma_start3A_260] : memref<160000x128xf32, #tpu.memory_space<hbm>> -> memref<40x128xf32, #tpu.memory_space<hbm>>
      %dma_start3A_262 = arith.constant 0 : i32
      %dma_start3A_263 = tpu.memref_slice %arg2[%add3A_259, %dma_start3A_262] : memref<160000x128xf32, #tpu.memory_space<hbm>> -> memref<40x128xf32, #tpu.memory_space<hbm>>
      tpu.enqueue_dma source(%dma_start3A_263 : memref<40x128xf32, #tpu.memory_space<hbm>>) target(%arg13 : memref<40x128xf32, #tpu.memory_space<vmem>>) target_semaphore(%arg19 : memref<!tpu.dma_semaphore, #tpu.memory_space<semaphore_mem>>)
    }
    %scan3A_59 = arith.constant 31 : i32
    %dma_wait3A = arith.constant 0 : i32
    %dma_wait3A_60 = tpu.memref_slice %arg3[%dma_wait3A] : memref<320000xi32, #tpu.memory_space<hbm>> -> memref<40xi32, #tpu.memory_space<hbm>>
    %dma_wait3A_61 = arith.constant 0 : i32
    %dma_wait3A_62 = tpu.memref_slice %arg3[%dma_wait3A_61] : memref<320000xi32, #tpu.memory_space<hbm>> -> memref<40xi32, #tpu.memory_space<hbm>>
    tpu.wait_dma2 semaphore(%arg16 : memref<!tpu.dma_semaphore, #tpu.memory_space<semaphore_mem>>) src(%dma_wait3A_62 : memref<40xi32, #tpu.memory_space<hbm>>) dst(%arg6 : memref<40xi32, #tpu.memory_space<vmem>>)
    %dma_wait3A_63 = arith.constant 0 : i32
    %dma_wait3A_64 = arith.constant 0 : i32
    %dma_wait3A_65 = tpu.memref_slice %arg2[%dma_wait3A_63, %dma_wait3A_64] : memref<160000x128xf32, #tpu.memory_space<hbm>> -> memref<40x128xf32, #tpu.memory_space<hbm>>
    %dma_wait3A_66 = arith.constant 0 : i32
    %dma_wait3A_67 = arith.constant 0 : i32
    %dma_wait3A_68 = tpu.memref_slice %arg2[%dma_wait3A_66, %dma_wait3A_67] : memref<160000x128xf32, #tpu.memory_space<hbm>> -> memref<40x128xf32, #tpu.memory_space<hbm>>
    tpu.wait_dma2 semaphore(%arg16 : memref<!tpu.dma_semaphore, #tpu.memory_space<semaphore_mem>>) src(%dma_wait3A_68 : memref<40x128xf32, #tpu.memory_space<hbm>>) dst(%arg10 : memref<40x128xf32, #tpu.memory_space<vmem>>)
    %dma_wait3A_69 = arith.constant 0 : i32
    %dma_wait3A_70 = tpu.memref_slice %arg3[%dma_wait3A_69] : memref<320000xi32, #tpu.memory_space<hbm>> -> memref<40xi32, #tpu.memory_space<hbm>>
    %dma_wait3A_71 = arith.constant 0 : i32
    %dma_wait3A_72 = tpu.memref_slice %arg3[%dma_wait3A_71] : memref<320000xi32, #tpu.memory_space<hbm>> -> memref<40xi32, #tpu.memory_space<hbm>>
    tpu.wait_dma2 semaphore(%arg17 : memref<!tpu.dma_semaphore, #tpu.memory_space<semaphore_mem>>) src(%dma_wait3A_72 : memref<40xi32, #tpu.memory_space<hbm>>) dst(%arg7 : memref<40xi32, #tpu.memory_space<vmem>>)
    %dma_wait3A_73 = arith.constant 0 : i32
    %dma_wait3A_74 = arith.constant 0 : i32
    %dma_wait3A_75 = tpu.memref_slice %arg2[%dma_wait3A_73, %dma_wait3A_74] : memref<160000x128xf32, #tpu.memory_space<hbm>> -> memref<40x128xf32, #tpu.memory_space<hbm>>
    %dma_wait3A_76 = arith.constant 0 : i32
    %dma_wait3A_77 = arith.constant 0 : i32
    %dma_wait3A_78 = tpu.memref_slice %arg2[%dma_wait3A_76, %dma_wait3A_77] : memref<160000x128xf32, #tpu.memory_space<hbm>> -> memref<40x128xf32, #tpu.memory_space<hbm>>
    tpu.wait_dma2 semaphore(%arg17 : memref<!tpu.dma_semaphore, #tpu.memory_space<semaphore_mem>>) src(%dma_wait3A_78 : memref<40x128xf32, #tpu.memory_space<hbm>>) dst(%arg11 : memref<40x128xf32, #tpu.memory_space<vmem>>)
    %dma_wait3A_79 = arith.constant 0 : i32
    %dma_wait3A_80 = tpu.memref_slice %arg3[%dma_wait3A_79] : memref<320000xi32, #tpu.memory_space<hbm>> -> memref<40xi32, #tpu.memory_space<hbm>>
    %dma_wait3A_81 = arith.constant 0 : i32
    %dma_wait3A_82 = tpu.memref_slice %arg3[%dma_wait3A_81] : memref<320000xi32, #tpu.memory_space<hbm>> -> memref<40xi32, #tpu.memory_space<hbm>>
    tpu.wait_dma2 semaphore(%arg18 : memref<!tpu.dma_semaphore, #tpu.memory_space<semaphore_mem>>) src(%dma_wait3A_82 : memref<40xi32, #tpu.memory_space<hbm>>) dst(%arg8 : memref<40xi32, #tpu.memory_space<vmem>>)
    %dma_wait3A_83 = arith.constant 0 : i32
    %dma_wait3A_84 = arith.constant 0 : i32
    %dma_wait3A_85 = tpu.memref_slice %arg2[%dma_wait3A_83, %dma_wait3A_84] : memref<160000x128xf32, #tpu.memory_space<hbm>> -> memref<40x128xf32, #tpu.memory_space<hbm>>
    %dma_wait3A_86 = arith.constant 0 : i32
    %dma_wait3A_87 = arith.constant 0 : i32
    %dma_wait3A_88 = tpu.memref_slice %arg2[%dma_wait3A_86, %dma_wait3A_87] : memref<160000x128xf32, #tpu.memory_space<hbm>> -> memref<40x128xf32, #tpu.memory_space<hbm>>
    tpu.wait_dma2 semaphore(%arg18 : memref<!tpu.dma_semaphore, #tpu.memory_space<semaphore_mem>>) src(%dma_wait3A_88 : memref<40x128xf32, #tpu.memory_space<hbm>>) dst(%arg12 : memref<40x128xf32, #tpu.memory_space<vmem>>)
    %dma_wait3A_89 = arith.constant 0 : i32
    %dma_wait3A_90 = tpu.memref_slice %arg3[%dma_wait3A_89] : memref<320000xi32, #tpu.memory_space<hbm>> -> memref<40xi32, #tpu.memory_space<hbm>>
    %dma_wait3A_91 = arith.constant 0 : i32
    %dma_wait3A_92 = tpu.memref_slice %arg3[%dma_wait3A_91] : memref<320000xi32, #tpu.memory_space<hbm>> -> memref<40xi32, #tpu.memory_space<hbm>>
    tpu.wait_dma2 semaphore(%arg19 : memref<!tpu.dma_semaphore, #tpu.memory_space<semaphore_mem>>) src(%dma_wait3A_92 : memref<40xi32, #tpu.memory_space<hbm>>) dst(%arg9 : memref<40xi32, #tpu.memory_space<vmem>>)
    %dma_wait3A_93 = arith.constant 0 : i32
    %dma_wait3A_94 = arith.constant 0 : i32
    %dma_wait3A_95 = tpu.memref_slice %arg2[%dma_wait3A_93, %dma_wait3A_94] : memref<160000x128xf32, #tpu.memory_space<hbm>> -> memref<40x128xf32, #tpu.memory_space<hbm>>
    %dma_wait3A_96 = arith.constant 0 : i32
    %dma_wait3A_97 = arith.constant 0 : i32
    %dma_wait3A_98 = tpu.memref_slice %arg2[%dma_wait3A_96, %dma_wait3A_97] : memref<160000x128xf32, #tpu.memory_space<hbm>> -> memref<40x128xf32, #tpu.memory_space<hbm>>
    tpu.wait_dma2 semaphore(%arg19 : memref<!tpu.dma_semaphore, #tpu.memory_space<semaphore_mem>>) src(%dma_wait3A_98 : memref<40x128xf32, #tpu.memory_space<hbm>>) dst(%arg13 : memref<40x128xf32, #tpu.memory_space<vmem>>)
    %dma_start3A_99 = arith.constant 0 : i32
    %dma_start3A_100 = arith.constant 0 : i32
    %dma_start3A_101 = tpu.memref_slice %arg15[%dma_start3A_99, %dma_start3A_100] : memref<10000x128xf32, #tpu.memory_space<vmem_shared>> -> memref<10000x128xf32, #tpu.memory_space<vmem_shared>>
    tpu.enqueue_indirect_dma source(%arg10 : memref<40x128xf32, #tpu.memory_space<vmem>>) target(%dma_start3A_101 : memref<10000x128xf32, #tpu.memory_space<vmem_shared>>) offsets(%arg6 : memref<40xi32, #tpu.memory_space<vmem>>) semaphore(%arg20 : memref<!tpu.dma_semaphore, #tpu.memory_space<semaphore_mem>>) {add = true}
    %dma_wait3A_102 = arith.constant 0 : i32
    %dma_wait3A_103 = arith.constant 0 : i32
    %dma_wait3A_104 = tpu.memref_slice %arg2[%dma_wait3A_102, %dma_wait3A_103] : memref<160000x128xf32, #tpu.memory_space<hbm>> -> memref<40x128xf32, #tpu.memory_space<hbm>>
    %dma_wait3A_105 = arith.constant 0 : i32
    %dma_wait3A_106 = arith.constant 0 : i32
    %dma_wait3A_107 = tpu.memref_slice %arg2[%dma_wait3A_105, %dma_wait3A_106] : memref<160000x128xf32, #tpu.memory_space<hbm>> -> memref<40x128xf32, #tpu.memory_space<hbm>>
    tpu.wait_dma2 semaphore(%arg20 : memref<!tpu.dma_semaphore, #tpu.memory_space<semaphore_mem>>) src(%dma_wait3A_107 : memref<40x128xf32, #tpu.memory_space<hbm>>) dst(%arg10 : memref<40x128xf32, #tpu.memory_space<vmem>>)
    %barrier3A_108 = arith.constant 0 : index
    tpu.barrier barrier_id(%barrier3A_108)
    %not3A = arith.constant true
    %not3A_109 = arith.xori %eq3A_5, %not3A : i1
    %convert_element_type3A = arith.extui %not3A_109 : i1 to i32
    %cond3A = arith.constant 0 : i32
    %cond3A_110 = arith.cmpi ne, %convert_element_type3A, %cond3A : i32
    scf.if %cond3A_110 {
      %mul3A_114 = arith.constant 632 : i32
      %mul3A_115 = arith.muli %arg1, %mul3A_114 : i32
      %mul3A_116 = arith.constant 632 : i32
      %mul3A_117 = arith.muli %arg1, %mul3A_116 : i32
      "tpu.region"() ({
        %run_scoped3A = tpu.sem_alloc : memref<!tpu.dma_semaphore, #tpu.memory_space<semaphore_mem>>
        %dma_start3A_118 = arith.constant 0 : i32
        %dma_start3A_119 = tpu.memref_slice %arg5[%arg0, %mul3A_117, %dma_start3A_118] : memref<2x10000x128xf32, #tpu.memory_space<hbm>> -> memref<1x632x128xf32, #tpu.memory_space<hbm>>
        %dma_start3A_120 = tpu.memref_squeeze %dma_start3A_119 : memref<1x632x128xf32, #tpu.memory_space<hbm>> -> memref<632x128xf32, #tpu.memory_space<hbm>>
        %dma_start3A_121 = arith.constant 0 : i32
        %dma_start3A_122 = tpu.memref_slice %arg15[%mul3A_115, %dma_start3A_121] : memref<10000x128xf32, #tpu.memory_space<vmem_shared>> -> memref<632x128xf32, #tpu.memory_space<vmem_shared>>
        tpu.enqueue_dma source(%dma_start3A_122 : memref<632x128xf32, #tpu.memory_space<vmem_shared>>) target(%dma_start3A_120 : memref<632x128xf32, #tpu.memory_space<hbm>>) target_semaphore(%run_scoped3A : memref<!tpu.dma_semaphore, #tpu.memory_space<semaphore_mem>>)
        %dma_wait3A_123 = arith.constant 0 : i32
        %dma_wait3A_124 = tpu.memref_slice %arg5[%arg0, %mul3A_117, %dma_wait3A_123] : memref<2x10000x128xf32, #tpu.memory_space<hbm>> -> memref<1x632x128xf32, #tpu.memory_space<hbm>>
        %dma_wait3A_125 = tpu.memref_squeeze %dma_wait3A_124 : memref<1x632x128xf32, #tpu.memory_space<hbm>> -> memref<632x128xf32, #tpu.memory_space<hbm>>
        %dma_wait3A_126 = arith.constant 0 : i32
        %dma_wait3A_127 = tpu.memref_slice %arg15[%mul3A_115, %dma_wait3A_126] : memref<10000x128xf32, #tpu.memory_space<vmem_shared>> -> memref<632x128xf32, #tpu.memory_space<vmem_shared>>
        tpu.wait_dma2 semaphore(%run_scoped3A : memref<!tpu.dma_semaphore, #tpu.memory_space<semaphore_mem>>) src(%dma_wait3A_127 : memref<632x128xf32, #tpu.memory_space<vmem_shared>>) dst(%dma_wait3A_125 : memref<632x128xf32, #tpu.memory_space<hbm>>)
        tpu.yield
      }) : () -> ()
    } else {
    }
    %convert_element_type3A_111 = arith.extui %eq3A_5 : i1 to i32
    %cond3A_112 = arith.constant 0 : i32
    %cond3A_113 = arith.cmpi ne, %convert_element_type3A_111, %cond3A_112 : i32
    scf.if %cond3A_113 {
      %mul3A_114 = arith.constant 632 : i32
      %mul3A_115 = arith.muli %arg1, %mul3A_114 : i32
      %mul3A_116 = arith.constant 632 : i32
      %mul3A_117 = arith.muli %arg1, %mul3A_116 : i32
      "tpu.region"() ({
        %run_scoped3A = tpu.sem_alloc : memref<!tpu.dma_semaphore, #tpu.memory_space<semaphore_mem>>
        %dma_start3A_118 = arith.constant 0 : i32
        %dma_start3A_119 = tpu.memref_slice %arg5[%arg0, %mul3A_117, %dma_start3A_118] : memref<2x10000x128xf32, #tpu.memory_space<hbm>> -> memref<1x520x128xf32, #tpu.memory_space<hbm>>
        %dma_start3A_120 = tpu.memref_squeeze %dma_start3A_119 : memref<1x520x128xf32, #tpu.memory_space<hbm>> -> memref<520x128xf32, #tpu.memory_space<hbm>>
        %dma_start3A_121 = arith.constant 0 : i32
        %dma_start3A_122 = tpu.memref_slice %arg15[%mul3A_115, %dma_start3A_121] : memref<10000x128xf32, #tpu.memory_space<vmem_shared>> -> memref<520x128xf32, #tpu.memory_space<vmem_shared>>
        tpu.enqueue_dma source(%dma_start3A_122 : memref<520x128xf32, #tpu.memory_space<vmem_shared>>) target(%dma_start3A_120 : memref<520x128xf32, #tpu.memory_space<hbm>>) target_semaphore(%run_scoped3A : memref<!tpu.dma_semaphore, #tpu.memory_space<semaphore_mem>>)
        %dma_wait3A_123 = arith.constant 0 : i32
        %dma_wait3A_124 = tpu.memref_slice %arg5[%arg0, %mul3A_117, %dma_wait3A_123] : memref<2x10000x128xf32, #tpu.memory_space<hbm>> -> memref<1x520x128xf32, #tpu.memory_space<hbm>>
        %dma_wait3A_125 = tpu.memref_squeeze %dma_wait3A_124 : memref<1x520x128xf32, #tpu.memory_space<hbm>> -> memref<520x128xf32, #tpu.memory_space<hbm>>
        %dma_wait3A_126 = arith.constant 0 : i32
        %dma_wait3A_127 = tpu.memref_slice %arg15[%mul3A_115, %dma_wait3A_126] : memref<10000x128xf32, #tpu.memory_space<vmem_shared>> -> memref<520x128xf32, #tpu.memory_space<vmem_shared>>
        tpu.wait_dma2 semaphore(%run_scoped3A : memref<!tpu.dma_semaphore, #tpu.memory_space<semaphore_mem>>) src(%dma_wait3A_127 : memref<520x128xf32, #tpu.memory_space<vmem_shared>>) dst(%dma_wait3A_125 : memref<520x128xf32, #tpu.memory_space<hbm>>)
        tpu.yield
      }) : () -> ()
    } else {
    }
    return
  }
}

#map = affine_map<(d0, d1) -> (0, 0)>
#map1 = affine_map<(d0, d1) -> (0)>
module attributes {stable_mosaic.version = 14 : i64} {
  func.func @_sc_gather(%arg0: i32, %arg1: i32, %arg2: memref<10000x128xf32, #tpu.memory_space<hbm>>, %arg3: memref<10000x128xf32, #tpu.memory_space<hbm>>, %arg4: memref<320000xi32, #tpu.memory_space<hbm>>, %arg5: memref<320000xi32, #tpu.memory_space<hbm>>, %arg6: memref<160000x128xf32, #tpu.memory_space<hbm>>, %arg7: memref<160000x128xf32, #tpu.memory_space<hbm>>, %arg8: memref<5000xi32, #tpu.memory_space<vmem>>, %arg9: memref<5000xi32, #tpu.memory_space<vmem>>, %arg10: memref<40x128xf32, #tpu.memory_space<vmem>>, %arg11: memref<40x128xf32, #tpu.memory_space<vmem>>, %arg12: memref<40x128xf32, #tpu.memory_space<vmem>>, %arg13: memref<40x128xf32, #tpu.memory_space<vmem>>, %arg14: memref<40x128xf32, #tpu.memory_space<vmem>>, %arg15: memref<40x128xf32, #tpu.memory_space<vmem>>, %arg16: memref<40x128xf32, #tpu.memory_space<vmem>>, %arg17: memref<40x128xf32, #tpu.memory_space<vmem>>, %arg18: memref<!tpu.dma_semaphore, #tpu.memory_space<semaphore_mem>>, %arg19: memref<!tpu.dma_semaphore, #tpu.memory_space<semaphore_mem>>, %arg20: memref<!tpu.dma_semaphore, #tpu.memory_space<semaphore_mem>>, %arg21: memref<!tpu.dma_semaphore, #tpu.memory_space<semaphore_mem>>, %arg22: memref<!tpu.dma_semaphore, #tpu.memory_space<semaphore_mem>>, %arg23: memref<!tpu.dma_semaphore, #tpu.memory_space<semaphore_mem>>, %arg24: memref<!tpu.dma_semaphore, #tpu.memory_space<semaphore_mem>>, %arg25: memref<!tpu.dma_semaphore, #tpu.memory_space<semaphore_mem>>) attributes {dimension_semantics = [#tpu.dimension_semantics<core_parallel>, #tpu.dimension_semantics<subcore_parallel>], iteration_bounds = array<i64: 2, 16>, scalar_prefetch = 0 : i64, scratch_operands = 18 : i64, tpu.core_type = #tpu.core_type<sc_vector_subcore>, window_params = [{transform_indices = #map}, {transform_indices = #map}, {transform_indices = #map1}, {transform_indices = #map1}, {transform_indices = #map}, {transform_indices = #map}]} {
    %mul3A = arith.constant 2 : i32
    %mul3A_0 = arith.muli %arg1, %mul3A : i32
    %add3A = arith.addi %mul3A_0, %arg0 : i32
    %mul3A_1 = arith.constant 5000 : i32
    %mul3A_2 = arith.muli %add3A, %mul3A_1 : i32
    %add3A_3 = arith.constant 160000 : i32
    %add3A_4 = arith.addi %add3A_3, %mul3A_2 : i32
    "tpu.region"() ({
      %run_scoped3A = tpu.sem_alloc : memref<!tpu.dma_semaphore, #tpu.memory_space<semaphore_mem>>
      %dma_start3A_118 = tpu.memref_slice %arg4[%add3A_4] : memref<320000xi32, #tpu.memory_space<hbm>> -> memref<5000xi32, #tpu.memory_space<hbm>>
      %dma_start3A_119 = tpu.memref_slice %arg4[%add3A_4] : memref<320000xi32, #tpu.memory_space<hbm>> -> memref<5000xi32, #tpu.memory_space<hbm>>
      tpu.enqueue_dma source(%dma_start3A_119 : memref<5000xi32, #tpu.memory_space<hbm>>) target(%arg8 : memref<5000xi32, #tpu.memory_space<vmem>>) target_semaphore(%run_scoped3A : memref<!tpu.dma_semaphore, #tpu.memory_space<semaphore_mem>>)
      %dma_wait3A_120 = tpu.memref_slice %arg4[%add3A_4] : memref<320000xi32, #tpu.memory_space<hbm>> -> memref<5000xi32, #tpu.memory_space<hbm>>
      %dma_wait3A_121 = tpu.memref_slice %arg4[%add3A_4] : memref<320000xi32, #tpu.memory_space<hbm>> -> memref<5000xi32, #tpu.memory_space<hbm>>
      tpu.wait_dma2 semaphore(%run_scoped3A : memref<!tpu.dma_semaphore, #tpu.memory_space<semaphore_mem>>) src(%dma_wait3A_121 : memref<5000xi32, #tpu.memory_space<hbm>>) dst(%arg8 : memref<5000xi32, #tpu.memory_space<vmem>>)
      tpu.yield
    }) : () -> ()
    "tpu.region"() ({
      %run_scoped3A = tpu.sem_alloc : memref<!tpu.dma_semaphore, #tpu.memory_space<semaphore_mem>>
      %dma_start3A_118 = tpu.memref_slice %arg5[%add3A_4] : memref<320000xi32, #tpu.memory_space<hbm>> -> memref<5000xi32, #tpu.memory_space<hbm>>
      %dma_start3A_119 = tpu.memref_slice %arg5[%add3A_4] : memref<320000xi32, #tpu.memory_space<hbm>> -> memref<5000xi32, #tpu.memory_space<hbm>>
      tpu.enqueue_dma source(%dma_start3A_119 : memref<5000xi32, #tpu.memory_space<hbm>>) target(%arg9 : memref<5000xi32, #tpu.memory_space<vmem>>) target_semaphore(%run_scoped3A : memref<!tpu.dma_semaphore, #tpu.memory_space<semaphore_mem>>)
      %dma_wait3A_120 = tpu.memref_slice %arg5[%add3A_4] : memref<320000xi32, #tpu.memory_space<hbm>> -> memref<5000xi32, #tpu.memory_space<hbm>>
      %dma_wait3A_121 = tpu.memref_slice %arg5[%add3A_4] : memref<320000xi32, #tpu.memory_space<hbm>> -> memref<5000xi32, #tpu.memory_space<hbm>>
      tpu.wait_dma2 semaphore(%run_scoped3A : memref<!tpu.dma_semaphore, #tpu.memory_space<semaphore_mem>>) src(%dma_wait3A_121 : memref<5000xi32, #tpu.memory_space<hbm>>) dst(%arg9 : memref<5000xi32, #tpu.memory_space<vmem>>)
      tpu.yield
    }) : () -> ()
    %dma_start3A = arith.constant 0 : i32
    %dma_start3A_5 = tpu.memref_slice %arg8[%dma_start3A] : memref<5000xi32, #tpu.memory_space<vmem>> -> memref<40xi32, #tpu.memory_space<vmem>>
    %dma_start3A_6 = arith.constant 0 : i32
    %dma_start3A_7 = arith.constant 0 : i32
    %dma_start3A_8 = tpu.memref_slice %arg2[%dma_start3A_6, %dma_start3A_7] : memref<10000x128xf32, #tpu.memory_space<hbm>> -> memref<10000x128xf32, #tpu.memory_space<hbm>>
    tpu.enqueue_indirect_dma source(%dma_start3A_8 : memref<10000x128xf32, #tpu.memory_space<hbm>>) target(%arg10 : memref<40x128xf32, #tpu.memory_space<vmem>>) offsets(%dma_start3A_5 : memref<40xi32, #tpu.memory_space<vmem>>) semaphore(%arg18 : memref<!tpu.dma_semaphore, #tpu.memory_space<semaphore_mem>>)
    %dma_start3A_9 = arith.constant 0 : i32
    %dma_start3A_10 = tpu.memref_slice %arg9[%dma_start3A_9] : memref<5000xi32, #tpu.memory_space<vmem>> -> memref<40xi32, #tpu.memory_space<vmem>>
    %dma_start3A_11 = arith.constant 0 : i32
    %dma_start3A_12 = arith.constant 0 : i32
    %dma_start3A_13 = tpu.memref_slice %arg3[%dma_start3A_11, %dma_start3A_12] : memref<10000x128xf32, #tpu.memory_space<hbm>> -> memref<10000x128xf32, #tpu.memory_space<hbm>>
    tpu.enqueue_indirect_dma source(%dma_start3A_13 : memref<10000x128xf32, #tpu.memory_space<hbm>>) target(%arg14 : memref<40x128xf32, #tpu.memory_space<vmem>>) offsets(%dma_start3A_10 : memref<40xi32, #tpu.memory_space<vmem>>) semaphore(%arg18 : memref<!tpu.dma_semaphore, #tpu.memory_space<semaphore_mem>>)
    %dma_start3A_14 = arith.constant 40 : i32
    %dma_start3A_15 = tpu.memref_slice %arg8[%dma_start3A_14] : memref<5000xi32, #tpu.memory_space<vmem>> -> memref<40xi32, #tpu.memory_space<vmem>>
    %dma_start3A_16 = arith.constant 0 : i32
    %dma_start3A_17 = arith.constant 0 : i32
    %dma_start3A_18 = tpu.memref_slice %arg2[%dma_start3A_16, %dma_start3A_17] : memref<10000x128xf32, #tpu.memory_space<hbm>> -> memref<10000x128xf32, #tpu.memory_space<hbm>>
    tpu.enqueue_indirect_dma source(%dma_start3A_18 : memref<10000x128xf32, #tpu.memory_space<hbm>>) target(%arg11 : memref<40x128xf32, #tpu.memory_space<vmem>>) offsets(%dma_start3A_15 : memref<40xi32, #tpu.memory_space<vmem>>) semaphore(%arg19 : memref<!tpu.dma_semaphore, #tpu.memory_space<semaphore_mem>>)
    %dma_start3A_19 = arith.constant 40 : i32
    %dma_start3A_20 = tpu.memref_slice %arg9[%dma_start3A_19] : memref<5000xi32, #tpu.memory_space<vmem>> -> memref<40xi32, #tpu.memory_space<vmem>>
    %dma_start3A_21 = arith.constant 0 : i32
    %dma_start3A_22 = arith.constant 0 : i32
    %dma_start3A_23 = tpu.memref_slice %arg3[%dma_start3A_21, %dma_start3A_22] : memref<10000x128xf32, #tpu.memory_space<hbm>> -> memref<10000x128xf32, #tpu.memory_space<hbm>>
    tpu.enqueue_indirect_dma source(%dma_start3A_23 : memref<10000x128xf32, #tpu.memory_space<hbm>>) target(%arg15 : memref<40x128xf32, #tpu.memory_space<vmem>>) offsets(%dma_start3A_20 : memref<40xi32, #tpu.memory_space<vmem>>) semaphore(%arg19 : memref<!tpu.dma_semaphore, #tpu.memory_space<semaphore_mem>>)
    %dma_start3A_24 = arith.constant 80 : i32
    %dma_start3A_25 = tpu.memref_slice %arg8[%dma_start3A_24] : memref<5000xi32, #tpu.memory_space<vmem>> -> memref<40xi32, #tpu.memory_space<vmem>>
    %dma_start3A_26 = arith.constant 0 : i32
    %dma_start3A_27 = arith.constant 0 : i32
    %dma_start3A_28 = tpu.memref_slice %arg2[%dma_start3A_26, %dma_start3A_27] : memref<10000x128xf32, #tpu.memory_space<hbm>> -> memref<10000x128xf32, #tpu.memory_space<hbm>>
    tpu.enqueue_indirect_dma source(%dma_start3A_28 : memref<10000x128xf32, #tpu.memory_space<hbm>>) target(%arg12 : memref<40x128xf32, #tpu.memory_space<vmem>>) offsets(%dma_start3A_25 : memref<40xi32, #tpu.memory_space<vmem>>) semaphore(%arg20 : memref<!tpu.dma_semaphore, #tpu.memory_space<semaphore_mem>>)
    %dma_start3A_29 = arith.constant 80 : i32
    %dma_start3A_30 = tpu.memref_slice %arg9[%dma_start3A_29] : memref<5000xi32, #tpu.memory_space<vmem>> -> memref<40xi32, #tpu.memory_space<vmem>>
    %dma_start3A_31 = arith.constant 0 : i32
    %dma_start3A_32 = arith.constant 0 : i32
    %dma_start3A_33 = tpu.memref_slice %arg3[%dma_start3A_31, %dma_start3A_32] : memref<10000x128xf32, #tpu.memory_space<hbm>> -> memref<10000x128xf32, #tpu.memory_space<hbm>>
    tpu.enqueue_indirect_dma source(%dma_start3A_33 : memref<10000x128xf32, #tpu.memory_space<hbm>>) target(%arg16 : memref<40x128xf32, #tpu.memory_space<vmem>>) offsets(%dma_start3A_30 : memref<40xi32, #tpu.memory_space<vmem>>) semaphore(%arg20 : memref<!tpu.dma_semaphore, #tpu.memory_space<semaphore_mem>>)
    %dma_start3A_34 = arith.constant 120 : i32
    %dma_start3A_35 = tpu.memref_slice %arg8[%dma_start3A_34] : memref<5000xi32, #tpu.memory_space<vmem>> -> memref<40xi32, #tpu.memory_space<vmem>>
    %dma_start3A_36 = arith.constant 0 : i32
    %dma_start3A_37 = arith.constant 0 : i32
    %dma_start3A_38 = tpu.memref_slice %arg2[%dma_start3A_36, %dma_start3A_37] : memref<10000x128xf32, #tpu.memory_space<hbm>> -> memref<10000x128xf32, #tpu.memory_space<hbm>>
    tpu.enqueue_indirect_dma source(%dma_start3A_38 : memref<10000x128xf32, #tpu.memory_space<hbm>>) target(%arg13 : memref<40x128xf32, #tpu.memory_space<vmem>>) offsets(%dma_start3A_35 : memref<40xi32, #tpu.memory_space<vmem>>) semaphore(%arg21 : memref<!tpu.dma_semaphore, #tpu.memory_space<semaphore_mem>>)
    %dma_start3A_39 = arith.constant 120 : i32
    %dma_start3A_40 = tpu.memref_slice %arg9[%dma_start3A_39] : memref<5000xi32, #tpu.memory_space<vmem>> -> memref<40xi32, #tpu.memory_space<vmem>>
    %dma_start3A_41 = arith.constant 0 : i32
    %dma_start3A_42 = arith.constant 0 : i32
    %dma_start3A_43 = tpu.memref_slice %arg3[%dma_start3A_41, %dma_start3A_42] : memref<10000x128xf32, #tpu.memory_space<hbm>> -> memref<10000x128xf32, #tpu.memory_space<hbm>>
    tpu.enqueue_indirect_dma source(%dma_start3A_43 : memref<10000x128xf32, #tpu.memory_space<hbm>>) target(%arg17 : memref<40x128xf32, #tpu.memory_space<vmem>>) offsets(%dma_start3A_40 : memref<40xi32, #tpu.memory_space<vmem>>) semaphore(%arg21 : memref<!tpu.dma_semaphore, #tpu.memory_space<semaphore_mem>>)
    %scan3A = arith.constant 0 : i32
    %scan3A_44 = arith.constant 0 : i32
    %scan3A_45 = arith.constant 31 : i32
    %scan3A_46 = arith.addi %scan3A_44, %scan3A_45 : i32
    %scan3A_47 = arith.constant 1 : i32
    scf.for %scan3A_118 = %scan3A_44 to %scan3A_46 step %scan3A_47  : i32 {
      %mul3A_119 = arith.constant 4 : i32
      %mul3A_120 = arith.muli %scan3A_118, %mul3A_119 : i32
      %dma_wait3A_121 = arith.constant 0 : i32
      %dma_wait3A_122 = arith.constant 0 : i32
      %dma_wait3A_123 = tpu.memref_slice %arg2[%dma_wait3A_121, %dma_wait3A_122] : memref<10000x128xf32, #tpu.memory_space<hbm>> -> memref<40x128xf32, #tpu.memory_space<hbm>>
      %dma_wait3A_124 = arith.constant 0 : i32
      %dma_wait3A_125 = arith.constant 0 : i32
      %dma_wait3A_126 = tpu.memref_slice %arg2[%dma_wait3A_124, %dma_wait3A_125] : memref<10000x128xf32, #tpu.memory_space<hbm>> -> memref<40x128xf32, #tpu.memory_space<hbm>>
      tpu.wait_dma2 semaphore(%arg18 : memref<!tpu.dma_semaphore, #tpu.memory_space<semaphore_mem>>) src(%dma_wait3A_126 : memref<40x128xf32, #tpu.memory_space<hbm>>) dst(%arg10 : memref<40x128xf32, #tpu.memory_space<vmem>>)
      %dma_wait3A_127 = arith.constant 0 : i32
      %dma_wait3A_128 = arith.constant 0 : i32
      %dma_wait3A_129 = tpu.memref_slice %arg3[%dma_wait3A_127, %dma_wait3A_128] : memref<10000x128xf32, #tpu.memory_space<hbm>> -> memref<40x128xf32, #tpu.memory_space<hbm>>
      %dma_wait3A_130 = arith.constant 0 : i32
      %dma_wait3A_131 = arith.constant 0 : i32
      %dma_wait3A_132 = tpu.memref_slice %arg3[%dma_wait3A_130, %dma_wait3A_131] : memref<10000x128xf32, #tpu.memory_space<hbm>> -> memref<40x128xf32, #tpu.memory_space<hbm>>
      tpu.wait_dma2 semaphore(%arg18 : memref<!tpu.dma_semaphore, #tpu.memory_space<semaphore_mem>>) src(%dma_wait3A_132 : memref<40x128xf32, #tpu.memory_space<hbm>>) dst(%arg14 : memref<40x128xf32, #tpu.memory_space<vmem>>)
      %add3A_133 = arith.constant 0 : i32
      %add3A_134 = arith.addi %mul3A_120, %add3A_133 : i32
      %mul3A_135 = arith.constant 40 : i32
      %mul3A_136 = arith.muli %add3A_134, %mul3A_135 : i32
      %add3A_137 = arith.addi %mul3A_2, %mul3A_136 : i32
      %dma_start3A_138 = arith.constant 0 : i32
      %dma_start3A_139 = tpu.memref_slice %arg6[%add3A_137, %dma_start3A_138] : memref<160000x128xf32, #tpu.memory_space<hbm>> -> memref<40x128xf32, #tpu.memory_space<hbm>>
      %dma_start3A_140 = arith.constant 0 : i32
      %dma_start3A_141 = tpu.memref_slice %arg6[%add3A_137, %dma_start3A_140] : memref<160000x128xf32, #tpu.memory_space<hbm>> -> memref<40x128xf32, #tpu.memory_space<hbm>>
      tpu.enqueue_dma source(%arg10 : memref<40x128xf32, #tpu.memory_space<vmem>>) target(%dma_start3A_141 : memref<40x128xf32, #tpu.memory_space<hbm>>) target_semaphore(%arg22 : memref<!tpu.dma_semaphore, #tpu.memory_space<semaphore_mem>>)
      %dma_start3A_142 = arith.constant 0 : i32
      %dma_start3A_143 = tpu.memref_slice %arg7[%add3A_137, %dma_start3A_142] : memref<160000x128xf32, #tpu.memory_space<hbm>> -> memref<40x128xf32, #tpu.memory_space<hbm>>
      %dma_start3A_144 = arith.constant 0 : i32
      %dma_start3A_145 = tpu.memref_slice %arg7[%add3A_137, %dma_start3A_144] : memref<160000x128xf32, #tpu.memory_space<hbm>> -> memref<40x128xf32, #tpu.memory_space<hbm>>
      tpu.enqueue_dma source(%arg14 : memref<40x128xf32, #tpu.memory_space<vmem>>) target(%dma_start3A_145 : memref<40x128xf32, #tpu.memory_space<hbm>>) target_semaphore(%arg22 : memref<!tpu.dma_semaphore, #tpu.memory_space<semaphore_mem>>)
      %dma_wait3A_146 = arith.constant 0 : i32
      %dma_wait3A_147 = arith.constant 0 : i32
      %dma_wait3A_148 = tpu.memref_slice %arg2[%dma_wait3A_146, %dma_wait3A_147] : memref<10000x128xf32, #tpu.memory_space<hbm>> -> memref<40x128xf32, #tpu.memory_space<hbm>>
      %dma_wait3A_149 = arith.constant 0 : i32
      %dma_wait3A_150 = arith.constant 0 : i32
      %dma_wait3A_151 = tpu.memref_slice %arg2[%dma_wait3A_149, %dma_wait3A_150] : memref<10000x128xf32, #tpu.memory_space<hbm>> -> memref<40x128xf32, #tpu.memory_space<hbm>>
      tpu.wait_dma2 semaphore(%arg19 : memref<!tpu.dma_semaphore, #tpu.memory_space<semaphore_mem>>) src(%dma_wait3A_151 : memref<40x128xf32, #tpu.memory_space<hbm>>) dst(%arg11 : memref<40x128xf32, #tpu.memory_space<vmem>>)
      %dma_wait3A_152 = arith.constant 0 : i32
      %dma_wait3A_153 = arith.constant 0 : i32
      %dma_wait3A_154 = tpu.memref_slice %arg3[%dma_wait3A_152, %dma_wait3A_153] : memref<10000x128xf32, #tpu.memory_space<hbm>> -> memref<40x128xf32, #tpu.memory_space<hbm>>
      %dma_wait3A_155 = arith.constant 0 : i32
      %dma_wait3A_156 = arith.constant 0 : i32
      %dma_wait3A_157 = tpu.memref_slice %arg3[%dma_wait3A_155, %dma_wait3A_156] : memref<10000x128xf32, #tpu.memory_space<hbm>> -> memref<40x128xf32, #tpu.memory_space<hbm>>
      tpu.wait_dma2 semaphore(%arg19 : memref<!tpu.dma_semaphore, #tpu.memory_space<semaphore_mem>>) src(%dma_wait3A_157 : memref<40x128xf32, #tpu.memory_space<hbm>>) dst(%arg15 : memref<40x128xf32, #tpu.memory_space<vmem>>)
      %add3A_158 = arith.constant 1 : i32
      %add3A_159 = arith.addi %mul3A_120, %add3A_158 : i32
      %mul3A_160 = arith.constant 40 : i32
      %mul3A_161 = arith.muli %add3A_159, %mul3A_160 : i32
      %add3A_162 = arith.addi %mul3A_2, %mul3A_161 : i32
      %dma_start3A_163 = arith.constant 0 : i32
      %dma_start3A_164 = tpu.memref_slice %arg6[%add3A_162, %dma_start3A_163] : memref<160000x128xf32, #tpu.memory_space<hbm>> -> memref<40x128xf32, #tpu.memory_space<hbm>>
      %dma_start3A_165 = arith.constant 0 : i32
      %dma_start3A_166 = tpu.memref_slice %arg6[%add3A_162, %dma_start3A_165] : memref<160000x128xf32, #tpu.memory_space<hbm>> -> memref<40x128xf32, #tpu.memory_space<hbm>>
      tpu.enqueue_dma source(%arg11 : memref<40x128xf32, #tpu.memory_space<vmem>>) target(%dma_start3A_166 : memref<40x128xf32, #tpu.memory_space<hbm>>) target_semaphore(%arg23 : memref<!tpu.dma_semaphore, #tpu.memory_space<semaphore_mem>>)
      %dma_start3A_167 = arith.constant 0 : i32
      %dma_start3A_168 = tpu.memref_slice %arg7[%add3A_162, %dma_start3A_167] : memref<160000x128xf32, #tpu.memory_space<hbm>> -> memref<40x128xf32, #tpu.memory_space<hbm>>
      %dma_start3A_169 = arith.constant 0 : i32
      %dma_start3A_170 = tpu.memref_slice %arg7[%add3A_162, %dma_start3A_169] : memref<160000x128xf32, #tpu.memory_space<hbm>> -> memref<40x128xf32, #tpu.memory_space<hbm>>
      tpu.enqueue_dma source(%arg15 : memref<40x128xf32, #tpu.memory_space<vmem>>) target(%dma_start3A_170 : memref<40x128xf32, #tpu.memory_space<hbm>>) target_semaphore(%arg23 : memref<!tpu.dma_semaphore, #tpu.memory_space<semaphore_mem>>)
      %dma_wait3A_171 = arith.constant 0 : i32
      %dma_wait3A_172 = arith.constant 0 : i32
      %dma_wait3A_173 = tpu.memref_slice %arg2[%dma_wait3A_171, %dma_wait3A_172] : memref<10000x128xf32, #tpu.memory_space<hbm>> -> memref<40x128xf32, #tpu.memory_space<hbm>>
      %dma_wait3A_174 = arith.constant 0 : i32
      %dma_wait3A_175 = arith.constant 0 : i32
      %dma_wait3A_176 = tpu.memref_slice %arg2[%dma_wait3A_174, %dma_wait3A_175] : memref<10000x128xf32, #tpu.memory_space<hbm>> -> memref<40x128xf32, #tpu.memory_space<hbm>>
      tpu.wait_dma2 semaphore(%arg20 : memref<!tpu.dma_semaphore, #tpu.memory_space<semaphore_mem>>) src(%dma_wait3A_176 : memref<40x128xf32, #tpu.memory_space<hbm>>) dst(%arg12 : memref<40x128xf32, #tpu.memory_space<vmem>>)
      %dma_wait3A_177 = arith.constant 0 : i32
      %dma_wait3A_178 = arith.constant 0 : i32
      %dma_wait3A_179 = tpu.memref_slice %arg3[%dma_wait3A_177, %dma_wait3A_178] : memref<10000x128xf32, #tpu.memory_space<hbm>> -> memref<40x128xf32, #tpu.memory_space<hbm>>
      %dma_wait3A_180 = arith.constant 0 : i32
      %dma_wait3A_181 = arith.constant 0 : i32
      %dma_wait3A_182 = tpu.memref_slice %arg3[%dma_wait3A_180, %dma_wait3A_181] : memref<10000x128xf32, #tpu.memory_space<hbm>> -> memref<40x128xf32, #tpu.memory_space<hbm>>
      tpu.wait_dma2 semaphore(%arg20 : memref<!tpu.dma_semaphore, #tpu.memory_space<semaphore_mem>>) src(%dma_wait3A_182 : memref<40x128xf32, #tpu.memory_space<hbm>>) dst(%arg16 : memref<40x128xf32, #tpu.memory_space<vmem>>)
      %add3A_183 = arith.constant 2 : i32
      %add3A_184 = arith.addi %mul3A_120, %add3A_183 : i32
      %mul3A_185 = arith.constant 40 : i32
      %mul3A_186 = arith.muli %add3A_184, %mul3A_185 : i32
      %add3A_187 = arith.addi %mul3A_2, %mul3A_186 : i32
      %dma_start3A_188 = arith.constant 0 : i32
      %dma_start3A_189 = tpu.memref_slice %arg6[%add3A_187, %dma_start3A_188] : memref<160000x128xf32, #tpu.memory_space<hbm>> -> memref<40x128xf32, #tpu.memory_space<hbm>>
      %dma_start3A_190 = arith.constant 0 : i32
      %dma_start3A_191 = tpu.memref_slice %arg6[%add3A_187, %dma_start3A_190] : memref<160000x128xf32, #tpu.memory_space<hbm>> -> memref<40x128xf32, #tpu.memory_space<hbm>>
      tpu.enqueue_dma source(%arg12 : memref<40x128xf32, #tpu.memory_space<vmem>>) target(%dma_start3A_191 : memref<40x128xf32, #tpu.memory_space<hbm>>) target_semaphore(%arg24 : memref<!tpu.dma_semaphore, #tpu.memory_space<semaphore_mem>>)
      %dma_start3A_192 = arith.constant 0 : i32
      %dma_start3A_193 = tpu.memref_slice %arg7[%add3A_187, %dma_start3A_192] : memref<160000x128xf32, #tpu.memory_space<hbm>> -> memref<40x128xf32, #tpu.memory_space<hbm>>
      %dma_start3A_194 = arith.constant 0 : i32
      %dma_start3A_195 = tpu.memref_slice %arg7[%add3A_187, %dma_start3A_194] : memref<160000x128xf32, #tpu.memory_space<hbm>> -> memref<40x128xf32, #tpu.memory_space<hbm>>
      tpu.enqueue_dma source(%arg16 : memref<40x128xf32, #tpu.memory_space<vmem>>) target(%dma_start3A_195 : memref<40x128xf32, #tpu.memory_space<hbm>>) target_semaphore(%arg24 : memref<!tpu.dma_semaphore, #tpu.memory_space<semaphore_mem>>)
      %dma_wait3A_196 = arith.constant 0 : i32
      %dma_wait3A_197 = arith.constant 0 : i32
      %dma_wait3A_198 = tpu.memref_slice %arg2[%dma_wait3A_196, %dma_wait3A_197] : memref<10000x128xf32, #tpu.memory_space<hbm>> -> memref<40x128xf32, #tpu.memory_space<hbm>>
      %dma_wait3A_199 = arith.constant 0 : i32
      %dma_wait3A_200 = arith.constant 0 : i32
      %dma_wait3A_201 = tpu.memref_slice %arg2[%dma_wait3A_199, %dma_wait3A_200] : memref<10000x128xf32, #tpu.memory_space<hbm>> -> memref<40x128xf32, #tpu.memory_space<hbm>>
      tpu.wait_dma2 semaphore(%arg21 : memref<!tpu.dma_semaphore, #tpu.memory_space<semaphore_mem>>) src(%dma_wait3A_201 : memref<40x128xf32, #tpu.memory_space<hbm>>) dst(%arg13 : memref<40x128xf32, #tpu.memory_space<vmem>>)
      %dma_wait3A_202 = arith.constant 0 : i32
      %dma_wait3A_203 = arith.constant 0 : i32
      %dma_wait3A_204 = tpu.memref_slice %arg3[%dma_wait3A_202, %dma_wait3A_203] : memref<10000x128xf32, #tpu.memory_space<hbm>> -> memref<40x128xf32, #tpu.memory_space<hbm>>
      %dma_wait3A_205 = arith.constant 0 : i32
      %dma_wait3A_206 = arith.constant 0 : i32
      %dma_wait3A_207 = tpu.memref_slice %arg3[%dma_wait3A_205, %dma_wait3A_206] : memref<10000x128xf32, #tpu.memory_space<hbm>> -> memref<40x128xf32, #tpu.memory_space<hbm>>
      tpu.wait_dma2 semaphore(%arg21 : memref<!tpu.dma_semaphore, #tpu.memory_space<semaphore_mem>>) src(%dma_wait3A_207 : memref<40x128xf32, #tpu.memory_space<hbm>>) dst(%arg17 : memref<40x128xf32, #tpu.memory_space<vmem>>)
      %add3A_208 = arith.constant 3 : i32
      %add3A_209 = arith.addi %mul3A_120, %add3A_208 : i32
      %mul3A_210 = arith.constant 40 : i32
      %mul3A_211 = arith.muli %add3A_209, %mul3A_210 : i32
      %add3A_212 = arith.addi %mul3A_2, %mul3A_211 : i32
      %dma_start3A_213 = arith.constant 0 : i32
      %dma_start3A_214 = tpu.memref_slice %arg6[%add3A_212, %dma_start3A_213] : memref<160000x128xf32, #tpu.memory_space<hbm>> -> memref<40x128xf32, #tpu.memory_space<hbm>>
      %dma_start3A_215 = arith.constant 0 : i32
      %dma_start3A_216 = tpu.memref_slice %arg6[%add3A_212, %dma_start3A_215] : memref<160000x128xf32, #tpu.memory_space<hbm>> -> memref<40x128xf32, #tpu.memory_space<hbm>>
      tpu.enqueue_dma source(%arg13 : memref<40x128xf32, #tpu.memory_space<vmem>>) target(%dma_start3A_216 : memref<40x128xf32, #tpu.memory_space<hbm>>) target_semaphore(%arg25 : memref<!tpu.dma_semaphore, #tpu.memory_space<semaphore_mem>>)
      %dma_start3A_217 = arith.constant 0 : i32
      %dma_start3A_218 = tpu.memref_slice %arg7[%add3A_212, %dma_start3A_217] : memref<160000x128xf32, #tpu.memory_space<hbm>> -> memref<40x128xf32, #tpu.memory_space<hbm>>
      %dma_start3A_219 = arith.constant 0 : i32
      %dma_start3A_220 = tpu.memref_slice %arg7[%add3A_212, %dma_start3A_219] : memref<160000x128xf32, #tpu.memory_space<hbm>> -> memref<40x128xf32, #tpu.memory_space<hbm>>
      tpu.enqueue_dma source(%arg17 : memref<40x128xf32, #tpu.memory_space<vmem>>) target(%dma_start3A_220 : memref<40x128xf32, #tpu.memory_space<hbm>>) target_semaphore(%arg25 : memref<!tpu.dma_semaphore, #tpu.memory_space<semaphore_mem>>)
      %dma_wait3A_221 = arith.constant 0 : i32
      %dma_wait3A_222 = arith.constant 0 : i32
      %dma_wait3A_223 = tpu.memref_slice %arg6[%dma_wait3A_221, %dma_wait3A_222] : memref<160000x128xf32, #tpu.memory_space<hbm>> -> memref<40x128xf32, #tpu.memory_space<hbm>>
      %dma_wait3A_224 = arith.constant 0 : i32
      %dma_wait3A_225 = arith.constant 0 : i32
      %dma_wait3A_226 = tpu.memref_slice %arg6[%dma_wait3A_224, %dma_wait3A_225] : memref<160000x128xf32, #tpu.memory_space<hbm>> -> memref<40x128xf32, #tpu.memory_space<hbm>>
      tpu.wait_dma2 semaphore(%arg22 : memref<!tpu.dma_semaphore, #tpu.memory_space<semaphore_mem>>) src(%arg10 : memref<40x128xf32, #tpu.memory_space<vmem>>) dst(%dma_wait3A_226 : memref<40x128xf32, #tpu.memory_space<hbm>>)
      %dma_wait3A_227 = arith.constant 0 : i32
      %dma_wait3A_228 = arith.constant 0 : i32
      %dma_wait3A_229 = tpu.memref_slice %arg7[%dma_wait3A_227, %dma_wait3A_228] : memref<160000x128xf32, #tpu.memory_space<hbm>> -> memref<40x128xf32, #tpu.memory_space<hbm>>
      %dma_wait3A_230 = arith.constant 0 : i32
      %dma_wait3A_231 = arith.constant 0 : i32
      %dma_wait3A_232 = tpu.memref_slice %arg7[%dma_wait3A_230, %dma_wait3A_231] : memref<160000x128xf32, #tpu.memory_space<hbm>> -> memref<40x128xf32, #tpu.memory_space<hbm>>
      tpu.wait_dma2 semaphore(%arg22 : memref<!tpu.dma_semaphore, #tpu.memory_space<semaphore_mem>>) src(%arg14 : memref<40x128xf32, #tpu.memory_space<vmem>>) dst(%dma_wait3A_232 : memref<40x128xf32, #tpu.memory_space<hbm>>)
      %add3A_233 = arith.constant 0 : i32
      %add3A_234 = arith.addi %mul3A_120, %add3A_233 : i32
      %add3A_235 = arith.constant 4 : i32
      %add3A_236 = arith.addi %add3A_234, %add3A_235 : i32
      %min3A = arith.constant 124 : i32
      %min3A_237 = arith.minsi %add3A_236, %min3A : i32
      %mul3A_238 = arith.constant 40 : i32
      %mul3A_239 = arith.muli %min3A_237, %mul3A_238 : i32
      %dma_start3A_240 = tpu.memref_slice %arg8[%mul3A_239] : memref<5000xi32, #tpu.memory_space<vmem>> -> memref<40xi32, #tpu.memory_space<vmem>>
      %dma_start3A_241 = arith.constant 0 : i32
      %dma_start3A_242 = arith.constant 0 : i32
      %dma_start3A_243 = tpu.memref_slice %arg2[%dma_start3A_241, %dma_start3A_242] : memref<10000x128xf32, #tpu.memory_space<hbm>> -> memref<10000x128xf32, #tpu.memory_space<hbm>>
      tpu.enqueue_indirect_dma source(%dma_start3A_243 : memref<10000x128xf32, #tpu.memory_space<hbm>>) target(%arg10 : memref<40x128xf32, #tpu.memory_space<vmem>>) offsets(%dma_start3A_240 : memref<40xi32, #tpu.memory_space<vmem>>) semaphore(%arg18 : memref<!tpu.dma_semaphore, #tpu.memory_space<semaphore_mem>>)
      %mul3A_244 = arith.constant 40 : i32
      %mul3A_245 = arith.muli %min3A_237, %mul3A_244 : i32
      %dma_start3A_246 = tpu.memref_slice %arg9[%mul3A_245] : memref<5000xi32, #tpu.memory_space<vmem>> -> memref<40xi32, #tpu.memory_space<vmem>>
      %dma_start3A_247 = arith.constant 0 : i32
      %dma_start3A_248 = arith.constant 0 : i32
      %dma_start3A_249 = tpu.memref_slice %arg3[%dma_start3A_247, %dma_start3A_248] : memref<10000x128xf32, #tpu.memory_space<hbm>> -> memref<10000x128xf32, #tpu.memory_space<hbm>>
      tpu.enqueue_indirect_dma source(%dma_start3A_249 : memref<10000x128xf32, #tpu.memory_space<hbm>>) target(%arg14 : memref<40x128xf32, #tpu.memory_space<vmem>>) offsets(%dma_start3A_246 : memref<40xi32, #tpu.memory_space<vmem>>) semaphore(%arg18 : memref<!tpu.dma_semaphore, #tpu.memory_space<semaphore_mem>>)
      %dma_wait3A_250 = arith.constant 0 : i32
      %dma_wait3A_251 = arith.constant 0 : i32
      %dma_wait3A_252 = tpu.memref_slice %arg6[%dma_wait3A_250, %dma_wait3A_251] : memref<160000x128xf32, #tpu.memory_space<hbm>> -> memref<40x128xf32, #tpu.memory_space<hbm>>
      %dma_wait3A_253 = arith.constant 0 : i32
      %dma_wait3A_254 = arith.constant 0 : i32
      %dma_wait3A_255 = tpu.memref_slice %arg6[%dma_wait3A_253, %dma_wait3A_254] : memref<160000x128xf32, #tpu.memory_space<hbm>> -> memref<40x128xf32, #tpu.memory_space<hbm>>
      tpu.wait_dma2 semaphore(%arg23 : memref<!tpu.dma_semaphore, #tpu.memory_space<semaphore_mem>>) src(%arg11 : memref<40x128xf32, #tpu.memory_space<vmem>>) dst(%dma_wait3A_255 : memref<40x128xf32, #tpu.memory_space<hbm>>)
      %dma_wait3A_256 = arith.constant 0 : i32
      %dma_wait3A_257 = arith.constant 0 : i32
      %dma_wait3A_258 = tpu.memref_slice %arg7[%dma_wait3A_256, %dma_wait3A_257] : memref<160000x128xf32, #tpu.memory_space<hbm>> -> memref<40x128xf32, #tpu.memory_space<hbm>>
      %dma_wait3A_259 = arith.constant 0 : i32
      %dma_wait3A_260 = arith.constant 0 : i32
      %dma_wait3A_261 = tpu.memref_slice %arg7[%dma_wait3A_259, %dma_wait3A_260] : memref<160000x128xf32, #tpu.memory_space<hbm>> -> memref<40x128xf32, #tpu.memory_space<hbm>>
      tpu.wait_dma2 semaphore(%arg23 : memref<!tpu.dma_semaphore, #tpu.memory_space<semaphore_mem>>) src(%arg15 : memref<40x128xf32, #tpu.memory_space<vmem>>) dst(%dma_wait3A_261 : memref<40x128xf32, #tpu.memory_space<hbm>>)
      %add3A_262 = arith.constant 1 : i32
      %add3A_263 = arith.addi %mul3A_120, %add3A_262 : i32
      %add3A_264 = arith.constant 4 : i32
      %add3A_265 = arith.addi %add3A_263, %add3A_264 : i32
      %min3A_266 = arith.constant 124 : i32
      %min3A_267 = arith.minsi %add3A_265, %min3A_266 : i32
      %mul3A_268 = arith.constant 40 : i32
      %mul3A_269 = arith.muli %min3A_267, %mul3A_268 : i32
      %dma_start3A_270 = tpu.memref_slice %arg8[%mul3A_269] : memref<5000xi32, #tpu.memory_space<vmem>> -> memref<40xi32, #tpu.memory_space<vmem>>
      %dma_start3A_271 = arith.constant 0 : i32
      %dma_start3A_272 = arith.constant 0 : i32
      %dma_start3A_273 = tpu.memref_slice %arg2[%dma_start3A_271, %dma_start3A_272] : memref<10000x128xf32, #tpu.memory_space<hbm>> -> memref<10000x128xf32, #tpu.memory_space<hbm>>
      tpu.enqueue_indirect_dma source(%dma_start3A_273 : memref<10000x128xf32, #tpu.memory_space<hbm>>) target(%arg11 : memref<40x128xf32, #tpu.memory_space<vmem>>) offsets(%dma_start3A_270 : memref<40xi32, #tpu.memory_space<vmem>>) semaphore(%arg19 : memref<!tpu.dma_semaphore, #tpu.memory_space<semaphore_mem>>)
      %mul3A_274 = arith.constant 40 : i32
      %mul3A_275 = arith.muli %min3A_267, %mul3A_274 : i32
      %dma_start3A_276 = tpu.memref_slice %arg9[%mul3A_275] : memref<5000xi32, #tpu.memory_space<vmem>> -> memref<40xi32, #tpu.memory_space<vmem>>
      %dma_start3A_277 = arith.constant 0 : i32
      %dma_start3A_278 = arith.constant 0 : i32
      %dma_start3A_279 = tpu.memref_slice %arg3[%dma_start3A_277, %dma_start3A_278] : memref<10000x128xf32, #tpu.memory_space<hbm>> -> memref<10000x128xf32, #tpu.memory_space<hbm>>
      tpu.enqueue_indirect_dma source(%dma_start3A_279 : memref<10000x128xf32, #tpu.memory_space<hbm>>) target(%arg15 : memref<40x128xf32, #tpu.memory_space<vmem>>) offsets(%dma_start3A_276 : memref<40xi32, #tpu.memory_space<vmem>>) semaphore(%arg19 : memref<!tpu.dma_semaphore, #tpu.memory_space<semaphore_mem>>)
      %dma_wait3A_280 = arith.constant 0 : i32
      %dma_wait3A_281 = arith.constant 0 : i32
      %dma_wait3A_282 = tpu.memref_slice %arg6[%dma_wait3A_280, %dma_wait3A_281] : memref<160000x128xf32, #tpu.memory_space<hbm>> -> memref<40x128xf32, #tpu.memory_space<hbm>>
      %dma_wait3A_283 = arith.constant 0 : i32
      %dma_wait3A_284 = arith.constant 0 : i32
      %dma_wait3A_285 = tpu.memref_slice %arg6[%dma_wait3A_283, %dma_wait3A_284] : memref<160000x128xf32, #tpu.memory_space<hbm>> -> memref<40x128xf32, #tpu.memory_space<hbm>>
      tpu.wait_dma2 semaphore(%arg24 : memref<!tpu.dma_semaphore, #tpu.memory_space<semaphore_mem>>) src(%arg12 : memref<40x128xf32, #tpu.memory_space<vmem>>) dst(%dma_wait3A_285 : memref<40x128xf32, #tpu.memory_space<hbm>>)
      %dma_wait3A_286 = arith.constant 0 : i32
      %dma_wait3A_287 = arith.constant 0 : i32
      %dma_wait3A_288 = tpu.memref_slice %arg7[%dma_wait3A_286, %dma_wait3A_287] : memref<160000x128xf32, #tpu.memory_space<hbm>> -> memref<40x128xf32, #tpu.memory_space<hbm>>
      %dma_wait3A_289 = arith.constant 0 : i32
      %dma_wait3A_290 = arith.constant 0 : i32
      %dma_wait3A_291 = tpu.memref_slice %arg7[%dma_wait3A_289, %dma_wait3A_290] : memref<160000x128xf32, #tpu.memory_space<hbm>> -> memref<40x128xf32, #tpu.memory_space<hbm>>
      tpu.wait_dma2 semaphore(%arg24 : memref<!tpu.dma_semaphore, #tpu.memory_space<semaphore_mem>>) src(%arg16 : memref<40x128xf32, #tpu.memory_space<vmem>>) dst(%dma_wait3A_291 : memref<40x128xf32, #tpu.memory_space<hbm>>)
      %add3A_292 = arith.constant 2 : i32
      %add3A_293 = arith.addi %mul3A_120, %add3A_292 : i32
      %add3A_294 = arith.constant 4 : i32
      %add3A_295 = arith.addi %add3A_293, %add3A_294 : i32
      %min3A_296 = arith.constant 124 : i32
      %min3A_297 = arith.minsi %add3A_295, %min3A_296 : i32
      %mul3A_298 = arith.constant 40 : i32
      %mul3A_299 = arith.muli %min3A_297, %mul3A_298 : i32
      %dma_start3A_300 = tpu.memref_slice %arg8[%mul3A_299] : memref<5000xi32, #tpu.memory_space<vmem>> -> memref<40xi32, #tpu.memory_space<vmem>>
      %dma_start3A_301 = arith.constant 0 : i32
      %dma_start3A_302 = arith.constant 0 : i32
      %dma_start3A_303 = tpu.memref_slice %arg2[%dma_start3A_301, %dma_start3A_302] : memref<10000x128xf32, #tpu.memory_space<hbm>> -> memref<10000x128xf32, #tpu.memory_space<hbm>>
      tpu.enqueue_indirect_dma source(%dma_start3A_303 : memref<10000x128xf32, #tpu.memory_space<hbm>>) target(%arg12 : memref<40x128xf32, #tpu.memory_space<vmem>>) offsets(%dma_start3A_300 : memref<40xi32, #tpu.memory_space<vmem>>) semaphore(%arg20 : memref<!tpu.dma_semaphore, #tpu.memory_space<semaphore_mem>>)
      %mul3A_304 = arith.constant 40 : i32
      %mul3A_305 = arith.muli %min3A_297, %mul3A_304 : i32
      %dma_start3A_306 = tpu.memref_slice %arg9[%mul3A_305] : memref<5000xi32, #tpu.memory_space<vmem>> -> memref<40xi32, #tpu.memory_space<vmem>>
      %dma_start3A_307 = arith.constant 0 : i32
      %dma_start3A_308 = arith.constant 0 : i32
      %dma_start3A_309 = tpu.memref_slice %arg3[%dma_start3A_307, %dma_start3A_308] : memref<10000x128xf32, #tpu.memory_space<hbm>> -> memref<10000x128xf32, #tpu.memory_space<hbm>>
      tpu.enqueue_indirect_dma source(%dma_start3A_309 : memref<10000x128xf32, #tpu.memory_space<hbm>>) target(%arg16 : memref<40x128xf32, #tpu.memory_space<vmem>>) offsets(%dma_start3A_306 : memref<40xi32, #tpu.memory_space<vmem>>) semaphore(%arg20 : memref<!tpu.dma_semaphore, #tpu.memory_space<semaphore_mem>>)
      %dma_wait3A_310 = arith.constant 0 : i32
      %dma_wait3A_311 = arith.constant 0 : i32
      %dma_wait3A_312 = tpu.memref_slice %arg6[%dma_wait3A_310, %dma_wait3A_311] : memref<160000x128xf32, #tpu.memory_space<hbm>> -> memref<40x128xf32, #tpu.memory_space<hbm>>
      %dma_wait3A_313 = arith.constant 0 : i32
      %dma_wait3A_314 = arith.constant 0 : i32
      %dma_wait3A_315 = tpu.memref_slice %arg6[%dma_wait3A_313, %dma_wait3A_314] : memref<160000x128xf32, #tpu.memory_space<hbm>> -> memref<40x128xf32, #tpu.memory_space<hbm>>
      tpu.wait_dma2 semaphore(%arg25 : memref<!tpu.dma_semaphore, #tpu.memory_space<semaphore_mem>>) src(%arg13 : memref<40x128xf32, #tpu.memory_space<vmem>>) dst(%dma_wait3A_315 : memref<40x128xf32, #tpu.memory_space<hbm>>)
      %dma_wait3A_316 = arith.constant 0 : i32
      %dma_wait3A_317 = arith.constant 0 : i32
      %dma_wait3A_318 = tpu.memref_slice %arg7[%dma_wait3A_316, %dma_wait3A_317] : memref<160000x128xf32, #tpu.memory_space<hbm>> -> memref<40x128xf32, #tpu.memory_space<hbm>>
      %dma_wait3A_319 = arith.constant 0 : i32
      %dma_wait3A_320 = arith.constant 0 : i32
      %dma_wait3A_321 = tpu.memref_slice %arg7[%dma_wait3A_319, %dma_wait3A_320] : memref<160000x128xf32, #tpu.memory_space<hbm>> -> memref<40x128xf32, #tpu.memory_space<hbm>>
      tpu.wait_dma2 semaphore(%arg25 : memref<!tpu.dma_semaphore, #tpu.memory_space<semaphore_mem>>) src(%arg17 : memref<40x128xf32, #tpu.memory_space<vmem>>) dst(%dma_wait3A_321 : memref<40x128xf32, #tpu.memory_space<hbm>>)
      %add3A_322 = arith.constant 3 : i32
      %add3A_323 = arith.addi %mul3A_120, %add3A_322 : i32
      %add3A_324 = arith.constant 4 : i32
      %add3A_325 = arith.addi %add3A_323, %add3A_324 : i32
      %min3A_326 = arith.constant 124 : i32
      %min3A_327 = arith.minsi %add3A_325, %min3A_326 : i32
      %mul3A_328 = arith.constant 40 : i32
      %mul3A_329 = arith.muli %min3A_327, %mul3A_328 : i32
      %dma_start3A_330 = tpu.memref_slice %arg8[%mul3A_329] : memref<5000xi32, #tpu.memory_space<vmem>> -> memref<40xi32, #tpu.memory_space<vmem>>
      %dma_start3A_331 = arith.constant 0 : i32
      %dma_start3A_332 = arith.constant 0 : i32
      %dma_start3A_333 = tpu.memref_slice %arg2[%dma_start3A_331, %dma_start3A_332] : memref<10000x128xf32, #tpu.memory_space<hbm>> -> memref<10000x128xf32, #tpu.memory_space<hbm>>
      tpu.enqueue_indirect_dma source(%dma_start3A_333 : memref<10000x128xf32, #tpu.memory_space<hbm>>) target(%arg13 : memref<40x128xf32, #tpu.memory_space<vmem>>) offsets(%dma_start3A_330 : memref<40xi32, #tpu.memory_space<vmem>>) semaphore(%arg21 : memref<!tpu.dma_semaphore, #tpu.memory_space<semaphore_mem>>)
      %mul3A_334 = arith.constant 40 : i32
      %mul3A_335 = arith.muli %min3A_327, %mul3A_334 : i32
      %dma_start3A_336 = tpu.memref_slice %arg9[%mul3A_335] : memref<5000xi32, #tpu.memory_space<vmem>> -> memref<40xi32, #tpu.memory_space<vmem>>
      %dma_start3A_337 = arith.constant 0 : i32
      %dma_start3A_338 = arith.constant 0 : i32
      %dma_start3A_339 = tpu.memref_slice %arg3[%dma_start3A_337, %dma_start3A_338] : memref<10000x128xf32, #tpu.memory_space<hbm>> -> memref<10000x128xf32, #tpu.memory_space<hbm>>
      tpu.enqueue_indirect_dma source(%dma_start3A_339 : memref<10000x128xf32, #tpu.memory_space<hbm>>) target(%arg17 : memref<40x128xf32, #tpu.memory_space<vmem>>) offsets(%dma_start3A_336 : memref<40xi32, #tpu.memory_space<vmem>>) semaphore(%arg21 : memref<!tpu.dma_semaphore, #tpu.memory_space<semaphore_mem>>)
    }
    %scan3A_48 = arith.constant 31 : i32
    %dma_wait3A = arith.constant 0 : i32
    %dma_wait3A_49 = arith.constant 0 : i32
    %dma_wait3A_50 = tpu.memref_slice %arg2[%dma_wait3A, %dma_wait3A_49] : memref<10000x128xf32, #tpu.memory_space<hbm>> -> memref<40x128xf32, #tpu.memory_space<hbm>>
    %dma_wait3A_51 = arith.constant 0 : i32
    %dma_wait3A_52 = arith.constant 0 : i32
    %dma_wait3A_53 = tpu.memref_slice %arg2[%dma_wait3A_51, %dma_wait3A_52] : memref<10000x128xf32, #tpu.memory_space<hbm>> -> memref<40x128xf32, #tpu.memory_space<hbm>>
    tpu.wait_dma2 semaphore(%arg18 : memref<!tpu.dma_semaphore, #tpu.memory_space<semaphore_mem>>) src(%dma_wait3A_53 : memref<40x128xf32, #tpu.memory_space<hbm>>) dst(%arg10 : memref<40x128xf32, #tpu.memory_space<vmem>>)
    %dma_wait3A_54 = arith.constant 0 : i32
    %dma_wait3A_55 = arith.constant 0 : i32
    %dma_wait3A_56 = tpu.memref_slice %arg3[%dma_wait3A_54, %dma_wait3A_55] : memref<10000x128xf32, #tpu.memory_space<hbm>> -> memref<40x128xf32, #tpu.memory_space<hbm>>
    %dma_wait3A_57 = arith.constant 0 : i32
    %dma_wait3A_58 = arith.constant 0 : i32
    %dma_wait3A_59 = tpu.memref_slice %arg3[%dma_wait3A_57, %dma_wait3A_58] : memref<10000x128xf32, #tpu.memory_space<hbm>> -> memref<40x128xf32, #tpu.memory_space<hbm>>
    tpu.wait_dma2 semaphore(%arg18 : memref<!tpu.dma_semaphore, #tpu.memory_space<semaphore_mem>>) src(%dma_wait3A_59 : memref<40x128xf32, #tpu.memory_space<hbm>>) dst(%arg14 : memref<40x128xf32, #tpu.memory_space<vmem>>)
    %dma_wait3A_60 = arith.constant 0 : i32
    %dma_wait3A_61 = arith.constant 0 : i32
    %dma_wait3A_62 = tpu.memref_slice %arg2[%dma_wait3A_60, %dma_wait3A_61] : memref<10000x128xf32, #tpu.memory_space<hbm>> -> memref<40x128xf32, #tpu.memory_space<hbm>>
    %dma_wait3A_63 = arith.constant 0 : i32
    %dma_wait3A_64 = arith.constant 0 : i32
    %dma_wait3A_65 = tpu.memref_slice %arg2[%dma_wait3A_63, %dma_wait3A_64] : memref<10000x128xf32, #tpu.memory_space<hbm>> -> memref<40x128xf32, #tpu.memory_space<hbm>>
    tpu.wait_dma2 semaphore(%arg19 : memref<!tpu.dma_semaphore, #tpu.memory_space<semaphore_mem>>) src(%dma_wait3A_65 : memref<40x128xf32, #tpu.memory_space<hbm>>) dst(%arg11 : memref<40x128xf32, #tpu.memory_space<vmem>>)
    %dma_wait3A_66 = arith.constant 0 : i32
    %dma_wait3A_67 = arith.constant 0 : i32
    %dma_wait3A_68 = tpu.memref_slice %arg3[%dma_wait3A_66, %dma_wait3A_67] : memref<10000x128xf32, #tpu.memory_space<hbm>> -> memref<40x128xf32, #tpu.memory_space<hbm>>
    %dma_wait3A_69 = arith.constant 0 : i32
    %dma_wait3A_70 = arith.constant 0 : i32
    %dma_wait3A_71 = tpu.memref_slice %arg3[%dma_wait3A_69, %dma_wait3A_70] : memref<10000x128xf32, #tpu.memory_space<hbm>> -> memref<40x128xf32, #tpu.memory_space<hbm>>
    tpu.wait_dma2 semaphore(%arg19 : memref<!tpu.dma_semaphore, #tpu.memory_space<semaphore_mem>>) src(%dma_wait3A_71 : memref<40x128xf32, #tpu.memory_space<hbm>>) dst(%arg15 : memref<40x128xf32, #tpu.memory_space<vmem>>)
    %dma_wait3A_72 = arith.constant 0 : i32
    %dma_wait3A_73 = arith.constant 0 : i32
    %dma_wait3A_74 = tpu.memref_slice %arg2[%dma_wait3A_72, %dma_wait3A_73] : memref<10000x128xf32, #tpu.memory_space<hbm>> -> memref<40x128xf32, #tpu.memory_space<hbm>>
    %dma_wait3A_75 = arith.constant 0 : i32
    %dma_wait3A_76 = arith.constant 0 : i32
    %dma_wait3A_77 = tpu.memref_slice %arg2[%dma_wait3A_75, %dma_wait3A_76] : memref<10000x128xf32, #tpu.memory_space<hbm>> -> memref<40x128xf32, #tpu.memory_space<hbm>>
    tpu.wait_dma2 semaphore(%arg20 : memref<!tpu.dma_semaphore, #tpu.memory_space<semaphore_mem>>) src(%dma_wait3A_77 : memref<40x128xf32, #tpu.memory_space<hbm>>) dst(%arg12 : memref<40x128xf32, #tpu.memory_space<vmem>>)
    %dma_wait3A_78 = arith.constant 0 : i32
    %dma_wait3A_79 = arith.constant 0 : i32
    %dma_wait3A_80 = tpu.memref_slice %arg3[%dma_wait3A_78, %dma_wait3A_79] : memref<10000x128xf32, #tpu.memory_space<hbm>> -> memref<40x128xf32, #tpu.memory_space<hbm>>
    %dma_wait3A_81 = arith.constant 0 : i32
    %dma_wait3A_82 = arith.constant 0 : i32
    %dma_wait3A_83 = tpu.memref_slice %arg3[%dma_wait3A_81, %dma_wait3A_82] : memref<10000x128xf32, #tpu.memory_space<hbm>> -> memref<40x128xf32, #tpu.memory_space<hbm>>
    tpu.wait_dma2 semaphore(%arg20 : memref<!tpu.dma_semaphore, #tpu.memory_space<semaphore_mem>>) src(%dma_wait3A_83 : memref<40x128xf32, #tpu.memory_space<hbm>>) dst(%arg16 : memref<40x128xf32, #tpu.memory_space<vmem>>)
    %dma_wait3A_84 = arith.constant 0 : i32
    %dma_wait3A_85 = arith.constant 0 : i32
    %dma_wait3A_86 = tpu.memref_slice %arg2[%dma_wait3A_84, %dma_wait3A_85] : memref<10000x128xf32, #tpu.memory_space<hbm>> -> memref<40x128xf32, #tpu.memory_space<hbm>>
    %dma_wait3A_87 = arith.constant 0 : i32
    %dma_wait3A_88 = arith.constant 0 : i32
    %dma_wait3A_89 = tpu.memref_slice %arg2[%dma_wait3A_87, %dma_wait3A_88] : memref<10000x128xf32, #tpu.memory_space<hbm>> -> memref<40x128xf32, #tpu.memory_space<hbm>>
    tpu.wait_dma2 semaphore(%arg21 : memref<!tpu.dma_semaphore, #tpu.memory_space<semaphore_mem>>) src(%dma_wait3A_89 : memref<40x128xf32, #tpu.memory_space<hbm>>) dst(%arg13 : memref<40x128xf32, #tpu.memory_space<vmem>>)
    %dma_wait3A_90 = arith.constant 0 : i32
    %dma_wait3A_91 = arith.constant 0 : i32
    %dma_wait3A_92 = tpu.memref_slice %arg3[%dma_wait3A_90, %dma_wait3A_91] : memref<10000x128xf32, #tpu.memory_space<hbm>> -> memref<40x128xf32, #tpu.memory_space<hbm>>
    %dma_wait3A_93 = arith.constant 0 : i32
    %dma_wait3A_94 = arith.constant 0 : i32
    %dma_wait3A_95 = tpu.memref_slice %arg3[%dma_wait3A_93, %dma_wait3A_94] : memref<10000x128xf32, #tpu.memory_space<hbm>> -> memref<40x128xf32, #tpu.memory_space<hbm>>
    tpu.wait_dma2 semaphore(%arg21 : memref<!tpu.dma_semaphore, #tpu.memory_space<semaphore_mem>>) src(%dma_wait3A_95 : memref<40x128xf32, #tpu.memory_space<hbm>>) dst(%arg17 : memref<40x128xf32, #tpu.memory_space<vmem>>)
    %add3A_96 = arith.constant 4960 : i32
    %add3A_97 = arith.addi %mul3A_2, %add3A_96 : i32
    %dma_start3A_98 = arith.constant 0 : i32
    %dma_start3A_99 = tpu.memref_slice %arg6[%add3A_97, %dma_start3A_98] : memref<160000x128xf32, #tpu.memory_space<hbm>> -> memref<40x128xf32, #tpu.memory_space<hbm>>
    %dma_start3A_100 = arith.constant 0 : i32
    %dma_start3A_101 = tpu.memref_slice %arg6[%add3A_97, %dma_start3A_100] : memref<160000x128xf32, #tpu.memory_space<hbm>> -> memref<40x128xf32, #tpu.memory_space<hbm>>
    tpu.enqueue_dma source(%arg10 : memref<40x128xf32, #tpu.memory_space<vmem>>) target(%dma_start3A_101 : memref<40x128xf32, #tpu.memory_space<hbm>>) target_semaphore(%arg22 : memref<!tpu.dma_semaphore, #tpu.memory_space<semaphore_mem>>)
    %dma_start3A_102 = arith.constant 0 : i32
    %dma_start3A_103 = tpu.memref_slice %arg7[%add3A_97, %dma_start3A_102] : memref<160000x128xf32, #tpu.memory_space<hbm>> -> memref<40x128xf32, #tpu.memory_space<hbm>>
    %dma_start3A_104 = arith.constant 0 : i32
    %dma_start3A_105 = tpu.memref_slice %arg7[%add3A_97, %dma_start3A_104] : memref<160000x128xf32, #tpu.memory_space<hbm>> -> memref<40x128xf32, #tpu.memory_space<hbm>>
    tpu.enqueue_dma source(%arg14 : memref<40x128xf32, #tpu.memory_space<vmem>>) target(%dma_start3A_105 : memref<40x128xf32, #tpu.memory_space<hbm>>) target_semaphore(%arg22 : memref<!tpu.dma_semaphore, #tpu.memory_space<semaphore_mem>>)
    %dma_wait3A_106 = arith.constant 0 : i32
    %dma_wait3A_107 = arith.constant 0 : i32
    %dma_wait3A_108 = tpu.memref_slice %arg6[%dma_wait3A_106, %dma_wait3A_107] : memref<160000x128xf32, #tpu.memory_space<hbm>> -> memref<40x128xf32, #tpu.memory_space<hbm>>
    %dma_wait3A_109 = arith.constant 0 : i32
    %dma_wait3A_110 = arith.constant 0 : i32
    %dma_wait3A_111 = tpu.memref_slice %arg6[%dma_wait3A_109, %dma_wait3A_110] : memref<160000x128xf32, #tpu.memory_space<hbm>> -> memref<40x128xf32, #tpu.memory_space<hbm>>
    tpu.wait_dma2 semaphore(%arg22 : memref<!tpu.dma_semaphore, #tpu.memory_space<semaphore_mem>>) src(%arg10 : memref<40x128xf32, #tpu.memory_space<vmem>>) dst(%dma_wait3A_111 : memref<40x128xf32, #tpu.memory_space<hbm>>)
    %dma_wait3A_112 = arith.constant 0 : i32
    %dma_wait3A_113 = arith.constant 0 : i32
    %dma_wait3A_114 = tpu.memref_slice %arg7[%dma_wait3A_112, %dma_wait3A_113] : memref<160000x128xf32, #tpu.memory_space<hbm>> -> memref<40x128xf32, #tpu.memory_space<hbm>>
    %dma_wait3A_115 = arith.constant 0 : i32
    %dma_wait3A_116 = arith.constant 0 : i32
    %dma_wait3A_117 = tpu.memref_slice %arg7[%dma_wait3A_115, %dma_wait3A_116] : memref<160000x128xf32, #tpu.memory_space<hbm>> -> memref<40x128xf32, #tpu.memory_space<hbm>>
    tpu.wait_dma2 semaphore(%arg22 : memref<!tpu.dma_semaphore, #tpu.memory_space<semaphore_mem>>) src(%arg14 : memref<40x128xf32, #tpu.memory_space<vmem>>) dst(%dma_wait3A_117 : memref<40x128xf32, #tpu.memory_space<hbm>>)
    return
  }
}

module attributes {stable_mosaic.version = 14 : i64} {
  func.func @body0(%arg0: i32, %arg1: memref<3200x128xf32, #tpu.memory_space<vmem>>, %arg2: memref<3200x128xf32, #tpu.memory_space<vmem>>, %arg3: memref<3200x128xf32, #tpu.memory_space<vmem>>, %arg4: memref<128x128xf32, #tpu.memory_space<vmem>>, %arg5: memref<128x128xf32, #tpu.memory_space<vmem>>, %arg6: memref<1x128xf32, #tpu.memory_space<vmem>>, %arg7: memref<1x128xf32, #tpu.memory_space<vmem>>, %arg8: memref<1x1xf32, #tpu.memory_space<vmem>>, %arg9: memref<3200x128xf32, #tpu.memory_space<vmem>>, %arg10: memref<3200x128xf32, #tpu.memory_space<vmem>>) attributes {dimension_semantics = [#tpu.dimension_semantics<arbitrary>], iteration_bounds = array<i64: 50>, scalar_prefetch = 0 : i64, scratch_operands = 0 : i64, tpu.core_type = #tpu.core_type<tc>, window_params = [{transform_indices = @transform_0, window_bounds = array<i64: 3200, 128>}, {transform_indices = @transform_1, window_bounds = array<i64: 3200, 128>}, {transform_indices = @transform_2, window_bounds = array<i64: 3200, 128>}, {pipeline_mode = #tpu.pipeline_mode<synchronous>, transform_indices = @transform_3, window_bounds = array<i64: 128, 128>}, {pipeline_mode = #tpu.pipeline_mode<synchronous>, transform_indices = @transform_4, window_bounds = array<i64: 128, 128>}, {pipeline_mode = #tpu.pipeline_mode<synchronous>, transform_indices = @transform_5, window_bounds = array<i64: 1, 128>}, {pipeline_mode = #tpu.pipeline_mode<synchronous>, transform_indices = @transform_6, window_bounds = array<i64: 1, 128>}, {pipeline_mode = #tpu.pipeline_mode<synchronous>, transform_indices = @transform_7, window_bounds = array<i64: 1, 1>}, {transform_indices = @transform_8, window_bounds = array<i64: 3200, 128>}, {transform_indices = @transform_9, window_bounds = array<i64: 3200, 128>}]} {
    %get3A = arith.constant 0 : index
    %get3A_0 = arith.constant 0 : index
    %get3A_1 = vector.load %arg3[%get3A, %get3A_0] : memref<3200x128xf32, #tpu.memory_space<vmem>>, vector<3200x128xf32>
    %get3A_2 = arith.constant 0 : index
    %get3A_3 = arith.constant 0 : index
    %get3A_4 = vector.load %arg1[%get3A_2, %get3A_3] : memref<3200x128xf32, #tpu.memory_space<vmem>>, vector<3200x128xf32>
    %get3A_5 = arith.constant 0 : index
    %get3A_6 = arith.constant 0 : index
    %get3A_7 = vector.load %arg2[%get3A_5, %get3A_6] : memref<3200x128xf32, #tpu.memory_space<vmem>>, vector<3200x128xf32>
    %add3A = arith.addf %get3A_4, %get3A_7 : vector<3200x128xf32>
    %get3A_8 = arith.constant 0 : index
    %get3A_9 = arith.constant 0 : index
    %get3A_10 = vector.load %arg4[%get3A_8, %get3A_9] : memref<128x128xf32, #tpu.memory_space<vmem>>, vector<128x128xf32>
    %dot_general3A = arith.constant dense<0.000000e+00> : vector<3200x128xf32>
    %dot_general3A_11 = tpu.matmul %get3A_1, %get3A_10, %dot_general3A {dimension_numbers = #tpu.dot_dimension_numbers<[1], [0], [0], [1], [0, 0, 1, 1], [], []>, transpose_lhs_hint = false} : vector<3200x128xf32>, vector<128x128xf32>, vector<3200x128xf32> -> vector<3200x128xf32>
    %add3A_12 = arith.addf %add3A, %dot_general3A_11 : vector<3200x128xf32>
    %max3A = arith.constant 0.000000e+00 : f32
    %max3A_13 = vector.broadcast %max3A : f32 to vector<3200x128xf32>
    %max3A_14 = arith.maximumf %add3A_12, %max3A_13 : vector<3200x128xf32>
    %get3A_15 = arith.constant 0 : index
    %get3A_16 = arith.constant 0 : index
    %get3A_17 = vector.load %arg5[%get3A_15, %get3A_16] : memref<128x128xf32, #tpu.memory_space<vmem>>, vector<128x128xf32>
    %dot_general3A_18 = arith.constant dense<0.000000e+00> : vector<3200x128xf32>
    %dot_general3A_19 = tpu.matmul %max3A_14, %get3A_17, %dot_general3A_18 {dimension_numbers = #tpu.dot_dimension_numbers<[1], [0], [0], [1], [0, 0, 1, 1], [], []>, transpose_lhs_hint = false} : vector<3200x128xf32>, vector<128x128xf32>, vector<3200x128xf32> -> vector<3200x128xf32>
    %get3A_20 = arith.constant 0 : index
    %get3A_21 = arith.constant 0 : index
    %get3A_22 = vector.load %arg6[%get3A_20, %get3A_21] : memref<1x128xf32, #tpu.memory_space<vmem>>, vector<1x128xf32>
    %add3A_23 = vector.broadcast %get3A_22 : vector<1x128xf32> to vector<3200x128xf32>
    %add3A_24 = arith.addf %dot_general3A_19, %add3A_23 : vector<3200x128xf32>
    %neg3A = arith.constant 0.000000e+00 : f32
    %neg3A_25 = vector.broadcast %neg3A : f32 to vector<3200x128xf32>
    %neg3A_26 = arith.subf %neg3A_25, %add3A_24 : vector<3200x128xf32>
    %exp3A = math.exp %neg3A_26 : vector<3200x128xf32>
    %add3A_27 = arith.constant 1.000000e+00 : f32
    %add3A_28 = vector.broadcast %add3A_27 : f32 to vector<3200x128xf32>
    %add3A_29 = arith.addf %add3A_28, %exp3A : vector<3200x128xf32>
    %div3A = arith.divf %add3A_24, %add3A_29 : vector<3200x128xf32>
    %add3A_30 = arith.addf %get3A_1, %div3A : vector<3200x128xf32>
    %swap3A = arith.constant 0 : index
    %swap3A_31 = arith.constant 0 : index
    %swap3A_32 = vector.load %arg9[%swap3A, %swap3A_31] : memref<3200x128xf32, #tpu.memory_space<vmem>>, vector<3200x128xf32>
    tpu.vector_store %arg9[%swap3A, %swap3A_31], %add3A_30 {strides = array<i32>} : memref<3200x128xf32, #tpu.memory_space<vmem>>, vector<3200x128xf32>,
    %get3A_33 = arith.constant 0 : index
    %get3A_34 = arith.constant 0 : index
    %get3A_35 = vector.load %arg7[%get3A_33, %get3A_34] : memref<1x128xf32, #tpu.memory_space<vmem>>, vector<1x128xf32>
    %mul3A = vector.broadcast %get3A_35 : vector<1x128xf32> to vector<3200x128xf32>
    %mul3A_36 = arith.mulf %div3A, %mul3A : vector<3200x128xf32>
    %reduce_sum3A = arith.constant dense<0.000000e+00> : vector<3200xf32>
    %reduce_sum3A_37 = vector.multi_reduction <add>, %mul3A_36, %reduce_sum3A [1] : vector<3200x128xf32> to vector<3200xf32>
    %broadcast_in_dim3A = vector.shape_cast %reduce_sum3A_37 : vector<3200xf32> to vector<3200x1xf32>
    %get3A_38 = arith.constant 0 : index
    %get3A_39 = arith.constant 0 : index
    %get3A_40 = vector.load %arg8[%get3A_38, %get3A_39] : memref<1x1xf32, #tpu.memory_space<vmem>>, vector<1x1xf32>
    %add3A_41 = vector.broadcast %get3A_40 : vector<1x1xf32> to vector<3200x1xf32>
    %add3A_42 = arith.addf %broadcast_in_dim3A, %add3A_41 : vector<3200x1xf32>
    %neg3A_43 = arith.constant 0.000000e+00 : f32
    %neg3A_44 = vector.broadcast %neg3A_43 : f32 to vector<3200x1xf32>
    %neg3A_45 = arith.subf %neg3A_44, %add3A_42 : vector<3200x1xf32>
    %exp3A_46 = math.exp %neg3A_45 : vector<3200x1xf32>
    %add3A_47 = arith.constant 1.000000e+00 : f32
    %add3A_48 = vector.broadcast %add3A_47 : f32 to vector<3200x1xf32>
    %add3A_49 = arith.addf %add3A_48, %exp3A_46 : vector<3200x1xf32>
    %div3A_50 = arith.constant 1.000000e+00 : f32
    %div3A_51 = vector.broadcast %div3A_50 : f32 to vector<3200x1xf32>
    %div3A_52 = arith.divf %div3A_51, %add3A_49 : vector<3200x1xf32>
    %mul3A_53 = vector.broadcast %div3A_52 : vector<3200x1xf32> to vector<3200x128xf32>
    %mul3A_54 = arith.mulf %div3A, %mul3A_53 : vector<3200x128xf32>
    %swap3A_55 = arith.constant 0 : index
    %swap3A_56 = arith.constant 0 : index
    %swap3A_57 = vector.load %arg10[%swap3A_55, %swap3A_56] : memref<3200x128xf32, #tpu.memory_space<vmem>>, vector<3200x128xf32>
    tpu.vector_store %arg10[%swap3A_55, %swap3A_56], %mul3A_54 {strides = array<i32>} : memref<3200x128xf32, #tpu.memory_space<vmem>>, vector<3200x128xf32>,
    return
  }
  func.func @transform_0(%arg0: i32) -> (i32, i32) {
    %c0_i32 = arith.constant 0 : i32
    %c0_i32_0 = arith.constant 0 : i32
    return %arg0, %c0_i32 : i32, i32
  }
  func.func @transform_1(%arg0: i32) -> (i32, i32) {
    %c0_i32 = arith.constant 0 : i32
    %c0_i32_0 = arith.constant 0 : i32
    return %arg0, %c0_i32 : i32, i32
  }
  func.func @transform_2(%arg0: i32) -> (i32, i32) {
    %add3A = arith.constant 0 : i32
    %add3A_0 = arith.addi %arg0, %add3A : i32
    %c0_i32 = arith.constant 0 : i32
    %c0_i32_1 = arith.constant 0 : i32
    return %add3A_0, %c0_i32 : i32, i32
  }
  func.func @transform_3(%arg0: i32) -> (i32, i32) {
    %c0_i32 = arith.constant 0 : i32
    %c0_i32_0 = arith.constant 0 : i32
    %c0_i32_1 = arith.constant 0 : i32
    return %c0_i32, %c0_i32_0 : i32, i32
  }
  func.func @transform_4(%arg0: i32) -> (i32, i32) {
    %c0_i32 = arith.constant 0 : i32
    %c0_i32_0 = arith.constant 0 : i32
    %c0_i32_1 = arith.constant 0 : i32
    return %c0_i32, %c0_i32_0 : i32, i32
  }
  func.func @transform_5(%arg0: i32) -> (i32, i32) {
    %c0_i32 = arith.constant 0 : i32
    %c0_i32_0 = arith.constant 0 : i32
    %c0_i32_1 = arith.constant 0 : i32
    return %c0_i32, %c0_i32_0 : i32, i32
  }
  func.func @transform_6(%arg0: i32) -> (i32, i32) {
    %c0_i32 = arith.constant 0 : i32
    %c0_i32_0 = arith.constant 0 : i32
    %c0_i32_1 = arith.constant 0 : i32
    return %c0_i32, %c0_i32_0 : i32, i32
  }
  func.func @transform_7(%arg0: i32) -> (i32, i32) {
    %c0_i32 = arith.constant 0 : i32
    %c0_i32_0 = arith.constant 0 : i32
    %c0_i32_1 = arith.constant 0 : i32
    return %c0_i32, %c0_i32_0 : i32, i32
  }
  func.func @transform_8(%arg0: i32) -> (i32, i32) {
    %add3A = arith.constant 0 : i32
    %add3A_0 = arith.addi %arg0, %add3A : i32
    %c0_i32 = arith.constant 0 : i32
    %c0_i32_1 = arith.constant 0 : i32
    return %add3A_0, %c0_i32 : i32, i32
  }
  func.func @transform_9(%arg0: i32) -> (i32, i32) {
    %c0_i32 = arith.constant 0 : i32
    %c0_i32_0 = arith.constant 0 : i32
    return %arg0, %c0_i32 : i32, i32
  }
}

module attributes {stable_mosaic.version = 14 : i64} {
  func.func @_pq_body(%arg0: memref<10000x128xf32, #tpu.memory_space<vmem>>, %arg1: memref<128x128xf32, #tpu.memory_space<vmem>>, %arg2: memref<128x128xf32, #tpu.memory_space<vmem>>, %arg3: memref<1x128xf32, #tpu.memory_space<vmem>>, %arg4: memref<10000x128xf32, #tpu.memory_space<vmem>>, %arg5: memref<10000x128xf32, #tpu.memory_space<vmem>>) attributes {dimension_semantics = [], scalar_prefetch = 0 : i64, scratch_operands = 0 : i64, tpu.core_type = #tpu.core_type<tc>} {
    %get3A = arith.constant 0 : index
    %get3A_0 = arith.constant 0 : index
    %get3A_1 = vector.load %arg0[%get3A, %get3A_0] : memref<10000x128xf32, #tpu.memory_space<vmem>>, vector<10000x128xf32>
    %get3A_2 = arith.constant 0 : index
    %get3A_3 = arith.constant 0 : index
    %get3A_4 = vector.load %arg1[%get3A_2, %get3A_3] : memref<128x128xf32, #tpu.memory_space<vmem>>, vector<128x128xf32>
    %dot_general3A = arith.constant dense<0.000000e+00> : vector<10000x128xf32>
    %dot_general3A_5 = tpu.matmul %get3A_1, %get3A_4, %dot_general3A {dimension_numbers = #tpu.dot_dimension_numbers<[1], [0], [0], [1], [0, 0, 1, 1], [], []>, transpose_lhs_hint = false} : vector<10000x128xf32>, vector<128x128xf32>, vector<10000x128xf32> -> vector<10000x128xf32>
    %get3A_6 = arith.constant 0 : index
    %get3A_7 = arith.constant 0 : index
    %get3A_8 = vector.load %arg3[%get3A_6, %get3A_7] : memref<1x128xf32, #tpu.memory_space<vmem>>, vector<1x128xf32>
    %add3A = vector.broadcast %get3A_8 : vector<1x128xf32> to vector<10000x128xf32>
    %add3A_9 = arith.addf %dot_general3A_5, %add3A : vector<10000x128xf32>
    %swap3A = arith.constant 0 : index
    %swap3A_10 = arith.constant 0 : index
    %swap3A_11 = vector.load %arg4[%swap3A, %swap3A_10] : memref<10000x128xf32, #tpu.memory_space<vmem>>, vector<10000x128xf32>
    tpu.vector_store %arg4[%swap3A, %swap3A_10], %add3A_9 {strides = array<i32>} : memref<10000x128xf32, #tpu.memory_space<vmem>>, vector<10000x128xf32>,
    %get3A_12 = arith.constant 0 : index
    %get3A_13 = arith.constant 0 : index
    %get3A_14 = vector.load %arg2[%get3A_12, %get3A_13] : memref<128x128xf32, #tpu.memory_space<vmem>>, vector<128x128xf32>
    %dot_general3A_15 = arith.constant dense<0.000000e+00> : vector<10000x128xf32>
    %dot_general3A_16 = tpu.matmul %get3A_1, %get3A_14, %dot_general3A_15 {dimension_numbers = #tpu.dot_dimension_numbers<[1], [0], [0], [1], [0, 0, 1, 1], [], []>, transpose_lhs_hint = false} : vector<10000x128xf32>, vector<128x128xf32>, vector<10000x128xf32> -> vector<10000x128xf32>
    %swap3A_17 = arith.constant 0 : index
    %swap3A_18 = arith.constant 0 : index
    %swap3A_19 = vector.load %arg5[%swap3A_17, %swap3A_18] : memref<10000x128xf32, #tpu.memory_space<vmem>>, vector<10000x128xf32>
    tpu.vector_store %arg5[%swap3A_17, %swap3A_18], %dot_general3A_16 {strides = array<i32>} : memref<10000x128xf32, #tpu.memory_space<vmem>>, vector<10000x128xf32>,
    return
  }
}

module attributes {stable_mosaic.version = 14 : i64} {
  func.func @body1(%arg0: i32, %arg1: memref<3200x128xf32, #tpu.memory_space<vmem>>, %arg2: memref<3200x128xf32, #tpu.memory_space<vmem>>, %arg3: memref<3200x128xf32, #tpu.memory_space<vmem>>, %arg4: memref<128x128xf32, #tpu.memory_space<vmem>>, %arg5: memref<128x128xf32, #tpu.memory_space<vmem>>, %arg6: memref<1x128xf32, #tpu.memory_space<vmem>>, %arg7: memref<1x128xf32, #tpu.memory_space<vmem>>, %arg8: memref<1x1xf32, #tpu.memory_space<vmem>>, %arg9: memref<8x128xf32, #tpu.memory_space<vmem>>, %arg10: memref<3200x128xf32, #tpu.memory_space<vmem>>, %arg11: memref<3200x128xf32, #tpu.memory_space<vmem>>) attributes {dimension_semantics = [#tpu.dimension_semantics<arbitrary>], iteration_bounds = array<i64: 50>, scalar_prefetch = 0 : i64, scratch_operands = 0 : i64, tpu.core_type = #tpu.core_type<tc>, window_params = [{transform_indices = @transform_0, window_bounds = array<i64: 3200, 128>}, {transform_indices = @transform_1, window_bounds = array<i64: 3200, 128>}, {transform_indices = @transform_2, window_bounds = array<i64: 3200, 128>}, {pipeline_mode = #tpu.pipeline_mode<synchronous>, transform_indices = @transform_3, window_bounds = array<i64: 128, 128>}, {pipeline_mode = #tpu.pipeline_mode<synchronous>, transform_indices = @transform_4, window_bounds = array<i64: 128, 128>}, {pipeline_mode = #tpu.pipeline_mode<synchronous>, transform_indices = @transform_5, window_bounds = array<i64: 1, 128>}, {pipeline_mode = #tpu.pipeline_mode<synchronous>, transform_indices = @transform_6, window_bounds = array<i64: 1, 128>}, {pipeline_mode = #tpu.pipeline_mode<synchronous>, transform_indices = @transform_7, window_bounds = array<i64: 1, 1>}, {transform_indices = @transform_8, window_bounds = array<i64: 8, 128>}, {transform_indices = @transform_9, window_bounds = array<i64: 3200, 128>}, {transform_indices = @transform_10, window_bounds = array<i64: 3200, 128>}]} {
    %get3A = arith.constant 0 : index
    %get3A_0 = arith.constant 0 : index
    %get3A_1 = vector.load %arg3[%get3A, %get3A_0] : memref<3200x128xf32, #tpu.memory_space<vmem>>, vector<3200x128xf32>
    %get3A_2 = arith.constant 0 : index
    %get3A_3 = arith.constant 0 : index
    %get3A_4 = vector.load %arg1[%get3A_2, %get3A_3] : memref<3200x128xf32, #tpu.memory_space<vmem>>, vector<3200x128xf32>
    %get3A_5 = arith.constant 0 : index
    %get3A_6 = arith.constant 0 : index
    %get3A_7 = vector.load %arg2[%get3A_5, %get3A_6] : memref<3200x128xf32, #tpu.memory_space<vmem>>, vector<3200x128xf32>
    %add3A = arith.addf %get3A_4, %get3A_7 : vector<3200x128xf32>
    %get3A_8 = arith.constant 0 : index
    %get3A_9 = arith.constant 0 : index
    %get3A_10 = vector.load %arg4[%get3A_8, %get3A_9] : memref<128x128xf32, #tpu.memory_space<vmem>>, vector<128x128xf32>
    %dot_general3A = arith.constant dense<0.000000e+00> : vector<3200x128xf32>
    %dot_general3A_11 = tpu.matmul %get3A_1, %get3A_10, %dot_general3A {dimension_numbers = #tpu.dot_dimension_numbers<[1], [0], [0], [1], [0, 0, 1, 1], [], []>, transpose_lhs_hint = false} : vector<3200x128xf32>, vector<128x128xf32>, vector<3200x128xf32> -> vector<3200x128xf32>
    %add3A_12 = arith.addf %add3A, %dot_general3A_11 : vector<3200x128xf32>
    %max3A = arith.constant 0.000000e+00 : f32
    %max3A_13 = vector.broadcast %max3A : f32 to vector<3200x128xf32>
    %max3A_14 = arith.maximumf %add3A_12, %max3A_13 : vector<3200x128xf32>
    %get3A_15 = arith.constant 0 : index
    %get3A_16 = arith.constant 0 : index
    %get3A_17 = vector.load %arg5[%get3A_15, %get3A_16] : memref<128x128xf32, #tpu.memory_space<vmem>>, vector<128x128xf32>
    %dot_general3A_18 = arith.constant dense<0.000000e+00> : vector<3200x128xf32>
    %dot_general3A_19 = tpu.matmul %max3A_14, %get3A_17, %dot_general3A_18 {dimension_numbers = #tpu.dot_dimension_numbers<[1], [0], [0], [1], [0, 0, 1, 1], [], []>, transpose_lhs_hint = false} : vector<3200x128xf32>, vector<128x128xf32>, vector<3200x128xf32> -> vector<3200x128xf32>
    %get3A_20 = arith.constant 0 : index
    %get3A_21 = arith.constant 0 : index
    %get3A_22 = vector.load %arg6[%get3A_20, %get3A_21] : memref<1x128xf32, #tpu.memory_space<vmem>>, vector<1x128xf32>
    %add3A_23 = vector.broadcast %get3A_22 : vector<1x128xf32> to vector<3200x128xf32>
    %add3A_24 = arith.addf %dot_general3A_19, %add3A_23 : vector<3200x128xf32>
    %neg3A = arith.constant 0.000000e+00 : f32
    %neg3A_25 = vector.broadcast %neg3A : f32 to vector<3200x128xf32>
    %neg3A_26 = arith.subf %neg3A_25, %add3A_24 : vector<3200x128xf32>
    %exp3A = math.exp %neg3A_26 : vector<3200x128xf32>
    %add3A_27 = arith.constant 1.000000e+00 : f32
    %add3A_28 = vector.broadcast %add3A_27 : f32 to vector<3200x128xf32>
    %add3A_29 = arith.addf %add3A_28, %exp3A : vector<3200x128xf32>
    %div3A = arith.divf %add3A_24, %add3A_29 : vector<3200x128xf32>
    %add3A_30 = arith.addf %get3A_1, %div3A : vector<3200x128xf32>
    %swap3A = arith.constant 0 : index
    %swap3A_31 = arith.constant 0 : index
    %swap3A_32 = vector.load %arg10[%swap3A, %swap3A_31] : memref<3200x128xf32, #tpu.memory_space<vmem>>, vector<3200x128xf32>
    tpu.vector_store %arg10[%swap3A, %swap3A_31], %add3A_30 {strides = array<i32>} : memref<3200x128xf32, #tpu.memory_space<vmem>>, vector<3200x128xf32>,
    %get3A_33 = arith.constant 0 : index
    %get3A_34 = arith.constant 0 : index
    %get3A_35 = vector.load %arg7[%get3A_33, %get3A_34] : memref<1x128xf32, #tpu.memory_space<vmem>>, vector<1x128xf32>
    %mul3A = vector.broadcast %get3A_35 : vector<1x128xf32> to vector<3200x128xf32>
    %mul3A_36 = arith.mulf %div3A, %mul3A : vector<3200x128xf32>
    %reduce_sum3A = arith.constant dense<0.000000e+00> : vector<3200xf32>
    %reduce_sum3A_37 = vector.multi_reduction <add>, %mul3A_36, %reduce_sum3A [1] : vector<3200x128xf32> to vector<3200xf32>
    %broadcast_in_dim3A = vector.shape_cast %reduce_sum3A_37 : vector<3200xf32> to vector<3200x1xf32>
    %get3A_38 = arith.constant 0 : index
    %get3A_39 = arith.constant 0 : index
    %get3A_40 = vector.load %arg8[%get3A_38, %get3A_39] : memref<1x1xf32, #tpu.memory_space<vmem>>, vector<1x1xf32>
    %add3A_41 = vector.broadcast %get3A_40 : vector<1x1xf32> to vector<3200x1xf32>
    %add3A_42 = arith.addf %broadcast_in_dim3A, %add3A_41 : vector<3200x1xf32>
    %neg3A_43 = arith.constant 0.000000e+00 : f32
    %neg3A_44 = vector.broadcast %neg3A_43 : f32 to vector<3200x1xf32>
    %neg3A_45 = arith.subf %neg3A_44, %add3A_42 : vector<3200x1xf32>
    %exp3A_46 = math.exp %neg3A_45 : vector<3200x1xf32>
    %add3A_47 = arith.constant 1.000000e+00 : f32
    %add3A_48 = vector.broadcast %add3A_47 : f32 to vector<3200x1xf32>
    %add3A_49 = arith.addf %add3A_48, %exp3A_46 : vector<3200x1xf32>
    %div3A_50 = arith.constant 1.000000e+00 : f32
    %div3A_51 = vector.broadcast %div3A_50 : f32 to vector<3200x1xf32>
    %div3A_52 = arith.divf %div3A_51, %add3A_49 : vector<3200x1xf32>
    %mul3A_53 = vector.broadcast %div3A_52 : vector<3200x1xf32> to vector<3200x128xf32>
    %mul3A_54 = arith.mulf %div3A, %mul3A_53 : vector<3200x128xf32>
    %swap3A_55 = arith.constant 0 : index
    %swap3A_56 = arith.constant 0 : index
    %swap3A_57 = vector.load %arg11[%swap3A_55, %swap3A_56] : memref<3200x128xf32, #tpu.memory_space<vmem>>, vector<3200x128xf32>
    tpu.vector_store %arg11[%swap3A_55, %swap3A_56], %mul3A_54 {strides = array<i32>} : memref<3200x128xf32, #tpu.memory_space<vmem>>, vector<3200x128xf32>,
    return
  }
  func.func @transform_0(%arg0: i32) -> (i32, i32) {
    %c0_i32 = arith.constant 0 : i32
    %c0_i32_0 = arith.constant 0 : i32
    return %arg0, %c0_i32 : i32, i32
  }
  func.func @transform_1(%arg0: i32) -> (i32, i32) {
    %c0_i32 = arith.constant 0 : i32
    %c0_i32_0 = arith.constant 0 : i32
    return %arg0, %c0_i32 : i32, i32
  }
  func.func @transform_2(%arg0: i32) -> (i32, i32) {
    %add3A = arith.constant 50 : i32
    %add3A_0 = arith.addi %arg0, %add3A : i32
    %c0_i32 = arith.constant 0 : i32
    %c0_i32_1 = arith.constant 0 : i32
    return %add3A_0, %c0_i32 : i32, i32
  }
  func.func @transform_3(%arg0: i32) -> (i32, i32) {
    %c0_i32 = arith.constant 0 : i32
    %c0_i32_0 = arith.constant 0 : i32
    %c0_i32_1 = arith.constant 0 : i32
    return %c0_i32, %c0_i32_0 : i32, i32
  }
  func.func @transform_4(%arg0: i32) -> (i32, i32) {
    %c0_i32 = arith.constant 0 : i32
    %c0_i32_0 = arith.constant 0 : i32
    %c0_i32_1 = arith.constant 0 : i32
    return %c0_i32, %c0_i32_0 : i32, i32
  }
  func.func @transform_5(%arg0: i32) -> (i32, i32) {
    %c0_i32 = arith.constant 0 : i32
    %c0_i32_0 = arith.constant 0 : i32
    %c0_i32_1 = arith.constant 0 : i32
    return %c0_i32, %c0_i32_0 : i32, i32
  }
  func.func @transform_6(%arg0: i32) -> (i32, i32) {
    %c0_i32 = arith.constant 0 : i32
    %c0_i32_0 = arith.constant 0 : i32
    %c0_i32_1 = arith.constant 0 : i32
    return %c0_i32, %c0_i32_0 : i32, i32
  }
  func.func @transform_7(%arg0: i32) -> (i32, i32) {
    %c0_i32 = arith.constant 0 : i32
    %c0_i32_0 = arith.constant 0 : i32
    %c0_i32_1 = arith.constant 0 : i32
    return %c0_i32, %c0_i32_0 : i32, i32
  }
  func.func @transform_8(%arg0: i32) -> (i32, i32) {
    %c0_i32 = arith.constant 0 : i32
    %c0_i32_0 = arith.constant 0 : i32
    %c0_i32_1 = arith.constant 0 : i32
    return %c0_i32, %c0_i32_0 : i32, i32
  }
  func.func @transform_9(%arg0: i32) -> (i32, i32) {
    %add3A = arith.constant 50 : i32
    %add3A_0 = arith.addi %arg0, %add3A : i32
    %c0_i32 = arith.constant 0 : i32
    %c0_i32_1 = arith.constant 0 : i32
    return %add3A_0, %c0_i32 : i32, i32
  }
  func.func @transform_10(%arg0: i32) -> (i32, i32) {
    %c0_i32 = arith.constant 0 : i32
    %c0_i32_0 = arith.constant 0 : i32
    return %arg0, %c0_i32 : i32, i32
  }
}

module attributes {stable_mosaic.version = 14 : i64} {
  func.func @_update_body(%arg0: memref<2x10000x128xf32, #tpu.memory_space<vmem>>, %arg1: memref<2x10000x128xf32, #tpu.memory_space<vmem>>, %arg2: memref<10000x128xf32, #tpu.memory_space<vmem>>, %arg3: memref<128x128xf32, #tpu.memory_space<vmem>>, %arg4: memref<1x128xf32, #tpu.memory_space<vmem>>, %arg5: memref<1x128xf32, #tpu.memory_space<vmem>>, %arg6: memref<1x128xf32, #tpu.memory_space<vmem>>, %arg7: memref<128x128xf32, #tpu.memory_space<vmem>>, %arg8: memref<1x128xf32, #tpu.memory_space<vmem>>, %arg9: memref<10000x128xf32, #tpu.memory_space<vmem>>) attributes {dimension_semantics = [], scalar_prefetch = 0 : i64, scratch_operands = 0 : i64, tpu.core_type = #tpu.core_type<tc>} {
    %get3A = arith.constant 0 : index
    %get3A_0 = arith.constant 0 : index
    %get3A_1 = vector.load %arg2[%get3A, %get3A_0] : memref<10000x128xf32, #tpu.memory_space<vmem>>, vector<10000x128xf32>
    %get3A_2 = arith.constant 0 : index
    %get3A_3 = arith.constant 0 : index
    %get3A_4 = arith.constant 0 : index
    %get3A_5 = vector.load %arg0[%get3A_2, %get3A_3, %get3A_4] : memref<2x10000x128xf32, #tpu.memory_space<vmem>>, vector<1x10000x128xf32>
    %get3A_6 = vector.shape_cast %get3A_5 : vector<1x10000x128xf32> to vector<10000x128xf32>
    %get3A_7 = arith.constant 1 : index
    %get3A_8 = arith.constant 0 : index
    %get3A_9 = arith.constant 0 : index
    %get3A_10 = vector.load %arg0[%get3A_7, %get3A_8, %get3A_9] : memref<2x10000x128xf32, #tpu.memory_space<vmem>>, vector<1x10000x128xf32>
    %get3A_11 = vector.shape_cast %get3A_10 : vector<1x10000x128xf32> to vector<10000x128xf32>
    %add3A = arith.addf %get3A_6, %get3A_11 : vector<10000x128xf32>
    %get3A_12 = arith.constant 0 : index
    %get3A_13 = arith.constant 0 : index
    %get3A_14 = arith.constant 0 : index
    %get3A_15 = vector.load %arg1[%get3A_12, %get3A_13, %get3A_14] : memref<2x10000x128xf32, #tpu.memory_space<vmem>>, vector<1x10000x128xf32>
    %get3A_16 = vector.shape_cast %get3A_15 : vector<1x10000x128xf32> to vector<10000x128xf32>
    %add3A_17 = arith.addf %add3A, %get3A_16 : vector<10000x128xf32>
    %get3A_18 = arith.constant 1 : index
    %get3A_19 = arith.constant 0 : index
    %get3A_20 = arith.constant 0 : index
    %get3A_21 = vector.load %arg1[%get3A_18, %get3A_19, %get3A_20] : memref<2x10000x128xf32, #tpu.memory_space<vmem>>, vector<1x10000x128xf32>
    %get3A_22 = vector.shape_cast %get3A_21 : vector<1x10000x128xf32> to vector<10000x128xf32>
    %add3A_23 = arith.addf %add3A_17, %get3A_22 : vector<10000x128xf32>
    %add3A_24 = arith.addf %add3A_23, %get3A_1 : vector<10000x128xf32>
    %get3A_25 = arith.constant 0 : index
    %get3A_26 = arith.constant 0 : index
    %get3A_27 = vector.load %arg3[%get3A_25, %get3A_26] : memref<128x128xf32, #tpu.memory_space<vmem>>, vector<128x128xf32>
    %dot_general3A = arith.constant dense<0.000000e+00> : vector<10000x128xf32>
    %dot_general3A_28 = tpu.matmul %add3A_24, %get3A_27, %dot_general3A {dimension_numbers = #tpu.dot_dimension_numbers<[1], [0], [0], [1], [0, 0, 1, 1], [], []>, transpose_lhs_hint = false} : vector<10000x128xf32>, vector<128x128xf32>, vector<10000x128xf32> -> vector<10000x128xf32>
    %get3A_29 = arith.constant 0 : index
    %get3A_30 = arith.constant 0 : index
    %get3A_31 = vector.load %arg4[%get3A_29, %get3A_30] : memref<1x128xf32, #tpu.memory_space<vmem>>, vector<1x128xf32>
    %add3A_32 = vector.broadcast %get3A_31 : vector<1x128xf32> to vector<10000x128xf32>
    %add3A_33 = arith.addf %dot_general3A_28, %add3A_32 : vector<10000x128xf32>
    %max3A = arith.constant 0.000000e+00 : f32
    %max3A_34 = vector.broadcast %max3A : f32 to vector<10000x128xf32>
    %max3A_35 = arith.maximumf %add3A_33, %max3A_34 : vector<10000x128xf32>
    %reduce_sum3A = arith.constant dense<0.000000e+00> : vector<128xf32>
    %reduce_sum3A_36 = vector.multi_reduction <add>, %max3A_35, %reduce_sum3A [0] : vector<10000x128xf32> to vector<128xf32>
    %broadcast_in_dim3A = vector.shape_cast %reduce_sum3A_36 : vector<128xf32> to vector<1x128xf32>
    %div3A = arith.constant 1.000000e+04 : f32
    %div3A_37 = vector.broadcast %div3A : f32 to vector<1x128xf32>
    %div3A_38 = arith.divf %broadcast_in_dim3A, %div3A_37 : vector<1x128xf32>
    %sub3A = vector.broadcast %div3A_38 : vector<1x128xf32> to vector<10000x128xf32>
    %sub3A_39 = arith.subf %max3A_35, %sub3A : vector<10000x128xf32>
    %integer_pow3A = arith.mulf %sub3A_39, %sub3A_39 : vector<10000x128xf32>
    %reduce_sum3A_40 = arith.constant dense<0.000000e+00> : vector<128xf32>
    %reduce_sum3A_41 = vector.multi_reduction <add>, %integer_pow3A, %reduce_sum3A_40 [0] : vector<10000x128xf32> to vector<128xf32>
    %broadcast_in_dim3A_42 = vector.shape_cast %reduce_sum3A_41 : vector<128xf32> to vector<1x128xf32>
    %div3A_43 = arith.constant 1.000000e+04 : f32
    %div3A_44 = vector.broadcast %div3A_43 : f32 to vector<1x128xf32>
    %div3A_45 = arith.divf %broadcast_in_dim3A_42, %div3A_44 : vector<1x128xf32>
    %sub3A_46 = vector.broadcast %div3A_38 : vector<1x128xf32> to vector<10000x128xf32>
    %sub3A_47 = arith.subf %max3A_35, %sub3A_46 : vector<10000x128xf32>
    %add3A_48 = arith.constant 9.99999974E-6 : f32
    %add3A_49 = vector.broadcast %add3A_48 : f32 to vector<1x128xf32>
    %add3A_50 = arith.addf %div3A_45, %add3A_49 : vector<1x128xf32>
    %sqrt3A = math.sqrt %add3A_50 : vector<1x128xf32>
    %div3A_51 = vector.broadcast %sqrt3A : vector<1x128xf32> to vector<10000x128xf32>
    %div3A_52 = arith.divf %sub3A_47, %div3A_51 : vector<10000x128xf32>
    %get3A_53 = arith.constant 0 : index
    %get3A_54 = arith.constant 0 : index
    %get3A_55 = vector.load %arg5[%get3A_53, %get3A_54] : memref<1x128xf32, #tpu.memory_space<vmem>>, vector<1x128xf32>
    %mul3A = vector.broadcast %get3A_55 : vector<1x128xf32> to vector<10000x128xf32>
    %mul3A_56 = arith.mulf %div3A_52, %mul3A : vector<10000x128xf32>
    %get3A_57 = arith.constant 0 : index
    %get3A_58 = arith.constant 0 : index
    %get3A_59 = vector.load %arg6[%get3A_57, %get3A_58] : memref<1x128xf32, #tpu.memory_space<vmem>>, vector<1x128xf32>
    %add3A_60 = vector.broadcast %get3A_59 : vector<1x128xf32> to vector<10000x128xf32>
    %add3A_61 = arith.addf %mul3A_56, %add3A_60 : vector<10000x128xf32>
    %get3A_62 = arith.constant 0 : index
    %get3A_63 = arith.constant 0 : index
    %get3A_64 = vector.load %arg7[%get3A_62, %get3A_63] : memref<128x128xf32, #tpu.memory_space<vmem>>, vector<128x128xf32>
    %dot_general3A_65 = arith.constant dense<0.000000e+00> : vector<10000x128xf32>
    %dot_general3A_66 = tpu.matmul %add3A_61, %get3A_64, %dot_general3A_65 {dimension_numbers = #tpu.dot_dimension_numbers<[1], [0], [0], [1], [0, 0, 1, 1], [], []>, transpose_lhs_hint = false} : vector<10000x128xf32>, vector<128x128xf32>, vector<10000x128xf32> -> vector<10000x128xf32>
    %get3A_67 = arith.constant 0 : index
    %get3A_68 = arith.constant 0 : index
    %get3A_69 = vector.load %arg8[%get3A_67, %get3A_68] : memref<1x128xf32, #tpu.memory_space<vmem>>, vector<1x128xf32>
    %add3A_70 = vector.broadcast %get3A_69 : vector<1x128xf32> to vector<10000x128xf32>
    %add3A_71 = arith.addf %dot_general3A_66, %add3A_70 : vector<10000x128xf32>
    %add3A_72 = arith.addf %add3A_71, %get3A_1 : vector<10000x128xf32>
    %swap3A = arith.constant 0 : index
    %swap3A_73 = arith.constant 0 : index
    %swap3A_74 = vector.load %arg9[%swap3A, %swap3A_73] : memref<10000x128xf32, #tpu.memory_space<vmem>>, vector<10000x128xf32>
    tpu.vector_store %arg9[%swap3A, %swap3A_73], %add3A_72 {strides = array<i32>} : memref<10000x128xf32, #tpu.memory_space<vmem>>, vector<10000x128xf32>,
    return
  }
}

</mosaic_0001>

<sc_bundles>
// kernel: kernel.10.cloned.1.call-start
scs
__scs_entry_jumppad:
0x0: {  	(pc) =	sbr.rel $0x88, $3  }
0x1: {  	(tag) =	ssettag $0x0;
	lr =	simm.s32 $0x1  }
0x2: {  	[smem:$0x3F92] =	sst lr;
	_ =	strace $0xD0000000  }
0x3: {  	_ = 	snop  }
0x4: {  	_ = 	snop  }
0x5: {  	_ = 	snop  }
0x6: {  	_ = 	snop  }
0x7: {  	_ = 	snop  }
__scs_overlays_trampoline_lowered:
0x8: {  	[smem:$0x3FA1] =	sst s0  }
0x9: {  	[smem:$0x3FA2] =	sst s1  }
0xa: {  	[smem:$0x3FA3] =	sst s2  }
0xb: {  	[smem:$0x3FA4] =	sst s3  }
0xc: {  	[smem:$0x3FA5] =	sst s4  }
0xd: {  	[smem:$0x3FA6] =	sst s5  }
0xe: {  	[smem:$0x3FA7] =	sst s6  }
0xf: {  	[smem:$0x3FA8] =	sst s7  }
0x10: {  	[smem:$0x3FA9] =	sst s8  }
0x11: {  	[smem:$0x3FAA] =	sst s9;
	s0 =	simm.s32 @!p0 $0x0  }
0x12: {  	s1 =	sld [smem:$0x3F90];
	s0 =	simm.s32 @p0 $0x1  }
0x13: {  	[smem:$0x3FAB] =	sst s0;
	s0 =	simm.s32 @!p1 $0x0  }
0x14: {  	s2 =	sld [smem:$0x3F8F];
	s0 =	simm.s32 @p1 $0x1  }
0x15: {  	[smem:$0x3FAC] =	sst s0;
	s0 =	simm.s32 @!p2 $0x0  }
0x16: {  	s3 =	sld [smem:$0x3FDB];
	s0 =	simm.s32 @p2 $0x1  }
0x17: {  	s4 =	simm.s32 $0x1BF5;
	[smem:$0x3FAE] =	sst s0  }
0x18: {  	s0 =	sld [smem:$0x3F91];
	_ =	swait.ge [sflag:s4], $0x0  }
0x19: {  	s7 =	sld [smem:$0x3F92]  }
0x1a: {  	s8 =	sadd.s32 $0xFFFFE003, lr  }
0x1b: {  	s9 =	sadd.s32 $0xFFFFFEF7, lr;
	s5 =	simm.s32 $0xFFFFFFFF;
	p2 =	slt.u32 s8, $0xFFFFF086  }
0x1c: {  	p1 =	slt.u32 s9, $0xF7A;
	s5 =	simm.s32 @!p2 $0x0  }
0x1d: {  	s5 =	simm.s32 @p1 $0x1;
	p0 =	seq.s32 s7, s2  }
0x1e: {  	s7 =	smul.u32 @!p0 $0xF7A, s2;
	p2 =	seq.s32 @!p0 s5, $0x0  }
0x1f: {  	s9 =	smul.u32 $0xF7A, s1;
	s8 =	simm.s32 @!p0 $0x1BF5;
	p2 =	por !p2, p0  }
0x20: {  	[sflag:s8] =	ssyncset.s32 @!p0 $0xFFFFF086;
	s6 =	sadd.s32 @!p0 s3, s7;
	s7 =	simm.s32 @!p0 $0x108  }
0x21: {  	s3 =	sadd.s32 s3, s9;
	s6 =	sadd.s32 @!p0 $0x88, s6;
	s7 =	simm.s32 @p2 $0x1082  }
0x22: {  	[simem:s7], [sflag:s8] =	dma.local @!p0 [hbm:s6], $0xF7A  }
0x23: {  	s9 =	sor.u32 $0xD0000000, s2;
	s6 =	simm.s32 $0x108;
	_ =	swait.ge @!p0 [sflag:s8], $0x0  }
0x24: {  	s3 =	sadd.s32 $0x88, s3;
	s6 =	simm.s32 @!p1 $0x1082;
	[sflag:s4] =	ssyncset.s32 $0xFFFFF086  }
0x25: {  	[simem:s6], [sflag:s4] =	dma.local [hbm:s3], $0xF7A  }
0x26: {  	[smem:$0x3F92] =	sst s1;
	(tag) =	ssettag s2;
	_ =	strace s9  }
0x27: {  	s1 =	sld [smem:$0x3FA2]  }
0x28: {  	s2 =	sld [smem:$0x3FA3]  }
0x29: {  	s4 =	sld [smem:$0x3FA5]  }
0x2a: {  	p0 =	seq.s32 s5, $0x0;
	s5 =	sld [smem:$0x3FA6]  }
0x2b: {  	s6 =	sld [smem:$0x3FA7]  }
0x2c: {  	s7 =	sld [smem:$0x3FA8]  }
0x2d: {  	s3 =	simm.s32 $0x108;
	s8 =	sld [smem:$0x3FA9]  }
0x2e: {  	s3 =	simm.s32 @!p0 $0x1082;
	s9 =	sld [smem:$0x3FAA]  }
0x2f: {  	lr =	sadd.s32 s0, s3;
	s0 =	sld [smem:$0x3FA1]  }
0x30: {  	s3 =	sld [smem:$0x3FA4]  }
0x31: {  	[smem:$0x3FAD] =	sst s10  }
0x32: {  	s10 =	sld [smem:$0x3FAB];
	_ =	sdelay $0x3  }
0x33: {  	p0 =	seq.s32 s10, $0x1;
	s10 =	sld [smem:$0x3FAD];
	_ =	sdelay $0x3  }
0x34: {  	[smem:$0x3FAD] =	sst s10  }
0x35: {  	s10 =	sld [smem:$0x3FAC];
	_ =	sdelay $0x3  }
0x36: {  	p1 =	seq.s32 s10, $0x1;
	s10 =	sld [smem:$0x3FAD];
	_ =	sdelay $0x3  }
0x37: {  	[smem:$0x3FAD] =	sst s10  }
0x38: {  	s10 =	sld [smem:$0x3FAE]  }
0x39: {  	_ = 	snop;
	(pc) =	sbr.ind lr, $3  }
0x3a: {  	_ = 	snop  }
0x3b: {  	_ = 	snop  }
0x3c: {  	p2 =	seq.s32 s10, $0x1;
	s10 =	sld [smem:$0x3FAD]  }
0x3d: {  	_ =	shalt  }
0x3e: {  	_ =	shalt  }
0x3f: {  	_ =	shalt  }
0x40: {  	_ =	shalt  }
0x41: {  	_ =	shalt  }
0x42: {  	_ =	shalt  }
0x43: {  	_ =	shalt  }
0x44: {  	_ =	shalt  }
0x45: {  	_ =	shalt  }
0x46: {  	_ =	shalt  }
0x47: {  	_ =	shalt  }
0x48: {  	_ =	shalt  }
0x49: {  	_ =	shalt  }
0x4a: {  	_ =	shalt  }
0x4b: {  	_ =	shalt  }
0x4c: {  	_ =	shalt  }
0x4d: {  	_ =	shalt  }
0x4e: {  	_ =	shalt  }
0x4f: {  	_ =	shalt  }
0x50: {  	_ =	shalt  }
0x51: {  	_ =	shalt  }
0x52: {  	_ =	shalt  }
0x53: {  	_ =	shalt  }
0x54: {  	_ =	shalt  }
0x55: {  	_ =	shalt  }
0x56: {  	_ =	shalt  }
0x57: {  	_ =	shalt  }
0x58: {  	_ =	shalt  }
0x59: {  	_ =	shalt  }
0x5a: {  	_ =	shalt  }
0x5b: {  	_ =	shalt  }
0x5c: {  	_ =	shalt  }
0x5d: {  	_ =	shalt  }
0x5e: {  	_ =	shalt  }
0x5f: {  	_ =	shalt  }
0x60: {  	_ =	shalt  }
0x61: {  	_ =	shalt  }
0x62: {  	_ =	shalt  }
0x63: {  	_ =	shalt  }
0x64: {  	_ =	shalt  }
0x65: {  	_ =	shalt  }
0x66: {  	_ =	shalt  }
0x67: {  	_ =	shalt  }
0x68: {  	_ =	shalt  }
0x69: {  	_ =	shalt  }
0x6a: {  	_ =	shalt  }
0x6b: {  	_ =	shalt  }
0x6c: {  	_ =	shalt  }
0x6d: {  	_ =	shalt  }
0x6e: {  	_ =	shalt  }
0x6f: {  	_ =	shalt  }
0x70: {  	_ =	shalt  }
0x71: {  	_ =	shalt  }
0x72: {  	_ =	shalt  }
0x73: {  	_ =	shalt  }
0x74: {  	_ =	shalt  }
0x75: {  	_ =	shalt  }
0x76: {  	_ =	shalt  }
0x77: {  	_ =	shalt  }
0x78: {  	_ =	shalt  }
0x79: {  	_ =	shalt  }
0x7a: {  	_ =	shalt  }
0x7b: {  	_ =	shalt  }
0x7c: {  	_ =	shalt  }
0x7d: {  	_ =	shalt  }
0x7e: {  	_ =	shalt  }
0x7f: {  	_ =	shalt  }
0x80: {  	_ =	shalt  }
0x81: {  	_ =	shalt  }
0x82: {  	_ =	shalt  }
0x83: {  	_ =	shalt  }
0x84: {  	_ =	shalt  }
0x85: {  	_ =	shalt  }
0x86: {  	_ =	shalt  }
0x87: {  	_ =	shalt  }
.Lfunc_end0:
.L_simem_size_0:
called_computation_lowered:
.L_overlay_start_0:
0x88: {  	s2 =	sld [smem:$0x3FD9]  }
0x89: {  	s3 =	sld [smem:$0x3FFE];
	_ =	sdelay $0x1  }
0x8a: {  	s1 =	srdreg.scid  }
0x8b: {  	s0 =	sand.u32 $0x1, s1  }
0x8c: {  	s14 =	sshll.u32 s0, $0xA;
	s2 =	sadd.s32 s3, s2  }
0x8d: {  	s2 =	sadd.s32 s2, s14  }
0x8e: {  	[smem:$0x3FB9] =	sst s2  }
0x8f: {  	_ = 	snop  }
0x90: {  	s2 =	sld [smem:$0x3FD0];
	_ =	sdelay $0x2  }
0x91: {  	s15 =	simm.s32 $0xB;
	s4 =	simm.s32 $0x10  }
0x92: {  	[smem:s4], [sflag:s15] =	dma.local [hbm:s2], $0x1  }
0x93: {  	_ =	swait.eq [sflag:s15], $0x1  }
0x94: {  	[sflag:s15] =	ssyncset.done $0x0  }
0x95: {  	[sflag:s15] =	ssyncadd.s32 $0xFFFFFFFF  }
0x96: {  	s16 =	sld [smem:$0x10];
	(tm) =	ssettm $0x1  }
0x97: {  	s17 =	sld [smem:$0x3FFB];
	_ =	sdelay $0x3  }
0x98: {  	_ =	strace s17  }
0x99: {  	s3 =	sld [smem:$0x3FFC];
	_ =	sdelay $0x3  }
0x9a: {  	_ =	strace s3  }
0x9b: {  	s3 =	sld [smem:$0x3FFD];
	_ =	sdelay $0x3  }
0x9c: {  	_ =	strace s3  }
0x9d: {  	_ =	strace $0x8FFFFFFF  }
0x9e: {  	s18 =	sld [smem:$0x3FDB];
	_ =	sdelay $0x1  }
0x9f: {  	s19 =	simm.s32 $_scs_section_size  }
0xa0: {  	s5 =	simm.s32 $_size__tile_overlayer_lowered;
	s6 =	simm.s32 $_tile_overlayer_lowered  }
0xa1: {  	s22 =	simm.s32 $0x1BFF;
	s21 =	sshll.u32 s6, $0x1;
	s3 =	sadd.s32 s19, s18  }
0xa2: {  	s7 =	simm.s32 $0x0;
	s20 =	sshll.u32 s5, $0x1;
	s5 =	sadd.s32 s21, s3  }
0xa3: {  	[timem:s7], [sflag:s22] =	dma.local [hbm:s5], s20  }
0xa4: {  	_ =	swait.ge [sflag:s22], s20  }
0xa5: {  	s4 =	ssub.s32 $0x0, s20;
	[sflag:s22] =	ssyncset.done $0x0  }
0xa6: {  	[sflag:s22] =	ssyncadd.s32 s4;
	_ =	sdelay $0x1  }
0xa7: {  	s23 =	simm.s32 $0x1B8B  }
0xa8: {  	_ =	swait.ge [sflag:s23], $0x1  }
0xa9: {  	[sflag:s23] =	ssyncset.done $0x0  }
0xaa: {  	s25 =	simm.s32 $0x1B8E;
	s24 =	sld [smem:$0x3FFE];
	[sflag:s23] =	ssyncadd.s32 $0xFFFFFFFF  }
0xab: {  	s26 =	simm.s32 $execute0_lowered;
	[smem:$0x3FD2] =	sst s25  }
0xac: {  	s5 =	sshll.u32 s26, $0x1;
	_ =	strace $0x80000046;
	[dreg:$0x1] =	wrdreg $0xFFFFFFFF  }
0xad: {  	s28 =	simm.s32 $_size_execute0_lowered;
	s3 =	sadd.s32 s3, s5;
	[dreg:$0x0] =	wrdreg $0x0  }
0xae: {  	s5 =	sshll.u32 s28, $0x1;
	[dreg:$0x2] =	wrdreg s3  }
0xaf: {  	[dreg:$0x3] =	wrdreg s5  }
0xb0: {  	[dreg:$0x4] =	wrdreg $0xC0  }
0xb1: {  	_ =	task [dreg:s7], $0x5FFFF  }
0xb2: {  	[dreg:$0x1] =	wrdreg $0xFFFFFFFF  }
0xb3: {  	[dreg:$0x0] =	wrdreg $0x60  }
0xb4: {  	[dreg:$0x2] =	wrdreg s16  }
0xb5: {  	[dreg:$0x3] =	wrdreg s24  }
0xb6: {  	[dreg:$0x4] =	wrdreg $0xA  }
0xb7: {  	_ =	task.clear_ibuf [dreg:s7], $0x5FFFF;
	_ =	strace $0x90000046  }
0xb8: {  	s29 =	simm.s32 $0xA;
	_ =	strace $0x80000048  }
0xb9: {  	_ =	swait.ge [sflag:s29], $0x1  }
0xba: {  	[sflag:s29] =	ssyncadd.s32 $0xFFFFFFFF  }
0xbb: {  	_ =	strace $0x90000048  }
0xbc: {  	_ =	sfence  }
0xbd: {  	s30 =	sld [smem:$0x0];
	_ =	sdelay $0x2  }
0xbe: {  	s31 =	sshll.u32 s1, $0xD;
	s1 =	sshrl.u32 s1, $0x2  }
0xbf: {  	s3 =	sand.u32 $0x4000, s31;
	s1 =	sadd.s32 s1, s30  }
0xc0: {  	s0 =	sor.u32 s3, s0;
	s1 =	sshll.u32 s1, $0x11  }
0xc1: {  	s0 =	sor.u32 s1, s0  }
0xc2: {  	s0 =	sadd.s32 $0x8F2B, s0  }
0xc3: {  	[sflag:s0] =	ssyncadd.remote.s32 $0x1  }
0xc4: {  	_ =	sfence.sel $0xFFFF  }
0xc5: {  	[dreg:$0x0] =	wrdreg $0xFFFFFFFF;
	(pc) =	sbr.abs _section_cstart, $3  }
0xc6: {  	[dreg:$0x1] =	wrdreg $0xFFFFFFFF  }
0xc7: {  	_ =	task.clear_ibuf [dreg:s7], $0x2FFFF;
	_ =	strace $0x9FFFFFFF  }
0xc8: {  	(tm) =	ssettm $0x7FFFFFFF  }
0xc9: {  	_ =	shalt  }
tec
execute0_lowered:
.L_overlay_start_1:
0x0: {  	(tag) =	ssettag $0x1  }
0x1: {  	s0 =	srdreg.scid;
	s2 =	rddreg [dreg:$0x0]  }
0x2: {  	s10 =	stileid.u32;
	s5 =	rddreg [dreg:$0x1];
	s3 =	simm.s32 $0x0  }
0x3: {  	s11 =	simm.s32 $0x1400;
	s12 =	simm.s32 $0x28;
	s13 =	simm.s32 $0x2800  }
0x4: {  	s14 =	simm.s32 $0x7800;
	s15 =	simm.s32 $0x3C00;
	s17 =	simm.s32 $0x8C00  }
0x5: {  	s19 =	simm.s32 $0x5000;
	s21 =	simm.s32 $0xA000;
	s23 =	simm.s32 $0x6400  }
0x6: {  	s28 =	simm.s32 $0x2;
	s29 =	simm.s32 $0x3;
	s30 =	simm.s32 $0x4  }
0x7: {  	s31 =	simm.s32 $0x5;
	s16 =	simm.s32 $0x8;
	s18 =	simm.s32 $0x0  }
0x8: {  	s0 =	sand.u32 $0x1, s0;
	s1 =	sshll.u32 s10, $0x1;
	s10 =	smul.u32 $0x27100, s10  }
0x9: {  	s1 =	sor.u32 s0, s1;
	s7 =	ssub.s32 $0x2, s0;
	s0 =	smul.u32 $0x13880, s0  }
0xa: {  	[smem:$0x7FF] =	sst s3;
	s8 =	sadd.s32 $0x3E400, s5;
	s4 =	smul.u32 $0x1388, s1  }
0xb: {  	_ =	strace $0x80000047;
	s9 =	sshrl.u32 s7, $0x1;
	s1 =	smul.u32 $0x9C400, s1  }
0xc: {  	s25 =	sadd.s32 s10, s8;
	s9 =	ssub.s32 s7, s9;
	s6 =	sshrl.u32 s4, $0x3  }
0xd: {  	s4 =	sadd.s32 $0x17200, s5;
	s1 =	sshrl.u32 s1, $0x3;
	s6 =	sadd.s32 s6, s5  }
0xe: {  	s9 =	smax.u32 s9, $0x1;
	s5 =	sadd.s32 $0x2AF400, s5;
	s24 =	sadd.s32 $0x3600, s6  }
0xf: {  	s1 =	sadd.s32 $0x13600, s1;
	s6 =	sadd.s32 $0xD400, s6;
	[dreg:$0x5] =	wrdreg s24  }
0x10: {  	s26 =	sadd.s32 s8, s1;
	s10 =	sadd.s32 s10, s5;
	[dreg:$0x6] =	wrdreg s6  }
0x11: {  	s1 =	sadd.s32 s5, s1;
	[dreg:$0x7] =	wrdreg s26;
	s6 =	sadd.s32 s0, s25  }
0x12: {  	[dreg:$0x8] =	wrdreg s1;
	s0 =	sadd.s32 s0, s10;
	s10 =	simm.s32 $0x9  }
0x13: {  	s25 =	simm.s32 $0xB400;
	s26 =	simm.s32 $0x1;
	[dreg:$0x3] =	wrdreg s6  }
0x14: {  	s1 =	simm.s32 $0x6;
	[dreg:$0x4] =	wrdreg s0;
	s0 =	simm.s32 $0x7  }
.LBB2_1:
0x15: {  	s5 =	rddreg [dreg:$0x5]  }
0x16: {  	[tilespmem:s3], [sflag:$0x9] =	stream.linear.gather [hbm4b:s5+s3], $0x1388, $0x38;
	[tilespmem:$0xC800] =	vst v63  }
0x17: {  	_ =	swait.ge [sflag:s10], $0x1388  }
0x18: {  	[sflag:s10] =	ssyncset.done $0x0  }
0x19: {  	s22 =	rddreg [dreg:$0x6];
	[sflag:s10] =	ssyncadd.s32 $0xFFFFEC78  }
0x1a: {  	[tilespmem:s11], [sflag:$0x9] =	stream.linear.gather [hbm4b:s22+s3], $0x1388, $0x38;
	[tilespmem:$0xC800] =	vst v63  }
0x1b: {  	_ =	swait.ge [sflag:s10], $0x1388  }
0x1c: {  	[sflag:s10] =	ssyncset.done $0x0  }
0x1d: {  	[sflag:s10] =	ssyncadd.s32 $0xFFFFEC78  }
0x1e: {  	[tilespmem:s13], [sflag:$0x1] =	stream.indirect.gather [hbm4b:s2+s12], $0x80, s3, s12, $0xb8;
	[tilespmem:$0xC800] =	vst v63  }
0x1f: {  	_ = 	snop  }
0x20: {  	[tilespmem:s14], [sflag:$0x1] =	stream.indirect.gather [hbm4b:s4+s12], $0x80, s11, s12, $0xb8;
	[tilespmem:$0xC800] =	vst v63  }
0x21: {  	_ = 	snop  }
0x22: {  	[tilespmem:s15], [sflag:$0x2] =	stream.indirect.gather [hbm4b:s2+s12], $0x80, s12, s12, $0xb8;
	[tilespmem:$0xC800] =	vst v63  }
0x23: {  	s24 =	simm.s32 $0x1428  }
0x24: {  	[tilespmem:s17], [sflag:$0x2] =	stream.indirect.gather [hbm4b:s4+s12], $0x80, s24, s12, $0xb8;
	[tilespmem:$0xC800] =	vst v63  }
0x25: {  	s6 =	simm.s32 $0x50  }
0x26: {  	[tilespmem:s19], [sflag:$0x3] =	stream.indirect.gather [hbm4b:s2+s12], $0x80, s6, s12, $0xb8;
	[tilespmem:$0xC800] =	vst v63  }
0x27: {  	s7 =	simm.s32 $0x1450  }
0x28: {  	[tilespmem:s21], [sflag:$0x3] =	stream.indirect.gather [hbm4b:s4+s12], $0x80, s7, s12, $0xb8;
	[tilespmem:$0xC800] =	vst v63  }
0x29: {  	s8 =	simm.s32 $0x78  }
0x2a: {  	[tilespmem:s23], [sflag:$0x4] =	stream.indirect.gather [hbm4b:s2+s12], $0x80, s8, s12, $0xb8;
	[tilespmem:$0xC800] =	vst v63  }
0x2b: {  	s20 =	simm.s32 $0x1478  }
0x2c: {  	[tilespmem:s25], [sflag:$0x4] =	stream.indirect.gather [hbm4b:s4+s12], $0x80, s20, s12, $0xb8;
	[tilespmem:$0xC800] =	vst v63  }
0x2d: {  	_ =	swait.ge [sflag:s26], $0x1400  }
0x2e: {  	[sflag:s26] =	ssyncset.done $0x0  }
0x2f: {  	[sflag:s26] =	ssyncadd.s32 $0xFFFFEC00  }
0x30: {  	_ =	swait.ge [sflag:s26], $0x1400  }
0x31: {  	s22 =	rddreg [dreg:$0x3];
	[sflag:s26] =	ssyncset.done $0x0  }
0x32: {  	s6 =	rddreg [dreg:$0x4];
	[sflag:s26] =	ssyncadd.s32 $0xFFFFEC00;
	s5 =	sadd.s32 $0x0, s22  }
0x33: {  	[hbm4b:s5+s3] =	stream.linear.scatter [tilespmem:s13], [sflag:$0x5], $0x1400, $0x38;
	[tilespmem:$0xC800] =	vst v63  }
0x34: {  	s6 =	sadd.s32 $0x0, s6  }
0x35: {  	[hbm4b:s6+s3] =	stream.linear.scatter [tilespmem:s14], [sflag:$0x5], $0x1400, $0x38;
	[tilespmem:$0xC800] =	vst v63  }
0x36: {  	_ =	swait.ge [sflag:s28], $0x1400  }
0x37: {  	[sflag:s28] =	ssyncset.done $0x0  }
0x38: {  	[sflag:s28] =	ssyncadd.s32 $0xFFFFEC00  }
0x39: {  	_ =	swait.ge [sflag:s28], $0x1400  }
0x3a: {  	[sflag:s28] =	ssyncset.done $0x0  }
0x3b: {  	s20 =	sadd.s32 $0x280, s5;
	[sflag:s28] =	ssyncadd.s32 $0xFFFFEC00  }
0x3c: {  	[hbm4b:s20+s3] =	stream.linear.scatter [tilespmem:s15], [sflag:$0x6], $0x1400, $0x38;
	[tilespmem:$0xC800] =	vst v63  }
0x3d: {  	s24 =	sadd.s32 $0x280, s6  }
0x3e: {  	[hbm4b:s24+s3] =	stream.linear.scatter [tilespmem:s17], [sflag:$0x6], $0x1400, $0x38;
	[tilespmem:$0xC800] =	vst v63  }
0x3f: {  	_ =	swait.ge [sflag:s29], $0x1400  }
0x40: {  	[sflag:s29] =	ssyncset.done $0x0  }
0x41: {  	[sflag:s29] =	ssyncadd.s32 $0xFFFFEC00  }
0x42: {  	_ =	swait.ge [sflag:s29], $0x1400  }
0x43: {  	[sflag:s29] =	ssyncset.done $0x0  }
0x44: {  	s7 =	sadd.s32 $0x500, s5;
	[sflag:s29] =	ssyncadd.s32 $0xFFFFEC00  }
0x45: {  	[hbm4b:s7+s3] =	stream.linear.scatter [tilespmem:s19], [sflag:$0x7], $0x1400, $0x38;
	[tilespmem:$0xC800] =	vst v63  }
0x46: {  	s8 =	sadd.s32 $0x500, s6  }
0x47: {  	[hbm4b:s8+s3] =	stream.linear.scatter [tilespmem:s21], [sflag:$0x7], $0x1400, $0x38;
	[tilespmem:$0xC800] =	vst v63  }
0x48: {  	_ =	swait.ge [sflag:s30], $0x1400  }
0x49: {  	[sflag:s30] =	ssyncset.done $0x0  }
0x4a: {  	[sflag:s30] =	ssyncadd.s32 $0xFFFFEC00  }
0x4b: {  	_ =	swait.ge [sflag:s30], $0x1400  }
0x4c: {  	[sflag:s30] =	ssyncset.done $0x0  }
0x4d: {  	s5 =	sadd.s32 $0x780, s5;
	[sflag:s30] =	ssyncadd.s32 $0xFFFFEC00  }
0x4e: {  	[hbm4b:s5+s3] =	stream.linear.scatter [tilespmem:s23], [sflag:$0x8], $0x1400, $0x38;
	[tilespmem:$0xC800] =	vst v63  }
0x4f: {  	s20 =	sadd.s32 $0x780, s6  }
0x50: {  	[hbm4b:s20+s3] =	stream.linear.scatter [tilespmem:s25], [sflag:$0x8], $0x1400, $0x38;
	[tilespmem:$0xC800] =	vst v63  }
0x51: {  	_ =	swait.ge [sflag:s31], $0x1400  }
0x52: {  	[sflag:s31] =	ssyncset.done $0x0  }
0x53: {  	[sflag:s31] =	ssyncadd.s32 $0xFFFFEC00  }
0x54: {  	_ =	swait.ge [sflag:s31], $0x1400  }
0x55: {  	[sflag:s31] =	ssyncset.done $0x0  }
0x56: {  	s22 =	simm.s32 $0xA0;
	[sflag:s31] =	ssyncadd.s32 $0xFFFFEC00  }
0x57: {  	[tilespmem:s13], [sflag:$0x1] =	stream.indirect.gather [hbm4b:s2+s12], $0x80, s22, s12, $0xb8;
	[tilespmem:$0xC800] =	vst v63  }
0x58: {  	s24 =	simm.s32 $0x14A0  }
0x59: {  	[tilespmem:s14], [sflag:$0x1] =	stream.indirect.gather [hbm4b:s4+s12], $0x80, s24, s12, $0xb8;
	[tilespmem:$0xC800] =	vst v63  }
0x5a: {  	_ =	swait.ge [sflag:s1], $0x1400  }
0x5b: {  	[sflag:s1] =	ssyncset.done $0x0  }
0x5c: {  	s6 =	smin.u32 s3, $0x77;
	[sflag:s1] =	ssyncadd.s32 $0xFFFFEC00  }
0x5d: {  	s5 =	smul.u32 $0x28, s6;
	_ =	swait.ge [sflag:s1], $0x1400  }
0x5e: {  	[sflag:s1] =	ssyncset.done $0x0  }
0x5f: {  	s7 =	sadd.s32 $0xC8, s5;
	[sflag:s1] =	ssyncadd.s32 $0xFFFFEC00  }
0x60: {  	[tilespmem:s15], [sflag:$0x2] =	stream.indirect.gather [hbm4b:s2+s12], $0x80, s7, s12, $0xb8;
	[tilespmem:$0xC800] =	vst v63  }
0x61: {  	s5 =	sadd.s32 $0x14C8, s5  }
0x62: {  	[tilespmem:s17], [sflag:$0x2] =	stream.indirect.gather [hbm4b:s4+s12], $0x80, s5, s12, $0xb8;
	[tilespmem:$0xC800] =	vst v63  }
0x63: {  	_ =	swait.ge [sflag:s0], $0x1400  }
0x64: {  	[sflag:s0] =	ssyncset.done $0x0  }
0x65: {  	s8 =	smin.u32 s3, $0x76;
	[sflag:s0] =	ssyncadd.s32 $0xFFFFEC00  }
0x66: {  	s5 =	smul.u32 $0x28, s8;
	_ =	swait.ge [sflag:s0], $0x1400  }
0x67: {  	[sflag:s0] =	ssyncset.done $0x0  }
0x68: {  	s20 =	sadd.s32 $0xF0, s5;
	[sflag:s0] =	ssyncadd.s32 $0xFFFFEC00  }
0x69: {  	[tilespmem:s19], [sflag:$0x3] =	stream.indirect.gather [hbm4b:s2+s12], $0x80, s20, s12, $0xb8;
	[tilespmem:$0xC800] =	vst v63  }
0x6a: {  	s5 =	sadd.s32 $0x14F0, s5  }
0x6b: {  	[tilespmem:s21], [sflag:$0x3] =	stream.indirect.gather [hbm4b:s4+s12], $0x80, s5, s12, $0xb8;
	[tilespmem:$0xC800] =	vst v63  }
0x6c: {  	_ =	swait.ge [sflag:s16], $0x1400  }
0x6d: {  	[sflag:s16] =	ssyncset.done $0x0  }
0x6e: {  	s22 =	smin.u32 s3, $0x75;
	[sflag:s16] =	ssyncadd.s32 $0xFFFFEC00  }
0x6f: {  	s5 =	smul.u32 $0x28, s22;
	_ =	swait.ge [sflag:s16], $0x1400  }
0x70: {  	s20 =	simm.s32 $0xA00;
	[sflag:s16] =	ssyncset.done $0x0  }
0x71: {  	s22 =	simm.s32 $0x4;
	s24 =	sadd.s32 $0x118, s5;
	[sflag:s16] =	ssyncadd.s32 $0xFFFFEC00  }
0x72: {  	[tilespmem:s23], [sflag:$0x4] =	stream.indirect.gather [hbm4b:s2+s12], $0x80, s24, s12, $0xb8;
	[tilespmem:$0xC800] =	vst v63  }
0x73: {  	s6 =	sadd.s32 $0x1518, s5;
	s5 =	simm.s32 $0x1540;
	s24 =	simm.s32 $0x140  }
.LBB2_2:
0x74: {  	[tilespmem:s25], [sflag:$0x4] =	stream.indirect.gather [hbm4b:s4+s12], $0x80, s6, s12, $0xb8;
	[tilespmem:$0xC800] =	vst v63  }
0x75: {  	_ =	swait.ge [sflag:s26], $0x1400  }
0x76: {  	[sflag:s26] =	ssyncset.done $0x0  }
0x77: {  	[sflag:s26] =	ssyncadd.s32 $0xFFFFEC00  }
0x78: {  	_ =	swait.ge [sflag:s26], $0x1400  }
0x79: {  	s6 =	smov.u32 s20;
	s7 =	rddreg [dreg:$0x3];
	[sflag:s26] =	ssyncset.done $0x0  }
0x7a: {  	s8 =	rddreg [dreg:$0x4];
	[sflag:s26] =	ssyncadd.s32 $0xFFFFEC00;
	s7 =	sadd.s32 s6, s7  }
0x7b: {  	[hbm4b:s7+s3] =	stream.linear.scatter [tilespmem:s13], [sflag:$0x5], $0x1400, $0x38;
	[tilespmem:$0xC800] =	vst v63  }
0x7c: {  	s6 =	sadd.s32 s6, s8  }
0x7d: {  	[hbm4b:s6+s3] =	stream.linear.scatter [tilespmem:s14], [sflag:$0x5], $0x1400, $0x38;
	[tilespmem:$0xC800] =	vst v63  }
0x7e: {  	_ =	swait.ge [sflag:s28], $0x1400  }
0x7f: {  	[sflag:s28] =	ssyncset.done $0x0  }
0x80: {  	[sflag:s28] =	ssyncadd.s32 $0xFFFFEC00  }
0x81: {  	_ =	swait.ge [sflag:s28], $0x1400  }
0x82: {  	[sflag:s28] =	ssyncset.done $0x0  }
0x83: {  	s8 =	sadd.s32 $0x280, s7;
	[sflag:s28] =	ssyncadd.s32 $0xFFFFEC00  }
0x84: {  	[hbm4b:s8+s3] =	stream.linear.scatter [tilespmem:s15], [sflag:$0x6], $0x1400, $0x38;
	[tilespmem:$0xC800] =	vst v63  }
0x85: {  	s8 =	sadd.s32 $0x280, s6  }
0x86: {  	[hbm4b:s8+s3] =	stream.linear.scatter [tilespmem:s17], [sflag:$0x6], $0x1400, $0x38;
	[tilespmem:$0xC800] =	vst v63  }
0x87: {  	_ =	swait.ge [sflag:s29], $0x1400  }
0x88: {  	[sflag:s29] =	ssyncset.done $0x0  }
0x89: {  	[sflag:s29] =	ssyncadd.s32 $0xFFFFEC00  }
0x8a: {  	_ =	swait.ge [sflag:s29], $0x1400  }
0x8b: {  	[sflag:s29] =	ssyncset.done $0x0  }
0x8c: {  	s8 =	sadd.s32 $0x500, s7;
	[sflag:s29] =	ssyncadd.s32 $0xFFFFEC00  }
0x8d: {  	[hbm4b:s8+s3] =	stream.linear.scatter [tilespmem:s19], [sflag:$0x7], $0x1400, $0x38;
	[tilespmem:$0xC800] =	vst v63  }
0x8e: {  	s8 =	sadd.s32 $0x500, s6  }
0x8f: {  	[hbm4b:s8+s3] =	stream.linear.scatter [tilespmem:s21], [sflag:$0x7], $0x1400, $0x38;
	[tilespmem:$0xC800] =	vst v63  }
0x90: {  	_ =	swait.ge [sflag:s30], $0x1400  }
0x91: {  	[sflag:s30] =	ssyncset.done $0x0  }
0x92: {  	[sflag:s30] =	ssyncadd.s32 $0xFFFFEC00  }
0x93: {  	_ =	swait.ge [sflag:s30], $0x1400  }
0x94: {  	[sflag:s30] =	ssyncset.done $0x0  }
0x95: {  	s7 =	sadd.s32 $0x780, s7;
	[sflag:s30] =	ssyncadd.s32 $0xFFFFEC00  }
0x96: {  	[hbm4b:s7+s3] =	stream.linear.scatter [tilespmem:s23], [sflag:$0x8], $0x1400, $0x38;
	[tilespmem:$0xC800] =	vst v63  }
0x97: {  	s6 =	sadd.s32 $0x780, s6  }
0x98: {  	[hbm4b:s6+s3] =	stream.linear.scatter [tilespmem:s25], [sflag:$0x8], $0x1400, $0x38;
	[tilespmem:$0xC800] =	vst v63  }
0x99: {  	_ =	swait.ge [sflag:s31], $0x1400  }
0x9a: {  	[sflag:s31] =	ssyncset.done $0x0  }
0x9b: {  	[sflag:s31] =	ssyncadd.s32 $0xFFFFEC00  }
0x9c: {  	_ =	swait.ge [sflag:s31], $0x1400  }
0x9d: {  	[sflag:s31] =	ssyncset.done $0x0  }
0x9e: {  	[sflag:s31] =	ssyncadd.s32 $0xFFFFEC00  }
0x9f: {  	[tilespmem:s13], [sflag:$0x1] =	stream.indirect.gather [hbm4b:s2+s12], $0x80, s24, s12, $0xb8;
	[tilespmem:$0xC800] =	vst v63  }
0xa0: {  	_ = 	snop  }
0xa1: {  	[tilespmem:s14], [sflag:$0x1] =	stream.indirect.gather [hbm4b:s4+s12], $0x80, s5, s12, $0xb8;
	[tilespmem:$0xC800] =	vst v63  }
0xa2: {  	_ =	swait.ge [sflag:s1], $0x1400  }
0xa3: {  	[sflag:s1] =	ssyncset.done $0x0  }
0xa4: {  	s7 =	smin.u32 s22, $0x77;
	[sflag:s1] =	ssyncadd.s32 $0xFFFFEC00  }
0xa5: {  	s6 =	smul.u32 $0x28, s7;
	_ =	swait.ge [sflag:s1], $0x1400  }
0xa6: {  	[sflag:s1] =	ssyncset.done $0x0  }
0xa7: {  	s8 =	sadd.s32 $0xC8, s6;
	[sflag:s1] =	ssyncadd.s32 $0xFFFFEC00  }
0xa8: {  	[tilespmem:s15], [sflag:$0x2] =	stream.indirect.gather [hbm4b:s2+s12], $0x80, s8, s12, $0xb8;
	[tilespmem:$0xC800] =	vst v63  }
0xa9: {  	s6 =	sadd.s32 $0x14C8, s6  }
0xaa: {  	[tilespmem:s17], [sflag:$0x2] =	stream.indirect.gather [hbm4b:s4+s12], $0x80, s6, s12, $0xb8;
	[tilespmem:$0xC800] =	vst v63  }
0xab: {  	_ =	swait.ge [sflag:s0], $0x1400  }
0xac: {  	[sflag:s0] =	ssyncset.done $0x0  }
0xad: {  	s7 =	smin.u32 s22, $0x76;
	[sflag:s0] =	ssyncadd.s32 $0xFFFFEC00  }
0xae: {  	s6 =	smul.u32 $0x28, s7;
	_ =	swait.ge [sflag:s0], $0x1400  }
0xaf: {  	[sflag:s0] =	ssyncset.done $0x0  }
0xb0: {  	s8 =	sadd.s32 $0xF0, s6;
	[sflag:s0] =	ssyncadd.s32 $0xFFFFEC00  }
0xb1: {  	[tilespmem:s19], [sflag:$0x3] =	stream.indirect.gather [hbm4b:s2+s12], $0x80, s8, s12, $0xb8;
	[tilespmem:$0xC800] =	vst v63  }
0xb2: {  	s6 =	sadd.s32 $0x14F0, s6  }
0xb3: {  	[tilespmem:s21], [sflag:$0x3] =	stream.indirect.gather [hbm4b:s4+s12], $0x80, s6, s12, $0xb8;
	[tilespmem:$0xC800] =	vst v63  }
0xb4: {  	_ =	swait.ge [sflag:s16], $0x1400  }
0xb5: {  	p0 =	sne.s32 s20, $0x12C00;
	s20 =	sadd.s32 $0xA00, s20;
	[sflag:s16] =	ssyncset.done $0x0  }
.Ltmp0:
0xb6: {  	s7 =	smin.u32 s22, $0x75;
	[sflag:s16] =	ssyncadd.s32 $0xFFFFEC00;
	(pc) =	sbr.rel @p0 .LBB2_2-.Ltmp0, $4  }
0xb7: {  	s24 =	sadd.s32 $0xA0, s24;
	s6 =	smul.u32 $0x28, s7;
	_ =	swait.ge [sflag:s16], $0x1400  }
0xb8: {  	s5 =	sadd.s32 $0xA0, s5;
	s22 =	sadd.s32 $0x4, s22;
	[sflag:s16] =	ssyncset.done $0x0  }
0xb9: {  	s8 =	sadd.s32 $0x118, s6;
	s6 =	sadd.s32 $0x1518, s6;
	[sflag:s16] =	ssyncadd.s32 $0xFFFFEC00  }
0xba: {  	[tilespmem:s23], [sflag:$0x4] =	stream.indirect.gather [hbm4b:s2+s12], $0x80, s8, s12, $0xb8;
	[tilespmem:$0xC800] =	vst v63  }
0xbb: {  	[tilespmem:s25], [sflag:$0x4] =	stream.indirect.gather [hbm4b:s4+s12], $0x80, s6, s12, $0xb8;
	[tilespmem:$0xC800] =	vst v63  }
0xbc: {  	_ =	swait.ge [sflag:s26], $0x1400  }
0xbd: {  	[sflag:s26] =	ssyncset.done $0x0  }
0xbe: {  	[sflag:s26] =	ssyncadd.s32 $0xFFFFEC00  }
0xbf: {  	_ =	swait.ge [sflag:s26], $0x1400  }
0xc0: {  	[sflag:s26] =	ssyncset.done $0x0  }
0xc1: {  	[sflag:s26] =	ssyncadd.s32 $0xFFFFEC00  }
0xc2: {  	_ =	swait.ge [sflag:s28], $0x1400  }
0xc3: {  	[sflag:s28] =	ssyncset.done $0x0  }
0xc4: {  	[sflag:s28] =	ssyncadd.s32 $0xFFFFEC00  }
0xc5: {  	_ =	swait.ge [sflag:s28], $0x1400  }
0xc6: {  	[sflag:s28] =	ssyncset.done $0x0  }
0xc7: {  	[sflag:s28] =	ssyncadd.s32 $0xFFFFEC00  }
0xc8: {  	_ =	swait.ge [sflag:s29], $0x1400  }
0xc9: {  	[sflag:s29] =	ssyncset.done $0x0  }
0xca: {  	[sflag:s29] =	ssyncadd.s32 $0xFFFFEC00  }
0xcb: {  	_ =	swait.ge [sflag:s29], $0x1400  }
0xcc: {  	[sflag:s29] =	ssyncset.done $0x0  }
0xcd: {  	[sflag:s29] =	ssyncadd.s32 $0xFFFFEC00  }
0xce: {  	_ =	swait.ge [sflag:s30], $0x1400  }
0xcf: {  	[sflag:s30] =	ssyncset.done $0x0  }
0xd0: {  	[sflag:s30] =	ssyncadd.s32 $0xFFFFEC00  }
0xd1: {  	_ =	swait.ge [sflag:s30], $0x1400  }
0xd2: {  	[sflag:s30] =	ssyncset.done $0x0  }
0xd3: {  	s5 =	rddreg [dreg:$0x7];
	[sflag:s30] =	ssyncadd.s32 $0xFFFFEC00  }
0xd4: {  	[hbm4b:s5+s3] =	stream.linear.scatter [tilespmem:s13], [sflag:$0x5], $0x1400, $0x38;
	[tilespmem:$0xC800] =	vst v63  }
0xd5: {  	s18 =	sadd.s32 $0x1, s18;
	s24 =	rddreg [dreg:$0x8]  }
0xd6: {  	[hbm4b:s24+s3] =	stream.linear.scatter [tilespmem:s14], [sflag:$0x5], $0x1400, $0x38;
	[tilespmem:$0xC800] =	vst v63  }
0xd7: {  	p0 =	sne.s32 s18, s9;
	_ =	swait.ge [sflag:s31], $0x1400  }
.Ltmp1:
0xd8: {  	[sflag:s31] =	ssyncset.done $0x0;
	(pc) =	sbr.rel @p0 .LBB2_1-.Ltmp1, $4  }
0xd9: {  	[sflag:s31] =	ssyncadd.s32 $0xFFFFEC00  }
0xda: {  	_ =	swait.ge [sflag:s31], $0x1400  }
0xdb: {  	[sflag:s31] =	ssyncset.done $0x0  }
0xdc: {  	[sflag:s31] =	ssyncadd.s32 $0xFFFFEC00  }
0xdd: {  	_ =	sfence.sel $0x180000  }
0xde: {  	[bflag:$0x0] =	sbarrier.arrive $0xFFFF  }
0xdf: {  	_ =	strace $0x90000047  }
0xe0: {  	s0 =	stileid.u32;
	[bflag:$0x2] =	sbarrier.arrive $0xFFFF  }
0xe1: {  	p0 =	sne.s32 s0, $0x0;
	s0 =	rddreg [dreg:$0x2]  }
0xe2: {  	s0 =	sadd.s32 @!p0 $0x100000, s0  }
0xe3: {  	[sflag:s0] =	ssyncadd.tile.s32 @!p0 $0x1;
	_ =	shalt  }
.Lfunc_end2:
_tile_overlayer_lowered:
.L_overlay_start_2:
0xe4: {  	(tag) =	ssettag $0x2  }
0xe5: {  	s0 =	rddreg [dreg:$0x0];
	s2 =	stileid.u32  }
0xe6: {  	s1 =	rddreg [dreg:$0x1];
	p0 =	sne.s32 s2, $0x0  }
0xe7: {  	s3 =	rddreg [dreg:$0x2];
	[bflag:$0x3] =	sbarrier.arrive $0xFFFF;
	s2 =	simm.s32 @!p0 $0x1C09  }
0xe8: {  	[timem:s3], [sflag:s2] =	dma.local @!p0 [hbm:s0], s1  }
0xe9: {  	s0 =	simm.s32 @!p0 $0x9  }
0xea: {  	_ =	swait.ge @!p0 [sflag:s0], s1  }
0xeb: {  	s1 =	ssub.s32 @!p0 $0x0, s1;
	[sflag:s0] =	ssyncset.done @!p0 $0x0  }
0xec: {  	[sflag:s0] =	ssyncadd.s32 @!p0 s1  }
0xed: {  	[bflag:$0x3] =	sbarrier.arrive $0xFFFF  }
0xee: {  	_ =	shalt  }

// kernel: kernel.13.cloned.1.call-start
scs
__scs_entry_jumppad:
0x0: {  	(pc) =	sbr.rel $0x88, $3  }
0x1: {  	(tag) =	ssettag $0x0;
	lr =	simm.s32 $0x1  }
0x2: {  	[smem:$0x3F92] =	sst lr;
	_ =	strace $0xD0000000  }
0x3: {  	_ = 	snop  }
0x4: {  	_ = 	snop  }
0x5: {  	_ = 	snop  }
0x6: {  	_ = 	snop  }
0x7: {  	_ = 	snop  }
__scs_overlays_trampoline_lowered:
0x8: {  	[smem:$0x3FA1] =	sst s0  }
0x9: {  	[smem:$0x3FA2] =	sst s1  }
0xa: {  	[smem:$0x3FA3] =	sst s2  }
0xb: {  	[smem:$0x3FA4] =	sst s3  }
0xc: {  	[smem:$0x3FA5] =	sst s4  }
0xd: {  	[smem:$0x3FA6] =	sst s5  }
0xe: {  	[smem:$0x3FA7] =	sst s6  }
0xf: {  	[smem:$0x3FA8] =	sst s7  }
0x10: {  	[smem:$0x3FA9] =	sst s8  }
0x11: {  	[smem:$0x3FAA] =	sst s9;
	s0 =	simm.s32 @!p0 $0x0  }
0x12: {  	s1 =	sld [smem:$0x3F90];
	s0 =	simm.s32 @p0 $0x1  }
0x13: {  	[smem:$0x3FAB] =	sst s0;
	s0 =	simm.s32 @!p1 $0x0  }
0x14: {  	s2 =	sld [smem:$0x3F8F];
	s0 =	simm.s32 @p1 $0x1  }
0x15: {  	[smem:$0x3FAC] =	sst s0;
	s0 =	simm.s32 @!p2 $0x0  }
0x16: {  	s3 =	sld [smem:$0x3FDB];
	s0 =	simm.s32 @p2 $0x1  }
0x17: {  	s4 =	simm.s32 $0x1BF5;
	[smem:$0x3FAE] =	sst s0  }
0x18: {  	s0 =	sld [smem:$0x3F91];
	_ =	swait.ge [sflag:s4], $0x0  }
0x19: {  	s7 =	sld [smem:$0x3F92]  }
0x1a: {  	s8 =	sadd.s32 $0xFFFFE003, lr  }
0x1b: {  	s9 =	sadd.s32 $0xFFFFFEF7, lr;
	s5 =	simm.s32 $0xFFFFFFFF;
	p2 =	slt.u32 s8, $0xFFFFF086  }
0x1c: {  	p1 =	slt.u32 s9, $0xF7A;
	s5 =	simm.s32 @!p2 $0x0  }
0x1d: {  	s5 =	simm.s32 @p1 $0x1;
	p0 =	seq.s32 s7, s2  }
0x1e: {  	s7 =	smul.u32 @!p0 $0xF7A, s2;
	p2 =	seq.s32 @!p0 s5, $0x0  }
0x1f: {  	s9 =	smul.u32 $0xF7A, s1;
	s8 =	simm.s32 @!p0 $0x1BF5;
	p2 =	por !p2, p0  }
0x20: {  	[sflag:s8] =	ssyncset.s32 @!p0 $0xFFFFF086;
	s6 =	sadd.s32 @!p0 s3, s7;
	s7 =	simm.s32 @!p0 $0x108  }
0x21: {  	s3 =	sadd.s32 s3, s9;
	s6 =	sadd.s32 @!p0 $0x88, s6;
	s7 =	simm.s32 @p2 $0x1082  }
0x22: {  	[simem:s7], [sflag:s8] =	dma.local @!p0 [hbm:s6], $0xF7A  }
0x23: {  	s9 =	sor.u32 $0xD0000000, s2;
	s6 =	simm.s32 $0x108;
	_ =	swait.ge @!p0 [sflag:s8], $0x0  }
0x24: {  	s3 =	sadd.s32 $0x88, s3;
	s6 =	simm.s32 @!p1 $0x1082;
	[sflag:s4] =	ssyncset.s32 $0xFFFFF086  }
0x25: {  	[simem:s6], [sflag:s4] =	dma.local [hbm:s3], $0xF7A  }
0x26: {  	[smem:$0x3F92] =	sst s1;
	(tag) =	ssettag s2;
	_ =	strace s9  }
0x27: {  	s1 =	sld [smem:$0x3FA2]  }
0x28: {  	s2 =	sld [smem:$0x3FA3]  }
0x29: {  	s4 =	sld [smem:$0x3FA5]  }
0x2a: {  	p0 =	seq.s32 s5, $0x0;
	s5 =	sld [smem:$0x3FA6]  }
0x2b: {  	s6 =	sld [smem:$0x3FA7]  }
0x2c: {  	s7 =	sld [smem:$0x3FA8]  }
0x2d: {  	s3 =	simm.s32 $0x108;
	s8 =	sld [smem:$0x3FA9]  }
0x2e: {  	s3 =	simm.s32 @!p0 $0x1082;
	s9 =	sld [smem:$0x3FAA]  }
0x2f: {  	lr =	sadd.s32 s0, s3;
	s0 =	sld [smem:$0x3FA1]  }
0x30: {  	s3 =	sld [smem:$0x3FA4]  }
0x31: {  	[smem:$0x3FAD] =	sst s10  }
0x32: {  	s10 =	sld [smem:$0x3FAB];
	_ =	sdelay $0x3  }
0x33: {  	p0 =	seq.s32 s10, $0x1;
	s10 =	sld [smem:$0x3FAD];
	_ =	sdelay $0x3  }
0x34: {  	[smem:$0x3FAD] =	sst s10  }
0x35: {  	s10 =	sld [smem:$0x3FAC];
	_ =	sdelay $0x3  }
0x36: {  	p1 =	seq.s32 s10, $0x1;
	s10 =	sld [smem:$0x3FAD];
	_ =	sdelay $0x3  }
0x37: {  	[smem:$0x3FAD] =	sst s10  }
0x38: {  	s10 =	sld [smem:$0x3FAE]  }
0x39: {  	_ = 	snop;
	(pc) =	sbr.ind lr, $3  }
0x3a: {  	_ = 	snop  }
0x3b: {  	_ = 	snop  }
0x3c: {  	p2 =	seq.s32 s10, $0x1;
	s10 =	sld [smem:$0x3FAD]  }
0x3d: {  	_ =	shalt  }
0x3e: {  	_ =	shalt  }
0x3f: {  	_ =	shalt  }
0x40: {  	_ =	shalt  }
0x41: {  	_ =	shalt  }
0x42: {  	_ =	shalt  }
0x43: {  	_ =	shalt  }
0x44: {  	_ =	shalt  }
0x45: {  	_ =	shalt  }
0x46: {  	_ =	shalt  }
0x47: {  	_ =	shalt  }
0x48: {  	_ =	shalt  }
0x49: {  	_ =	shalt  }
0x4a: {  	_ =	shalt  }
0x4b: {  	_ =	shalt  }
0x4c: {  	_ =	shalt  }
0x4d: {  	_ =	shalt  }
0x4e: {  	_ =	shalt  }
0x4f: {  	_ =	shalt  }
0x50: {  	_ =	shalt  }
0x51: {  	_ =	shalt  }
0x52: {  	_ =	shalt  }
0x53: {  	_ =	shalt  }
0x54: {  	_ =	shalt  }
0x55: {  	_ =	shalt  }
0x56: {  	_ =	shalt  }
0x57: {  	_ =	shalt  }
0x58: {  	_ =	shalt  }
0x59: {  	_ =	shalt  }
0x5a: {  	_ =	shalt  }
0x5b: {  	_ =	shalt  }
0x5c: {  	_ =	shalt  }
0x5d: {  	_ =	shalt  }
0x5e: {  	_ =	shalt  }
0x5f: {  	_ =	shalt  }
0x60: {  	_ =	shalt  }
0x61: {  	_ =	shalt  }
0x62: {  	_ =	shalt  }
0x63: {  	_ =	shalt  }
0x64: {  	_ =	shalt  }
0x65: {  	_ =	shalt  }
0x66: {  	_ =	shalt  }
0x67: {  	_ =	shalt  }
0x68: {  	_ =	shalt  }
0x69: {  	_ =	shalt  }
0x6a: {  	_ =	shalt  }
0x6b: {  	_ =	shalt  }
0x6c: {  	_ =	shalt  }
0x6d: {  	_ =	shalt  }
0x6e: {  	_ =	shalt  }
0x6f: {  	_ =	shalt  }
0x70: {  	_ =	shalt  }
0x71: {  	_ =	shalt  }
0x72: {  	_ =	shalt  }
0x73: {  	_ =	shalt  }
0x74: {  	_ =	shalt  }
0x75: {  	_ =	shalt  }
0x76: {  	_ =	shalt  }
0x77: {  	_ =	shalt  }
0x78: {  	_ =	shalt  }
0x79: {  	_ =	shalt  }
0x7a: {  	_ =	shalt  }
0x7b: {  	_ =	shalt  }
0x7c: {  	_ =	shalt  }
0x7d: {  	_ =	shalt  }
0x7e: {  	_ =	shalt  }
0x7f: {  	_ =	shalt  }
0x80: {  	_ =	shalt  }
0x81: {  	_ =	shalt  }
0x82: {  	_ =	shalt  }
0x83: {  	_ =	shalt  }
0x84: {  	_ =	shalt  }
0x85: {  	_ =	shalt  }
0x86: {  	_ =	shalt  }
0x87: {  	_ =	shalt  }
.Lfunc_end0:
.L_simem_size_0:
called_computation.1_lowered:
.L_overlay_start_0:
0x88: {  	s2 =	sld [smem:$0x3FD9]  }
0x89: {  	s3 =	sld [smem:$0x3FFE];
	_ =	sdelay $0x1  }
0x8a: {  	s1 =	srdreg.scid  }
0x8b: {  	s0 =	sand.u32 $0x1, s1  }
0x8c: {  	s15 =	sshll.u32 s0, $0xA;
	s2 =	sadd.s32 s3, s2  }
0x8d: {  	s2 =	sadd.s32 s2, s15  }
0x8e: {  	[smem:$0x3FB9] =	sst s2  }
0x8f: {  	_ = 	snop  }
0x90: {  	s2 =	sld [smem:$0x3FD0];
	_ =	sdelay $0x2  }
0x91: {  	s16 =	simm.s32 $0xB;
	s4 =	simm.s32 $0x10  }
0x92: {  	[smem:s4], [sflag:s16] =	dma.local [hbm:s2], $0x1  }
0x93: {  	_ =	swait.eq [sflag:s16], $0x1  }
0x94: {  	[sflag:s16] =	ssyncset.done $0x0  }
0x95: {  	[sflag:s16] =	ssyncadd.s32 $0xFFFFFFFF  }
0x96: {  	s17 =	sld [smem:$0x10];
	(tm) =	ssettm $0x1  }
0x97: {  	s18 =	sld [smem:$0x3FFB];
	_ =	sdelay $0x3  }
0x98: {  	_ =	strace s18  }
0x99: {  	s2 =	sld [smem:$0x3FFC];
	_ =	sdelay $0x3  }
0x9a: {  	_ =	strace s2  }
0x9b: {  	s2 =	sld [smem:$0x3FFD];
	_ =	sdelay $0x3  }
0x9c: {  	_ =	strace s2  }
0x9d: {  	_ =	strace $0x8FFFFFFF  }
0x9e: {  	s19 =	sld [smem:$0x3FDB];
	_ =	sdelay $0x1  }
0x9f: {  	s20 =	simm.s32 $_scs_section_size  }
0xa0: {  	s5 =	simm.s32 $_size__tile_overlayer_lowered;
	s6 =	simm.s32 $_tile_overlayer_lowered  }
0xa1: {  	s7 =	simm.s32 $0x1BFF;
	s21 =	sshll.u32 s6, $0x1;
	s4 =	sadd.s32 s20, s19  }
0xa2: {  	s22 =	simm.s32 $0x0;
	s5 =	sshll.u32 s5, $0x1;
	s6 =	sadd.s32 s21, s4  }
0xa3: {  	[timem:s22], [sflag:s7] =	dma.local [hbm:s6], s5  }
0xa4: {  	_ =	swait.ge [sflag:s7], s5  }
0xa5: {  	s5 =	ssub.s32 $0x0, s5;
	[sflag:s7] =	ssyncset.done $0x0  }
0xa6: {  	[sflag:s7] =	ssyncadd.s32 s5;
	_ =	sdelay $0x1  }
0xa7: {  	s23 =	simm.s32 $0x1B8B  }
0xa8: {  	_ =	swait.ge [sflag:s23], $0x1  }
0xa9: {  	[sflag:s23] =	ssyncset.done $0x0  }
0xaa: {  	[sflag:s23] =	ssyncadd.s32 $0xFFFFFFFF  }
0xab: {  	s5 =	sld [smem:$0x0]  }
0xac: {  	s6 =	sand.u32 $0xFFFFFFFE, s1  }
0xad: {  	p0 =	sne.s32 s1, s6  }
0xae: {  	s6 =	sshll.u32 @p0 s6, $0xE  }
0xaf: {  	s6 =	sadd.s32 @p0 $0x11B8D, s6;
	s7 =	sshll.u32 @p0 s5, $0x11  }
0xb0: {  	s6 =	sor.u32 @p0 s7, s6  }
0xb1: {  	[sflag:s6] =	ssyncadd.remote.s32 @p0 $0x1;
	_ =	sdelay $0x1  }
0xb2: {  	s6 =	simm.s32 @p0 $0x1B8D  }
0xb3: {  	_ =	swait.eq @p0 [sflag:s6], $0x1  }
0xb4: {  	[sflag:s6] =	ssyncadd.s32 @p0 $0xFFFFFFFF  }
0xb5: {  	s7 =	sshll.u32 @!p0 s1, $0xE  }
0xb6: {  	s7 =	sor.u32 @!p0 $0x4000, s7;
	s6 =	simm.s32 @!p0 $0x1B8D  }
0xb7: {  	s5 =	sshll.u32 @!p0 s5, $0x11;
	s7 =	sadd.s32 @!p0 $0x11B8D, s7;
	_ =	swait.eq @!p0 [sflag:s6], $0x1  }
0xb8: {  	s5 =	sor.u32 @!p0 s5, s7;
	[sflag:s6] =	ssyncadd.s32 @!p0 $0xFFFFFFFF  }
0xb9: {  	s25 =	simm.s32 $0x1B8E;
	s24 =	sld [smem:$0x3FFE];
	[sflag:s5] =	ssyncadd.remote.s32 @!p0 $0x1  }
0xba: {  	s26 =	simm.s32 $execute0_lowered;
	[smem:$0x3FD2] =	sst s25  }
0xbb: {  	s6 =	sshll.u32 s26, $0x1;
	_ =	strace $0x80000049;
	[dreg:$0x1] =	wrdreg $0xFFFFFFFF  }
0xbc: {  	s28 =	simm.s32 $_size_execute0_lowered;
	s4 =	sadd.s32 s4, s6;
	[dreg:$0x0] =	wrdreg $0x0  }
0xbd: {  	s6 =	sshll.u32 s28, $0x1;
	[dreg:$0x2] =	wrdreg s4  }
0xbe: {  	[dreg:$0x3] =	wrdreg s6  }
0xbf: {  	[dreg:$0x4] =	wrdreg $0xC0  }
0xc0: {  	_ =	task [dreg:s22], $0x5FFFF  }
0xc1: {  	[dreg:$0x1] =	wrdreg $0xFFFFFFFF  }
0xc2: {  	[dreg:$0x0] =	wrdreg $0x60  }
0xc3: {  	[dreg:$0x2] =	wrdreg s17  }
0xc4: {  	[dreg:$0x3] =	wrdreg s24  }
0xc5: {  	[dreg:$0x4] =	wrdreg $0x9  }
0xc6: {  	_ =	task.clear_ibuf [dreg:s22], $0x5FFFF;
	_ =	strace $0x90000049  }
0xc7: {  	s29 =	simm.s32 $0x9;
	_ =	strace $0x8000004B  }
0xc8: {  	_ =	swait.ge [sflag:s29], $0x1  }
0xc9: {  	[sflag:s29] =	ssyncadd.s32 $0xFFFFFFFF  }
0xca: {  	_ =	strace $0x9000004B  }
0xcb: {  	_ =	sfence  }
0xcc: {  	s30 =	sld [smem:$0x0];
	_ =	sdelay $0x2  }
0xcd: {  	s31 =	sshll.u32 s1, $0xD;
	s1 =	sshrl.u32 s1, $0x2  }
0xce: {  	s4 =	sand.u32 $0x4000, s31;
	s1 =	sadd.s32 s1, s30  }
0xcf: {  	s0 =	sor.u32 s4, s0;
	s1 =	sshll.u32 s1, $0x11  }
0xd0: {  	s0 =	sor.u32 s1, s0  }
0xd1: {  	s0 =	sadd.s32 $0x8F2B, s0  }
0xd2: {  	[sflag:s0] =	ssyncadd.remote.s32 $0x1  }
0xd3: {  	_ =	sfence.sel $0xFFFF  }
0xd4: {  	[dreg:$0x0] =	wrdreg $0xFFFFFFFF;
	(pc) =	sbr.abs _section_cstart, $3  }
0xd5: {  	[dreg:$0x1] =	wrdreg $0xFFFFFFFF  }
0xd6: {  	_ =	task.clear_ibuf [dreg:s22], $0x2FFFF;
	_ =	strace $0x9FFFFFFF  }
0xd7: {  	(tm) =	ssettm $0x7FFFFFFF  }
tec
execute0_lowered:
.L_overlay_start_1:
0x0: {  	(tag) =	ssettag $0x1  }
0x1: {  	s2 =	rddreg [dreg:$0x0]  }
0x2: {  	s0 =	rddreg [dreg:$0x1]  }
0x3: {  	s1 =	srdreg.scid;
	s11 =	stileid.u32;
	s3 =	simm.s32 $0x0  }
0x4: {  	s12 =	simm.s32 $0x28;
	s13 =	simm.s32 $0x2800;
	s14 =	simm.s32 $0x7800  }
0x5: {  	s15 =	simm.s32 $0x3C00;
	s17 =	simm.s32 $0x8C00;
	s19 =	simm.s32 $0x5000  }
0x6: {  	s21 =	simm.s32 $0xA000;
	s28 =	simm.s32 $0x2;
	s29 =	simm.s32 $0x3  }
0x7: {  	s30 =	simm.s32 $0x4;
	s31 =	simm.s32 $0x5;
	s16 =	simm.s32 $0x8  }
0x8: {  	s18 =	simm.s32 $0x0;
	s1 =	sand.u32 $0x1, s1;
	[smem:$0x7FF] =	sst s3  }
0x9: {  	s4 =	sshll.u32 s11, $0x1;
	s7 =	sadd.s32 $0x520400, s0;
	s8 =	sadd.s32 $0x791400, s0  }
0xa: {  	s22 =	smul.u32 $0x27100, s11;
	s11 =	simm.s32 $0x1400;
	s5 =	sor.u32 s1, s4  }
0xb: {  	_ =	strace $0x8000004A;
	s9 =	ssub.s32 $0x2, s1;
	s6 =	smul.u32 $0x1388, s5  }
0xc: {  	s4 =	sadd.s32 $0x17200, s0;
	s10 =	sshrl.u32 s9, $0x1;
	s5 =	smul.u32 $0x9C400, s5  }
0xd: {  	s1 =	smul.u32 $0x13880, s1;
	s25 =	sadd.s32 s22, s7;
	s9 =	ssub.s32 s9, s10  }
0xe: {  	s10 =	simm.s32 $0x9;
	s6 =	sshrl.u32 s6, $0x3;
	s5 =	sshrl.u32 s5, $0x3  }
0xf: {  	s0 =	sadd.s32 s0, s6;
	s24 =	sadd.s32 $0x13600, s5;
	s5 =	sadd.s32 s1, s25  }
0x10: {  	s9 =	smax.u32 s9, $0x1;
	s23 =	sadd.s32 $0x8420, s0;
	[dreg:$0x3] =	wrdreg s5  }
0x11: {  	s6 =	sadd.s32 s22, s8;
	s0 =	sadd.s32 $0x12220, s0;
	[dreg:$0x5] =	wrdreg s23  }
0x12: {  	s25 =	simm.s32 $0xB400;
	s7 =	sadd.s32 s7, s24;
	[dreg:$0x6] =	wrdreg s0  }
0x13: {  	s26 =	sadd.s32 s1, s6;
	s1 =	simm.s32 $0x7;
	[dreg:$0x7] =	wrdreg s7  }
0x14: {  	s0 =	sadd.s32 s8, s24;
	[dreg:$0x4] =	wrdreg s26;
	s23 =	simm.s32 $0x6400  }
0x15: {  	s26 =	simm.s32 $0x1;
	[dreg:$0x8] =	wrdreg s0;
	s0 =	simm.s32 $0x6  }
.LBB2_1:
0x16: {  	s5 =	rddreg [dreg:$0x5]  }
0x17: {  	[tilespmem:s3], [sflag:$0x9] =	stream.linear.gather [hbm4b:s5+s3], $0x1388, $0x38;
	[tilespmem:$0xC800] =	vst v63  }
0x18: {  	_ =	swait.ge [sflag:s10], $0x1388  }
0x19: {  	[sflag:s10] =	ssyncset.done $0x0  }
0x1a: {  	s22 =	rddreg [dreg:$0x6];
	[sflag:s10] =	ssyncadd.s32 $0xFFFFEC78  }
0x1b: {  	[tilespmem:s11], [sflag:$0x9] =	stream.linear.gather [hbm4b:s22+s3], $0x1388, $0x38;
	[tilespmem:$0xC800] =	vst v63  }
0x1c: {  	_ =	swait.ge [sflag:s10], $0x1388  }
0x1d: {  	[sflag:s10] =	ssyncset.done $0x0  }
0x1e: {  	[sflag:s10] =	ssyncadd.s32 $0xFFFFEC78  }
0x1f: {  	[tilespmem:s13], [sflag:$0x1] =	stream.indirect.gather [hbm4b:s2+s12], $0x80, s3, s12, $0xb8;
	[tilespmem:$0xC800] =	vst v63  }
0x20: {  	_ = 	snop  }
0x21: {  	[tilespmem:s14], [sflag:$0x1] =	stream.indirect.gather [hbm4b:s4+s12], $0x80, s11, s12, $0xb8;
	[tilespmem:$0xC800] =	vst v63  }
0x22: {  	_ = 	snop  }
0x23: {  	[tilespmem:s15], [sflag:$0x2] =	stream.indirect.gather [hbm4b:s2+s12], $0x80, s12, s12, $0xb8;
	[tilespmem:$0xC800] =	vst v63  }
0x24: {  	s24 =	simm.s32 $0x1428  }
0x25: {  	[tilespmem:s17], [sflag:$0x2] =	stream.indirect.gather [hbm4b:s4+s12], $0x80, s24, s12, $0xb8;
	[tilespmem:$0xC800] =	vst v63  }
0x26: {  	s6 =	simm.s32 $0x50  }
0x27: {  	[tilespmem:s19], [sflag:$0x3] =	stream.indirect.gather [hbm4b:s2+s12], $0x80, s6, s12, $0xb8;
	[tilespmem:$0xC800] =	vst v63  }
0x28: {  	s7 =	simm.s32 $0x1450  }
0x29: {  	[tilespmem:s21], [sflag:$0x3] =	stream.indirect.gather [hbm4b:s4+s12], $0x80, s7, s12, $0xb8;
	[tilespmem:$0xC800] =	vst v63  }
0x2a: {  	s8 =	simm.s32 $0x78  }
0x2b: {  	[tilespmem:s23], [sflag:$0x4] =	stream.indirect.gather [hbm4b:s2+s12], $0x80, s8, s12, $0xb8;
	[tilespmem:$0xC800] =	vst v63  }
0x2c: {  	s20 =	simm.s32 $0x1478  }
0x2d: {  	[tilespmem:s25], [sflag:$0x4] =	stream.indirect.gather [hbm4b:s4+s12], $0x80, s20, s12, $0xb8;
	[tilespmem:$0xC800] =	vst v63  }
0x2e: {  	_ =	swait.ge [sflag:s26], $0x1400  }
0x2f: {  	[sflag:s26] =	ssyncset.done $0x0  }
0x30: {  	[sflag:s26] =	ssyncadd.s32 $0xFFFFEC00  }
0x31: {  	_ =	swait.ge [sflag:s26], $0x1400  }
0x32: {  	s22 =	rddreg [dreg:$0x3];
	[sflag:s26] =	ssyncset.done $0x0  }
0x33: {  	s6 =	rddreg [dreg:$0x4];
	[sflag:s26] =	ssyncadd.s32 $0xFFFFEC00;
	s5 =	sadd.s32 $0x0, s22  }
0x34: {  	[hbm4b:s5+s3] =	stream.linear.scatter [tilespmem:s13], [sflag:$0x5], $0x1400, $0x38;
	[tilespmem:$0xC800] =	vst v63  }
0x35: {  	s6 =	sadd.s32 $0x0, s6  }
0x36: {  	[hbm4b:s6+s3] =	stream.linear.scatter [tilespmem:s14], [sflag:$0x5], $0x1400, $0x38;
	[tilespmem:$0xC800] =	vst v63  }
0x37: {  	_ =	swait.ge [sflag:s28], $0x1400  }
0x38: {  	[sflag:s28] =	ssyncset.done $0x0  }
0x39: {  	[sflag:s28] =	ssyncadd.s32 $0xFFFFEC00  }
0x3a: {  	_ =	swait.ge [sflag:s28], $0x1400  }
0x3b: {  	[sflag:s28] =	ssyncset.done $0x0  }
0x3c: {  	s20 =	sadd.s32 $0x280, s5;
	[sflag:s28] =	ssyncadd.s32 $0xFFFFEC00  }
0x3d: {  	[hbm4b:s20+s3] =	stream.linear.scatter [tilespmem:s15], [sflag:$0x6], $0x1400, $0x38;
	[tilespmem:$0xC800] =	vst v63  }
0x3e: {  	s24 =	sadd.s32 $0x280, s6  }
0x3f: {  	[hbm4b:s24+s3] =	stream.linear.scatter [tilespmem:s17], [sflag:$0x6], $0x1400, $0x38;
	[tilespmem:$0xC800] =	vst v63  }
0x40: {  	_ =	swait.ge [sflag:s29], $0x1400  }
0x41: {  	[sflag:s29] =	ssyncset.done $0x0  }
0x42: {  	[sflag:s29] =	ssyncadd.s32 $0xFFFFEC00  }
0x43: {  	_ =	swait.ge [sflag:s29], $0x1400  }
0x44: {  	[sflag:s29] =	ssyncset.done $0x0  }
0x45: {  	s7 =	sadd.s32 $0x500, s5;
	[sflag:s29] =	ssyncadd.s32 $0xFFFFEC00  }
0x46: {  	[hbm4b:s7+s3] =	stream.linear.scatter [tilespmem:s19], [sflag:$0x7], $0x1400, $0x38;
	[tilespmem:$0xC800] =	vst v63  }
0x47: {  	s8 =	sadd.s32 $0x500, s6  }
0x48: {  	[hbm4b:s8+s3] =	stream.linear.scatter [tilespmem:s21], [sflag:$0x7], $0x1400, $0x38;
	[tilespmem:$0xC800] =	vst v63  }
0x49: {  	_ =	swait.ge [sflag:s30], $0x1400  }
0x4a: {  	[sflag:s30] =	ssyncset.done $0x0  }
0x4b: {  	[sflag:s30] =	ssyncadd.s32 $0xFFFFEC00  }
0x4c: {  	_ =	swait.ge [sflag:s30], $0x1400  }
0x4d: {  	[sflag:s30] =	ssyncset.done $0x0  }
0x4e: {  	s5 =	sadd.s32 $0x780, s5;
	[sflag:s30] =	ssyncadd.s32 $0xFFFFEC00  }
0x4f: {  	[hbm4b:s5+s3] =	stream.linear.scatter [tilespmem:s23], [sflag:$0x8], $0x1400, $0x38;
	[tilespmem:$0xC800] =	vst v63  }
0x50: {  	s20 =	sadd.s32 $0x780, s6  }
0x51: {  	[hbm4b:s20+s3] =	stream.linear.scatter [tilespmem:s25], [sflag:$0x8], $0x1400, $0x38;
	[tilespmem:$0xC800] =	vst v63  }
0x52: {  	_ =	swait.ge [sflag:s31], $0x1400  }
0x53: {  	[sflag:s31] =	ssyncset.done $0x0  }
0x54: {  	[sflag:s31] =	ssyncadd.s32 $0xFFFFEC00  }
0x55: {  	_ =	swait.ge [sflag:s31], $0x1400  }
0x56: {  	[sflag:s31] =	ssyncset.done $0x0  }
0x57: {  	s22 =	simm.s32 $0xA0;
	[sflag:s31] =	ssyncadd.s32 $0xFFFFEC00  }
0x58: {  	[tilespmem:s13], [sflag:$0x1] =	stream.indirect.gather [hbm4b:s2+s12], $0x80, s22, s12, $0xb8;
	[tilespmem:$0xC800] =	vst v63  }
0x59: {  	s24 =	simm.s32 $0x14A0  }
0x5a: {  	[tilespmem:s14], [sflag:$0x1] =	stream.indirect.gather [hbm4b:s4+s12], $0x80, s24, s12, $0xb8;
	[tilespmem:$0xC800] =	vst v63  }
0x5b: {  	_ =	swait.ge [sflag:s0], $0x1400  }
0x5c: {  	[sflag:s0] =	ssyncset.done $0x0  }
0x5d: {  	s6 =	smin.u32 s3, $0x77;
	[sflag:s0] =	ssyncadd.s32 $0xFFFFEC00  }
0x5e: {  	s5 =	smul.u32 $0x28, s6;
	_ =	swait.ge [sflag:s0], $0x1400  }
0x5f: {  	[sflag:s0] =	ssyncset.done $0x0  }
0x60: {  	s7 =	sadd.s32 $0xC8, s5;
	[sflag:s0] =	ssyncadd.s32 $0xFFFFEC00  }
0x61: {  	[tilespmem:s15], [sflag:$0x2] =	stream.indirect.gather [hbm4b:s2+s12], $0x80, s7, s12, $0xb8;
	[tilespmem:$0xC800] =	vst v63  }
0x62: {  	s5 =	sadd.s32 $0x14C8, s5  }
0x63: {  	[tilespmem:s17], [sflag:$0x2] =	stream.indirect.gather [hbm4b:s4+s12], $0x80, s5, s12, $0xb8;
	[tilespmem:$0xC800] =	vst v63  }
0x64: {  	_ =	swait.ge [sflag:s1], $0x1400  }
0x65: {  	[sflag:s1] =	ssyncset.done $0x0  }
0x66: {  	s8 =	smin.u32 s3, $0x76;
	[sflag:s1] =	ssyncadd.s32 $0xFFFFEC00  }
0x67: {  	s5 =	smul.u32 $0x28, s8;
	_ =	swait.ge [sflag:s1], $0x1400  }
0x68: {  	[sflag:s1] =	ssyncset.done $0x0  }
0x69: {  	s20 =	sadd.s32 $0xF0, s5;
	[sflag:s1] =	ssyncadd.s32 $0xFFFFEC00  }
0x6a: {  	[tilespmem:s19], [sflag:$0x3] =	stream.indirect.gather [hbm4b:s2+s12], $0x80, s20, s12, $0xb8;
	[tilespmem:$0xC800] =	vst v63  }
0x6b: {  	s5 =	sadd.s32 $0x14F0, s5  }
0x6c: {  	[tilespmem:s21], [sflag:$0x3] =	stream.indirect.gather [hbm4b:s4+s12], $0x80, s5, s12, $0xb8;
	[tilespmem:$0xC800] =	vst v63  }
0x6d: {  	_ =	swait.ge [sflag:s16], $0x1400  }
0x6e: {  	[sflag:s16] =	ssyncset.done $0x0  }
0x6f: {  	s22 =	smin.u32 s3, $0x75;
	[sflag:s16] =	ssyncadd.s32 $0xFFFFEC00  }
0x70: {  	s5 =	smul.u32 $0x28, s22;
	_ =	swait.ge [sflag:s16], $0x1400  }
0x71: {  	s20 =	simm.s32 $0xA00;
	[sflag:s16] =	ssyncset.done $0x0  }
0x72: {  	s22 =	simm.s32 $0x4;
	s24 =	sadd.s32 $0x118, s5;
	[sflag:s16] =	ssyncadd.s32 $0xFFFFEC00  }
0x73: {  	[tilespmem:s23], [sflag:$0x4] =	stream.indirect.gather [hbm4b:s2+s12], $0x80, s24, s12, $0xb8;
	[tilespmem:$0xC800] =	vst v63  }
0x74: {  	s6 =	sadd.s32 $0x1518, s5;
	s5 =	simm.s32 $0x1540;
	s24 =	simm.s32 $0x140  }
.LBB2_2:
0x75: {  	[tilespmem:s25], [sflag:$0x4] =	stream.indirect.gather [hbm4b:s4+s12], $0x80, s6, s12, $0xb8;
	[tilespmem:$0xC800] =	vst v63  }
0x76: {  	_ =	swait.ge [sflag:s26], $0x1400  }
0x77: {  	[sflag:s26] =	ssyncset.done $0x0  }
0x78: {  	[sflag:s26] =	ssyncadd.s32 $0xFFFFEC00  }
0x79: {  	_ =	swait.ge [sflag:s26], $0x1400  }
0x7a: {  	s6 =	smov.u32 s20;
	s7 =	rddreg [dreg:$0x3];
	[sflag:s26] =	ssyncset.done $0x0  }
0x7b: {  	s8 =	rddreg [dreg:$0x4];
	[sflag:s26] =	ssyncadd.s32 $0xFFFFEC00;
	s7 =	sadd.s32 s6, s7  }
0x7c: {  	[hbm4b:s7+s3] =	stream.linear.scatter [tilespmem:s13], [sflag:$0x5], $0x1400, $0x38;
	[tilespmem:$0xC800] =	vst v63  }
0x7d: {  	s6 =	sadd.s32 s6, s8  }
0x7e: {  	[hbm4b:s6+s3] =	stream.linear.scatter [tilespmem:s14], [sflag:$0x5], $0x1400, $0x38;
	[tilespmem:$0xC800] =	vst v63  }
0x7f: {  	_ =	swait.ge [sflag:s28], $0x1400  }
0x80: {  	[sflag:s28] =	ssyncset.done $0x0  }
0x81: {  	[sflag:s28] =	ssyncadd.s32 $0xFFFFEC00  }
0x82: {  	_ =	swait.ge [sflag:s28], $0x1400  }
0x83: {  	[sflag:s28] =	ssyncset.done $0x0  }
0x84: {  	s8 =	sadd.s32 $0x280, s7;
	[sflag:s28] =	ssyncadd.s32 $0xFFFFEC00  }
0x85: {  	[hbm4b:s8+s3] =	stream.linear.scatter [tilespmem:s15], [sflag:$0x6], $0x1400, $0x38;
	[tilespmem:$0xC800] =	vst v63  }
0x86: {  	s8 =	sadd.s32 $0x280, s6  }
0x87: {  	[hbm4b:s8+s3] =	stream.linear.scatter [tilespmem:s17], [sflag:$0x6], $0x1400, $0x38;
	[tilespmem:$0xC800] =	vst v63  }
0x88: {  	_ =	swait.ge [sflag:s29], $0x1400  }
0x89: {  	[sflag:s29] =	ssyncset.done $0x0  }
0x8a: {  	[sflag:s29] =	ssyncadd.s32 $0xFFFFEC00  }
0x8b: {  	_ =	swait.ge [sflag:s29], $0x1400  }
0x8c: {  	[sflag:s29] =	ssyncset.done $0x0  }
0x8d: {  	s8 =	sadd.s32 $0x500, s7;
	[sflag:s29] =	ssyncadd.s32 $0xFFFFEC00  }
0x8e: {  	[hbm4b:s8+s3] =	stream.linear.scatter [tilespmem:s19], [sflag:$0x7], $0x1400, $0x38;
	[tilespmem:$0xC800] =	vst v63  }
0x8f: {  	s8 =	sadd.s32 $0x500, s6  }
0x90: {  	[hbm4b:s8+s3] =	stream.linear.scatter [tilespmem:s21], [sflag:$0x7], $0x1400, $0x38;
	[tilespmem:$0xC800] =	vst v63  }
0x91: {  	_ =	swait.ge [sflag:s30], $0x1400  }
0x92: {  	[sflag:s30] =	ssyncset.done $0x0  }
0x93: {  	[sflag:s30] =	ssyncadd.s32 $0xFFFFEC00  }
0x94: {  	_ =	swait.ge [sflag:s30], $0x1400  }
0x95: {  	[sflag:s30] =	ssyncset.done $0x0  }
0x96: {  	s7 =	sadd.s32 $0x780, s7;
	[sflag:s30] =	ssyncadd.s32 $0xFFFFEC00  }
0x97: {  	[hbm4b:s7+s3] =	stream.linear.scatter [tilespmem:s23], [sflag:$0x8], $0x1400, $0x38;
	[tilespmem:$0xC800] =	vst v63  }
0x98: {  	s6 =	sadd.s32 $0x780, s6  }
0x99: {  	[hbm4b:s6+s3] =	stream.linear.scatter [tilespmem:s25], [sflag:$0x8], $0x1400, $0x38;
	[tilespmem:$0xC800] =	vst v63  }
0x9a: {  	_ =	swait.ge [sflag:s31], $0x1400  }
0x9b: {  	[sflag:s31] =	ssyncset.done $0x0  }
0x9c: {  	[sflag:s31] =	ssyncadd.s32 $0xFFFFEC00  }
0x9d: {  	_ =	swait.ge [sflag:s31], $0x1400  }
0x9e: {  	[sflag:s31] =	ssyncset.done $0x0  }
0x9f: {  	[sflag:s31] =	ssyncadd.s32 $0xFFFFEC00  }
0xa0: {  	[tilespmem:s13], [sflag:$0x1] =	stream.indirect.gather [hbm4b:s2+s12], $0x80, s24, s12, $0xb8;
	[tilespmem:$0xC800] =	vst v63  }
0xa1: {  	_ = 	snop  }
0xa2: {  	[tilespmem:s14], [sflag:$0x1] =	stream.indirect.gather [hbm4b:s4+s12], $0x80, s5, s12, $0xb8;
	[tilespmem:$0xC800] =	vst v63  }
0xa3: {  	_ =	swait.ge [sflag:s0], $0x1400  }
0xa4: {  	[sflag:s0] =	ssyncset.done $0x0  }
0xa5: {  	s7 =	smin.u32 s22, $0x77;
	[sflag:s0] =	ssyncadd.s32 $0xFFFFEC00  }
0xa6: {  	s6 =	smul.u32 $0x28, s7;
	_ =	swait.ge [sflag:s0], $0x1400  }
0xa7: {  	[sflag:s0] =	ssyncset.done $0x0  }
0xa8: {  	s8 =	sadd.s32 $0xC8, s6;
	[sflag:s0] =	ssyncadd.s32 $0xFFFFEC00  }
0xa9: {  	[tilespmem:s15], [sflag:$0x2] =	stream.indirect.gather [hbm4b:s2+s12], $0x80, s8, s12, $0xb8;
	[tilespmem:$0xC800] =	vst v63  }
0xaa: {  	s6 =	sadd.s32 $0x14C8, s6  }
0xab: {  	[tilespmem:s17], [sflag:$0x2] =	stream.indirect.gather [hbm4b:s4+s12], $0x80, s6, s12, $0xb8;
	[tilespmem:$0xC800] =	vst v63  }
0xac: {  	_ =	swait.ge [sflag:s1], $0x1400  }
0xad: {  	[sflag:s1] =	ssyncset.done $0x0  }
0xae: {  	s7 =	smin.u32 s22, $0x76;
	[sflag:s1] =	ssyncadd.s32 $0xFFFFEC00  }
0xaf: {  	s6 =	smul.u32 $0x28, s7;
	_ =	swait.ge [sflag:s1], $0x1400  }
0xb0: {  	[sflag:s1] =	ssyncset.done $0x0  }
0xb1: {  	s8 =	sadd.s32 $0xF0, s6;
	[sflag:s1] =	ssyncadd.s32 $0xFFFFEC00  }
0xb2: {  	[tilespmem:s19], [sflag:$0x3] =	stream.indirect.gather [hbm4b:s2+s12], $0x80, s8, s12, $0xb8;
	[tilespmem:$0xC800] =	vst v63  }
0xb3: {  	s6 =	sadd.s32 $0x14F0, s6  }
0xb4: {  	[tilespmem:s21], [sflag:$0x3] =	stream.indirect.gather [hbm4b:s4+s12], $0x80, s6, s12, $0xb8;
	[tilespmem:$0xC800] =	vst v63  }
0xb5: {  	_ =	swait.ge [sflag:s16], $0x1400  }
0xb6: {  	p0 =	sne.s32 s20, $0x12C00;
	s20 =	sadd.s32 $0xA00, s20;
	[sflag:s16] =	ssyncset.done $0x0  }
.Ltmp0:
0xb7: {  	s7 =	smin.u32 s22, $0x75;
	[sflag:s16] =	ssyncadd.s32 $0xFFFFEC00;
	(pc) =	sbr.rel @p0 .LBB2_2-.Ltmp0, $4  }
0xb8: {  	s24 =	sadd.s32 $0xA0, s24;
	s6 =	smul.u32 $0x28, s7;
	_ =	swait.ge [sflag:s16], $0x1400  }
0xb9: {  	s5 =	sadd.s32 $0xA0, s5;
	s22 =	sadd.s32 $0x4, s22;
	[sflag:s16] =	ssyncset.done $0x0  }
0xba: {  	s8 =	sadd.s32 $0x118, s6;
	s6 =	sadd.s32 $0x1518, s6;
	[sflag:s16] =	ssyncadd.s32 $0xFFFFEC00  }
0xbb: {  	[tilespmem:s23], [sflag:$0x4] =	stream.indirect.gather [hbm4b:s2+s12], $0x80, s8, s12, $0xb8;
	[tilespmem:$0xC800] =	vst v63  }
0xbc: {  	[tilespmem:s25], [sflag:$0x4] =	stream.indirect.gather [hbm4b:s4+s12], $0x80, s6, s12, $0xb8;
	[tilespmem:$0xC800] =	vst v63  }
0xbd: {  	_ =	swait.ge [sflag:s26], $0x1400  }
0xbe: {  	[sflag:s26] =	ssyncset.done $0x0  }
0xbf: {  	[sflag:s26] =	ssyncadd.s32 $0xFFFFEC00  }
0xc0: {  	_ =	swait.ge [sflag:s26], $0x1400  }
0xc1: {  	[sflag:s26] =	ssyncset.done $0x0  }
0xc2: {  	[sflag:s26] =	ssyncadd.s32 $0xFFFFEC00  }
0xc3: {  	_ =	swait.ge [sflag:s28], $0x1400  }
0xc4: {  	[sflag:s28] =	ssyncset.done $0x0  }
0xc5: {  	[sflag:s28] =	ssyncadd.s32 $0xFFFFEC00  }
0xc6: {  	_ =	swait.ge [sflag:s28], $0x1400  }
0xc7: {  	[sflag:s28] =	ssyncset.done $0x0  }
0xc8: {  	[sflag:s28] =	ssyncadd.s32 $0xFFFFEC00  }
0xc9: {  	_ =	swait.ge [sflag:s29], $0x1400  }
0xca: {  	[sflag:s29] =	ssyncset.done $0x0  }
0xcb: {  	[sflag:s29] =	ssyncadd.s32 $0xFFFFEC00  }
0xcc: {  	_ =	swait.ge [sflag:s29], $0x1400  }
0xcd: {  	[sflag:s29] =	ssyncset.done $0x0  }
0xce: {  	[sflag:s29] =	ssyncadd.s32 $0xFFFFEC00  }
0xcf: {  	_ =	swait.ge [sflag:s30], $0x1400  }
0xd0: {  	[sflag:s30] =	ssyncset.done $0x0  }
0xd1: {  	[sflag:s30] =	ssyncadd.s32 $0xFFFFEC00  }
0xd2: {  	_ =	swait.ge [sflag:s30], $0x1400  }
0xd3: {  	[sflag:s30] =	ssyncset.done $0x0  }
0xd4: {  	s5 =	rddreg [dreg:$0x7];
	[sflag:s30] =	ssyncadd.s32 $0xFFFFEC00  }
0xd5: {  	[hbm4b:s5+s3] =	stream.linear.scatter [tilespmem:s13], [sflag:$0x5], $0x1400, $0x38;
	[tilespmem:$0xC800] =	vst v63  }
0xd6: {  	s18 =	sadd.s32 $0x1, s18;
	s24 =	rddreg [dreg:$0x8]  }
0xd7: {  	[hbm4b:s24+s3] =	stream.linear.scatter [tilespmem:s14], [sflag:$0x5], $0x1400, $0x38;
	[tilespmem:$0xC800] =	vst v63  }
0xd8: {  	p0 =	sne.s32 s18, s9;
	_ =	swait.ge [sflag:s31], $0x1400  }
.Ltmp1:
0xd9: {  	[sflag:s31] =	ssyncset.done $0x0;
	(pc) =	sbr.rel @p0 .LBB2_1-.Ltmp1, $4  }
0xda: {  	[sflag:s31] =	ssyncadd.s32 $0xFFFFEC00  }
0xdb: {  	_ =	swait.ge [sflag:s31], $0x1400  }
0xdc: {  	[sflag:s31] =	ssyncset.done $0x0  }
0xdd: {  	[sflag:s31] =	ssyncadd.s32 $0xFFFFEC00  }
0xde: {  	_ =	sfence.sel $0x180000  }
0xdf: {  	[bflag:$0x0] =	sbarrier.arrive $0xFFFF  }
0xe0: {  	_ =	strace $0x9000004A  }
0xe1: {  	s0 =	stileid.u32;
	[bflag:$0x2] =	sbarrier.arrive $0xFFFF  }
0xe2: {  	p0 =	sne.s32 s0, $0x0;
	s0 =	rddreg [dreg:$0x2]  }
0xe3: {  	s0 =	sadd.s32 @!p0 $0x100000, s0  }
0xe4: {  	[sflag:s0] =	ssyncadd.tile.s32 @!p0 $0x1;
	_ =	shalt  }
.Lfunc_end2:
_tile_overlayer_lowered:
.L_overlay_start_2:
0xe5: {  	(tag) =	ssettag $0x2  }
0xe6: {  	s0 =	rddreg [dreg:$0x0];
	s2 =	stileid.u32  }
0xe7: {  	s1 =	rddreg [dreg:$0x1];
	p0 =	sne.s32 s2, $0x0  }
0xe8: {  	s3 =	rddreg [dreg:$0x2];
	[bflag:$0x3] =	sbarrier.arrive $0xFFFF;
	s2 =	simm.s32 @!p0 $0x1C09  }
0xe9: {  	[timem:s3], [sflag:s2] =	dma.local @!p0 [hbm:s0], s1  }
0xea: {  	s0 =	simm.s32 @!p0 $0x9  }
0xeb: {  	_ =	swait.ge @!p0 [sflag:s0], s1  }
0xec: {  	s1 =	ssub.s32 @!p0 $0x0, s1;
	[sflag:s0] =	ssyncset.done @!p0 $0x0  }
0xed: {  	[sflag:s0] =	ssyncadd.s32 @!p0 s1  }
0xee: {  	[bflag:$0x3] =	sbarrier.arrive $0xFFFF  }
0xef: {  	_ =	shalt  }

// kernel: kernel.16.cloned.1.call-start
scs
__scs_entry_jumppad:
0x0: {  	(pc) =	sbr.rel $0x88, $3  }
0x1: {  	(tag) =	ssettag $0x0;
	lr =	simm.s32 $0x1  }
0x2: {  	[smem:$0x3F92] =	sst lr;
	_ =	strace $0xD0000000  }
0x3: {  	_ = 	snop  }
0x4: {  	_ = 	snop  }
0x5: {  	_ = 	snop  }
0x6: {  	_ = 	snop  }
0x7: {  	_ = 	snop  }
__scs_overlays_trampoline_lowered:
0x8: {  	[smem:$0x3FA1] =	sst s0  }
0x9: {  	[smem:$0x3FA2] =	sst s1  }
0xa: {  	[smem:$0x3FA3] =	sst s2  }
0xb: {  	[smem:$0x3FA4] =	sst s3  }
0xc: {  	[smem:$0x3FA5] =	sst s4  }
0xd: {  	[smem:$0x3FA6] =	sst s5  }
0xe: {  	[smem:$0x3FA7] =	sst s6  }
0xf: {  	[smem:$0x3FA8] =	sst s7  }
0x10: {  	[smem:$0x3FA9] =	sst s8  }
0x11: {  	[smem:$0x3FAA] =	sst s9;
	s0 =	simm.s32 @!p0 $0x0  }
0x12: {  	s1 =	sld [smem:$0x3F90];
	s0 =	simm.s32 @p0 $0x1  }
0x13: {  	[smem:$0x3FAB] =	sst s0;
	s0 =	simm.s32 @!p1 $0x0  }
0x14: {  	s2 =	sld [smem:$0x3F8F];
	s0 =	simm.s32 @p1 $0x1  }
0x15: {  	[smem:$0x3FAC] =	sst s0;
	s0 =	simm.s32 @!p2 $0x0  }
0x16: {  	s3 =	sld [smem:$0x3FDB];
	s0 =	simm.s32 @p2 $0x1  }
0x17: {  	s4 =	simm.s32 $0x1BF5;
	[smem:$0x3FAE] =	sst s0  }
0x18: {  	s0 =	sld [smem:$0x3F91];
	_ =	swait.ge [sflag:s4], $0x0  }
0x19: {  	s7 =	sld [smem:$0x3F92]  }
0x1a: {  	s8 =	sadd.s32 $0xFFFFE003, lr  }
0x1b: {  	s9 =	sadd.s32 $0xFFFFFEF7, lr;
	s5 =	simm.s32 $0xFFFFFFFF;
	p2 =	slt.u32 s8, $0xFFFFF086  }
0x1c: {  	p1 =	slt.u32 s9, $0xF7A;
	s5 =	simm.s32 @!p2 $0x0  }
0x1d: {  	s5 =	simm.s32 @p1 $0x1;
	p0 =	seq.s32 s7, s2  }
0x1e: {  	s7 =	smul.u32 @!p0 $0xF7A, s2;
	p2 =	seq.s32 @!p0 s5, $0x0  }
0x1f: {  	s9 =	smul.u32 $0xF7A, s1;
	s8 =	simm.s32 @!p0 $0x1BF5;
	p2 =	por !p2, p0  }
0x20: {  	[sflag:s8] =	ssyncset.s32 @!p0 $0xFFFFF086;
	s6 =	sadd.s32 @!p0 s3, s7;
	s7 =	simm.s32 @!p0 $0x108  }
0x21: {  	s3 =	sadd.s32 s3, s9;
	s6 =	sadd.s32 @!p0 $0x88, s6;
	s7 =	simm.s32 @p2 $0x1082  }
0x22: {  	[simem:s7], [sflag:s8] =	dma.local @!p0 [hbm:s6], $0xF7A  }
0x23: {  	s9 =	sor.u32 $0xD0000000, s2;
	s6 =	simm.s32 $0x108;
	_ =	swait.ge @!p0 [sflag:s8], $0x0  }
0x24: {  	s3 =	sadd.s32 $0x88, s3;
	s6 =	simm.s32 @!p1 $0x1082;
	[sflag:s4] =	ssyncset.s32 $0xFFFFF086  }
0x25: {  	[simem:s6], [sflag:s4] =	dma.local [hbm:s3], $0xF7A  }
0x26: {  	[smem:$0x3F92] =	sst s1;
	(tag) =	ssettag s2;
	_ =	strace s9  }
0x27: {  	s1 =	sld [smem:$0x3FA2]  }
0x28: {  	s2 =	sld [smem:$0x3FA3]  }
0x29: {  	s4 =	sld [smem:$0x3FA5]  }
0x2a: {  	p0 =	seq.s32 s5, $0x0;
	s5 =	sld [smem:$0x3FA6]  }
0x2b: {  	s6 =	sld [smem:$0x3FA7]  }
0x2c: {  	s7 =	sld [smem:$0x3FA8]  }
0x2d: {  	s3 =	simm.s32 $0x108;
	s8 =	sld [smem:$0x3FA9]  }
0x2e: {  	s3 =	simm.s32 @!p0 $0x1082;
	s9 =	sld [smem:$0x3FAA]  }
0x2f: {  	lr =	sadd.s32 s0, s3;
	s0 =	sld [smem:$0x3FA1]  }
0x30: {  	s3 =	sld [smem:$0x3FA4]  }
0x31: {  	[smem:$0x3FAD] =	sst s10  }
0x32: {  	s10 =	sld [smem:$0x3FAB];
	_ =	sdelay $0x3  }
0x33: {  	p0 =	seq.s32 s10, $0x1;
	s10 =	sld [smem:$0x3FAD];
	_ =	sdelay $0x3  }
0x34: {  	[smem:$0x3FAD] =	sst s10  }
0x35: {  	s10 =	sld [smem:$0x3FAC];
	_ =	sdelay $0x3  }
0x36: {  	p1 =	seq.s32 s10, $0x1;
	s10 =	sld [smem:$0x3FAD];
	_ =	sdelay $0x3  }
0x37: {  	[smem:$0x3FAD] =	sst s10  }
0x38: {  	s10 =	sld [smem:$0x3FAE]  }
0x39: {  	_ = 	snop;
	(pc) =	sbr.ind lr, $3  }
0x3a: {  	_ = 	snop  }
0x3b: {  	_ = 	snop  }
0x3c: {  	p2 =	seq.s32 s10, $0x1;
	s10 =	sld [smem:$0x3FAD]  }
0x3d: {  	_ =	shalt  }
0x3e: {  	_ =	shalt  }
0x3f: {  	_ =	shalt  }
0x40: {  	_ =	shalt  }
0x41: {  	_ =	shalt  }
0x42: {  	_ =	shalt  }
0x43: {  	_ =	shalt  }
0x44: {  	_ =	shalt  }
0x45: {  	_ =	shalt  }
0x46: {  	_ =	shalt  }
0x47: {  	_ =	shalt  }
0x48: {  	_ =	shalt  }
0x49: {  	_ =	shalt  }
0x4a: {  	_ =	shalt  }
0x4b: {  	_ =	shalt  }
0x4c: {  	_ =	shalt  }
0x4d: {  	_ =	shalt  }
0x4e: {  	_ =	shalt  }
0x4f: {  	_ =	shalt  }
0x50: {  	_ =	shalt  }
0x51: {  	_ =	shalt  }
0x52: {  	_ =	shalt  }
0x53: {  	_ =	shalt  }
0x54: {  	_ =	shalt  }
0x55: {  	_ =	shalt  }
0x56: {  	_ =	shalt  }
0x57: {  	_ =	shalt  }
0x58: {  	_ =	shalt  }
0x59: {  	_ =	shalt  }
0x5a: {  	_ =	shalt  }
0x5b: {  	_ =	shalt  }
0x5c: {  	_ =	shalt  }
0x5d: {  	_ =	shalt  }
0x5e: {  	_ =	shalt  }
0x5f: {  	_ =	shalt  }
0x60: {  	_ =	shalt  }
0x61: {  	_ =	shalt  }
0x62: {  	_ =	shalt  }
0x63: {  	_ =	shalt  }
0x64: {  	_ =	shalt  }
0x65: {  	_ =	shalt  }
0x66: {  	_ =	shalt  }
0x67: {  	_ =	shalt  }
0x68: {  	_ =	shalt  }
0x69: {  	_ =	shalt  }
0x6a: {  	_ =	shalt  }
0x6b: {  	_ =	shalt  }
0x6c: {  	_ =	shalt  }
0x6d: {  	_ =	shalt  }
0x6e: {  	_ =	shalt  }
0x6f: {  	_ =	shalt  }
0x70: {  	_ =	shalt  }
0x71: {  	_ =	shalt  }
0x72: {  	_ =	shalt  }
0x73: {  	_ =	shalt  }
0x74: {  	_ =	shalt  }
0x75: {  	_ =	shalt  }
0x76: {  	_ =	shalt  }
0x77: {  	_ =	shalt  }
0x78: {  	_ =	shalt  }
0x79: {  	_ =	shalt  }
0x7a: {  	_ =	shalt  }
0x7b: {  	_ =	shalt  }
0x7c: {  	_ =	shalt  }
0x7d: {  	_ =	shalt  }
0x7e: {  	_ =	shalt  }
0x7f: {  	_ =	shalt  }
0x80: {  	_ =	shalt  }
0x81: {  	_ =	shalt  }
0x82: {  	_ =	shalt  }
0x83: {  	_ =	shalt  }
0x84: {  	_ =	shalt  }
0x85: {  	_ =	shalt  }
0x86: {  	_ =	shalt  }
0x87: {  	_ =	shalt  }
.Lfunc_end0:
.L_simem_size_0:
called_computation.2_lowered:
.L_overlay_start_0:
0x88: {  	s2 =	sld [smem:$0x3FD9]  }
0x89: {  	s3 =	sld [smem:$0x3FFE];
	_ =	sdelay $0x1  }
0x8a: {  	s1 =	srdreg.scid  }
0x8b: {  	s0 =	sand.u32 $0x1, s1  }
0x8c: {  	s17 =	sshll.u32 s0, $0xA;
	s2 =	sadd.s32 s3, s2  }
0x8d: {  	s2 =	sadd.s32 s2, s17  }
0x8e: {  	[smem:$0x3FB9] =	sst s2  }
0x8f: {  	_ = 	snop  }
0x90: {  	(tm) =	ssettm $0x1  }
0x91: {  	s18 =	sld [smem:$0x3FFB];
	_ =	sdelay $0x3  }
0x92: {  	_ =	strace s18  }
0x93: {  	s2 =	sld [smem:$0x3FFC];
	_ =	sdelay $0x3  }
0x94: {  	_ =	strace s2  }
0x95: {  	s2 =	sld [smem:$0x3FFD];
	_ =	sdelay $0x3  }
0x96: {  	_ =	strace s2  }
0x97: {  	_ =	strace $0x8FFFFFFF  }
0x98: {  	s19 =	sld [smem:$0x3FDB];
	_ =	sdelay $0x1  }
0x99: {  	s20 =	simm.s32 $_scs_section_size  }
0x9a: {  	s4 =	simm.s32 $_size__tile_overlayer_lowered;
	s5 =	simm.s32 $_tile_overlayer_lowered  }
0x9b: {  	s6 =	simm.s32 $0x1BFF;
	s21 =	sshll.u32 s5, $0x1;
	s3 =	sadd.s32 s20, s19  }
0x9c: {  	s22 =	simm.s32 $0x0;
	s4 =	sshll.u32 s4, $0x1;
	s5 =	sadd.s32 s21, s3  }
0x9d: {  	[timem:s22], [sflag:s6] =	dma.local [hbm:s5], s4  }
0x9e: {  	_ =	swait.ge [sflag:s6], s4  }
0x9f: {  	s4 =	ssub.s32 $0x0, s4;
	[sflag:s6] =	ssyncset.done $0x0  }
0xa0: {  	[sflag:s6] =	ssyncadd.s32 s4;
	_ =	sdelay $0x1  }
0xa1: {  	s23 =	simm.s32 $0x1B8B  }
0xa2: {  	_ =	swait.ge [sflag:s23], $0x1  }
0xa3: {  	[sflag:s23] =	ssyncset.done $0x0  }
0xa4: {  	[sflag:s23] =	ssyncadd.s32 $0xFFFFFFFF  }
0xa5: {  	s4 =	sld [smem:$0x0]  }
0xa6: {  	s5 =	sand.u32 $0xFFFFFFFE, s1  }
0xa7: {  	p0 =	sne.s32 s1, s5  }
0xa8: {  	s5 =	sshll.u32 @p0 s5, $0xE  }
0xa9: {  	s5 =	sadd.s32 @p0 $0x11B8D, s5;
	s6 =	sshll.u32 @p0 s4, $0x11  }
0xaa: {  	s5 =	sor.u32 @p0 s6, s5  }
0xab: {  	[sflag:s5] =	ssyncadd.remote.s32 @p0 $0x1;
	_ =	sdelay $0x1  }
0xac: {  	s5 =	simm.s32 @p0 $0x1B8D  }
0xad: {  	_ =	swait.eq @p0 [sflag:s5], $0x1  }
0xae: {  	[sflag:s5] =	ssyncadd.s32 @p0 $0xFFFFFFFF  }
0xaf: {  	s6 =	sshll.u32 @!p0 s1, $0xE  }
0xb0: {  	s6 =	sor.u32 @!p0 $0x4000, s6;
	s5 =	simm.s32 @!p0 $0x1B8D  }
0xb1: {  	s4 =	sshll.u32 @!p0 s4, $0x11;
	s6 =	sadd.s32 @!p0 $0x11B8D, s6;
	_ =	swait.eq @!p0 [sflag:s5], $0x1  }
0xb2: {  	s4 =	sor.u32 @!p0 s4, s6;
	[sflag:s5] =	ssyncadd.s32 @!p0 $0xFFFFFFFF  }
0xb3: {  	s25 =	simm.s32 $0x1B8E;
	s24 =	sld [smem:$0x3FFE];
	[sflag:s4] =	ssyncadd.remote.s32 @!p0 $0x1  }
0xb4: {  	s26 =	simm.s32 $execute0_lowered;
	[smem:$0x3FD2] =	sst s25  }
0xb5: {  	s5 =	sshll.u32 s26, $0x1;
	_ =	strace $0x8000004C;
	[dreg:$0x1] =	wrdreg $0xFFFFFFFF  }
0xb6: {  	s28 =	simm.s32 $_size_execute0_lowered;
	s3 =	sadd.s32 s3, s5;
	[dreg:$0x0] =	wrdreg $0x0  }
0xb7: {  	s5 =	sshll.u32 s28, $0x1;
	[dreg:$0x2] =	wrdreg s3  }
0xb8: {  	[dreg:$0x3] =	wrdreg s5  }
0xb9: {  	[dreg:$0x4] =	wrdreg $0xC0  }
0xba: {  	_ =	task [dreg:s22], $0x5FFFF  }
0xbb: {  	[dreg:$0x1] =	wrdreg $0xFFFFFFFF  }
0xbc: {  	[dreg:$0x0] =	wrdreg $0x60  }
0xbd: {  	[dreg:$0x2] =	wrdreg s24  }
0xbe: {  	[dreg:$0x3] =	wrdreg $0x56000  }
0xbf: {  	[dreg:$0x4] =	wrdreg $0xA  }
0xc0: {  	_ =	task.clear_ibuf [dreg:s22], $0x5FFFF;
	_ =	strace $0x9000004C  }
0xc1: {  	s29 =	simm.s32 $0xA;
	_ =	strace $0x8000004E  }
0xc2: {  	_ =	swait.ge [sflag:s29], $0x1  }
0xc3: {  	[sflag:s29] =	ssyncadd.s32 $0xFFFFFFFF  }
0xc4: {  	_ =	strace $0x9000004E  }
0xc5: {  	_ =	sfence  }
0xc6: {  	s30 =	sld [smem:$0x0];
	_ =	sdelay $0x2  }
0xc7: {  	s31 =	sshll.u32 s1, $0xD;
	s1 =	sshrl.u32 s1, $0x2  }
0xc8: {  	s4 =	sand.u32 $0x4000, s31;
	s1 =	sadd.s32 s1, s30  }
0xc9: {  	s0 =	sor.u32 s4, s0;
	s1 =	sshll.u32 s1, $0x11  }
0xca: {  	s0 =	sor.u32 s1, s0  }
0xcb: {  	s0 =	sadd.s32 $0x8F2B, s0  }
0xcc: {  	[sflag:s0] =	ssyncadd.remote.s32 $0x1  }
0xcd: {  	_ =	sfence.sel $0xFFFF  }
0xce: {  	[dreg:$0x0] =	wrdreg $0xFFFFFFFF;
	(pc) =	sbr.abs _section_cstart, $3  }
0xcf: {  	[dreg:$0x1] =	wrdreg $0xFFFFFFFF  }
0xd0: {  	_ =	task.clear_ibuf [dreg:s22], $0x2FFFF;
	_ =	strace $0x9FFFFFFF  }
0xd1: {  	(tm) =	ssettm $0x7FFFFFFF  }
tec
execute0_lowered:
.L_overlay_start_1:
0x0: {  	(tag) =	ssettag $0x1  }
0x1: {  	s0 =	rddreg [dreg:$0x0]  }
0x2: {  	s1 =	rddreg [dreg:$0x1];
	s3 =	simm.s32 $0x0;
	s2 =	srdreg.scid  }
0x3: {  	s7 =	stileid.u32;
	s12 =	simm.s32 $0x41;
	s28 =	simm.s32 $0x1600  }
0x4: {  	s29 =	simm.s32 $0x100;
	s30 =	simm.s32 $0x2A00;
	s31 =	simm.s32 $0x180  }
0x5: {  	[smem:$0x7FF] =	sst s3;
	s4 =	sadd.s32 $0xA02600, s0;
	s2 =	sand.u32 $0x1, s2  }
0x6: {  	s6 =	sshll.u32 s7, $0x1;
	s5 =	sadd.s32 $0xD400, s0;
	s9 =	sadd.s32 $0x3E400, s0  }
0x7: {  	p0 =	seq.s32 s7, $0xF;
	s11 =	smul.u32 $0x4F000, s7;
	s0 =	sadd.s32 $0x3E600, s0  }
0x8: {  	s14 =	smul.u32 $0x13C00, s7;
	_ =	strace $0x8000004D;
	s8 =	ssub.s32 $0x2, s2  }
0x9: {  	s6 =	sor.u32 s2, s6;
	[dreg:$0x6] =	wrdreg s9;
	s13 =	smul.u32 $0x138800, s2  }
0xa: {  	s12 =	simm.s32 @!p0 $0x4F;
	s16 =	sshrl.u32 s8, $0x1;
	s10 =	smul.u32 $0x1388, s6  }
0xb: {  	[dreg:$0x7] =	wrdreg s12;
	s17 =	sshrl.u32 s11, $0x2;
	s6 =	smul.u32 $0x13880, s6  }
0xc: {  	s12 =	simm.s32 $0x5;
	s9 =	ssub.s32 s8, s16;
	s8 =	sadd.s32 s17, s1  }
0xd: {  	s18 =	sshrl.u32 s10, $0x3;
	s19 =	sadd.s32 $0x28, s10;
	s6 =	sadd.s32 s4, s6  }
0xe: {  	s22 =	sadd.s32 $0x50, s10;
	s24 =	sadd.s32 $0x78, s10;
	s15 =	sadd.s32 $0xC8, s10  }
0xf: {  	s16 =	sadd.s32 $0xF0, s10;
	s11 =	sadd.s32 s5, s18;
	[dreg:$0x9] =	wrdreg s6  }
0x10: {  	s20 =	sshrl.u32 s19, $0x3;
	s23 =	sshrl.u32 s22, $0x3;
	[dreg:$0x3] =	wrdreg s15  }
0x11: {  	s25 =	sshrl.u32 s24, $0x3;
	s26 =	sshll.u32 s24, $0x4;
	[dreg:$0x4] =	wrdreg s16  }
0x12: {  	s18 =	sadd.s32 $0x118, s10;
	s24 =	smul.u32 $0x2710, s7;
	s10 =	simm.s32 $0x3  }
0x13: {  	s15 =	simm.s32 $0x8;
	s16 =	simm.s32 $0x0;
	[dreg:$0x8] =	wrdreg s11  }
0x14: {  	s11 =	sshll.u32 s19, $0x4;
	s6 =	sadd.s32 s5, s20;
	s17 =	sadd.s32 s4, s26  }
0x15: {  	s19 =	sadd.s32 s14, s13;
	s20 =	smul.u32 $0x27100, s7;
	[dreg:$0x5] =	wrdreg s18  }
0x16: {  	s26 =	smax.u32 s9, $0x1;
	s9 =	simm.s32 $0x2;
	s14 =	simm.s32 $0x7  }
0x17: {  	[dreg:$0xa] =	wrdreg s6;
	s21 =	sadd.s32 s4, s11;
	s6 =	sshll.u32 s22, $0x4  }
0x18: {  	s11 =	sadd.s32 s5, s23;
	[dreg:$0xf] =	wrdreg s17;
	s22 =	smul.u32 $0x13880, s2  }
0x19: {  	s23 =	sshrl.u32 s13, $0x3;
	s2 =	smul.u32 $0x1388, s2;
	[dreg:$0x12] =	wrdreg s26  }
0x1a: {  	s26 =	simm.s32 $0x80;
	s13 =	simm.s32 $0x6;
	[dreg:$0xb] =	wrdreg s21  }
0x1b: {  	[dreg:$0xc] =	wrdreg s11;
	s6 =	sadd.s32 s4, s6;
	s21 =	sshrl.u32 s19, $0x3  }
0x1c: {  	s11 =	simm.s32 $0x4;
	[dreg:$0xd] =	wrdreg s6;
	s6 =	sadd.s32 s5, s25  }
0x1d: {  	s25 =	sadd.s32 s20, s4;
	s2 =	sadd.s32 s2, s24;
	s24 =	simm.s32 $0x200  }
0x1e: {  	[dreg:$0xe] =	wrdreg s6;
	s6 =	sadd.s32 s0, s21;
	s0 =	sadd.s32 s0, s23  }
0x1f: {  	s21 =	sadd.s32 $0xA0, s2;
	s23 =	simm.s32 $0x9;
	s2 =	simm.s32 $0x1  }
0x20: {  	[dreg:$0x10] =	wrdreg s6;
	s0 =	sadd.s32 $0x25080, s0;
	s6 =	sadd.s32 s22, s25  }
0x21: {  	[dreg:$0x11] =	wrdreg s0;
	s0 =	sadd.s32 $0x128400, s1;
	s6 =	sadd.s32 $0xA00, s6  }
0x22: {  	s22 =	simm.s32 $0x5200;
	[dreg:$0x13] =	wrdreg s6;
	s0 =	sshrl.u32 @p0 s0, $0x3  }
0x23: {  	s6 =	simm.s32 $0x28;
	[dreg:$0x14] =	wrdreg s0;
	s0 =	simm.s32 $0x3E00  }
.LBB2_1:
0x24: {  	s7 =	rddreg [dreg:$0x6]  }
0x25: {  	[tilespmem:s22], [sflag:$0x9] =	stream.linear.gather [hbm4b:s7+s3], $0x400, $0x38;
	[tilespmem:$0x18E80] =	vst v63  }
0x26: {  	_ =	swait.ge [sflag:s23], $0x400  }
0x27: {  	s25 =	rddreg [dreg:$0x7]  }
0x28: {  	p1 =	sne.s32 s25, $0x1  }
.Ltmp0:
0x29: {  	[sflag:s23] =	ssyncset.done $0x0;
	(pc) =	sbr.rel @!p1 .LBB2_3-.Ltmp0, $4  }
0x2a: {  	[sflag:s23] =	ssyncadd.s32 $0xFFFFFC00  }
0x2b: {  	[spmem:s8] =	stream.linear.scatter [tilespmem:s22], [sflag:$0x9], $0x400, $0x38;
	[tilespmem:$0x18E80] =	vst v63  }
0x2c: {  	_ =	swait.ge [sflag:s23], $0x400  }
0x2d: {  	s18 =	smov.u32 s8;
	s17 =	sadd.s32 $0xFFFFFFFF, s25;
	[sflag:s23] =	ssyncset.done $0x0  }
.LBB2_2:
0x2e: {  	p1 =	sne.s32 s17, $0x1;
	[sflag:s23] =	ssyncadd.s32 $0xFFFFFC00;
	s18 =	sadd.s32 $0x400, s18  }
.Ltmp1:
0x2f: {  	s17 =	sadd.s32 $0xFFFFFFFF, s17;
	(pc) =	sbr.rel @p1 .LBB2_2-.Ltmp1, $4  }
0x30: {  	_ = 	snop  }
0x31: {  	[spmem:s18] =	stream.linear.scatter [tilespmem:s22], [sflag:$0x9], $0x400, $0x38;
	[tilespmem:$0x18E80] =	vst v63  }
0x32: {  	_ =	swait.ge [sflag:s23], $0x400  }
0x33: {  	[sflag:s23] =	ssyncset.done $0x0  }
.LBB2_3:
0x34: {  	[sflag:s23] =	ssyncadd.s32 $0xFFFFFC00  }
0x35: {  	[bflag:$0x0] =	sbarrier.arrive $0xFFFF  }
0x36: {  	s17 =	simm.s32 $0x0;
	s7 =	rddreg [dreg:$0x8]  }
0x37: {  	[tilespmem:s17], [sflag:$0x1] =	stream.linear.gather [hbm4b:s7+s17], $0x28, $0x38;
	[tilespmem:$0x18E80] =	vst v63  }
0x38: {  	s18 =	rddreg [dreg:$0x9]  }
0x39: {  	[tilespmem:s24], [sflag:$0x1] =	stream.linear.gather [hbm4b:s18+s17], $0x1400, $0x38;
	[tilespmem:$0x18E80] =	vst v63  }
0x3a: {  	s19 =	rddreg [dreg:$0xa]  }
0x3b: {  	[tilespmem:s26], [sflag:$0x2] =	stream.linear.gather [hbm4b:s19+s17], $0x28, $0x38;
	[tilespmem:$0x18E80] =	vst v63  }
0x3c: {  	s20 =	rddreg [dreg:$0xb]  }
0x3d: {  	[tilespmem:s28], [sflag:$0x2] =	stream.linear.gather [hbm4b:s20+s17], $0x1400, $0x38;
	[tilespmem:$0x18E80] =	vst v63  }
0x3e: {  	s25 =	rddreg [dreg:$0xc]  }
0x3f: {  	[tilespmem:s29], [sflag:$0x3] =	stream.linear.gather [hbm4b:s25+s17], $0x28, $0x38;
	[tilespmem:$0x18E80] =	vst v63  }
0x40: {  	s18 =	rddreg [dreg:$0xd]  }
0x41: {  	[tilespmem:s30], [sflag:$0x3] =	stream.linear.gather [hbm4b:s18+s17], $0x1400, $0x38;
	[tilespmem:$0x18E80] =	vst v63  }
0x42: {  	s19 =	rddreg [dreg:$0xe]  }
0x43: {  	[tilespmem:s31], [sflag:$0x4] =	stream.linear.gather [hbm4b:s19+s17], $0x28, $0x38;
	[tilespmem:$0x18E80] =	vst v63  }
0x44: {  	s20 =	rddreg [dreg:$0xf]  }
0x45: {  	[tilespmem:s0], [sflag:$0x4] =	stream.linear.gather [hbm4b:s20+s17], $0x1400, $0x38;
	[tilespmem:$0x18E80] =	vst v63  }
0x46: {  	_ =	swait.ge [sflag:s2], $0x28  }
0x47: {  	[sflag:s2] =	ssyncset.done $0x0  }
0x48: {  	[sflag:s2] =	ssyncadd.s32 $0xFFFFFFD8  }
0x49: {  	_ =	swait.ge [sflag:s2], $0x1400  }
0x4a: {  	[sflag:s2] =	ssyncset.done $0x0  }
0x4b: {  	[sflag:s2] =	ssyncadd.s32 $0xFFFFEC00  }
0x4c: {  	[spmem:s1] =	stream.indirect.scatter.add.f32 [tilespmem:s24], [sflag:$0x5], $0x80, s3, s6, $0xb8;
	[tilespmem:$0x18E80] =	vst v63  }
0x4d: {  	_ =	swait.ge [sflag:s9], $0x28  }
0x4e: {  	[sflag:s9] =	ssyncset.done $0x0  }
0x4f: {  	[sflag:s9] =	ssyncadd.s32 $0xFFFFFFD8  }
0x50: {  	_ =	swait.ge [sflag:s9], $0x1400  }
0x51: {  	[sflag:s9] =	ssyncset.done $0x0  }
0x52: {  	[sflag:s9] =	ssyncadd.s32 $0xFFFFEC00  }
0x53: {  	[spmem:s1] =	stream.indirect.scatter.add.f32 [tilespmem:s28], [sflag:$0x6], $0x80, s26, s6, $0xb8;
	[tilespmem:$0x18E80] =	vst v63  }
0x54: {  	_ =	swait.ge [sflag:s10], $0x28  }
0x55: {  	[sflag:s10] =	ssyncset.done $0x0  }
0x56: {  	[sflag:s10] =	ssyncadd.s32 $0xFFFFFFD8  }
0x57: {  	_ =	swait.ge [sflag:s10], $0x1400  }
0x58: {  	[sflag:s10] =	ssyncset.done $0x0  }
0x59: {  	[sflag:s10] =	ssyncadd.s32 $0xFFFFEC00  }
0x5a: {  	[spmem:s1] =	stream.indirect.scatter.add.f32 [tilespmem:s30], [sflag:$0x7], $0x80, s29, s6, $0xb8;
	[tilespmem:$0x18E80] =	vst v63  }
0x5b: {  	_ =	swait.ge [sflag:s11], $0x28  }
0x5c: {  	[sflag:s11] =	ssyncset.done $0x0  }
0x5d: {  	[sflag:s11] =	ssyncadd.s32 $0xFFFFFFD8  }
0x5e: {  	_ =	swait.ge [sflag:s11], $0x1400  }
0x5f: {  	[sflag:s11] =	ssyncset.done $0x0  }
0x60: {  	[sflag:s11] =	ssyncadd.s32 $0xFFFFEC00  }
0x61: {  	[spmem:s1] =	stream.indirect.scatter.add.f32 [tilespmem:s0], [sflag:$0x8], $0x80, s31, s6, $0xb8;
	[tilespmem:$0x18E80] =	vst v63  }
0x62: {  	_ =	swait.ge [sflag:s12], $0x1400  }
0x63: {  	s18 =	sshrl.u32 s21, $0x3;
	[sflag:s12] =	ssyncset.done $0x0  }
0x64: {  	s18 =	sadd.s32 s5, s18;
	[sflag:s12] =	ssyncadd.s32 $0xFFFFEC00  }
0x65: {  	[tilespmem:s3], [sflag:$0x1] =	stream.linear.gather [hbm4b:s18+s3], $0x28, $0x38;
	[tilespmem:$0x18E80] =	vst v63  }
0x66: {  	s25 =	smin.u32 s17, $0x77;
	s7 =	rddreg [dreg:$0x13]  }
0x67: {  	[tilespmem:s24], [sflag:$0x1] =	stream.linear.gather [hbm4b:s7+s3], $0x1400, $0x38;
	[tilespmem:$0x18E80] =	vst v63  }
0x68: {  	s18 =	smul.u32 $0x28, s25;
	_ =	swait.ge [sflag:s13], $0x1400  }
0x69: {  	s19 =	rddreg [dreg:$0x3]  }
0x6a: {  	s18 =	sadd.s32 s18, s19  }
0x6b: {  	[sflag:s13] =	ssyncset.done $0x0;
	s19 =	sshrl.u32 s18, $0x3  }
0x6c: {  	[sflag:s13] =	ssyncadd.s32 $0xFFFFEC00;
	s18 =	sshll.u32 s18, $0x4;
	s19 =	sadd.s32 s5, s19  }
0x6d: {  	[tilespmem:s26], [sflag:$0x2] =	stream.linear.gather [hbm4b:s19+s3], $0x28, $0x38;
	[tilespmem:$0x18E80] =	vst v63  }
0x6e: {  	s18 =	sadd.s32 s4, s18;
	s19 =	smin.u32 s17, $0x76  }
0x6f: {  	[tilespmem:s28], [sflag:$0x2] =	stream.linear.gather [hbm4b:s18+s3], $0x1400, $0x38;
	[tilespmem:$0x18E80] =	vst v63  }
0x70: {  	s18 =	smul.u32 $0x28, s19;
	_ =	swait.ge [sflag:s14], $0x1400  }
0x71: {  	s20 =	rddreg [dreg:$0x4]  }
0x72: {  	s18 =	sadd.s32 s18, s20  }
0x73: {  	[sflag:s14] =	ssyncset.done $0x0;
	s19 =	sshrl.u32 s18, $0x3  }
0x74: {  	[sflag:s14] =	ssyncadd.s32 $0xFFFFEC00;
	s18 =	sshll.u32 s18, $0x4;
	s19 =	sadd.s32 s5, s19  }
0x75: {  	[tilespmem:s29], [sflag:$0x3] =	stream.linear.gather [hbm4b:s19+s3], $0x28, $0x38;
	[tilespmem:$0x18E80] =	vst v63  }
0x76: {  	s17 =	smin.u32 s17, $0x75;
	s18 =	sadd.s32 s4, s18  }
0x77: {  	[tilespmem:s30], [sflag:$0x3] =	stream.linear.gather [hbm4b:s18+s3], $0x1400, $0x38;
	[tilespmem:$0x18E80] =	vst v63  }
0x78: {  	s17 =	smul.u32 $0x28, s17;
	_ =	swait.ge [sflag:s15], $0x1400  }
0x79: {  	s25 =	rddreg [dreg:$0x5]  }
0x7a: {  	s18 =	sadd.s32 s17, s25  }
0x7b: {  	s19 =	sadd.s32 $0xA0, s21;
	[sflag:s15] =	ssyncset.done $0x0;
	s17 =	sshrl.u32 s18, $0x3  }
0x7c: {  	[sflag:s15] =	ssyncadd.s32 $0xFFFFEC00;
	s18 =	sshll.u32 s18, $0x4;
	s17 =	sadd.s32 s5, s17  }
0x7d: {  	[tilespmem:s31], [sflag:$0x4] =	stream.linear.gather [hbm4b:s17+s3], $0x28, $0x38;
	[tilespmem:$0x18E80] =	vst v63  }
0x7e: {  	s25 =	sadd.s32 s4, s18;
	s18 =	sadd.s32 $0xA00, s7;
	s17 =	simm.s32 $0x4  }
.LBB2_4:
0x7f: {  	[tilespmem:s0], [sflag:$0x4] =	stream.linear.gather [hbm4b:s25+s3], $0x1400, $0x38;
	[tilespmem:$0x18E80] =	vst v63  }
0x80: {  	_ =	swait.ge [sflag:s2], $0x28  }
0x81: {  	[sflag:s2] =	ssyncset.done $0x0  }
0x82: {  	[sflag:s2] =	ssyncadd.s32 $0xFFFFFFD8  }
0x83: {  	_ =	swait.ge [sflag:s2], $0x1400  }
0x84: {  	[sflag:s2] =	ssyncset.done $0x0  }
0x85: {  	[sflag:s2] =	ssyncadd.s32 $0xFFFFEC00  }
0x86: {  	[spmem:s1] =	stream.indirect.scatter.add.f32 [tilespmem:s24], [sflag:$0x5], $0x80, s3, s6, $0xb8;
	[tilespmem:$0x18E80] =	vst v63  }
0x87: {  	_ =	swait.ge [sflag:s9], $0x28  }
0x88: {  	[sflag:s9] =	ssyncset.done $0x0  }
0x89: {  	[sflag:s9] =	ssyncadd.s32 $0xFFFFFFD8  }
0x8a: {  	_ =	swait.ge [sflag:s9], $0x1400  }
0x8b: {  	[sflag:s9] =	ssyncset.done $0x0  }
0x8c: {  	[sflag:s9] =	ssyncadd.s32 $0xFFFFEC00  }
0x8d: {  	[spmem:s1] =	stream.indirect.scatter.add.f32 [tilespmem:s28], [sflag:$0x6], $0x80, s26, s6, $0xb8;
	[tilespmem:$0x18E80] =	vst v63  }
0x8e: {  	_ =	swait.ge [sflag:s10], $0x28  }
0x8f: {  	[sflag:s10] =	ssyncset.done $0x0  }
0x90: {  	[sflag:s10] =	ssyncadd.s32 $0xFFFFFFD8  }
0x91: {  	_ =	swait.ge [sflag:s10], $0x1400  }
0x92: {  	[sflag:s10] =	ssyncset.done $0x0  }
0x93: {  	[sflag:s10] =	ssyncadd.s32 $0xFFFFEC00  }
0x94: {  	[spmem:s1] =	stream.indirect.scatter.add.f32 [tilespmem:s30], [sflag:$0x7], $0x80, s29, s6, $0xb8;
	[tilespmem:$0x18E80] =	vst v63  }
0x95: {  	_ =	swait.ge [sflag:s11], $0x28  }
0x96: {  	[sflag:s11] =	ssyncset.done $0x0  }
0x97: {  	[sflag:s11] =	ssyncadd.s32 $0xFFFFFFD8  }
0x98: {  	_ =	swait.ge [sflag:s11], $0x1400  }
0x99: {  	[sflag:s11] =	ssyncset.done $0x0  }
0x9a: {  	[sflag:s11] =	ssyncadd.s32 $0xFFFFEC00  }
0x9b: {  	[spmem:s1] =	stream.indirect.scatter.add.f32 [tilespmem:s0], [sflag:$0x8], $0x80, s31, s6, $0xb8;
	[tilespmem:$0x18E80] =	vst v63  }
0x9c: {  	_ =	swait.ge [sflag:s12], $0x1400  }
0x9d: {  	s7 =	sshrl.u32 s19, $0x3;
	[sflag:s12] =	ssyncset.done $0x0  }
0x9e: {  	s25 =	smov.u32 s17;
	s7 =	sadd.s32 s5, s7;
	[sflag:s12] =	ssyncadd.s32 $0xFFFFEC00  }
0x9f: {  	[tilespmem:s3], [sflag:$0x1] =	stream.linear.gather [hbm4b:s7+s3], $0x28, $0x38;
	[tilespmem:$0x18E80] =	vst v63  }
0xa0: {  	s7 =	smin.u32 s25, $0x77  }
0xa1: {  	[tilespmem:s24], [sflag:$0x1] =	stream.linear.gather [hbm4b:s18+s3], $0x1400, $0x38;
	[tilespmem:$0x18E80] =	vst v63  }
0xa2: {  	s7 =	smul.u32 $0x28, s7;
	_ =	swait.ge [sflag:s13], $0x1400  }
0xa3: {  	s20 =	rddreg [dreg:$0x3]  }
0xa4: {  	s7 =	sadd.s32 s7, s20  }
0xa5: {  	[sflag:s13] =	ssyncset.done $0x0;
	s20 =	sshrl.u32 s7, $0x3  }
0xa6: {  	[sflag:s13] =	ssyncadd.s32 $0xFFFFEC00;
	s7 =	sshll.u32 s7, $0x4;
	s20 =	sadd.s32 s5, s20  }
0xa7: {  	[tilespmem:s26], [sflag:$0x2] =	stream.linear.gather [hbm4b:s20+s3], $0x28, $0x38;
	[tilespmem:$0x18E80] =	vst v63  }
0xa8: {  	s7 =	sadd.s32 s4, s7  }
0xa9: {  	[tilespmem:s28], [sflag:$0x2] =	stream.linear.gather [hbm4b:s7+s3], $0x1400, $0x38;
	[tilespmem:$0x18E80] =	vst v63  }
0xaa: {  	s7 =	smin.u32 s25, $0x76  }
0xab: {  	_ =	swait.ge [sflag:s14], $0x1400;
	s7 =	smul.u32 $0x28, s7  }
0xac: {  	s20 =	rddreg [dreg:$0x4]  }
0xad: {  	s7 =	sadd.s32 s7, s20  }
0xae: {  	[sflag:s14] =	ssyncset.done $0x0;
	s20 =	sshrl.u32 s7, $0x3  }
0xaf: {  	[sflag:s14] =	ssyncadd.s32 $0xFFFFEC00;
	s7 =	sshll.u32 s7, $0x4;
	s20 =	sadd.s32 s5, s20  }
0xb0: {  	[tilespmem:s29], [sflag:$0x3] =	stream.linear.gather [hbm4b:s20+s3], $0x28, $0x38;
	[tilespmem:$0x18E80] =	vst v63  }
0xb1: {  	s7 =	sadd.s32 s4, s7;
	s20 =	smin.u32 s25, $0x75  }
0xb2: {  	[tilespmem:s30], [sflag:$0x3] =	stream.linear.gather [hbm4b:s7+s3], $0x1400, $0x38;
	[tilespmem:$0x18E80] =	vst v63  }
0xb3: {  	p1 =	sne.s32 s17, $0x78;
	s7 =	smul.u32 $0x28, s20;
	_ =	swait.ge [sflag:s15], $0x1400  }
.Ltmp2:
0xb4: {  	s17 =	sadd.s32 $0x4, s17;
	s25 =	rddreg [dreg:$0x5];
	(pc) =	sbr.rel @p1 .LBB2_4-.Ltmp2, $4  }
0xb5: {  	s19 =	sadd.s32 $0xA0, s19;
	s18 =	sadd.s32 $0xA00, s18;
	s7 =	sadd.s32 s7, s25  }
0xb6: {  	[sflag:s15] =	ssyncset.done $0x0;
	s20 =	sshrl.u32 s7, $0x3;
	s7 =	sshll.u32 s7, $0x4  }
0xb7: {  	[sflag:s15] =	ssyncadd.s32 $0xFFFFEC00;
	s20 =	sadd.s32 s5, s20;
	s25 =	sadd.s32 s4, s7  }
0xb8: {  	[tilespmem:s31], [sflag:$0x4] =	stream.linear.gather [hbm4b:s20+s3], $0x28, $0x38;
	[tilespmem:$0x18E80] =	vst v63  }
0xb9: {  	[tilespmem:s0], [sflag:$0x4] =	stream.linear.gather [hbm4b:s25+s3], $0x1400, $0x38;
	[tilespmem:$0x18E80] =	vst v63  }
0xba: {  	_ =	swait.ge [sflag:s2], $0x28  }
0xbb: {  	[sflag:s2] =	ssyncset.done $0x0  }
0xbc: {  	[sflag:s2] =	ssyncadd.s32 $0xFFFFFFD8  }
0xbd: {  	_ =	swait.ge [sflag:s2], $0x1400  }
0xbe: {  	[sflag:s2] =	ssyncset.done $0x0  }
0xbf: {  	[sflag:s2] =	ssyncadd.s32 $0xFFFFEC00  }
0xc0: {  	_ =	swait.ge [sflag:s9], $0x28  }
0xc1: {  	[sflag:s9] =	ssyncset.done $0x0  }
0xc2: {  	[sflag:s9] =	ssyncadd.s32 $0xFFFFFFD8  }
0xc3: {  	_ =	swait.ge [sflag:s9], $0x1400  }
0xc4: {  	[sflag:s9] =	ssyncset.done $0x0  }
0xc5: {  	[sflag:s9] =	ssyncadd.s32 $0xFFFFEC00  }
0xc6: {  	_ =	swait.ge [sflag:s10], $0x28  }
0xc7: {  	[sflag:s10] =	ssyncset.done $0x0  }
0xc8: {  	[sflag:s10] =	ssyncadd.s32 $0xFFFFFFD8  }
0xc9: {  	_ =	swait.ge [sflag:s10], $0x1400  }
0xca: {  	[sflag:s10] =	ssyncset.done $0x0  }
0xcb: {  	[sflag:s10] =	ssyncadd.s32 $0xFFFFEC00  }
0xcc: {  	_ =	swait.ge [sflag:s11], $0x28  }
0xcd: {  	[sflag:s11] =	ssyncset.done $0x0  }
0xce: {  	[sflag:s11] =	ssyncadd.s32 $0xFFFFFFD8  }
0xcf: {  	_ =	swait.ge [sflag:s11], $0x1400  }
0xd0: {  	[sflag:s11] =	ssyncset.done $0x0  }
0xd1: {  	[sflag:s11] =	ssyncadd.s32 $0xFFFFEC00  }
0xd2: {  	[spmem:s1] =	stream.indirect.scatter.add.f32 [tilespmem:s24], [sflag:$0x5], $0x80, s3, s6, $0xb8;
	[tilespmem:$0x18E80] =	vst v63  }
0xd3: {  	_ =	swait.ge [sflag:s12], $0x1400  }
0xd4: {  	[sflag:s12] =	ssyncset.done $0x0  }
0xd5: {  	[sflag:s12] =	ssyncadd.s32 $0xFFFFEC00  }
0xd6: {  	[bflag:$0x0] =	sbarrier.arrive $0xFFFF  }
0xd7: {  	s17 =	rddreg [dreg:$0x11]  }
0xd8: {  	s7 =	simm.s32 @p0 $0x1FC9;
	s18 =	rddreg [dreg:$0x14]  }
0xd9: {  	[hbm:s17], [sflag:s7] =	dma.local @p0 [spmem:s18], $0x2080  }
0xda: {  	s7 =	simm.s32 @p0 $0x9  }
0xdb: {  	s17 =	stileid.u32;
	_ =	swait.ge @p0 [sflag:s7], $0x2080  }
0xdc: {  	s17 =	sshll.u32 @!p0 s17, $0x6;
	[sflag:s7] =	ssyncset.done @p0 $0x0;
	s18 =	rddreg [dreg:$0x10]  }
0xdd: {  	[sflag:s7] =	ssyncadd.s32 @p0 $0xFFFFDF80;
	s7 =	sor.u32 @!p0 $0x1C09, s17;
	s17 =	sshrl.u32 @!p0 s8, $0x3  }
0xde: {  	[hbm:s18], [sflag:s7] =	dma.local @!p0 [spmem:s17], $0x2780  }
0xdf: {  	s7 =	simm.s32 @!p0 $0x9  }
0xe0: {  	_ =	swait.ge @!p0 [sflag:s7], $0x2780  }
0xe1: {  	s16 =	sadd.s32 $0x1, s16;
	s25 =	rddreg [dreg:$0x12]  }
0xe2: {  	p1 =	sne.s32 s16, s25  }
.Ltmp3:
0xe3: {  	_ = 	snop;
	(pc) =	sbr.rel @p1 .LBB2_1-.Ltmp3, $3  }
0xe4: {  	_ =	sdelay $0x1  }
0xe5: {  	[sflag:s7] =	ssyncset.done @!p0 $0x0  }
0xe6: {  	[sflag:s7] =	ssyncadd.s32 @!p0 $0xFFFFD880  }
0xe7: {  	_ =	sfence.sel $0x180000  }
0xe8: {  	[bflag:$0x0] =	sbarrier.arrive $0xFFFF  }
0xe9: {  	_ =	strace $0x9000004D  }
0xea: {  	s0 =	stileid.u32;
	[bflag:$0x2] =	sbarrier.arrive $0xFFFF  }
0xeb: {  	p0 =	sne.s32 s0, $0x0;
	s0 =	rddreg [dreg:$0x2]  }
0xec: {  	s0 =	sadd.s32 @!p0 $0x100000, s0  }
0xed: {  	[sflag:s0] =	ssyncadd.tile.s32 @!p0 $0x1;
	_ =	shalt  }
.Lfunc_end2:
_tile_overlayer_lowered:
.L_overlay_start_2:
0xee: {  	(tag) =	ssettag $0x2  }
0xef: {  	s0 =	rddreg [dreg:$0x0];
	s2 =	stileid.u32  }
0xf0: {  	s1 =	rddreg [dreg:$0x1];
	p0 =	sne.s32 s2, $0x0  }
0xf1: {  	s3 =	rddreg [dreg:$0x2];
	[bflag:$0x3] =	sbarrier.arrive $0xFFFF;
	s2 =	simm.s32 @!p0 $0x1C09  }
0xf2: {  	[timem:s3], [sflag:s2] =	dma.local @!p0 [hbm:s0], s1  }
0xf3: {  	s0 =	simm.s32 @!p0 $0x9  }
0xf4: {  	_ =	swait.ge @!p0 [sflag:s0], s1  }
0xf5: {  	s1 =	ssub.s32 @!p0 $0x0, s1;
	[sflag:s0] =	ssyncset.done @!p0 $0x0  }
0xf6: {  	[sflag:s0] =	ssyncadd.s32 @!p0 s1  }
0xf7: {  	[bflag:$0x3] =	sbarrier.arrive $0xFFFF  }
0xf8: {  	_ =	shalt  }

// kernel: kernel.19.cloned.1.call-start
scs
__scs_entry_jumppad:
0x0: {  	(pc) =	sbr.rel $0x88, $3  }
0x1: {  	(tag) =	ssettag $0x0;
	lr =	simm.s32 $0x1  }
0x2: {  	[smem:$0x3F92] =	sst lr;
	_ =	strace $0xD0000000  }
0x3: {  	_ = 	snop  }
0x4: {  	_ = 	snop  }
0x5: {  	_ = 	snop  }
0x6: {  	_ = 	snop  }
0x7: {  	_ = 	snop  }
__scs_overlays_trampoline_lowered:
0x8: {  	[smem:$0x3FA1] =	sst s0  }
0x9: {  	[smem:$0x3FA2] =	sst s1  }
0xa: {  	[smem:$0x3FA3] =	sst s2  }
0xb: {  	[smem:$0x3FA4] =	sst s3  }
0xc: {  	[smem:$0x3FA5] =	sst s4  }
0xd: {  	[smem:$0x3FA6] =	sst s5  }
0xe: {  	[smem:$0x3FA7] =	sst s6  }
0xf: {  	[smem:$0x3FA8] =	sst s7  }
0x10: {  	[smem:$0x3FA9] =	sst s8  }
0x11: {  	[smem:$0x3FAA] =	sst s9;
	s0 =	simm.s32 @!p0 $0x0  }
0x12: {  	s1 =	sld [smem:$0x3F90];
	s0 =	simm.s32 @p0 $0x1  }
0x13: {  	[smem:$0x3FAB] =	sst s0;
	s0 =	simm.s32 @!p1 $0x0  }
0x14: {  	s2 =	sld [smem:$0x3F8F];
	s0 =	simm.s32 @p1 $0x1  }
0x15: {  	[smem:$0x3FAC] =	sst s0;
	s0 =	simm.s32 @!p2 $0x0  }
0x16: {  	s3 =	sld [smem:$0x3FDB];
	s0 =	simm.s32 @p2 $0x1  }
0x17: {  	s4 =	simm.s32 $0x1BF5;
	[smem:$0x3FAE] =	sst s0  }
0x18: {  	s0 =	sld [smem:$0x3F91];
	_ =	swait.ge [sflag:s4], $0x0  }
0x19: {  	s7 =	sld [smem:$0x3F92]  }
0x1a: {  	s8 =	sadd.s32 $0xFFFFE003, lr  }
0x1b: {  	s9 =	sadd.s32 $0xFFFFFEF7, lr;
	s5 =	simm.s32 $0xFFFFFFFF;
	p2 =	slt.u32 s8, $0xFFFFF086  }
0x1c: {  	p1 =	slt.u32 s9, $0xF7A;
	s5 =	simm.s32 @!p2 $0x0  }
0x1d: {  	s5 =	simm.s32 @p1 $0x1;
	p0 =	seq.s32 s7, s2  }
0x1e: {  	s7 =	smul.u32 @!p0 $0xF7A, s2;
	p2 =	seq.s32 @!p0 s5, $0x0  }
0x1f: {  	s9 =	smul.u32 $0xF7A, s1;
	s8 =	simm.s32 @!p0 $0x1BF5;
	p2 =	por !p2, p0  }
0x20: {  	[sflag:s8] =	ssyncset.s32 @!p0 $0xFFFFF086;
	s6 =	sadd.s32 @!p0 s3, s7;
	s7 =	simm.s32 @!p0 $0x108  }
0x21: {  	s3 =	sadd.s32 s3, s9;
	s6 =	sadd.s32 @!p0 $0x88, s6;
	s7 =	simm.s32 @p2 $0x1082  }
0x22: {  	[simem:s7], [sflag:s8] =	dma.local @!p0 [hbm:s6], $0xF7A  }
0x23: {  	s9 =	sor.u32 $0xD0000000, s2;
	s6 =	simm.s32 $0x108;
	_ =	swait.ge @!p0 [sflag:s8], $0x0  }
0x24: {  	s3 =	sadd.s32 $0x88, s3;
	s6 =	simm.s32 @!p1 $0x1082;
	[sflag:s4] =	ssyncset.s32 $0xFFFFF086  }
0x25: {  	[simem:s6], [sflag:s4] =	dma.local [hbm:s3], $0xF7A  }
0x26: {  	[smem:$0x3F92] =	sst s1;
	(tag) =	ssettag s2;
	_ =	strace s9  }
0x27: {  	s1 =	sld [smem:$0x3FA2]  }
0x28: {  	s2 =	sld [smem:$0x3FA3]  }
0x29: {  	s4 =	sld [smem:$0x3FA5]  }
0x2a: {  	p0 =	seq.s32 s5, $0x0;
	s5 =	sld [smem:$0x3FA6]  }
0x2b: {  	s6 =	sld [smem:$0x3FA7]  }
0x2c: {  	s7 =	sld [smem:$0x3FA8]  }
0x2d: {  	s3 =	simm.s32 $0x108;
	s8 =	sld [smem:$0x3FA9]  }
0x2e: {  	s3 =	simm.s32 @!p0 $0x1082;
	s9 =	sld [smem:$0x3FAA]  }
0x2f: {  	lr =	sadd.s32 s0, s3;
	s0 =	sld [smem:$0x3FA1]  }
0x30: {  	s3 =	sld [smem:$0x3FA4]  }
0x31: {  	[smem:$0x3FAD] =	sst s10  }
0x32: {  	s10 =	sld [smem:$0x3FAB];
	_ =	sdelay $0x3  }
0x33: {  	p0 =	seq.s32 s10, $0x1;
	s10 =	sld [smem:$0x3FAD];
	_ =	sdelay $0x3  }
0x34: {  	[smem:$0x3FAD] =	sst s10  }
0x35: {  	s10 =	sld [smem:$0x3FAC];
	_ =	sdelay $0x3  }
0x36: {  	p1 =	seq.s32 s10, $0x1;
	s10 =	sld [smem:$0x3FAD];
	_ =	sdelay $0x3  }
0x37: {  	[smem:$0x3FAD] =	sst s10  }
0x38: {  	s10 =	sld [smem:$0x3FAE]  }
0x39: {  	_ = 	snop;
	(pc) =	sbr.ind lr, $3  }
0x3a: {  	_ = 	snop  }
0x3b: {  	_ = 	snop  }
0x3c: {  	p2 =	seq.s32 s10, $0x1;
	s10 =	sld [smem:$0x3FAD]  }
0x3d: {  	_ =	shalt  }
0x3e: {  	_ =	shalt  }
0x3f: {  	_ =	shalt  }
0x40: {  	_ =	shalt  }
0x41: {  	_ =	shalt  }
0x42: {  	_ =	shalt  }
0x43: {  	_ =	shalt  }
0x44: {  	_ =	shalt  }
0x45: {  	_ =	shalt  }
0x46: {  	_ =	shalt  }
0x47: {  	_ =	shalt  }
0x48: {  	_ =	shalt  }
0x49: {  	_ =	shalt  }
0x4a: {  	_ =	shalt  }
0x4b: {  	_ =	shalt  }
0x4c: {  	_ =	shalt  }
0x4d: {  	_ =	shalt  }
0x4e: {  	_ =	shalt  }
0x4f: {  	_ =	shalt  }
0x50: {  	_ =	shalt  }
0x51: {  	_ =	shalt  }
0x52: {  	_ =	shalt  }
0x53: {  	_ =	shalt  }
0x54: {  	_ =	shalt  }
0x55: {  	_ =	shalt  }
0x56: {  	_ =	shalt  }
0x57: {  	_ =	shalt  }
0x58: {  	_ =	shalt  }
0x59: {  	_ =	shalt  }
0x5a: {  	_ =	shalt  }
0x5b: {  	_ =	shalt  }
0x5c: {  	_ =	shalt  }
0x5d: {  	_ =	shalt  }
0x5e: {  	_ =	shalt  }
0x5f: {  	_ =	shalt  }
0x60: {  	_ =	shalt  }
0x61: {  	_ =	shalt  }
0x62: {  	_ =	shalt  }
0x63: {  	_ =	shalt  }
0x64: {  	_ =	shalt  }
0x65: {  	_ =	shalt  }
0x66: {  	_ =	shalt  }
0x67: {  	_ =	shalt  }
0x68: {  	_ =	shalt  }
0x69: {  	_ =	shalt  }
0x6a: {  	_ =	shalt  }
0x6b: {  	_ =	shalt  }
0x6c: {  	_ =	shalt  }
0x6d: {  	_ =	shalt  }
0x6e: {  	_ =	shalt  }
0x6f: {  	_ =	shalt  }
0x70: {  	_ =	shalt  }
0x71: {  	_ =	shalt  }
0x72: {  	_ =	shalt  }
0x73: {  	_ =	shalt  }
0x74: {  	_ =	shalt  }
0x75: {  	_ =	shalt  }
0x76: {  	_ =	shalt  }
0x77: {  	_ =	shalt  }
0x78: {  	_ =	shalt  }
0x79: {  	_ =	shalt  }
0x7a: {  	_ =	shalt  }
0x7b: {  	_ =	shalt  }
0x7c: {  	_ =	shalt  }
0x7d: {  	_ =	shalt  }
0x7e: {  	_ =	shalt  }
0x7f: {  	_ =	shalt  }
0x80: {  	_ =	shalt  }
0x81: {  	_ =	shalt  }
0x82: {  	_ =	shalt  }
0x83: {  	_ =	shalt  }
0x84: {  	_ =	shalt  }
0x85: {  	_ =	shalt  }
0x86: {  	_ =	shalt  }
0x87: {  	_ =	shalt  }
.Lfunc_end0:
.L_simem_size_0:
called_computation.3_lowered:
.L_overlay_start_0:
0x88: {  	s2 =	sld [smem:$0x3FD9]  }
0x89: {  	s3 =	sld [smem:$0x3FFE];
	_ =	sdelay $0x1  }
0x8a: {  	s1 =	srdreg.scid  }
0x8b: {  	s0 =	sand.u32 $0x1, s1  }
0x8c: {  	s17 =	sshll.u32 s0, $0xA;
	s2 =	sadd.s32 s3, s2  }
0x8d: {  	s2 =	sadd.s32 s2, s17  }
0x8e: {  	[smem:$0x3FB9] =	sst s2  }
0x8f: {  	_ = 	snop  }
0x90: {  	(tm) =	ssettm $0x1  }
0x91: {  	s18 =	sld [smem:$0x3FFB];
	_ =	sdelay $0x3  }
0x92: {  	_ =	strace s18  }
0x93: {  	s2 =	sld [smem:$0x3FFC];
	_ =	sdelay $0x3  }
0x94: {  	_ =	strace s2  }
0x95: {  	s2 =	sld [smem:$0x3FFD];
	_ =	sdelay $0x3  }
0x96: {  	_ =	strace s2  }
0x97: {  	_ =	strace $0x8FFFFFFF  }
0x98: {  	s19 =	sld [smem:$0x3FDB];
	_ =	sdelay $0x1  }
0x99: {  	s20 =	simm.s32 $_scs_section_size  }
0x9a: {  	s4 =	simm.s32 $_size__tile_overlayer_lowered;
	s5 =	simm.s32 $_tile_overlayer_lowered  }
0x9b: {  	s6 =	simm.s32 $0x1BFF;
	s21 =	sshll.u32 s5, $0x1;
	s3 =	sadd.s32 s20, s19  }
0x9c: {  	s22 =	simm.s32 $0x0;
	s4 =	sshll.u32 s4, $0x1;
	s5 =	sadd.s32 s21, s3  }
0x9d: {  	[timem:s22], [sflag:s6] =	dma.local [hbm:s5], s4  }
0x9e: {  	_ =	swait.ge [sflag:s6], s4  }
0x9f: {  	s4 =	ssub.s32 $0x0, s4;
	[sflag:s6] =	ssyncset.done $0x0  }
0xa0: {  	[sflag:s6] =	ssyncadd.s32 s4;
	_ =	sdelay $0x1  }
0xa1: {  	s23 =	simm.s32 $0x1B8B  }
0xa2: {  	_ =	swait.ge [sflag:s23], $0x1  }
0xa3: {  	[sflag:s23] =	ssyncset.done $0x0  }
0xa4: {  	[sflag:s23] =	ssyncadd.s32 $0xFFFFFFFF  }
0xa5: {  	s4 =	sld [smem:$0x0]  }
0xa6: {  	s5 =	sand.u32 $0xFFFFFFFE, s1  }
0xa7: {  	p0 =	sne.s32 s1, s5  }
0xa8: {  	s5 =	sshll.u32 @p0 s5, $0xE  }
0xa9: {  	s5 =	sadd.s32 @p0 $0x11B8D, s5;
	s6 =	sshll.u32 @p0 s4, $0x11  }
0xaa: {  	s5 =	sor.u32 @p0 s6, s5  }
0xab: {  	[sflag:s5] =	ssyncadd.remote.s32 @p0 $0x1;
	_ =	sdelay $0x1  }
0xac: {  	s5 =	simm.s32 @p0 $0x1B8D  }
0xad: {  	_ =	swait.eq @p0 [sflag:s5], $0x1  }
0xae: {  	[sflag:s5] =	ssyncadd.s32 @p0 $0xFFFFFFFF  }
0xaf: {  	s6 =	sshll.u32 @!p0 s1, $0xE  }
0xb0: {  	s6 =	sor.u32 @!p0 $0x4000, s6;
	s5 =	simm.s32 @!p0 $0x1B8D  }
0xb1: {  	s4 =	sshll.u32 @!p0 s4, $0x11;
	s6 =	sadd.s32 @!p0 $0x11B8D, s6;
	_ =	swait.eq @!p0 [sflag:s5], $0x1  }
0xb2: {  	s4 =	sor.u32 @!p0 s4, s6;
	[sflag:s5] =	ssyncadd.s32 @!p0 $0xFFFFFFFF  }
0xb3: {  	s25 =	simm.s32 $0x1B8E;
	s24 =	sld [smem:$0x3FFE];
	[sflag:s4] =	ssyncadd.remote.s32 @!p0 $0x1  }
0xb4: {  	s26 =	simm.s32 $execute0_lowered;
	[smem:$0x3FD2] =	sst s25  }
0xb5: {  	s5 =	sshll.u32 s26, $0x1;
	_ =	strace $0x8000004F;
	[dreg:$0x1] =	wrdreg $0xFFFFFFFF  }
0xb6: {  	s28 =	simm.s32 $_size_execute0_lowered;
	s3 =	sadd.s32 s3, s5;
	[dreg:$0x0] =	wrdreg $0x0  }
0xb7: {  	s5 =	sshll.u32 s28, $0x1;
	[dreg:$0x2] =	wrdreg s3  }
0xb8: {  	[dreg:$0x3] =	wrdreg s5  }
0xb9: {  	[dreg:$0x4] =	wrdreg $0xC0  }
0xba: {  	_ =	task [dreg:s22], $0x5FFFF  }
0xbb: {  	[dreg:$0x1] =	wrdreg $0xFFFFFFFF  }
0xbc: {  	[dreg:$0x0] =	wrdreg $0x60  }
0xbd: {  	[dreg:$0x2] =	wrdreg s24  }
0xbe: {  	[dreg:$0x3] =	wrdreg $0x56000  }
0xbf: {  	[dreg:$0x4] =	wrdreg $0x9  }
0xc0: {  	_ =	task.clear_ibuf [dreg:s22], $0x5FFFF;
	_ =	strace $0x9000004F  }
0xc1: {  	s29 =	simm.s32 $0x9;
	_ =	strace $0x80000051  }
0xc2: {  	_ =	swait.ge [sflag:s29], $0x1  }
0xc3: {  	[sflag:s29] =	ssyncadd.s32 $0xFFFFFFFF  }
0xc4: {  	_ =	strace $0x90000051  }
0xc5: {  	_ =	sfence  }
0xc6: {  	s30 =	sld [smem:$0x0];
	_ =	sdelay $0x2  }
0xc7: {  	s31 =	sshll.u32 s1, $0xD;
	s1 =	sshrl.u32 s1, $0x2  }
0xc8: {  	s4 =	sand.u32 $0x4000, s31;
	s1 =	sadd.s32 s1, s30  }
0xc9: {  	s0 =	sor.u32 s4, s0;
	s1 =	sshll.u32 s1, $0x11  }
0xca: {  	s0 =	sor.u32 s1, s0  }
0xcb: {  	s0 =	sadd.s32 $0x8F2B, s0  }
0xcc: {  	[sflag:s0] =	ssyncadd.remote.s32 $0x1  }
0xcd: {  	_ =	sfence.sel $0xFFFF  }
0xce: {  	[dreg:$0x0] =	wrdreg $0xFFFFFFFF;
	(pc) =	sbr.abs _section_cstart, $3  }
0xcf: {  	[dreg:$0x1] =	wrdreg $0xFFFFFFFF  }
0xd0: {  	_ =	task.clear_ibuf [dreg:s22], $0x2FFFF;
	_ =	strace $0x9FFFFFFF  }
0xd1: {  	(tm) =	ssettm $0x7FFFFFFF  }
tec
execute0_lowered:
.L_overlay_start_1:
0x0: {  	(tag) =	ssettag $0x1  }
0x1: {  	s0 =	rddreg [dreg:$0x0]  }
0x2: {  	s1 =	rddreg [dreg:$0x1];
	s3 =	simm.s32 $0x0  }
0x3: {  	s2 =	srdreg.scid;
	s15 =	stileid.u32;
	s11 =	simm.s32 $0x41  }
0x4: {  	s28 =	simm.s32 $0x200;
	s29 =	simm.s32 $0x80;
	s30 =	simm.s32 $0x1600  }
0x5: {  	s31 =	simm.s32 $0x100;
	[smem:$0x7FF] =	sst s3;
	s4 =	sadd.s32 $0x8C800, s0  }
0x6: {  	s2 =	sand.u32 $0x1, s2;
	s6 =	sshll.u32 s15, $0x1;
	s5 =	sadd.s32 $0xD400, s0  }
0x7: {  	s7 =	sadd.s32 $0x3E400, s0;
	s0 =	sadd.s32 $0x2FD800, s0;
	s10 =	smul.u32 $0x4F000, s15  }
0x8: {  	p0 =	seq.s32 s15, $0xF;
	s26 =	smul.u32 $0x13C00, s15;
	_ =	strace $0x80000050  }
0x9: {  	s8 =	ssub.s32 $0x2, s2;
	s6 =	sor.u32 s2, s6;
	s24 =	smul.u32 $0x138800, s2  }
0xa: {  	[dreg:$0x3] =	wrdreg s7;
	s11 =	simm.s32 @!p0 $0x4F;
	s7 =	smul.u32 $0x1388, s6  }
0xb: {  	s9 =	sshrl.u32 s8, $0x1;
	[dreg:$0x4] =	wrdreg s11;
	s17 =	smul.u32 $0x13880, s6  }
0xc: {  	s10 =	sshrl.u32 s10, $0x2;
	s6 =	smul.u32 $0x9C400, s6;
	s9 =	ssub.s32 s8, s9  }
0xd: {  	s21 =	sadd.s32 s10, s1;
	s8 =	sadd.s32 $0x27100, s7;
	s13 =	sadd.s32 $0x27128, s7  }
0xe: {  	s20 =	sadd.s32 s4, s17;
	s6 =	sshrl.u32 s6, $0x3;
	s23 =	sshrl.u32 s7, $0x3  }
0xf: {  	s16 =	sadd.s32 $0x27178, s7;
	s9 =	smax.u32 s9, $0x1;
	[dreg:$0x5] =	wrdreg s21  }
0x10: {  	s12 =	sshrl.u32 s8, $0x3;
	s19 =	sshrl.u32 s13, $0x3;
	[dreg:$0x7] =	wrdreg s20  }
0x11: {  	s6 =	sadd.s32 s4, s6;
	[dreg:$0x10] =	wrdreg s9;
	s18 =	sadd.s32 s5, s12  }
0x12: {  	s11 =	sadd.s32 s5, s23;
	s22 =	sadd.s32 s5, s19;
	[dreg:$0x6] =	wrdreg s18  }
0x13: {  	s13 =	sadd.s32 s26, s24;
	s25 =	sadd.s32 $0x280, s6;
	[dreg:$0x8] =	wrdreg s22  }
0x14: {  	s11 =	sadd.s32 $0x4E2A, s11;
	s14 =	sadd.s32 $0x500, s6;
	[dreg:$0x9] =	wrdreg s25  }
0x15: {  	s19 =	smul.u32 $0x1388, s2;
	s6 =	sadd.s32 $0x780, s6;
	[dreg:$0xa] =	wrdreg s11  }
0x16: {  	s2 =	smul.u32 $0x13880, s2;
	s12 =	simm.s32 $0x28;
	[dreg:$0xb] =	wrdreg s14  }
0x17: {  	s11 =	sshrl.u32 s16, $0x3;
	s14 =	smul.u32 $0x2710, s15;
	s18 =	sshrl.u32 s13, $0x3  }
0x18: {  	[dreg:$0xd] =	wrdreg s6;
	s22 =	sshrl.u32 s24, $0x3;
	s24 =	smul.u32 $0x27100, s15  }
0x19: {  	s6 =	sadd.s32 $0x128400, s1;
	s13 =	simm.s32 $0x2;
	s15 =	simm.s32 $0x4  }
0x1a: {  	s16 =	simm.s32 $0x5;
	s17 =	sadd.s32 s5, s11;
	s20 =	sadd.s32 s0, s18  }
0x1b: {  	s0 =	sadd.s32 s0, s22;
	s18 =	simm.s32 $0x7;
	[dreg:$0xc] =	wrdreg s17  }
0x1c: {  	[dreg:$0xe] =	wrdreg s20;
	s23 =	sadd.s32 s19, s14;
	s0 =	sadd.s32 $0x25080, s0  }
0x1d: {  	s11 =	sadd.s32 s24, s4;
	s24 =	simm.s32 $0x5200;
	s14 =	simm.s32 $0x3  }
0x1e: {  	s17 =	simm.s32 $0x6;
	s19 =	simm.s32 $0x8;
	s25 =	sadd.s32 $0x271A0, s23  }
0x1f: {  	s20 =	simm.s32 $0x0;
	[dreg:$0xf] =	wrdreg s0;
	s0 =	sshrl.u32 s25, $0x3  }
0x20: {  	s26 =	sadd.s32 s2, s11;
	s2 =	simm.s32 $0x180;
	s0 =	sadd.s32 s0, s5  }
0x21: {  	s11 =	simm.s32 $0x1;
	[dreg:$0x11] =	wrdreg s0;
	s0 =	sadd.s32 $0xA00, s26  }
0x22: {  	s26 =	simm.s32 $0x9;
	[dreg:$0x12] =	wrdreg s0;
	s0 =	sshrl.u32 @p0 s6, $0x3  }
0x23: {  	s6 =	simm.s32 $0x3E00;
	[dreg:$0x13] =	wrdreg s0;
	s0 =	simm.s32 $0x2A00  }
.LBB2_1:
0x24: {  	[dreg:$0x14] =	wrdreg s20  }
0x25: {  	s9 =	rddreg [dreg:$0x3]  }
0x26: {  	[tilespmem:s24], [sflag:$0x9] =	stream.linear.gather [hbm4b:s9+s3], $0x400, $0x38;
	[tilespmem:$0x18E80] =	vst v63  }
0x27: {  	_ =	swait.ge [sflag:s26], $0x400  }
0x28: {  	s25 =	rddreg [dreg:$0x4]  }
0x29: {  	p1 =	sne.s32 s25, $0x1  }
.Ltmp0:
0x2a: {  	[sflag:s26] =	ssyncset.done $0x0;
	(pc) =	sbr.rel @!p1 .LBB2_3-.Ltmp0, $4  }
0x2b: {  	[sflag:s26] =	ssyncadd.s32 $0xFFFFFC00  }
0x2c: {  	[spmem:s21] =	stream.linear.scatter [tilespmem:s24], [sflag:$0x9], $0x400, $0x38;
	[tilespmem:$0x18E80] =	vst v63  }
0x2d: {  	_ =	swait.ge [sflag:s26], $0x400  }
0x2e: {  	s9 =	sadd.s32 $0xFFFFFFFF, s25;
	[sflag:s26] =	ssyncset.done $0x0  }
.LBB2_2:
0x2f: {  	p1 =	sne.s32 s9, $0x1;
	[sflag:s26] =	ssyncadd.s32 $0xFFFFFC00;
	s21 =	sadd.s32 $0x400, s21  }
.Ltmp1:
0x30: {  	s9 =	sadd.s32 $0xFFFFFFFF, s9;
	(pc) =	sbr.rel @p1 .LBB2_2-.Ltmp1, $4  }
0x31: {  	_ = 	snop  }
0x32: {  	[spmem:s21] =	stream.linear.scatter [tilespmem:s24], [sflag:$0x9], $0x400, $0x38;
	[tilespmem:$0x18E80] =	vst v63  }
0x33: {  	_ =	swait.ge [sflag:s26], $0x400  }
0x34: {  	[sflag:s26] =	ssyncset.done $0x0  }
.LBB2_3:
0x35: {  	[sflag:s26] =	ssyncadd.s32 $0xFFFFFC00  }
0x36: {  	[bflag:$0x0] =	sbarrier.arrive $0xFFFF  }
0x37: {  	s9 =	simm.s32 $0x0;
	s10 =	rddreg [dreg:$0x6]  }
0x38: {  	[tilespmem:s9], [sflag:$0x1] =	stream.linear.gather [hbm4b:s10+s9], $0x28, $0x38;
	[tilespmem:$0x18E80] =	vst v63  }
0x39: {  	s21 =	rddreg [dreg:$0x7]  }
0x3a: {  	[tilespmem:s28], [sflag:$0x1] =	stream.linear.gather [hbm4b:s21+s9], $0x1400, $0x38;
	[tilespmem:$0x18E80] =	vst v63  }
0x3b: {  	s22 =	rddreg [dreg:$0x8]  }
0x3c: {  	[tilespmem:s29], [sflag:$0x2] =	stream.linear.gather [hbm4b:s22+s9], $0x28, $0x38;
	[tilespmem:$0x18E80] =	vst v63  }
0x3d: {  	s23 =	rddreg [dreg:$0x9]  }
0x3e: {  	[tilespmem:s30], [sflag:$0x2] =	stream.linear.gather [hbm4b:s23+s9], $0x1400, $0x38;
	[tilespmem:$0x18E80] =	vst v63  }
0x3f: {  	s25 =	rddreg [dreg:$0xa]  }
0x40: {  	[tilespmem:s31], [sflag:$0x3] =	stream.linear.gather [hbm4b:s25+s9], $0x28, $0x38;
	[tilespmem:$0x18E80] =	vst v63  }
0x41: {  	s20 =	rddreg [dreg:$0xb]  }
0x42: {  	[tilespmem:s0], [sflag:$0x3] =	stream.linear.gather [hbm4b:s20+s9], $0x1400, $0x38;
	[tilespmem:$0x18E80] =	vst v63  }
0x43: {  	s21 =	rddreg [dreg:$0xc]  }
0x44: {  	[tilespmem:s2], [sflag:$0x4] =	stream.linear.gather [hbm4b:s21+s9], $0x28, $0x38;
	[tilespmem:$0x18E80] =	vst v63  }
0x45: {  	s22 =	rddreg [dreg:$0xd]  }
0x46: {  	[tilespmem:s6], [sflag:$0x4] =	stream.linear.gather [hbm4b:s22+s9], $0x1400, $0x38;
	[tilespmem:$0x18E80] =	vst v63  }
0x47: {  	_ =	swait.ge [sflag:s11], $0x28  }
0x48: {  	[sflag:s11] =	ssyncset.done $0x0  }
0x49: {  	[sflag:s11] =	ssyncadd.s32 $0xFFFFFFD8  }
0x4a: {  	_ =	swait.ge [sflag:s11], $0x1400  }
0x4b: {  	[sflag:s11] =	ssyncset.done $0x0  }
0x4c: {  	[sflag:s11] =	ssyncadd.s32 $0xFFFFEC00  }
0x4d: {  	[spmem:s1] =	stream.indirect.scatter.add.f32 [tilespmem:s28], [sflag:$0x5], $0x80, s3, s12, $0xb8;
	[tilespmem:$0x18E80] =	vst v63  }
0x4e: {  	_ =	swait.ge [sflag:s13], $0x28  }
0x4f: {  	[sflag:s13] =	ssyncset.done $0x0  }
0x50: {  	[sflag:s13] =	ssyncadd.s32 $0xFFFFFFD8  }
0x51: {  	_ =	swait.ge [sflag:s13], $0x1400  }
0x52: {  	[sflag:s13] =	ssyncset.done $0x0  }
0x53: {  	[sflag:s13] =	ssyncadd.s32 $0xFFFFEC00  }
0x54: {  	[spmem:s1] =	stream.indirect.scatter.add.f32 [tilespmem:s30], [sflag:$0x6], $0x80, s29, s12, $0xb8;
	[tilespmem:$0x18E80] =	vst v63  }
0x55: {  	_ =	swait.ge [sflag:s14], $0x28  }
0x56: {  	[sflag:s14] =	ssyncset.done $0x0  }
0x57: {  	[sflag:s14] =	ssyncadd.s32 $0xFFFFFFD8  }
0x58: {  	_ =	swait.ge [sflag:s14], $0x1400  }
0x59: {  	[sflag:s14] =	ssyncset.done $0x0  }
0x5a: {  	[sflag:s14] =	ssyncadd.s32 $0xFFFFEC00  }
0x5b: {  	[spmem:s1] =	stream.indirect.scatter.add.f32 [tilespmem:s0], [sflag:$0x7], $0x80, s31, s12, $0xb8;
	[tilespmem:$0x18E80] =	vst v63  }
0x5c: {  	_ =	swait.ge [sflag:s15], $0x28  }
0x5d: {  	[sflag:s15] =	ssyncset.done $0x0  }
0x5e: {  	[sflag:s15] =	ssyncadd.s32 $0xFFFFFFD8  }
0x5f: {  	_ =	swait.ge [sflag:s15], $0x1400  }
0x60: {  	[sflag:s15] =	ssyncset.done $0x0  }
0x61: {  	[sflag:s15] =	ssyncadd.s32 $0xFFFFEC00  }
0x62: {  	[spmem:s1] =	stream.indirect.scatter.add.f32 [tilespmem:s6], [sflag:$0x8], $0x80, s2, s12, $0xb8;
	[tilespmem:$0x18E80] =	vst v63  }
0x63: {  	s23 =	smin.u32 s9, $0x76;
	_ =	swait.ge [sflag:s16], $0x1400  }
0x64: {  	s23 =	smul.u32 $0x28, s23;
	s21 =	smin.u32 s9, $0x77;
	[sflag:s16] =	ssyncset.done $0x0  }
0x65: {  	s21 =	smul.u32 $0x28, s21;
	s10 =	rddreg [dreg:$0x11];
	[sflag:s16] =	ssyncadd.s32 $0xFFFFEC00  }
0x66: {  	[tilespmem:s3], [sflag:$0x1] =	stream.linear.gather [hbm4b:s10+s3], $0x28, $0x38;
	[tilespmem:$0x18E80] =	vst v63  }
0x67: {  	s23 =	sadd.s32 $0xF0, s23;
	s21 =	sadd.s32 $0xC8, s21;
	s20 =	rddreg [dreg:$0x12]  }
0x68: {  	[tilespmem:s28], [sflag:$0x1] =	stream.linear.gather [hbm4b:s20+s3], $0x1400, $0x38;
	[tilespmem:$0x18E80] =	vst v63  }
0x69: {  	s9 =	smin.u32 s9, $0x75;
	s22 =	sadd.s32 s8, s21;
	_ =	swait.ge [sflag:s17], $0x1400  }
0x6a: {  	s21 =	sadd.s32 s7, s21;
	s22 =	sshrl.u32 s22, $0x3;
	[sflag:s17] =	ssyncset.done $0x0  }
0x6b: {  	s21 =	sshll.u32 s21, $0x4;
	s22 =	sadd.s32 s5, s22;
	[sflag:s17] =	ssyncadd.s32 $0xFFFFEC00  }
0x6c: {  	[tilespmem:s29], [sflag:$0x2] =	stream.linear.gather [hbm4b:s22+s3], $0x28, $0x38;
	[tilespmem:$0x18E80] =	vst v63  }
0x6d: {  	s25 =	sadd.s32 s8, s23;
	s9 =	smul.u32 $0x28, s9;
	s21 =	sadd.s32 s4, s21  }
0x6e: {  	[tilespmem:s30], [sflag:$0x2] =	stream.linear.gather [hbm4b:s21+s3], $0x1400, $0x38;
	[tilespmem:$0x18E80] =	vst v63  }
0x6f: {  	s22 =	sadd.s32 s7, s23;
	s23 =	sadd.s32 $0x118, s9;
	_ =	swait.ge [sflag:s18], $0x1400  }
0x70: {  	s9 =	sadd.s32 $0xA00, s20;
	s21 =	sshrl.u32 s25, $0x3;
	[sflag:s18] =	ssyncset.done $0x0  }
0x71: {  	s22 =	sshll.u32 s22, $0x4;
	s21 =	sadd.s32 s5, s21;
	[sflag:s18] =	ssyncadd.s32 $0xFFFFEC00  }
0x72: {  	[tilespmem:s31], [sflag:$0x3] =	stream.linear.gather [hbm4b:s21+s3], $0x28, $0x38;
	[tilespmem:$0x18E80] =	vst v63  }
0x73: {  	s22 =	sadd.s32 s4, s22;
	s25 =	sadd.s32 $0x14, s10;
	s21 =	simm.s32 $0x4  }
0x74: {  	[tilespmem:s0], [sflag:$0x3] =	stream.linear.gather [hbm4b:s22+s3], $0x1400, $0x38;
	[tilespmem:$0x18E80] =	vst v63  }
0x75: {  	s22 =	sadd.s32 s8, s23;
	s23 =	sadd.s32 s7, s23;
	_ =	swait.ge [sflag:s19], $0x1400  }
.LBB2_4:
0x76: {  	[sflag:s19] =	ssyncset.done $0x0;
	s22 =	sshrl.u32 s22, $0x3;
	s23 =	sshll.u32 s23, $0x4  }
0x77: {  	[sflag:s19] =	ssyncadd.s32 $0xFFFFEC00;
	s22 =	sadd.s32 s5, s22;
	s23 =	sadd.s32 s4, s23  }
0x78: {  	[tilespmem:s2], [sflag:$0x4] =	stream.linear.gather [hbm4b:s22+s3], $0x28, $0x38;
	[tilespmem:$0x18E80] =	vst v63  }
0x79: {  	p1 =	sne.s32 s21, $0x78;
	s22 =	smov.u32 s21;
	s21 =	sadd.s32 $0x4, s21  }
0x7a: {  	[tilespmem:s6], [sflag:$0x4] =	stream.linear.gather [hbm4b:s23+s3], $0x1400, $0x38;
	[tilespmem:$0x18E80] =	vst v63  }
0x7b: {  	_ =	swait.ge [sflag:s11], $0x28  }
0x7c: {  	[sflag:s11] =	ssyncset.done $0x0  }
0x7d: {  	[sflag:s11] =	ssyncadd.s32 $0xFFFFFFD8  }
0x7e: {  	_ =	swait.ge [sflag:s11], $0x1400  }
0x7f: {  	[sflag:s11] =	ssyncset.done $0x0  }
0x80: {  	[sflag:s11] =	ssyncadd.s32 $0xFFFFEC00  }
0x81: {  	[spmem:s1] =	stream.indirect.scatter.add.f32 [tilespmem:s28], [sflag:$0x5], $0x80, s3, s12, $0xb8;
	[tilespmem:$0x18E80] =	vst v63  }
0x82: {  	_ =	swait.ge [sflag:s13], $0x28  }
0x83: {  	[sflag:s13] =	ssyncset.done $0x0  }
0x84: {  	[sflag:s13] =	ssyncadd.s32 $0xFFFFFFD8  }
0x85: {  	_ =	swait.ge [sflag:s13], $0x1400  }
0x86: {  	[sflag:s13] =	ssyncset.done $0x0  }
0x87: {  	[sflag:s13] =	ssyncadd.s32 $0xFFFFEC00  }
0x88: {  	[spmem:s1] =	stream.indirect.scatter.add.f32 [tilespmem:s30], [sflag:$0x6], $0x80, s29, s12, $0xb8;
	[tilespmem:$0x18E80] =	vst v63  }
0x89: {  	_ =	swait.ge [sflag:s14], $0x28  }
0x8a: {  	[sflag:s14] =	ssyncset.done $0x0  }
0x8b: {  	[sflag:s14] =	ssyncadd.s32 $0xFFFFFFD8  }
0x8c: {  	_ =	swait.ge [sflag:s14], $0x1400  }
0x8d: {  	[sflag:s14] =	ssyncset.done $0x0  }
0x8e: {  	[sflag:s14] =	ssyncadd.s32 $0xFFFFEC00  }
0x8f: {  	[spmem:s1] =	stream.indirect.scatter.add.f32 [tilespmem:s0], [sflag:$0x7], $0x80, s31, s12, $0xb8;
	[tilespmem:$0x18E80] =	vst v63  }
0x90: {  	_ =	swait.ge [sflag:s15], $0x28  }
0x91: {  	[sflag:s15] =	ssyncset.done $0x0  }
0x92: {  	[sflag:s15] =	ssyncadd.s32 $0xFFFFFFD8  }
0x93: {  	_ =	swait.ge [sflag:s15], $0x1400  }
0x94: {  	[sflag:s15] =	ssyncset.done $0x0  }
0x95: {  	s23 =	smin.u32 s22, $0x77;
	[sflag:s15] =	ssyncadd.s32 $0xFFFFEC00  }
0x96: {  	[spmem:s1] =	stream.indirect.scatter.add.f32 [tilespmem:s6], [sflag:$0x8], $0x80, s2, s12, $0xb8;
	[tilespmem:$0x18E80] =	vst v63  }
0x97: {  	s23 =	smul.u32 $0x28, s23;
	_ =	swait.ge [sflag:s16], $0x1400  }
0x98: {  	[sflag:s16] =	ssyncset.done $0x0  }
0x99: {  	s23 =	sadd.s32 $0xC8, s23;
	[sflag:s16] =	ssyncadd.s32 $0xFFFFEC00  }
0x9a: {  	[tilespmem:s3], [sflag:$0x1] =	stream.linear.gather [hbm4b:s25+s3], $0x28, $0x38;
	[tilespmem:$0x18E80] =	vst v63  }
0x9b: {  	s10 =	sadd.s32 s8, s23;
	s23 =	sadd.s32 s7, s23  }
0x9c: {  	s20 =	smin.u32 s22, $0x76;
	s10 =	sshrl.u32 s10, $0x3;
	s23 =	sshll.u32 s23, $0x4  }
0x9d: {  	[tilespmem:s28], [sflag:$0x1] =	stream.linear.gather [hbm4b:s9+s3], $0x1400, $0x38;
	[tilespmem:$0x18E80] =	vst v63  }
0x9e: {  	s20 =	smul.u32 $0x28, s20;
	_ =	swait.ge [sflag:s17], $0x1400  }
0x9f: {  	s22 =	smin.u32 s22, $0x75;
	s10 =	sadd.s32 s5, s10;
	[sflag:s17] =	ssyncset.done $0x0  }
0xa0: {  	s20 =	sadd.s32 $0xF0, s20;
	s23 =	sadd.s32 s4, s23;
	[sflag:s17] =	ssyncadd.s32 $0xFFFFEC00  }
0xa1: {  	[tilespmem:s29], [sflag:$0x2] =	stream.linear.gather [hbm4b:s10+s3], $0x28, $0x38;
	[tilespmem:$0x18E80] =	vst v63  }
0xa2: {  	s22 =	smul.u32 $0x28, s22;
	s10 =	sadd.s32 s8, s20;
	s20 =	sadd.s32 s7, s20  }
0xa3: {  	[tilespmem:s30], [sflag:$0x2] =	stream.linear.gather [hbm4b:s23+s3], $0x1400, $0x38;
	[tilespmem:$0x18E80] =	vst v63  }
0xa4: {  	s10 =	sshrl.u32 s10, $0x3;
	s20 =	sshll.u32 s20, $0x4;
	_ =	swait.ge [sflag:s18], $0x1400  }
0xa5: {  	s10 =	sadd.s32 s5, s10;
	s20 =	sadd.s32 s4, s20;
	[sflag:s18] =	ssyncset.done $0x0  }
.Ltmp2:
0xa6: {  	[sflag:s18] =	ssyncadd.s32 $0xFFFFEC00;
	(pc) =	sbr.rel @p1 .LBB2_4-.Ltmp2, $4  }
0xa7: {  	[tilespmem:s31], [sflag:$0x3] =	stream.linear.gather [hbm4b:s10+s3], $0x28, $0x38;
	[tilespmem:$0x18E80] =	vst v63  }
0xa8: {  	s25 =	sadd.s32 $0x14, s25;
	s9 =	sadd.s32 $0xA00, s9;
	s10 =	sadd.s32 $0x118, s22  }
0xa9: {  	[tilespmem:s0], [sflag:$0x3] =	stream.linear.gather [hbm4b:s20+s3], $0x1400, $0x38;
	[tilespmem:$0x18E80] =	vst v63  }
0xaa: {  	s22 =	sadd.s32 s8, s10;
	s23 =	sadd.s32 s7, s10;
	_ =	swait.ge [sflag:s19], $0x1400  }
0xab: {  	[sflag:s19] =	ssyncset.done $0x0;
	s9 =	sshrl.u32 s22, $0x3  }
0xac: {  	s10 =	sshll.u32 s23, $0x4;
	[sflag:s19] =	ssyncadd.s32 $0xFFFFEC00;
	s9 =	sadd.s32 s5, s9  }
0xad: {  	[tilespmem:s2], [sflag:$0x4] =	stream.linear.gather [hbm4b:s9+s3], $0x28, $0x38;
	[tilespmem:$0x18E80] =	vst v63  }
0xae: {  	s22 =	sadd.s32 s4, s10  }
0xaf: {  	[tilespmem:s6], [sflag:$0x4] =	stream.linear.gather [hbm4b:s22+s3], $0x1400, $0x38;
	[tilespmem:$0x18E80] =	vst v63  }
0xb0: {  	_ =	swait.ge [sflag:s11], $0x28  }
0xb1: {  	[sflag:s11] =	ssyncset.done $0x0  }
0xb2: {  	[sflag:s11] =	ssyncadd.s32 $0xFFFFFFD8  }
0xb3: {  	_ =	swait.ge [sflag:s11], $0x1400  }
0xb4: {  	[sflag:s11] =	ssyncset.done $0x0  }
0xb5: {  	[sflag:s11] =	ssyncadd.s32 $0xFFFFEC00  }
0xb6: {  	_ =	swait.ge [sflag:s13], $0x28  }
0xb7: {  	[sflag:s13] =	ssyncset.done $0x0  }
0xb8: {  	[sflag:s13] =	ssyncadd.s32 $0xFFFFFFD8  }
0xb9: {  	_ =	swait.ge [sflag:s13], $0x1400  }
0xba: {  	[sflag:s13] =	ssyncset.done $0x0  }
0xbb: {  	[sflag:s13] =	ssyncadd.s32 $0xFFFFEC00  }
0xbc: {  	_ =	swait.ge [sflag:s14], $0x28  }
0xbd: {  	[sflag:s14] =	ssyncset.done $0x0  }
0xbe: {  	[sflag:s14] =	ssyncadd.s32 $0xFFFFFFD8  }
0xbf: {  	_ =	swait.ge [sflag:s14], $0x1400  }
0xc0: {  	[sflag:s14] =	ssyncset.done $0x0  }
0xc1: {  	[sflag:s14] =	ssyncadd.s32 $0xFFFFEC00  }
0xc2: {  	_ =	swait.ge [sflag:s15], $0x28  }
0xc3: {  	[sflag:s15] =	ssyncset.done $0x0  }
0xc4: {  	[sflag:s15] =	ssyncadd.s32 $0xFFFFFFD8  }
0xc5: {  	_ =	swait.ge [sflag:s15], $0x1400  }
0xc6: {  	[sflag:s15] =	ssyncset.done $0x0  }
0xc7: {  	[sflag:s15] =	ssyncadd.s32 $0xFFFFEC00  }
0xc8: {  	[spmem:s1] =	stream.indirect.scatter.add.f32 [tilespmem:s28], [sflag:$0x5], $0x80, s3, s12, $0xb8;
	[tilespmem:$0x18E80] =	vst v63  }
0xc9: {  	_ =	swait.ge [sflag:s16], $0x1400  }
0xca: {  	[sflag:s16] =	ssyncset.done $0x0  }
0xcb: {  	[sflag:s16] =	ssyncadd.s32 $0xFFFFEC00  }
0xcc: {  	[bflag:$0x0] =	sbarrier.arrive $0xFFFF  }
0xcd: {  	s10 =	rddreg [dreg:$0xf]  }
0xce: {  	s9 =	simm.s32 @p0 $0x1FC9;
	s20 =	rddreg [dreg:$0x13]  }
0xcf: {  	[hbm:s10], [sflag:s9] =	dma.local @p0 [spmem:s20], $0x2080  }
0xd0: {  	s9 =	simm.s32 @p0 $0x9  }
0xd1: {  	_ =	swait.ge @p0 [sflag:s9], $0x2080  }
0xd2: {  	s10 =	stileid.u32;
	s21 =	rddreg [dreg:$0x5]  }
0xd3: {  	s10 =	sshll.u32 @!p0 s10, $0x6;
	[sflag:s9] =	ssyncset.done @p0 $0x0;
	s20 =	rddreg [dreg:$0xe]  }
0xd4: {  	[sflag:s9] =	ssyncadd.s32 @p0 $0xFFFFDF80;
	s9 =	sor.u32 @!p0 $0x1C09, s10;
	s10 =	sshrl.u32 @!p0 s21, $0x3  }
0xd5: {  	[hbm:s20], [sflag:s9] =	dma.local @!p0 [spmem:s10], $0x2780  }
0xd6: {  	s9 =	simm.s32 @!p0 $0x9  }
0xd7: {  	_ =	swait.ge @!p0 [sflag:s9], $0x2780  }
0xd8: {  	s23 =	rddreg [dreg:$0x14]  }
0xd9: {  	s25 =	rddreg [dreg:$0x10];
	s20 =	sadd.s32 $0x1, s23  }
0xda: {  	p1 =	sne.s32 s20, s25  }
.Ltmp3:
0xdb: {  	_ = 	snop;
	(pc) =	sbr.rel @p1 .LBB2_1-.Ltmp3, $3  }
0xdc: {  	_ =	sdelay $0x1  }
0xdd: {  	[sflag:s9] =	ssyncset.done @!p0 $0x0  }
0xde: {  	[sflag:s9] =	ssyncadd.s32 @!p0 $0xFFFFD880  }
0xdf: {  	_ =	sfence.sel $0x180000  }
0xe0: {  	[bflag:$0x0] =	sbarrier.arrive $0xFFFF  }
0xe1: {  	_ =	strace $0x90000050  }
0xe2: {  	s0 =	stileid.u32;
	[bflag:$0x2] =	sbarrier.arrive $0xFFFF  }
0xe3: {  	p0 =	sne.s32 s0, $0x0;
	s0 =	rddreg [dreg:$0x2]  }
0xe4: {  	s0 =	sadd.s32 @!p0 $0x100000, s0  }
0xe5: {  	[sflag:s0] =	ssyncadd.tile.s32 @!p0 $0x1;
	_ =	shalt  }
.Lfunc_end2:
_tile_overlayer_lowered:
.L_overlay_start_2:
0xe6: {  	(tag) =	ssettag $0x2  }
0xe7: {  	s0 =	rddreg [dreg:$0x0];
	s2 =	stileid.u32  }
0xe8: {  	s1 =	rddreg [dreg:$0x1];
	p0 =	sne.s32 s2, $0x0  }
0xe9: {  	s3 =	rddreg [dreg:$0x2];
	[bflag:$0x3] =	sbarrier.arrive $0xFFFF;
	s2 =	simm.s32 @!p0 $0x1C09  }
0xea: {  	[timem:s3], [sflag:s2] =	dma.local @!p0 [hbm:s0], s1  }
0xeb: {  	s0 =	simm.s32 @!p0 $0x9  }
0xec: {  	_ =	swait.ge @!p0 [sflag:s0], s1  }
0xed: {  	s1 =	ssub.s32 @!p0 $0x0, s1;
	[sflag:s0] =	ssyncset.done @!p0 $0x0  }
0xee: {  	[sflag:s0] =	ssyncadd.s32 @!p0 s1  }
0xef: {  	[bflag:$0x3] =	sbarrier.arrive $0xFFFF  }
0xf0: {  	_ =	shalt  }

</sc_bundles>
